<compile_context>
chip_gen: v7x
topology: tpu7x:2x2x1
jax: 0.10.2.dev20260603
libtpu: 0.0.44.dev20260713+nightly
codegen_flags: <defaults>
</compile_context>

<pallas_src>
import functools

import jax
import jax.numpy as jnp
from jax import lax
from jax.experimental import pallas as pl
from jax.experimental.pallas import tpu as pltpu
from jax.experimental.pallas import tpu_sc as plsc

NC = 2
NS = 16
L = 16
NG = 256
EBLK = 128


def _cdiv(a, b):
    return (a + b - 1) // b


def _mesh():
    return plsc.VectorSubcoreMesh(core_axis_name="c", subcore_axis_name="s")




def _make_deg(NP, EP):
    Et = EP // (NC * NS)
    NB = Et // EBLK
    R = NP // NS

    @functools.partial(
        pl.kernel,
        out_type=jax.ShapeDtypeStruct((2 * NP,), jnp.float32),
        mesh=_mesh(),
        compiler_params=pltpu.CompilerParams(use_tc_tiling_on_sc=False),
        scratch_types=[
            pltpu.VMEM((EBLK,), jnp.int32),
            pltpu.VMEM((EBLK,), jnp.float32),
            pltpu.VMEM((R,), jnp.float32),
            pltpu.VMEM_SHARED((NP,), jnp.float32),
        ],
    )
    def deg_kernel(dst, out, didx, ones, zbuf, accum):
        c = lax.axis_index("c")
        s = lax.axis_index("s")
        for k in range(EBLK // L):
            ones[pl.ds(k * L, L)] = jnp.ones((L,), jnp.float32)

        def zfill(i, carry):
            zbuf[pl.ds(i * L, L)] = jnp.zeros((L,), jnp.float32)
            return carry

        lax.fori_loop(0, R // L, zfill, 0)
        pltpu.sync_copy(zbuf, accum.at[pl.ds(s * R, R)])
        plsc.subcore_barrier()
        ebase = (s * NC + c) * Et

        def body(j, carry):
            e0 = ebase + j * EBLK
            pltpu.sync_copy(dst.at[pl.ds(e0, EBLK)], didx)
            pltpu.sync_copy(ones, accum.at[didx], add=True)
            return carry

        lax.fori_loop(0, NB, body, 0)
        plsc.subcore_barrier()
        pltpu.sync_copy(accum.at[pl.ds(s * R, R)], zbuf)
        pltpu.sync_copy(zbuf, out.at[pl.ds(c * NP + s * R, R)])

    return deg_kernel




def _make_agg(C, NP, EP):
    split_edges = C == 1
    OUTC = 2 if C == 1 else C
    CPC = 1 if C == 1 else C // NC
    Et = EP // (NC * NS) if split_edges else EP // NS
    NB = Et // EBLK
    R = NP // NS

    ZR = R // 8

    @functools.partial(
        pl.kernel,
        out_type=jax.ShapeDtypeStruct((OUTC * NP, L), jnp.float32),
        mesh=_mesh(),
        compiler_params=pltpu.CompilerParams(use_tc_tiling_on_sc=False),
        scratch_types=[
            pltpu.VMEM((EBLK,), jnp.int32),
            pltpu.VMEM((EBLK,), jnp.int32),
            pltpu.VMEM((EBLK, L), jnp.float32),
            pltpu.VMEM((ZR, L), jnp.float32),
            pltpu.VMEM((ZR, L), jnp.float32),
            pltpu.VMEM_SHARED((NP, L), jnp.float32),
            pltpu.SemaphoreType.DMA,
        ],
    )
    def agg_kernel(table, src, dst, out, sidx, didx, rows, zbuf, stage,
                   accum, gsem):
        c = lax.axis_index("c")
        s = lax.axis_index("s")
        if split_edges:
            ebase = (s * NC + c) * Et
        else:
            ebase = s * Et

        def zfill(i, carry):
            zbuf[i, :] = jnp.zeros((L,), jnp.float32)
            return carry

        lax.fori_loop(0, ZR, zfill, 0)

        for i in range(CPC):
            if C == 1:
                occ = c
                row_off = 0
            else:
                cc = c + i * NC
                occ = cc
                row_off = cc * NP
            for z in range(8):
                pltpu.sync_copy(zbuf, accum.at[pl.ds(s * R + z * ZR, ZR)])
            plsc.subcore_barrier()

            def body(j, carry):
                e0 = ebase + j * EBLK
                pltpu.sync_copy(src.at[pl.ds(e0, EBLK)], sidx)
                pltpu.sync_copy(dst.at[pl.ds(e0, EBLK)], didx)
                if C > 1:
                    for k in range(EBLK // L):
                        sl = pl.ds(k * L, L)
                        sidx[sl] = sidx[sl] + row_off
                pltpu.async_copy(table.at[sidx], rows, gsem).wait()
                pltpu.sync_copy(rows, accum.at[didx], add=True)
                return carry

            lax.fori_loop(0, NB, body, 0)
            plsc.subcore_barrier()
            for z in range(8):
                pltpu.sync_copy(accum.at[pl.ds(s * R + z * ZR, ZR)], stage)
                pltpu.sync_copy(stage,
                                out.at[pl.ds(occ * NP + s * R + z * ZR, ZR)])
            if CPC > 1 and i + 1 < CPC:
                plsc.subcore_barrier()

    return agg_kernel




def _tc1(deg2, xpad, NP, B):

    def body(deg_ref, x_ref, dinv_ref, sq_ref, t0_ref):
        d = deg_ref[0] + deg_ref[1] + 1.0
        di = lax.rsqrt(d)
        dinv_ref[...] = di
        sq_ref[...] = di * di
        t0_ref[...] = x_ref[...] * di

    return pl.pallas_call(
        body,
        grid=(NP // B,),
        in_specs=[
            pl.BlockSpec((2, B, 1), lambda i: (0, i, 0)),
            pl.BlockSpec((B, L), lambda i: (i, 0)),
        ],
        out_specs=[
            pl.BlockSpec((B, 1), lambda i: (i, 0)),
            pl.BlockSpec((B, 1), lambda i: (i, 0)),
            pl.BlockSpec((B, L), lambda i: (i, 0)),
        ],
        out_shape=[
            jax.ShapeDtypeStruct((NP, 1), jnp.float32),
            jax.ShapeDtypeStruct((NP, 1), jnp.float32),
            jax.ShapeDtypeStruct((NP, L), jnp.float32),
        ],
    )(deg2, xpad)


def _tc2(s0, xpad, dinv, sq, W1p, b1, NP, B):

    def body(s0_ref, x_ref, dinv_ref, sq_ref, w_ref, b_ref, t1_ref, u1_ref):
        di = dinv_ref[...]
        p = (s0_ref[0] + s0_ref[1]) * di + x_ref[...] * sq_ref[...]
        h = jnp.dot(p, w_ref[...], preferred_element_type=jnp.float32)
        h = jnp.maximum(h + b_ref[...], 0.0)
        t = h * di
        for cc in range(4):
            t1_ref[cc] = t[:, cc * L:(cc + 1) * L]
        u1_ref[...] = h * sq_ref[...]

    return pl.pallas_call(
        body,
        grid=(NP // B,),
        in_specs=[
            pl.BlockSpec((2, B, L), lambda i: (0, i, 0)),
            pl.BlockSpec((B, L), lambda i: (i, 0)),
            pl.BlockSpec((B, 1), lambda i: (i, 0)),
            pl.BlockSpec((B, 1), lambda i: (i, 0)),
            pl.BlockSpec((L, 64), lambda i: (0, 0)),
            pl.BlockSpec((1, 64), lambda i: (0, 0)),
        ],
        out_specs=[
            pl.BlockSpec((4, B, L), lambda i: (0, i, 0)),
            pl.BlockSpec((B, 64), lambda i: (i, 0)),
        ],
        out_shape=[
            jax.ShapeDtypeStruct((4, NP, L), jnp.float32),
            jax.ShapeDtypeStruct((NP, 64), jnp.float32),
        ],
    )(s0, xpad, dinv, sq, W1p, b1)


def _tc3(s1, u1, dinv, sq, W2, b2, W3, NP, B):

    def body(s1_ref, u1_ref, dinv_ref, sq_ref, w2_ref, b2_ref, w3_ref,
             t2_ref, u2_ref):
        di = dinv_ref[...]
        agg = jnp.concatenate([s1_ref[0], s1_ref[1], s1_ref[2], s1_ref[3]],
                              axis=1)
        a = agg * di + u1_ref[...]
        h2 = jnp.dot(a, w2_ref[...], preferred_element_type=jnp.float32)
        h2 = jnp.maximum(h2 + b2_ref[...], 0.0)
        g = jnp.dot(h2, w3_ref[...], preferred_element_type=jnp.float32)
        t = g * di
        t2_ref[0] = t[:, :L]
        t2_ref[1] = t[:, L:]
        u2_ref[...] = g * sq_ref[...]

    return pl.pallas_call(
        body,
        grid=(NP // B,),
        in_specs=[
            pl.BlockSpec((4, B, L), lambda i: (0, i, 0)),
            pl.BlockSpec((B, 64), lambda i: (i, 0)),
            pl.BlockSpec((B, 1), lambda i: (i, 0)),
            pl.BlockSpec((B, 1), lambda i: (i, 0)),
            pl.BlockSpec((64, 64), lambda i: (0, 0)),
            pl.BlockSpec((1, 64), lambda i: (0, 0)),
            pl.BlockSpec((64, 32), lambda i: (0, 0)),
        ],
        out_specs=[
            pl.BlockSpec((2, B, L), lambda i: (0, i, 0)),
            pl.BlockSpec((B, 32), lambda i: (i, 0)),
        ],
        out_shape=[
            jax.ShapeDtypeStruct((2, NP, L), jnp.float32),
            jax.ShapeDtypeStruct((NP, 32), jnp.float32),
        ],
    )(s1, u1, dinv, sq, W2, b2, W3)


def _tc4(s2, u2, dinv, b3, batchp, Wl, bl, NP, B):

    def body(s2_ref, u2_ref, dinv_ref, b3_ref, batch_ref, wl_ref, bl_ref,
             out_ref, psum, pcnt):
        i = pl.program_id(0)

        @pl.when(i == 0)
        def _init():
            psum[...] = jnp.zeros_like(psum)
            pcnt[...] = jnp.zeros_like(pcnt)

        agg = jnp.concatenate([s2_ref[0], s2_ref[1]], axis=1)
        h3 = agg * dinv_ref[...] + u2_ref[...] + b3_ref[...]
        h3 = jnp.maximum(h3, 0.0)
        onehot = (batch_ref[...] == lax.broadcasted_iota(
            jnp.int32, (1, NG), 1)).astype(jnp.float32)
        psum[...] += lax.dot_general(
            onehot, h3, (((0,), (0,)), ((), ())),
            preferred_element_type=jnp.float32)
        pcnt[...] += jnp.sum(onehot, axis=0, keepdims=True)
        pooled = psum[...] / jnp.maximum(pcnt[...], 1.0).reshape(NG, 1)
        out_ref[...] = jnp.dot(pooled, wl_ref[...],
                               preferred_element_type=jnp.float32) + bl_ref[...]

    return pl.pallas_call(
        body,
        grid=(NP // B,),
        in_specs=[
            pl.BlockSpec((2, B, L), lambda i: (0, i, 0)),
            pl.BlockSpec((B, 32), lambda i: (i, 0)),
            pl.BlockSpec((B, 1), lambda i: (i, 0)),
            pl.BlockSpec((1, 32), lambda i: (0, 0)),
            pl.BlockSpec((B, 1), lambda i: (i, 0)),
            pl.BlockSpec((32, 2), lambda i: (0, 0)),
            pl.BlockSpec((1, 2), lambda i: (0, 0)),
        ],
        out_specs=pl.BlockSpec((NG, 2), lambda i: (0, 0)),
        out_shape=jax.ShapeDtypeStruct((NG, 2), jnp.float32),
        scratch_shapes=[
            pltpu.VMEM((NG, 32), jnp.float32),
            pltpu.VMEM((1, NG), jnp.float32),
        ],
    )(s2, u2, dinv, b3, batchp, Wl, bl)




def kernel(x, edge_index, batch, W1, b1, W2, b2, W3, b3, Wl, bl):
    N = x.shape[0]
    F = x.shape[1]
    E = edge_index.shape[1]
    NP = _cdiv(N + 1, 1024) * 1024
    EP = _cdiv(E, NC * NS * EBLK) * (NC * NS * EBLK)
    B = 1024

    pad_e = EP - E
    srcp = jnp.concatenate(
        [edge_index[0].astype(jnp.int32),
         jnp.full((pad_e,), N, jnp.int32)])
    dstp = jnp.concatenate(
        [edge_index[1].astype(jnp.int32),
         jnp.full((pad_e,), N, jnp.int32)])
    xpad = jnp.pad(x, ((0, NP - N), (0, L - F)))
    W1p = jnp.pad(W1, ((0, L - F), (0, 0)))
    batchp = jnp.pad(batch.astype(jnp.int32), (0, NP - N),
                     constant_values=NG).reshape(NP, 1)

    deg2 = _make_deg(NP, EP)(dstp).reshape(2, NP, 1)
    dinv, sq, t0 = _tc1(deg2, xpad, NP, B)

    s0 = _make_agg(1, NP, EP)(t0, srcp, dstp).reshape(2, NP, L)
    t1, u1 = _tc2(s0, xpad, dinv, sq, W1p, b1.reshape(1, 64), NP, B)

    s1 = _make_agg(4, NP, EP)(t1.reshape(4 * NP, L), srcp,
                              dstp).reshape(4, NP, L)
    t2, u2 = _tc3(s1, u1, dinv, sq, W2, b2.reshape(1, 64), W3, NP, B)

    s2 = _make_agg(2, NP, EP)(t2.reshape(2 * NP, L), srcp,
                              dstp).reshape(2, NP, L)

    return _tc4(s2, u2, dinv, b3.reshape(1, 32), batchp, Wl,
                bl.reshape(1, 2), NP, B)

# --- scband reference (transcript-rebuilt; emitter-appended) ---
"""Pipeline reference for scband-ego-gnn-5720896438655 (READ-ONLY COPY).

The authoritative reference and input builder live on the scoring server;
editing this copy changes nothing except your own understanding.
"""

import jax, jax.numpy as jnp
import numpy as np

N = 100000
E = 1600000
NUM_GRAPHS = 256


def setup_inputs(seed: int = 0) -> dict:
    key = jax.random.key(seed)
    ks = jax.random.split(key, 12)
    inp = {}
    inp["x"] = jax.random.normal(ks[0], (N, 5), dtype=jnp.float32)
    inp["edge_index"] = jax.random.randint(ks[1], (2, E), 0, N)
    inp["batch"] = jnp.sort(jax.random.randint(ks[2], (N,), 0, NUM_GRAPHS))
    # GCNConv(5, 64)
    inp["W1"] = jax.random.normal(ks[3], (5, 64), dtype=jnp.float32) * (1.0 / np.sqrt(5))
    inp["b1"] = jnp.zeros((64,), dtype=jnp.float32)
    # GCNConv(64, 64)
    inp["W2"] = jax.random.normal(ks[4], (64, 64), dtype=jnp.float32) * (1.0 / np.sqrt(64))
    inp["b2"] = jnp.zeros((64,), dtype=jnp.float32)
    # GCNConv(64, 32)
    inp["W3"] = jax.random.normal(ks[5], (64, 32), dtype=jnp.float32) * (1.0 / np.sqrt(64))
    inp["b3"] = jnp.zeros((32,), dtype=jnp.float32)
    # Linear(32, 2)
    inp["Wl"] = jax.random.normal(ks[6], (32, 2), dtype=jnp.float32) * (1.0 / np.sqrt(32))
    inp["bl"] = jnp.zeros((2,), dtype=jnp.float32)
    return inp


def _gcn_conv(x, src, dst, norm, W, b):
    # PyG GCNConv: linear transform, then normalized scatter-add aggregation, then bias
    h = x @ W
    msg = h[src] * norm[:, None]
    out = jax.ops.segment_sum(msg, dst, num_segments=x.shape[0])
    return out + b


def reference(x, edge_index, batch, W1, b1, W2, b2, W3, b3, Wl, bl):
    n = x.shape[0]
    # add self loops (GCNConv default add_self_loops=True)
    loop = jnp.arange(n)
    src = jnp.concatenate([edge_index[0], loop])
    dst = jnp.concatenate([edge_index[1], loop])
    # symmetric normalization: deg over dst, norm = d^{-1/2}[src] * d^{-1/2}[dst]
    deg = jax.ops.segment_sum(jnp.ones(src.shape[0], dtype=x.dtype), dst, num_segments=n)
    dinv = jnp.where(deg > 0, jax.lax.rsqrt(jnp.maximum(deg, 1e-12)), 0.0)
    norm = dinv[src] * dinv[dst]

    h = jax.nn.relu(_gcn_conv(x, src, dst, norm, W1, b1))
    h = jax.nn.relu(_gcn_conv(h, src, dst, norm, W2, b2))
    h = jax.nn.relu(_gcn_conv(h, src, dst, norm, W3, b3))

    # global_mean_pool over batch segment ids
    sums = jax.ops.segment_sum(h, batch, num_segments=NUM_GRAPHS)
    counts = jax.ops.segment_sum(jnp.ones((n,), dtype=h.dtype), batch, num_segments=NUM_GRAPHS)
    pooled = sums / jnp.maximum(counts, 1.0)[:, None]

    return pooled @ Wl + bl

if __name__ == "__main__":
    import jax
    _d = setup_inputs()
    print(jax.jit(kernel)(*tuple(_d.values())))

</pallas_src>

<mosaic_0001>
#map = affine_map<(d0, d1) -> (0, 0)>
#map1 = affine_map<(d0, d1) -> (0)>
module attributes {stable_mosaic.version = 14 : i64} {
  func.func @agg_kernel(%arg0: i32, %arg1: i32, %arg2: memref<200704x16xf32, #tpu.memory_space<hbm>>, %arg3: memref<1601536xi32, #tpu.memory_space<hbm>>, %arg4: memref<1601536xi32, #tpu.memory_space<hbm>>, %arg5: memref<200704x16xf32, #tpu.memory_space<hbm>>, %arg6: memref<128xi32, #tpu.memory_space<vmem>>, %arg7: memref<128xi32, #tpu.memory_space<vmem>>, %arg8: memref<128x16xf32, #tpu.memory_space<vmem>>, %arg9: memref<784x16xf32, #tpu.memory_space<vmem>>, %arg10: memref<784x16xf32, #tpu.memory_space<vmem>>, %arg11: memref<100352x16xf32, #tpu.memory_space<vmem_shared>>, %arg12: memref<!tpu.dma_semaphore, #tpu.memory_space<semaphore_mem>>) attributes {dimension_semantics = [#tpu.dimension_semantics<core_parallel>, #tpu.dimension_semantics<subcore_parallel>], iteration_bounds = array<i64: 2, 16>, scalar_prefetch = 0 : i64, scratch_operands = 7 : i64, tpu.core_type = #tpu.core_type<sc_vector_subcore>, window_params = [{transform_indices = #map}, {transform_indices = #map1}, {transform_indices = #map1}, {transform_indices = #map}]} {
    %mul3A = arith.constant 100096 : i32
    %mul3A_0 = arith.muli %arg1, %mul3A : i32
    %scan3A = arith.constant 0 : i32
    %scan3A_1 = arith.constant 0 : i32
    %scan3A_2 = arith.constant 784 : i32
    %scan3A_3 = arith.addi %scan3A_1, %scan3A_2 : i32
    %scan3A_4 = arith.constant 1 : i32
    scf.for %scan3A_136 = %scan3A_1 to %scan3A_3 step %scan3A_4  : i32 {
      %broadcast_in_dim3A = arith.constant 0.000000e+00 : f32
      %broadcast_in_dim3A_137 = vector.broadcast %broadcast_in_dim3A : f32 to vector<16xf32>
      %swap3A = arith.index_cast %scan3A_136 : i32 to index
      %swap3A_138 = arith.constant 0 : index
      %swap3A_139 = tpu.vector_load %arg9[%swap3A, %swap3A_138] {strides = array<i32>} : memref<784x16xf32, #tpu.memory_space<vmem>>, vector<1x16xf32>,
      %swap3A_140 = vector.shape_cast %swap3A_139 : vector<1x16xf32> to vector<16xf32>
      %swap3A_141 = vector.shape_cast %broadcast_in_dim3A_137 : vector<16xf32> to vector<1x16xf32>
      tpu.vector_store %arg9[%swap3A, %swap3A_138], %swap3A_141 {strides = array<i32>} : memref<784x16xf32, #tpu.memory_space<vmem>>, vector<1x16xf32>,
    }
    %scan3A_5 = arith.constant 784 : i32
    %add3A = arith.constant 0 : i32
    %add3A_6 = arith.addi %arg0, %add3A : i32
    %mul3A_7 = arith.constant 100352 : i32
    %mul3A_8 = arith.muli %add3A_6, %mul3A_7 : i32
    %mul3A_9 = arith.constant 6272 : i32
    %mul3A_10 = arith.muli %arg1, %mul3A_9 : i32
    %add3A_11 = arith.constant 0 : i32
    %add3A_12 = arith.addi %mul3A_10, %add3A_11 : i32
    "tpu.region"() ({
      %run_scoped3A = tpu.sem_alloc : memref<!tpu.dma_semaphore, #tpu.memory_space<semaphore_mem>>
      %dma_start3A = arith.constant 0 : i32
      %dma_start3A_136 = tpu.memref_slice %arg11[%add3A_12, %dma_start3A] : memref<100352x16xf32, #tpu.memory_space<vmem_shared>> -> memref<784x16xf32, #tpu.memory_space<vmem_shared>>
      %dma_start3A_137 = arith.constant 0 : i32
      %dma_start3A_138 = tpu.memref_slice %arg11[%add3A_12, %dma_start3A_137] : memref<100352x16xf32, #tpu.memory_space<vmem_shared>> -> memref<784x16xf32, #tpu.memory_space<vmem_shared>>
      tpu.enqueue_dma source(%arg9 : memref<784x16xf32, #tpu.memory_space<vmem>>) target(%dma_start3A_138 : memref<784x16xf32, #tpu.memory_space<vmem_shared>>) target_semaphore(%run_scoped3A : memref<!tpu.dma_semaphore, #tpu.memory_space<semaphore_mem>>)
      %dma_wait3A = arith.constant 0 : i32
      %dma_wait3A_139 = tpu.memref_slice %arg11[%add3A_12, %dma_wait3A] : memref<100352x16xf32, #tpu.memory_space<vmem_shared>> -> memref<784x16xf32, #tpu.memory_space<vmem_shared>>
      %dma_wait3A_140 = arith.constant 0 : i32
      %dma_wait3A_141 = tpu.memref_slice %arg11[%add3A_12, %dma_wait3A_140] : memref<100352x16xf32, #tpu.memory_space<vmem_shared>> -> memref<784x16xf32, #tpu.memory_space<vmem_shared>>
      tpu.wait_dma2 semaphore(%run_scoped3A : memref<!tpu.dma_semaphore, #tpu.memory_space<semaphore_mem>>) src(%arg9 : memref<784x16xf32, #tpu.memory_space<vmem>>) dst(%dma_wait3A_141 : memref<784x16xf32, #tpu.memory_space<vmem_shared>>)
      tpu.yield
    }) : () -> ()
    %mul3A_13 = arith.constant 6272 : i32
    %mul3A_14 = arith.muli %arg1, %mul3A_13 : i32
    %add3A_15 = arith.constant 784 : i32
    %add3A_16 = arith.addi %mul3A_14, %add3A_15 : i32
    "tpu.region"() ({
      %run_scoped3A = tpu.sem_alloc : memref<!tpu.dma_semaphore, #tpu.memory_space<semaphore_mem>>
      %dma_start3A = arith.constant 0 : i32
      %dma_start3A_136 = tpu.memref_slice %arg11[%add3A_16, %dma_start3A] : memref<100352x16xf32, #tpu.memory_space<vmem_shared>> -> memref<784x16xf32, #tpu.memory_space<vmem_shared>>
      %dma_start3A_137 = arith.constant 0 : i32
      %dma_start3A_138 = tpu.memref_slice %arg11[%add3A_16, %dma_start3A_137] : memref<100352x16xf32, #tpu.memory_space<vmem_shared>> -> memref<784x16xf32, #tpu.memory_space<vmem_shared>>
      tpu.enqueue_dma source(%arg9 : memref<784x16xf32, #tpu.memory_space<vmem>>) target(%dma_start3A_138 : memref<784x16xf32, #tpu.memory_space<vmem_shared>>) target_semaphore(%run_scoped3A : memref<!tpu.dma_semaphore, #tpu.memory_space<semaphore_mem>>)
      %dma_wait3A = arith.constant 0 : i32
      %dma_wait3A_139 = tpu.memref_slice %arg11[%add3A_16, %dma_wait3A] : memref<100352x16xf32, #tpu.memory_space<vmem_shared>> -> memref<784x16xf32, #tpu.memory_space<vmem_shared>>
      %dma_wait3A_140 = arith.constant 0 : i32
      %dma_wait3A_141 = tpu.memref_slice %arg11[%add3A_16, %dma_wait3A_140] : memref<100352x16xf32, #tpu.memory_space<vmem_shared>> -> memref<784x16xf32, #tpu.memory_space<vmem_shared>>
      tpu.wait_dma2 semaphore(%run_scoped3A : memref<!tpu.dma_semaphore, #tpu.memory_space<semaphore_mem>>) src(%arg9 : memref<784x16xf32, #tpu.memory_space<vmem>>) dst(%dma_wait3A_141 : memref<784x16xf32, #tpu.memory_space<vmem_shared>>)
      tpu.yield
    }) : () -> ()
    %mul3A_17 = arith.constant 6272 : i32
    %mul3A_18 = arith.muli %arg1, %mul3A_17 : i32
    %add3A_19 = arith.constant 1568 : i32
    %add3A_20 = arith.addi %mul3A_18, %add3A_19 : i32
    "tpu.region"() ({
      %run_scoped3A = tpu.sem_alloc : memref<!tpu.dma_semaphore, #tpu.memory_space<semaphore_mem>>
      %dma_start3A = arith.constant 0 : i32
      %dma_start3A_136 = tpu.memref_slice %arg11[%add3A_20, %dma_start3A] : memref<100352x16xf32, #tpu.memory_space<vmem_shared>> -> memref<784x16xf32, #tpu.memory_space<vmem_shared>>
      %dma_start3A_137 = arith.constant 0 : i32
      %dma_start3A_138 = tpu.memref_slice %arg11[%add3A_20, %dma_start3A_137] : memref<100352x16xf32, #tpu.memory_space<vmem_shared>> -> memref<784x16xf32, #tpu.memory_space<vmem_shared>>
      tpu.enqueue_dma source(%arg9 : memref<784x16xf32, #tpu.memory_space<vmem>>) target(%dma_start3A_138 : memref<784x16xf32, #tpu.memory_space<vmem_shared>>) target_semaphore(%run_scoped3A : memref<!tpu.dma_semaphore, #tpu.memory_space<semaphore_mem>>)
      %dma_wait3A = arith.constant 0 : i32
      %dma_wait3A_139 = tpu.memref_slice %arg11[%add3A_20, %dma_wait3A] : memref<100352x16xf32, #tpu.memory_space<vmem_shared>> -> memref<784x16xf32, #tpu.memory_space<vmem_shared>>
      %dma_wait3A_140 = arith.constant 0 : i32
      %dma_wait3A_141 = tpu.memref_slice %arg11[%add3A_20, %dma_wait3A_140] : memref<100352x16xf32, #tpu.memory_space<vmem_shared>> -> memref<784x16xf32, #tpu.memory_space<vmem_shared>>
      tpu.wait_dma2 semaphore(%run_scoped3A : memref<!tpu.dma_semaphore, #tpu.memory_space<semaphore_mem>>) src(%arg9 : memref<784x16xf32, #tpu.memory_space<vmem>>) dst(%dma_wait3A_141 : memref<784x16xf32, #tpu.memory_space<vmem_shared>>)
      tpu.yield
    }) : () -> ()
    %mul3A_21 = arith.constant 6272 : i32
    %mul3A_22 = arith.muli %arg1, %mul3A_21 : i32
    %add3A_23 = arith.constant 2352 : i32
    %add3A_24 = arith.addi %mul3A_22, %add3A_23 : i32
    "tpu.region"() ({
      %run_scoped3A = tpu.sem_alloc : memref<!tpu.dma_semaphore, #tpu.memory_space<semaphore_mem>>
      %dma_start3A = arith.constant 0 : i32
      %dma_start3A_136 = tpu.memref_slice %arg11[%add3A_24, %dma_start3A] : memref<100352x16xf32, #tpu.memory_space<vmem_shared>> -> memref<784x16xf32, #tpu.memory_space<vmem_shared>>
      %dma_start3A_137 = arith.constant 0 : i32
      %dma_start3A_138 = tpu.memref_slice %arg11[%add3A_24, %dma_start3A_137] : memref<100352x16xf32, #tpu.memory_space<vmem_shared>> -> memref<784x16xf32, #tpu.memory_space<vmem_shared>>
      tpu.enqueue_dma source(%arg9 : memref<784x16xf32, #tpu.memory_space<vmem>>) target(%dma_start3A_138 : memref<784x16xf32, #tpu.memory_space<vmem_shared>>) target_semaphore(%run_scoped3A : memref<!tpu.dma_semaphore, #tpu.memory_space<semaphore_mem>>)
      %dma_wait3A = arith.constant 0 : i32
      %dma_wait3A_139 = tpu.memref_slice %arg11[%add3A_24, %dma_wait3A] : memref<100352x16xf32, #tpu.memory_space<vmem_shared>> -> memref<784x16xf32, #tpu.memory_space<vmem_shared>>
      %dma_wait3A_140 = arith.constant 0 : i32
      %dma_wait3A_141 = tpu.memref_slice %arg11[%add3A_24, %dma_wait3A_140] : memref<100352x16xf32, #tpu.memory_space<vmem_shared>> -> memref<784x16xf32, #tpu.memory_space<vmem_shared>>
      tpu.wait_dma2 semaphore(%run_scoped3A : memref<!tpu.dma_semaphore, #tpu.memory_space<semaphore_mem>>) src(%arg9 : memref<784x16xf32, #tpu.memory_space<vmem>>) dst(%dma_wait3A_141 : memref<784x16xf32, #tpu.memory_space<vmem_shared>>)
      tpu.yield
    }) : () -> ()
    %mul3A_25 = arith.constant 6272 : i32
    %mul3A_26 = arith.muli %arg1, %mul3A_25 : i32
    %add3A_27 = arith.constant 3136 : i32
    %add3A_28 = arith.addi %mul3A_26, %add3A_27 : i32
    "tpu.region"() ({
      %run_scoped3A = tpu.sem_alloc : memref<!tpu.dma_semaphore, #tpu.memory_space<semaphore_mem>>
      %dma_start3A = arith.constant 0 : i32
      %dma_start3A_136 = tpu.memref_slice %arg11[%add3A_28, %dma_start3A] : memref<100352x16xf32, #tpu.memory_space<vmem_shared>> -> memref<784x16xf32, #tpu.memory_space<vmem_shared>>
      %dma_start3A_137 = arith.constant 0 : i32
      %dma_start3A_138 = tpu.memref_slice %arg11[%add3A_28, %dma_start3A_137] : memref<100352x16xf32, #tpu.memory_space<vmem_shared>> -> memref<784x16xf32, #tpu.memory_space<vmem_shared>>
      tpu.enqueue_dma source(%arg9 : memref<784x16xf32, #tpu.memory_space<vmem>>) target(%dma_start3A_138 : memref<784x16xf32, #tpu.memory_space<vmem_shared>>) target_semaphore(%run_scoped3A : memref<!tpu.dma_semaphore, #tpu.memory_space<semaphore_mem>>)
      %dma_wait3A = arith.constant 0 : i32
      %dma_wait3A_139 = tpu.memref_slice %arg11[%add3A_28, %dma_wait3A] : memref<100352x16xf32, #tpu.memory_space<vmem_shared>> -> memref<784x16xf32, #tpu.memory_space<vmem_shared>>
      %dma_wait3A_140 = arith.constant 0 : i32
      %dma_wait3A_141 = tpu.memref_slice %arg11[%add3A_28, %dma_wait3A_140] : memref<100352x16xf32, #tpu.memory_space<vmem_shared>> -> memref<784x16xf32, #tpu.memory_space<vmem_shared>>
      tpu.wait_dma2 semaphore(%run_scoped3A : memref<!tpu.dma_semaphore, #tpu.memory_space<semaphore_mem>>) src(%arg9 : memref<784x16xf32, #tpu.memory_space<vmem>>) dst(%dma_wait3A_141 : memref<784x16xf32, #tpu.memory_space<vmem_shared>>)
      tpu.yield
    }) : () -> ()
    %mul3A_29 = arith.constant 6272 : i32
    %mul3A_30 = arith.muli %arg1, %mul3A_29 : i32
    %add3A_31 = arith.constant 3920 : i32
    %add3A_32 = arith.addi %mul3A_30, %add3A_31 : i32
    "tpu.region"() ({
      %run_scoped3A = tpu.sem_alloc : memref<!tpu.dma_semaphore, #tpu.memory_space<semaphore_mem>>
      %dma_start3A = arith.constant 0 : i32
      %dma_start3A_136 = tpu.memref_slice %arg11[%add3A_32, %dma_start3A] : memref<100352x16xf32, #tpu.memory_space<vmem_shared>> -> memref<784x16xf32, #tpu.memory_space<vmem_shared>>
      %dma_start3A_137 = arith.constant 0 : i32
      %dma_start3A_138 = tpu.memref_slice %arg11[%add3A_32, %dma_start3A_137] : memref<100352x16xf32, #tpu.memory_space<vmem_shared>> -> memref<784x16xf32, #tpu.memory_space<vmem_shared>>
      tpu.enqueue_dma source(%arg9 : memref<784x16xf32, #tpu.memory_space<vmem>>) target(%dma_start3A_138 : memref<784x16xf32, #tpu.memory_space<vmem_shared>>) target_semaphore(%run_scoped3A : memref<!tpu.dma_semaphore, #tpu.memory_space<semaphore_mem>>)
      %dma_wait3A = arith.constant 0 : i32
      %dma_wait3A_139 = tpu.memref_slice %arg11[%add3A_32, %dma_wait3A] : memref<100352x16xf32, #tpu.memory_space<vmem_shared>> -> memref<784x16xf32, #tpu.memory_space<vmem_shared>>
      %dma_wait3A_140 = arith.constant 0 : i32
      %dma_wait3A_141 = tpu.memref_slice %arg11[%add3A_32, %dma_wait3A_140] : memref<100352x16xf32, #tpu.memory_space<vmem_shared>> -> memref<784x16xf32, #tpu.memory_space<vmem_shared>>
      tpu.wait_dma2 semaphore(%run_scoped3A : memref<!tpu.dma_semaphore, #tpu.memory_space<semaphore_mem>>) src(%arg9 : memref<784x16xf32, #tpu.memory_space<vmem>>) dst(%dma_wait3A_141 : memref<784x16xf32, #tpu.memory_space<vmem_shared>>)
      tpu.yield
    }) : () -> ()
    %mul3A_33 = arith.constant 6272 : i32
    %mul3A_34 = arith.muli %arg1, %mul3A_33 : i32
    %add3A_35 = arith.constant 4704 : i32
    %add3A_36 = arith.addi %mul3A_34, %add3A_35 : i32
    "tpu.region"() ({
      %run_scoped3A = tpu.sem_alloc : memref<!tpu.dma_semaphore, #tpu.memory_space<semaphore_mem>>
      %dma_start3A = arith.constant 0 : i32
      %dma_start3A_136 = tpu.memref_slice %arg11[%add3A_36, %dma_start3A] : memref<100352x16xf32, #tpu.memory_space<vmem_shared>> -> memref<784x16xf32, #tpu.memory_space<vmem_shared>>
      %dma_start3A_137 = arith.constant 0 : i32
      %dma_start3A_138 = tpu.memref_slice %arg11[%add3A_36, %dma_start3A_137] : memref<100352x16xf32, #tpu.memory_space<vmem_shared>> -> memref<784x16xf32, #tpu.memory_space<vmem_shared>>
      tpu.enqueue_dma source(%arg9 : memref<784x16xf32, #tpu.memory_space<vmem>>) target(%dma_start3A_138 : memref<784x16xf32, #tpu.memory_space<vmem_shared>>) target_semaphore(%run_scoped3A : memref<!tpu.dma_semaphore, #tpu.memory_space<semaphore_mem>>)
      %dma_wait3A = arith.constant 0 : i32
      %dma_wait3A_139 = tpu.memref_slice %arg11[%add3A_36, %dma_wait3A] : memref<100352x16xf32, #tpu.memory_space<vmem_shared>> -> memref<784x16xf32, #tpu.memory_space<vmem_shared>>
      %dma_wait3A_140 = arith.constant 0 : i32
      %dma_wait3A_141 = tpu.memref_slice %arg11[%add3A_36, %dma_wait3A_140] : memref<100352x16xf32, #tpu.memory_space<vmem_shared>> -> memref<784x16xf32, #tpu.memory_space<vmem_shared>>
      tpu.wait_dma2 semaphore(%run_scoped3A : memref<!tpu.dma_semaphore, #tpu.memory_space<semaphore_mem>>) src(%arg9 : memref<784x16xf32, #tpu.memory_space<vmem>>) dst(%dma_wait3A_141 : memref<784x16xf32, #tpu.memory_space<vmem_shared>>)
      tpu.yield
    }) : () -> ()
    %mul3A_37 = arith.constant 6272 : i32
    %mul3A_38 = arith.muli %arg1, %mul3A_37 : i32
    %add3A_39 = arith.constant 5488 : i32
    %add3A_40 = arith.addi %mul3A_38, %add3A_39 : i32
    "tpu.region"() ({
      %run_scoped3A = tpu.sem_alloc : memref<!tpu.dma_semaphore, #tpu.memory_space<semaphore_mem>>
      %dma_start3A = arith.constant 0 : i32
      %dma_start3A_136 = tpu.memref_slice %arg11[%add3A_40, %dma_start3A] : memref<100352x16xf32, #tpu.memory_space<vmem_shared>> -> memref<784x16xf32, #tpu.memory_space<vmem_shared>>
      %dma_start3A_137 = arith.constant 0 : i32
      %dma_start3A_138 = tpu.memref_slice %arg11[%add3A_40, %dma_start3A_137] : memref<100352x16xf32, #tpu.memory_space<vmem_shared>> -> memref<784x16xf32, #tpu.memory_space<vmem_shared>>
      tpu.enqueue_dma source(%arg9 : memref<784x16xf32, #tpu.memory_space<vmem>>) target(%dma_start3A_138 : memref<784x16xf32, #tpu.memory_space<vmem_shared>>) target_semaphore(%run_scoped3A : memref<!tpu.dma_semaphore, #tpu.memory_space<semaphore_mem>>)
      %dma_wait3A = arith.constant 0 : i32
      %dma_wait3A_139 = tpu.memref_slice %arg11[%add3A_40, %dma_wait3A] : memref<100352x16xf32, #tpu.memory_space<vmem_shared>> -> memref<784x16xf32, #tpu.memory_space<vmem_shared>>
      %dma_wait3A_140 = arith.constant 0 : i32
      %dma_wait3A_141 = tpu.memref_slice %arg11[%add3A_40, %dma_wait3A_140] : memref<100352x16xf32, #tpu.memory_space<vmem_shared>> -> memref<784x16xf32, #tpu.memory_space<vmem_shared>>
      tpu.wait_dma2 semaphore(%run_scoped3A : memref<!tpu.dma_semaphore, #tpu.memory_space<semaphore_mem>>) src(%arg9 : memref<784x16xf32, #tpu.memory_space<vmem>>) dst(%dma_wait3A_141 : memref<784x16xf32, #tpu.memory_space<vmem_shared>>)
      tpu.yield
    }) : () -> ()
    %barrier3A = arith.constant 0 : index
    tpu.barrier barrier_id(%barrier3A)
    %scan3A_41 = arith.constant 0 : i32
    %scan3A_42 = arith.constant 0 : i32
    %scan3A_43 = arith.constant 782 : i32
    %scan3A_44 = arith.addi %scan3A_42, %scan3A_43 : i32
    %scan3A_45 = arith.constant 1 : i32
    scf.for %scan3A_136 = %scan3A_42 to %scan3A_44 step %scan3A_45  : i32 {
      %mul3A_137 = arith.constant 128 : i32
      %mul3A_138 = arith.muli %scan3A_136, %mul3A_137 : i32
      %add3A_139 = arith.addi %mul3A_0, %mul3A_138 : i32
      "tpu.region"() ({
        %run_scoped3A = tpu.sem_alloc : memref<!tpu.dma_semaphore, #tpu.memory_space<semaphore_mem>>
        %dma_start3A_214 = tpu.memref_slice %arg3[%add3A_139] : memref<1601536xi32, #tpu.memory_space<hbm>> -> memref<128xi32, #tpu.memory_space<hbm>>
        %dma_start3A_215 = tpu.memref_slice %arg3[%add3A_139] : memref<1601536xi32, #tpu.memory_space<hbm>> -> memref<128xi32, #tpu.memory_space<hbm>>
        tpu.enqueue_dma source(%dma_start3A_215 : memref<128xi32, #tpu.memory_space<hbm>>) target(%arg6 : memref<128xi32, #tpu.memory_space<vmem>>) target_semaphore(%run_scoped3A : memref<!tpu.dma_semaphore, #tpu.memory_space<semaphore_mem>>)
        %dma_wait3A_216 = tpu.memref_slice %arg3[%add3A_139] : memref<1601536xi32, #tpu.memory_space<hbm>> -> memref<128xi32, #tpu.memory_space<hbm>>
        %dma_wait3A_217 = tpu.memref_slice %arg3[%add3A_139] : memref<1601536xi32, #tpu.memory_space<hbm>> -> memref<128xi32, #tpu.memory_space<hbm>>
        tpu.wait_dma2 semaphore(%run_scoped3A : memref<!tpu.dma_semaphore, #tpu.memory_space<semaphore_mem>>) src(%dma_wait3A_217 : memref<128xi32, #tpu.memory_space<hbm>>) dst(%arg6 : memref<128xi32, #tpu.memory_space<vmem>>)
        tpu.yield
      }) : () -> ()
      "tpu.region"() ({
        %run_scoped3A = tpu.sem_alloc : memref<!tpu.dma_semaphore, #tpu.memory_space<semaphore_mem>>
        %dma_start3A_214 = tpu.memref_slice %arg4[%add3A_139] : memref<1601536xi32, #tpu.memory_space<hbm>> -> memref<128xi32, #tpu.memory_space<hbm>>
        %dma_start3A_215 = tpu.memref_slice %arg4[%add3A_139] : memref<1601536xi32, #tpu.memory_space<hbm>> -> memref<128xi32, #tpu.memory_space<hbm>>
        tpu.enqueue_dma source(%dma_start3A_215 : memref<128xi32, #tpu.memory_space<hbm>>) target(%arg7 : memref<128xi32, #tpu.memory_space<vmem>>) target_semaphore(%run_scoped3A : memref<!tpu.dma_semaphore, #tpu.memory_space<semaphore_mem>>)
        %dma_wait3A_216 = tpu.memref_slice %arg4[%add3A_139] : memref<1601536xi32, #tpu.memory_space<hbm>> -> memref<128xi32, #tpu.memory_space<hbm>>
        %dma_wait3A_217 = tpu.memref_slice %arg4[%add3A_139] : memref<1601536xi32, #tpu.memory_space<hbm>> -> memref<128xi32, #tpu.memory_space<hbm>>
        tpu.wait_dma2 semaphore(%run_scoped3A : memref<!tpu.dma_semaphore, #tpu.memory_space<semaphore_mem>>) src(%dma_wait3A_217 : memref<128xi32, #tpu.memory_space<hbm>>) dst(%arg7 : memref<128xi32, #tpu.memory_space<vmem>>)
        tpu.yield
      }) : () -> ()
      %get3A = arith.constant 0 : index
      %get3A_140 = tpu.vector_load %arg6[%get3A] {strides = array<i32>} : memref<128xi32, #tpu.memory_space<vmem>>, vector<16xi32>,
      %get3A_141 = vector.shape_cast %get3A_140 : vector<16xi32> to vector<16xi32>
      %add3A_142 = vector.broadcast %mul3A_8 : i32 to vector<16xi32>
      %add3A_143 = arith.addi %get3A_141, %add3A_142 : vector<16xi32>
      %swap3A = arith.constant 0 : index
      %swap3A_144 = tpu.vector_load %arg6[%swap3A] {strides = array<i32>} : memref<128xi32, #tpu.memory_space<vmem>>, vector<16xi32>,
      %swap3A_145 = vector.shape_cast %swap3A_144 : vector<16xi32> to vector<16xi32>
      %swap3A_146 = vector.shape_cast %add3A_143 : vector<16xi32> to vector<16xi32>
      tpu.vector_store %arg6[%swap3A], %swap3A_146 {strides = array<i32>} : memref<128xi32, #tpu.memory_space<vmem>>, vector<16xi32>,
      %get3A_147 = arith.constant 16 : index
      %get3A_148 = tpu.vector_load %arg6[%get3A_147] {strides = array<i32>} : memref<128xi32, #tpu.memory_space<vmem>>, vector<16xi32>,
      %get3A_149 = vector.shape_cast %get3A_148 : vector<16xi32> to vector<16xi32>
      %add3A_150 = vector.broadcast %mul3A_8 : i32 to vector<16xi32>
      %add3A_151 = arith.addi %get3A_149, %add3A_150 : vector<16xi32>
      %swap3A_152 = arith.constant 16 : index
      %swap3A_153 = tpu.vector_load %arg6[%swap3A_152] {strides = array<i32>} : memref<128xi32, #tpu.memory_space<vmem>>, vector<16xi32>,
      %swap3A_154 = vector.shape_cast %swap3A_153 : vector<16xi32> to vector<16xi32>
      %swap3A_155 = vector.shape_cast %add3A_151 : vector<16xi32> to vector<16xi32>
      tpu.vector_store %arg6[%swap3A_152], %swap3A_155 {strides = array<i32>} : memref<128xi32, #tpu.memory_space<vmem>>, vector<16xi32>,
      %get3A_156 = arith.constant 32 : index
      %get3A_157 = tpu.vector_load %arg6[%get3A_156] {strides = array<i32>} : memref<128xi32, #tpu.memory_space<vmem>>, vector<16xi32>,
      %get3A_158 = vector.shape_cast %get3A_157 : vector<16xi32> to vector<16xi32>
      %add3A_159 = vector.broadcast %mul3A_8 : i32 to vector<16xi32>
      %add3A_160 = arith.addi %get3A_158, %add3A_159 : vector<16xi32>
      %swap3A_161 = arith.constant 32 : index
      %swap3A_162 = tpu.vector_load %arg6[%swap3A_161] {strides = array<i32>} : memref<128xi32, #tpu.memory_space<vmem>>, vector<16xi32>,
      %swap3A_163 = vector.shape_cast %swap3A_162 : vector<16xi32> to vector<16xi32>
      %swap3A_164 = vector.shape_cast %add3A_160 : vector<16xi32> to vector<16xi32>
      tpu.vector_store %arg6[%swap3A_161], %swap3A_164 {strides = array<i32>} : memref<128xi32, #tpu.memory_space<vmem>>, vector<16xi32>,
      %get3A_165 = arith.constant 48 : index
      %get3A_166 = tpu.vector_load %arg6[%get3A_165] {strides = array<i32>} : memref<128xi32, #tpu.memory_space<vmem>>, vector<16xi32>,
      %get3A_167 = vector.shape_cast %get3A_166 : vector<16xi32> to vector<16xi32>
      %add3A_168 = vector.broadcast %mul3A_8 : i32 to vector<16xi32>
      %add3A_169 = arith.addi %get3A_167, %add3A_168 : vector<16xi32>
      %swap3A_170 = arith.constant 48 : index
      %swap3A_171 = tpu.vector_load %arg6[%swap3A_170] {strides = array<i32>} : memref<128xi32, #tpu.memory_space<vmem>>, vector<16xi32>,
      %swap3A_172 = vector.shape_cast %swap3A_171 : vector<16xi32> to vector<16xi32>
      %swap3A_173 = vector.shape_cast %add3A_169 : vector<16xi32> to vector<16xi32>
      tpu.vector_store %arg6[%swap3A_170], %swap3A_173 {strides = array<i32>} : memref<128xi32, #tpu.memory_space<vmem>>, vector<16xi32>,
      %get3A_174 = arith.constant 64 : index
      %get3A_175 = tpu.vector_load %arg6[%get3A_174] {strides = array<i32>} : memref<128xi32, #tpu.memory_space<vmem>>, vector<16xi32>,
      %get3A_176 = vector.shape_cast %get3A_175 : vector<16xi32> to vector<16xi32>
      %add3A_177 = vector.broadcast %mul3A_8 : i32 to vector<16xi32>
      %add3A_178 = arith.addi %get3A_176, %add3A_177 : vector<16xi32>
      %swap3A_179 = arith.constant 64 : index
      %swap3A_180 = tpu.vector_load %arg6[%swap3A_179] {strides = array<i32>} : memref<128xi32, #tpu.memory_space<vmem>>, vector<16xi32>,
      %swap3A_181 = vector.shape_cast %swap3A_180 : vector<16xi32> to vector<16xi32>
      %swap3A_182 = vector.shape_cast %add3A_178 : vector<16xi32> to vector<16xi32>
      tpu.vector_store %arg6[%swap3A_179], %swap3A_182 {strides = array<i32>} : memref<128xi32, #tpu.memory_space<vmem>>, vector<16xi32>,
      %get3A_183 = arith.constant 80 : index
      %get3A_184 = tpu.vector_load %arg6[%get3A_183] {strides = array<i32>} : memref<128xi32, #tpu.memory_space<vmem>>, vector<16xi32>,
      %get3A_185 = vector.shape_cast %get3A_184 : vector<16xi32> to vector<16xi32>
      %add3A_186 = vector.broadcast %mul3A_8 : i32 to vector<16xi32>
      %add3A_187 = arith.addi %get3A_185, %add3A_186 : vector<16xi32>
      %swap3A_188 = arith.constant 80 : index
      %swap3A_189 = tpu.vector_load %arg6[%swap3A_188] {strides = array<i32>} : memref<128xi32, #tpu.memory_space<vmem>>, vector<16xi32>,
      %swap3A_190 = vector.shape_cast %swap3A_189 : vector<16xi32> to vector<16xi32>
      %swap3A_191 = vector.shape_cast %add3A_187 : vector<16xi32> to vector<16xi32>
      tpu.vector_store %arg6[%swap3A_188], %swap3A_191 {strides = array<i32>} : memref<128xi32, #tpu.memory_space<vmem>>, vector<16xi32>,
      %get3A_192 = arith.constant 96 : index
      %get3A_193 = tpu.vector_load %arg6[%get3A_192] {strides = array<i32>} : memref<128xi32, #tpu.memory_space<vmem>>, vector<16xi32>,
      %get3A_194 = vector.shape_cast %get3A_193 : vector<16xi32> to vector<16xi32>
      %add3A_195 = vector.broadcast %mul3A_8 : i32 to vector<16xi32>
      %add3A_196 = arith.addi %get3A_194, %add3A_195 : vector<16xi32>
      %swap3A_197 = arith.constant 96 : index
      %swap3A_198 = tpu.vector_load %arg6[%swap3A_197] {strides = array<i32>} : memref<128xi32, #tpu.memory_space<vmem>>, vector<16xi32>,
      %swap3A_199 = vector.shape_cast %swap3A_198 : vector<16xi32> to vector<16xi32>
      %swap3A_200 = vector.shape_cast %add3A_196 : vector<16xi32> to vector<16xi32>
      tpu.vector_store %arg6[%swap3A_197], %swap3A_200 {strides = array<i32>} : memref<128xi32, #tpu.memory_space<vmem>>, vector<16xi32>,
      %get3A_201 = arith.constant 112 : index
      %get3A_202 = tpu.vector_load %arg6[%get3A_201] {strides = array<i32>} : memref<128xi32, #tpu.memory_space<vmem>>, vector<16xi32>,
      %get3A_203 = vector.shape_cast %get3A_202 : vector<16xi32> to vector<16xi32>
      %add3A_204 = vector.broadcast %mul3A_8 : i32 to vector<16xi32>
      %add3A_205 = arith.addi %get3A_203, %add3A_204 : vector<16xi32>
      %swap3A_206 = arith.constant 112 : index
      %swap3A_207 = tpu.vector_load %arg6[%swap3A_206] {strides = array<i32>} : memref<128xi32, #tpu.memory_space<vmem>>, vector<16xi32>,
      %swap3A_208 = vector.shape_cast %swap3A_207 : vector<16xi32> to vector<16xi32>
      %swap3A_209 = vector.shape_cast %add3A_205 : vector<16xi32> to vector<16xi32>
      tpu.vector_store %arg6[%swap3A_206], %swap3A_209 {strides = array<i32>} : memref<128xi32, #tpu.memory_space<vmem>>, vector<16xi32>,
      %dma_start3A = arith.constant 0 : i32
      %dma_start3A_210 = arith.constant 0 : i32
      %dma_start3A_211 = tpu.memref_slice %arg2[%dma_start3A, %dma_start3A_210] : memref<200704x16xf32, #tpu.memory_space<hbm>> -> memref<200704x16xf32, #tpu.memory_space<hbm>>
      tpu.enqueue_indirect_dma source(%dma_start3A_211 : memref<200704x16xf32, #tpu.memory_space<hbm>>) target(%arg8 : memref<128x16xf32, #tpu.memory_space<vmem>>) offsets(%arg6 : memref<128xi32, #tpu.memory_space<vmem>>) semaphore(%arg12 : memref<!tpu.dma_semaphore, #tpu.memory_space<semaphore_mem>>)
      %dma_wait3A = arith.constant 0 : i32
      %dma_wait3A_212 = arith.constant 0 : i32
      %dma_wait3A_213 = tpu.memref_slice %arg2[%dma_wait3A, %dma_wait3A_212] : memref<200704x16xf32, #tpu.memory_space<hbm>> -> memref<200704x16xf32, #tpu.memory_space<hbm>>
      tpu.wait_indirect_dma semaphore(%arg12 : memref<!tpu.dma_semaphore, #tpu.memory_space<semaphore_mem>>) src(%dma_wait3A_213 : memref<200704x16xf32, #tpu.memory_space<hbm>>) dst(%arg8 : memref<128x16xf32, #tpu.memory_space<vmem>>)
      "tpu.region"() ({
        %run_scoped3A = tpu.sem_alloc : memref<!tpu.dma_semaphore, #tpu.memory_space<semaphore_mem>>
        %dma_start3A_214 = arith.constant 0 : i32
        %dma_start3A_215 = arith.constant 0 : i32
        %dma_start3A_216 = tpu.memref_slice %arg11[%dma_start3A_214, %dma_start3A_215] : memref<100352x16xf32, #tpu.memory_space<vmem_shared>> -> memref<100352x16xf32, #tpu.memory_space<vmem_shared>>
        tpu.enqueue_indirect_dma source(%arg8 : memref<128x16xf32, #tpu.memory_space<vmem>>) target(%dma_start3A_216 : memref<100352x16xf32, #tpu.memory_space<vmem_shared>>) offsets(%arg7 : memref<128xi32, #tpu.memory_space<vmem>>) semaphore(%run_scoped3A : memref<!tpu.dma_semaphore, #tpu.memory_space<semaphore_mem>>) {add = true}
        %dma_wait3A_217 = arith.constant 0 : i32
        %dma_wait3A_218 = arith.constant 0 : i32
        %dma_wait3A_219 = tpu.memref_slice %arg11[%dma_wait3A_217, %dma_wait3A_218] : memref<100352x16xf32, #tpu.memory_space<vmem_shared>> -> memref<100352x16xf32, #tpu.memory_space<vmem_shared>>
        tpu.wait_indirect_dma semaphore(%run_scoped3A : memref<!tpu.dma_semaphore, #tpu.memory_space<semaphore_mem>>) src(%arg8 : memref<128x16xf32, #tpu.memory_space<vmem>>) dst(%dma_wait3A_219 : memref<100352x16xf32, #tpu.memory_space<vmem_shared>>)
        tpu.yield
      }) : () -> ()
    }
    %scan3A_46 = arith.constant 782 : i32
    %barrier3A_47 = arith.constant 0 : index
    tpu.barrier barrier_id(%barrier3A_47)
    %mul3A_48 = arith.constant 6272 : i32
    %mul3A_49 = arith.muli %arg1, %mul3A_48 : i32
    %add3A_50 = arith.constant 0 : i32
    %add3A_51 = arith.addi %mul3A_49, %add3A_50 : i32
    "tpu.region"() ({
      %run_scoped3A = tpu.sem_alloc : memref<!tpu.dma_semaphore, #tpu.memory_space<semaphore_mem>>
      %dma_start3A = arith.constant 0 : i32
      %dma_start3A_136 = tpu.memref_slice %arg11[%add3A_51, %dma_start3A] : memref<100352x16xf32, #tpu.memory_space<vmem_shared>> -> memref<784x16xf32, #tpu.memory_space<vmem_shared>>
      %dma_start3A_137 = arith.constant 0 : i32
      %dma_start3A_138 = tpu.memref_slice %arg11[%add3A_51, %dma_start3A_137] : memref<100352x16xf32, #tpu.memory_space<vmem_shared>> -> memref<784x16xf32, #tpu.memory_space<vmem_shared>>
      tpu.enqueue_dma source(%dma_start3A_138 : memref<784x16xf32, #tpu.memory_space<vmem_shared>>) target(%arg10 : memref<784x16xf32, #tpu.memory_space<vmem>>) target_semaphore(%run_scoped3A : memref<!tpu.dma_semaphore, #tpu.memory_space<semaphore_mem>>)
      %dma_wait3A = arith.constant 0 : i32
      %dma_wait3A_139 = tpu.memref_slice %arg11[%add3A_51, %dma_wait3A] : memref<100352x16xf32, #tpu.memory_space<vmem_shared>> -> memref<784x16xf32, #tpu.memory_space<vmem_shared>>
      %dma_wait3A_140 = arith.constant 0 : i32
      %dma_wait3A_141 = tpu.memref_slice %arg11[%add3A_51, %dma_wait3A_140] : memref<100352x16xf32, #tpu.memory_space<vmem_shared>> -> memref<784x16xf32, #tpu.memory_space<vmem_shared>>
      tpu.wait_dma2 semaphore(%run_scoped3A : memref<!tpu.dma_semaphore, #tpu.memory_space<semaphore_mem>>) src(%dma_wait3A_141 : memref<784x16xf32, #tpu.memory_space<vmem_shared>>) dst(%arg10 : memref<784x16xf32, #tpu.memory_space<vmem>>)
      tpu.yield
    }) : () -> ()
    %mul3A_52 = arith.constant 100352 : i32
    %mul3A_53 = arith.muli %add3A_6, %mul3A_52 : i32
    %mul3A_54 = arith.constant 6272 : i32
    %mul3A_55 = arith.muli %arg1, %mul3A_54 : i32
    %add3A_56 = arith.addi %mul3A_53, %mul3A_55 : i32
    %add3A_57 = arith.constant 0 : i32
    %add3A_58 = arith.addi %add3A_56, %add3A_57 : i32
    "tpu.region"() ({
      %run_scoped3A = tpu.sem_alloc : memref<!tpu.dma_semaphore, #tpu.memory_space<semaphore_mem>>
      %dma_start3A = arith.constant 0 : i32
      %dma_start3A_136 = tpu.memref_slice %arg5[%add3A_58, %dma_start3A] : memref<200704x16xf32, #tpu.memory_space<hbm>> -> memref<784x16xf32, #tpu.memory_space<hbm>>
      %dma_start3A_137 = arith.constant 0 : i32
      %dma_start3A_138 = tpu.memref_slice %arg5[%add3A_58, %dma_start3A_137] : memref<200704x16xf32, #tpu.memory_space<hbm>> -> memref<784x16xf32, #tpu.memory_space<hbm>>
      tpu.enqueue_dma source(%arg10 : memref<784x16xf32, #tpu.memory_space<vmem>>) target(%dma_start3A_138 : memref<784x16xf32, #tpu.memory_space<hbm>>) target_semaphore(%run_scoped3A : memref<!tpu.dma_semaphore, #tpu.memory_space<semaphore_mem>>)
      %dma_wait3A = arith.constant 0 : i32
      %dma_wait3A_139 = tpu.memref_slice %arg5[%add3A_58, %dma_wait3A] : memref<200704x16xf32, #tpu.memory_space<hbm>> -> memref<784x16xf32, #tpu.memory_space<hbm>>
      %dma_wait3A_140 = arith.constant 0 : i32
      %dma_wait3A_141 = tpu.memref_slice %arg5[%add3A_58, %dma_wait3A_140] : memref<200704x16xf32, #tpu.memory_space<hbm>> -> memref<784x16xf32, #tpu.memory_space<hbm>>
      tpu.wait_dma2 semaphore(%run_scoped3A : memref<!tpu.dma_semaphore, #tpu.memory_space<semaphore_mem>>) src(%arg10 : memref<784x16xf32, #tpu.memory_space<vmem>>) dst(%dma_wait3A_141 : memref<784x16xf32, #tpu.memory_space<hbm>>)
      tpu.yield
    }) : () -> ()
    %mul3A_59 = arith.constant 6272 : i32
    %mul3A_60 = arith.muli %arg1, %mul3A_59 : i32
    %add3A_61 = arith.constant 784 : i32
    %add3A_62 = arith.addi %mul3A_60, %add3A_61 : i32
    "tpu.region"() ({
      %run_scoped3A = tpu.sem_alloc : memref<!tpu.dma_semaphore, #tpu.memory_space<semaphore_mem>>
      %dma_start3A = arith.constant 0 : i32
      %dma_start3A_136 = tpu.memref_slice %arg11[%add3A_62, %dma_start3A] : memref<100352x16xf32, #tpu.memory_space<vmem_shared>> -> memref<784x16xf32, #tpu.memory_space<vmem_shared>>
      %dma_start3A_137 = arith.constant 0 : i32
      %dma_start3A_138 = tpu.memref_slice %arg11[%add3A_62, %dma_start3A_137] : memref<100352x16xf32, #tpu.memory_space<vmem_shared>> -> memref<784x16xf32, #tpu.memory_space<vmem_shared>>
      tpu.enqueue_dma source(%dma_start3A_138 : memref<784x16xf32, #tpu.memory_space<vmem_shared>>) target(%arg10 : memref<784x16xf32, #tpu.memory_space<vmem>>) target_semaphore(%run_scoped3A : memref<!tpu.dma_semaphore, #tpu.memory_space<semaphore_mem>>)
      %dma_wait3A = arith.constant 0 : i32
      %dma_wait3A_139 = tpu.memref_slice %arg11[%add3A_62, %dma_wait3A] : memref<100352x16xf32, #tpu.memory_space<vmem_shared>> -> memref<784x16xf32, #tpu.memory_space<vmem_shared>>
      %dma_wait3A_140 = arith.constant 0 : i32
      %dma_wait3A_141 = tpu.memref_slice %arg11[%add3A_62, %dma_wait3A_140] : memref<100352x16xf32, #tpu.memory_space<vmem_shared>> -> memref<784x16xf32, #tpu.memory_space<vmem_shared>>
      tpu.wait_dma2 semaphore(%run_scoped3A : memref<!tpu.dma_semaphore, #tpu.memory_space<semaphore_mem>>) src(%dma_wait3A_141 : memref<784x16xf32, #tpu.memory_space<vmem_shared>>) dst(%arg10 : memref<784x16xf32, #tpu.memory_space<vmem>>)
      tpu.yield
    }) : () -> ()
    %mul3A_63 = arith.constant 100352 : i32
    %mul3A_64 = arith.muli %add3A_6, %mul3A_63 : i32
    %mul3A_65 = arith.constant 6272 : i32
    %mul3A_66 = arith.muli %arg1, %mul3A_65 : i32
    %add3A_67 = arith.addi %mul3A_64, %mul3A_66 : i32
    %add3A_68 = arith.constant 784 : i32
    %add3A_69 = arith.addi %add3A_67, %add3A_68 : i32
    "tpu.region"() ({
      %run_scoped3A = tpu.sem_alloc : memref<!tpu.dma_semaphore, #tpu.memory_space<semaphore_mem>>
      %dma_start3A = arith.constant 0 : i32
      %dma_start3A_136 = tpu.memref_slice %arg5[%add3A_69, %dma_start3A] : memref<200704x16xf32, #tpu.memory_space<hbm>> -> memref<784x16xf32, #tpu.memory_space<hbm>>
      %dma_start3A_137 = arith.constant 0 : i32
      %dma_start3A_138 = tpu.memref_slice %arg5[%add3A_69, %dma_start3A_137] : memref<200704x16xf32, #tpu.memory_space<hbm>> -> memref<784x16xf32, #tpu.memory_space<hbm>>
      tpu.enqueue_dma source(%arg10 : memref<784x16xf32, #tpu.memory_space<vmem>>) target(%dma_start3A_138 : memref<784x16xf32, #tpu.memory_space<hbm>>) target_semaphore(%run_scoped3A : memref<!tpu.dma_semaphore, #tpu.memory_space<semaphore_mem>>)
      %dma_wait3A = arith.constant 0 : i32
      %dma_wait3A_139 = tpu.memref_slice %arg5[%add3A_69, %dma_wait3A] : memref<200704x16xf32, #tpu.memory_space<hbm>> -> memref<784x16xf32, #tpu.memory_space<hbm>>
      %dma_wait3A_140 = arith.constant 0 : i32
      %dma_wait3A_141 = tpu.memref_slice %arg5[%add3A_69, %dma_wait3A_140] : memref<200704x16xf32, #tpu.memory_space<hbm>> -> memref<784x16xf32, #tpu.memory_space<hbm>>
      tpu.wait_dma2 semaphore(%run_scoped3A : memref<!tpu.dma_semaphore, #tpu.memory_space<semaphore_mem>>) src(%arg10 : memref<784x16xf32, #tpu.memory_space<vmem>>) dst(%dma_wait3A_141 : memref<784x16xf32, #tpu.memory_space<hbm>>)
      tpu.yield
    }) : () -> ()
    %mul3A_70 = arith.constant 6272 : i32
    %mul3A_71 = arith.muli %arg1, %mul3A_70 : i32
    %add3A_72 = arith.constant 1568 : i32
    %add3A_73 = arith.addi %mul3A_71, %add3A_72 : i32
    "tpu.region"() ({
      %run_scoped3A = tpu.sem_alloc : memref<!tpu.dma_semaphore, #tpu.memory_space<semaphore_mem>>
      %dma_start3A = arith.constant 0 : i32
      %dma_start3A_136 = tpu.memref_slice %arg11[%add3A_73, %dma_start3A] : memref<100352x16xf32, #tpu.memory_space<vmem_shared>> -> memref<784x16xf32, #tpu.memory_space<vmem_shared>>
      %dma_start3A_137 = arith.constant 0 : i32
      %dma_start3A_138 = tpu.memref_slice %arg11[%add3A_73, %dma_start3A_137] : memref<100352x16xf32, #tpu.memory_space<vmem_shared>> -> memref<784x16xf32, #tpu.memory_space<vmem_shared>>
      tpu.enqueue_dma source(%dma_start3A_138 : memref<784x16xf32, #tpu.memory_space<vmem_shared>>) target(%arg10 : memref<784x16xf32, #tpu.memory_space<vmem>>) target_semaphore(%run_scoped3A : memref<!tpu.dma_semaphore, #tpu.memory_space<semaphore_mem>>)
      %dma_wait3A = arith.constant 0 : i32
      %dma_wait3A_139 = tpu.memref_slice %arg11[%add3A_73, %dma_wait3A] : memref<100352x16xf32, #tpu.memory_space<vmem_shared>> -> memref<784x16xf32, #tpu.memory_space<vmem_shared>>
      %dma_wait3A_140 = arith.constant 0 : i32
      %dma_wait3A_141 = tpu.memref_slice %arg11[%add3A_73, %dma_wait3A_140] : memref<100352x16xf32, #tpu.memory_space<vmem_shared>> -> memref<784x16xf32, #tpu.memory_space<vmem_shared>>
      tpu.wait_dma2 semaphore(%run_scoped3A : memref<!tpu.dma_semaphore, #tpu.memory_space<semaphore_mem>>) src(%dma_wait3A_141 : memref<784x16xf32, #tpu.memory_space<vmem_shared>>) dst(%arg10 : memref<784x16xf32, #tpu.memory_space<vmem>>)
      tpu.yield
    }) : () -> ()
    %mul3A_74 = arith.constant 100352 : i32
    %mul3A_75 = arith.muli %add3A_6, %mul3A_74 : i32
    %mul3A_76 = arith.constant 6272 : i32
    %mul3A_77 = arith.muli %arg1, %mul3A_76 : i32
    %add3A_78 = arith.addi %mul3A_75, %mul3A_77 : i32
    %add3A_79 = arith.constant 1568 : i32
    %add3A_80 = arith.addi %add3A_78, %add3A_79 : i32
    "tpu.region"() ({
      %run_scoped3A = tpu.sem_alloc : memref<!tpu.dma_semaphore, #tpu.memory_space<semaphore_mem>>
      %dma_start3A = arith.constant 0 : i32
      %dma_start3A_136 = tpu.memref_slice %arg5[%add3A_80, %dma_start3A] : memref<200704x16xf32, #tpu.memory_space<hbm>> -> memref<784x16xf32, #tpu.memory_space<hbm>>
      %dma_start3A_137 = arith.constant 0 : i32
      %dma_start3A_138 = tpu.memref_slice %arg5[%add3A_80, %dma_start3A_137] : memref<200704x16xf32, #tpu.memory_space<hbm>> -> memref<784x16xf32, #tpu.memory_space<hbm>>
      tpu.enqueue_dma source(%arg10 : memref<784x16xf32, #tpu.memory_space<vmem>>) target(%dma_start3A_138 : memref<784x16xf32, #tpu.memory_space<hbm>>) target_semaphore(%run_scoped3A : memref<!tpu.dma_semaphore, #tpu.memory_space<semaphore_mem>>)
      %dma_wait3A = arith.constant 0 : i32
      %dma_wait3A_139 = tpu.memref_slice %arg5[%add3A_80, %dma_wait3A] : memref<200704x16xf32, #tpu.memory_space<hbm>> -> memref<784x16xf32, #tpu.memory_space<hbm>>
      %dma_wait3A_140 = arith.constant 0 : i32
      %dma_wait3A_141 = tpu.memref_slice %arg5[%add3A_80, %dma_wait3A_140] : memref<200704x16xf32, #tpu.memory_space<hbm>> -> memref<784x16xf32, #tpu.memory_space<hbm>>
      tpu.wait_dma2 semaphore(%run_scoped3A : memref<!tpu.dma_semaphore, #tpu.memory_space<semaphore_mem>>) src(%arg10 : memref<784x16xf32, #tpu.memory_space<vmem>>) dst(%dma_wait3A_141 : memref<784x16xf32, #tpu.memory_space<hbm>>)
      tpu.yield
    }) : () -> ()
    %mul3A_81 = arith.constant 6272 : i32
    %mul3A_82 = arith.muli %arg1, %mul3A_81 : i32
    %add3A_83 = arith.constant 2352 : i32
    %add3A_84 = arith.addi %mul3A_82, %add3A_83 : i32
    "tpu.region"() ({
      %run_scoped3A = tpu.sem_alloc : memref<!tpu.dma_semaphore, #tpu.memory_space<semaphore_mem>>
      %dma_start3A = arith.constant 0 : i32
      %dma_start3A_136 = tpu.memref_slice %arg11[%add3A_84, %dma_start3A] : memref<100352x16xf32, #tpu.memory_space<vmem_shared>> -> memref<784x16xf32, #tpu.memory_space<vmem_shared>>
      %dma_start3A_137 = arith.constant 0 : i32
      %dma_start3A_138 = tpu.memref_slice %arg11[%add3A_84, %dma_start3A_137] : memref<100352x16xf32, #tpu.memory_space<vmem_shared>> -> memref<784x16xf32, #tpu.memory_space<vmem_shared>>
      tpu.enqueue_dma source(%dma_start3A_138 : memref<784x16xf32, #tpu.memory_space<vmem_shared>>) target(%arg10 : memref<784x16xf32, #tpu.memory_space<vmem>>) target_semaphore(%run_scoped3A : memref<!tpu.dma_semaphore, #tpu.memory_space<semaphore_mem>>)
      %dma_wait3A = arith.constant 0 : i32
      %dma_wait3A_139 = tpu.memref_slice %arg11[%add3A_84, %dma_wait3A] : memref<100352x16xf32, #tpu.memory_space<vmem_shared>> -> memref<784x16xf32, #tpu.memory_space<vmem_shared>>
      %dma_wait3A_140 = arith.constant 0 : i32
      %dma_wait3A_141 = tpu.memref_slice %arg11[%add3A_84, %dma_wait3A_140] : memref<100352x16xf32, #tpu.memory_space<vmem_shared>> -> memref<784x16xf32, #tpu.memory_space<vmem_shared>>
      tpu.wait_dma2 semaphore(%run_scoped3A : memref<!tpu.dma_semaphore, #tpu.memory_space<semaphore_mem>>) src(%dma_wait3A_141 : memref<784x16xf32, #tpu.memory_space<vmem_shared>>) dst(%arg10 : memref<784x16xf32, #tpu.memory_space<vmem>>)
      tpu.yield
    }) : () -> ()
    %mul3A_85 = arith.constant 100352 : i32
    %mul3A_86 = arith.muli %add3A_6, %mul3A_85 : i32
    %mul3A_87 = arith.constant 6272 : i32
    %mul3A_88 = arith.muli %arg1, %mul3A_87 : i32
    %add3A_89 = arith.addi %mul3A_86, %mul3A_88 : i32
    %add3A_90 = arith.constant 2352 : i32
    %add3A_91 = arith.addi %add3A_89, %add3A_90 : i32
    "tpu.region"() ({
      %run_scoped3A = tpu.sem_alloc : memref<!tpu.dma_semaphore, #tpu.memory_space<semaphore_mem>>
      %dma_start3A = arith.constant 0 : i32
      %dma_start3A_136 = tpu.memref_slice %arg5[%add3A_91, %dma_start3A] : memref<200704x16xf32, #tpu.memory_space<hbm>> -> memref<784x16xf32, #tpu.memory_space<hbm>>
      %dma_start3A_137 = arith.constant 0 : i32
      %dma_start3A_138 = tpu.memref_slice %arg5[%add3A_91, %dma_start3A_137] : memref<200704x16xf32, #tpu.memory_space<hbm>> -> memref<784x16xf32, #tpu.memory_space<hbm>>
      tpu.enqueue_dma source(%arg10 : memref<784x16xf32, #tpu.memory_space<vmem>>) target(%dma_start3A_138 : memref<784x16xf32, #tpu.memory_space<hbm>>) target_semaphore(%run_scoped3A : memref<!tpu.dma_semaphore, #tpu.memory_space<semaphore_mem>>)
      %dma_wait3A = arith.constant 0 : i32
      %dma_wait3A_139 = tpu.memref_slice %arg5[%add3A_91, %dma_wait3A] : memref<200704x16xf32, #tpu.memory_space<hbm>> -> memref<784x16xf32, #tpu.memory_space<hbm>>
      %dma_wait3A_140 = arith.constant 0 : i32
      %dma_wait3A_141 = tpu.memref_slice %arg5[%add3A_91, %dma_wait3A_140] : memref<200704x16xf32, #tpu.memory_space<hbm>> -> memref<784x16xf32, #tpu.memory_space<hbm>>
      tpu.wait_dma2 semaphore(%run_scoped3A : memref<!tpu.dma_semaphore, #tpu.memory_space<semaphore_mem>>) src(%arg10 : memref<784x16xf32, #tpu.memory_space<vmem>>) dst(%dma_wait3A_141 : memref<784x16xf32, #tpu.memory_space<hbm>>)
      tpu.yield
    }) : () -> ()
    %mul3A_92 = arith.constant 6272 : i32
    %mul3A_93 = arith.muli %arg1, %mul3A_92 : i32
    %add3A_94 = arith.constant 3136 : i32
    %add3A_95 = arith.addi %mul3A_93, %add3A_94 : i32
    "tpu.region"() ({
      %run_scoped3A = tpu.sem_alloc : memref<!tpu.dma_semaphore, #tpu.memory_space<semaphore_mem>>
      %dma_start3A = arith.constant 0 : i32
      %dma_start3A_136 = tpu.memref_slice %arg11[%add3A_95, %dma_start3A] : memref<100352x16xf32, #tpu.memory_space<vmem_shared>> -> memref<784x16xf32, #tpu.memory_space<vmem_shared>>
      %dma_start3A_137 = arith.constant 0 : i32
      %dma_start3A_138 = tpu.memref_slice %arg11[%add3A_95, %dma_start3A_137] : memref<100352x16xf32, #tpu.memory_space<vmem_shared>> -> memref<784x16xf32, #tpu.memory_space<vmem_shared>>
      tpu.enqueue_dma source(%dma_start3A_138 : memref<784x16xf32, #tpu.memory_space<vmem_shared>>) target(%arg10 : memref<784x16xf32, #tpu.memory_space<vmem>>) target_semaphore(%run_scoped3A : memref<!tpu.dma_semaphore, #tpu.memory_space<semaphore_mem>>)
      %dma_wait3A = arith.constant 0 : i32
      %dma_wait3A_139 = tpu.memref_slice %arg11[%add3A_95, %dma_wait3A] : memref<100352x16xf32, #tpu.memory_space<vmem_shared>> -> memref<784x16xf32, #tpu.memory_space<vmem_shared>>
      %dma_wait3A_140 = arith.constant 0 : i32
      %dma_wait3A_141 = tpu.memref_slice %arg11[%add3A_95, %dma_wait3A_140] : memref<100352x16xf32, #tpu.memory_space<vmem_shared>> -> memref<784x16xf32, #tpu.memory_space<vmem_shared>>
      tpu.wait_dma2 semaphore(%run_scoped3A : memref<!tpu.dma_semaphore, #tpu.memory_space<semaphore_mem>>) src(%dma_wait3A_141 : memref<784x16xf32, #tpu.memory_space<vmem_shared>>) dst(%arg10 : memref<784x16xf32, #tpu.memory_space<vmem>>)
      tpu.yield
    }) : () -> ()
    %mul3A_96 = arith.constant 100352 : i32
    %mul3A_97 = arith.muli %add3A_6, %mul3A_96 : i32
    %mul3A_98 = arith.constant 6272 : i32
    %mul3A_99 = arith.muli %arg1, %mul3A_98 : i32
    %add3A_100 = arith.addi %mul3A_97, %mul3A_99 : i32
    %add3A_101 = arith.constant 3136 : i32
    %add3A_102 = arith.addi %add3A_100, %add3A_101 : i32
    "tpu.region"() ({
      %run_scoped3A = tpu.sem_alloc : memref<!tpu.dma_semaphore, #tpu.memory_space<semaphore_mem>>
      %dma_start3A = arith.constant 0 : i32
      %dma_start3A_136 = tpu.memref_slice %arg5[%add3A_102, %dma_start3A] : memref<200704x16xf32, #tpu.memory_space<hbm>> -> memref<784x16xf32, #tpu.memory_space<hbm>>
      %dma_start3A_137 = arith.constant 0 : i32
      %dma_start3A_138 = tpu.memref_slice %arg5[%add3A_102, %dma_start3A_137] : memref<200704x16xf32, #tpu.memory_space<hbm>> -> memref<784x16xf32, #tpu.memory_space<hbm>>
      tpu.enqueue_dma source(%arg10 : memref<784x16xf32, #tpu.memory_space<vmem>>) target(%dma_start3A_138 : memref<784x16xf32, #tpu.memory_space<hbm>>) target_semaphore(%run_scoped3A : memref<!tpu.dma_semaphore, #tpu.memory_space<semaphore_mem>>)
      %dma_wait3A = arith.constant 0 : i32
      %dma_wait3A_139 = tpu.memref_slice %arg5[%add3A_102, %dma_wait3A] : memref<200704x16xf32, #tpu.memory_space<hbm>> -> memref<784x16xf32, #tpu.memory_space<hbm>>
      %dma_wait3A_140 = arith.constant 0 : i32
      %dma_wait3A_141 = tpu.memref_slice %arg5[%add3A_102, %dma_wait3A_140] : memref<200704x16xf32, #tpu.memory_space<hbm>> -> memref<784x16xf32, #tpu.memory_space<hbm>>
      tpu.wait_dma2 semaphore(%run_scoped3A : memref<!tpu.dma_semaphore, #tpu.memory_space<semaphore_mem>>) src(%arg10 : memref<784x16xf32, #tpu.memory_space<vmem>>) dst(%dma_wait3A_141 : memref<784x16xf32, #tpu.memory_space<hbm>>)
      tpu.yield
    }) : () -> ()
    %mul3A_103 = arith.constant 6272 : i32
    %mul3A_104 = arith.muli %arg1, %mul3A_103 : i32
    %add3A_105 = arith.constant 3920 : i32
    %add3A_106 = arith.addi %mul3A_104, %add3A_105 : i32
    "tpu.region"() ({
      %run_scoped3A = tpu.sem_alloc : memref<!tpu.dma_semaphore, #tpu.memory_space<semaphore_mem>>
      %dma_start3A = arith.constant 0 : i32
      %dma_start3A_136 = tpu.memref_slice %arg11[%add3A_106, %dma_start3A] : memref<100352x16xf32, #tpu.memory_space<vmem_shared>> -> memref<784x16xf32, #tpu.memory_space<vmem_shared>>
      %dma_start3A_137 = arith.constant 0 : i32
      %dma_start3A_138 = tpu.memref_slice %arg11[%add3A_106, %dma_start3A_137] : memref<100352x16xf32, #tpu.memory_space<vmem_shared>> -> memref<784x16xf32, #tpu.memory_space<vmem_shared>>
      tpu.enqueue_dma source(%dma_start3A_138 : memref<784x16xf32, #tpu.memory_space<vmem_shared>>) target(%arg10 : memref<784x16xf32, #tpu.memory_space<vmem>>) target_semaphore(%run_scoped3A : memref<!tpu.dma_semaphore, #tpu.memory_space<semaphore_mem>>)
      %dma_wait3A = arith.constant 0 : i32
      %dma_wait3A_139 = tpu.memref_slice %arg11[%add3A_106, %dma_wait3A] : memref<100352x16xf32, #tpu.memory_space<vmem_shared>> -> memref<784x16xf32, #tpu.memory_space<vmem_shared>>
      %dma_wait3A_140 = arith.constant 0 : i32
      %dma_wait3A_141 = tpu.memref_slice %arg11[%add3A_106, %dma_wait3A_140] : memref<100352x16xf32, #tpu.memory_space<vmem_shared>> -> memref<784x16xf32, #tpu.memory_space<vmem_shared>>
      tpu.wait_dma2 semaphore(%run_scoped3A : memref<!tpu.dma_semaphore, #tpu.memory_space<semaphore_mem>>) src(%dma_wait3A_141 : memref<784x16xf32, #tpu.memory_space<vmem_shared>>) dst(%arg10 : memref<784x16xf32, #tpu.memory_space<vmem>>)
      tpu.yield
    }) : () -> ()
    %mul3A_107 = arith.constant 100352 : i32
    %mul3A_108 = arith.muli %add3A_6, %mul3A_107 : i32
    %mul3A_109 = arith.constant 6272 : i32
    %mul3A_110 = arith.muli %arg1, %mul3A_109 : i32
    %add3A_111 = arith.addi %mul3A_108, %mul3A_110 : i32
    %add3A_112 = arith.constant 3920 : i32
    %add3A_113 = arith.addi %add3A_111, %add3A_112 : i32
    "tpu.region"() ({
      %run_scoped3A = tpu.sem_alloc : memref<!tpu.dma_semaphore, #tpu.memory_space<semaphore_mem>>
      %dma_start3A = arith.constant 0 : i32
      %dma_start3A_136 = tpu.memref_slice %arg5[%add3A_113, %dma_start3A] : memref<200704x16xf32, #tpu.memory_space<hbm>> -> memref<784x16xf32, #tpu.memory_space<hbm>>
      %dma_start3A_137 = arith.constant 0 : i32
      %dma_start3A_138 = tpu.memref_slice %arg5[%add3A_113, %dma_start3A_137] : memref<200704x16xf32, #tpu.memory_space<hbm>> -> memref<784x16xf32, #tpu.memory_space<hbm>>
      tpu.enqueue_dma source(%arg10 : memref<784x16xf32, #tpu.memory_space<vmem>>) target(%dma_start3A_138 : memref<784x16xf32, #tpu.memory_space<hbm>>) target_semaphore(%run_scoped3A : memref<!tpu.dma_semaphore, #tpu.memory_space<semaphore_mem>>)
      %dma_wait3A = arith.constant 0 : i32
      %dma_wait3A_139 = tpu.memref_slice %arg5[%add3A_113, %dma_wait3A] : memref<200704x16xf32, #tpu.memory_space<hbm>> -> memref<784x16xf32, #tpu.memory_space<hbm>>
      %dma_wait3A_140 = arith.constant 0 : i32
      %dma_wait3A_141 = tpu.memref_slice %arg5[%add3A_113, %dma_wait3A_140] : memref<200704x16xf32, #tpu.memory_space<hbm>> -> memref<784x16xf32, #tpu.memory_space<hbm>>
      tpu.wait_dma2 semaphore(%run_scoped3A : memref<!tpu.dma_semaphore, #tpu.memory_space<semaphore_mem>>) src(%arg10 : memref<784x16xf32, #tpu.memory_space<vmem>>) dst(%dma_wait3A_141 : memref<784x16xf32, #tpu.memory_space<hbm>>)
      tpu.yield
    }) : () -> ()
    %mul3A_114 = arith.constant 6272 : i32
    %mul3A_115 = arith.muli %arg1, %mul3A_114 : i32
    %add3A_116 = arith.constant 4704 : i32
    %add3A_117 = arith.addi %mul3A_115, %add3A_116 : i32
    "tpu.region"() ({
      %run_scoped3A = tpu.sem_alloc : memref<!tpu.dma_semaphore, #tpu.memory_space<semaphore_mem>>
      %dma_start3A = arith.constant 0 : i32
      %dma_start3A_136 = tpu.memref_slice %arg11[%add3A_117, %dma_start3A] : memref<100352x16xf32, #tpu.memory_space<vmem_shared>> -> memref<784x16xf32, #tpu.memory_space<vmem_shared>>
      %dma_start3A_137 = arith.constant 0 : i32
      %dma_start3A_138 = tpu.memref_slice %arg11[%add3A_117, %dma_start3A_137] : memref<100352x16xf32, #tpu.memory_space<vmem_shared>> -> memref<784x16xf32, #tpu.memory_space<vmem_shared>>
      tpu.enqueue_dma source(%dma_start3A_138 : memref<784x16xf32, #tpu.memory_space<vmem_shared>>) target(%arg10 : memref<784x16xf32, #tpu.memory_space<vmem>>) target_semaphore(%run_scoped3A : memref<!tpu.dma_semaphore, #tpu.memory_space<semaphore_mem>>)
      %dma_wait3A = arith.constant 0 : i32
      %dma_wait3A_139 = tpu.memref_slice %arg11[%add3A_117, %dma_wait3A] : memref<100352x16xf32, #tpu.memory_space<vmem_shared>> -> memref<784x16xf32, #tpu.memory_space<vmem_shared>>
      %dma_wait3A_140 = arith.constant 0 : i32
      %dma_wait3A_141 = tpu.memref_slice %arg11[%add3A_117, %dma_wait3A_140] : memref<100352x16xf32, #tpu.memory_space<vmem_shared>> -> memref<784x16xf32, #tpu.memory_space<vmem_shared>>
      tpu.wait_dma2 semaphore(%run_scoped3A : memref<!tpu.dma_semaphore, #tpu.memory_space<semaphore_mem>>) src(%dma_wait3A_141 : memref<784x16xf32, #tpu.memory_space<vmem_shared>>) dst(%arg10 : memref<784x16xf32, #tpu.memory_space<vmem>>)
      tpu.yield
    }) : () -> ()
    %mul3A_118 = arith.constant 100352 : i32
    %mul3A_119 = arith.muli %add3A_6, %mul3A_118 : i32
    %mul3A_120 = arith.constant 6272 : i32
    %mul3A_121 = arith.muli %arg1, %mul3A_120 : i32
    %add3A_122 = arith.addi %mul3A_119, %mul3A_121 : i32
    %add3A_123 = arith.constant 4704 : i32
    %add3A_124 = arith.addi %add3A_122, %add3A_123 : i32
    "tpu.region"() ({
      %run_scoped3A = tpu.sem_alloc : memref<!tpu.dma_semaphore, #tpu.memory_space<semaphore_mem>>
      %dma_start3A = arith.constant 0 : i32
      %dma_start3A_136 = tpu.memref_slice %arg5[%add3A_124, %dma_start3A] : memref<200704x16xf32, #tpu.memory_space<hbm>> -> memref<784x16xf32, #tpu.memory_space<hbm>>
      %dma_start3A_137 = arith.constant 0 : i32
      %dma_start3A_138 = tpu.memref_slice %arg5[%add3A_124, %dma_start3A_137] : memref<200704x16xf32, #tpu.memory_space<hbm>> -> memref<784x16xf32, #tpu.memory_space<hbm>>
      tpu.enqueue_dma source(%arg10 : memref<784x16xf32, #tpu.memory_space<vmem>>) target(%dma_start3A_138 : memref<784x16xf32, #tpu.memory_space<hbm>>) target_semaphore(%run_scoped3A : memref<!tpu.dma_semaphore, #tpu.memory_space<semaphore_mem>>)
      %dma_wait3A = arith.constant 0 : i32
      %dma_wait3A_139 = tpu.memref_slice %arg5[%add3A_124, %dma_wait3A] : memref<200704x16xf32, #tpu.memory_space<hbm>> -> memref<784x16xf32, #tpu.memory_space<hbm>>
      %dma_wait3A_140 = arith.constant 0 : i32
      %dma_wait3A_141 = tpu.memref_slice %arg5[%add3A_124, %dma_wait3A_140] : memref<200704x16xf32, #tpu.memory_space<hbm>> -> memref<784x16xf32, #tpu.memory_space<hbm>>
      tpu.wait_dma2 semaphore(%run_scoped3A : memref<!tpu.dma_semaphore, #tpu.memory_space<semaphore_mem>>) src(%arg10 : memref<784x16xf32, #tpu.memory_space<vmem>>) dst(%dma_wait3A_141 : memref<784x16xf32, #tpu.memory_space<hbm>>)
      tpu.yield
    }) : () -> ()
    %mul3A_125 = arith.constant 6272 : i32
    %mul3A_126 = arith.muli %arg1, %mul3A_125 : i32
    %add3A_127 = arith.constant 5488 : i32
    %add3A_128 = arith.addi %mul3A_126, %add3A_127 : i32
    "tpu.region"() ({
      %run_scoped3A = tpu.sem_alloc : memref<!tpu.dma_semaphore, #tpu.memory_space<semaphore_mem>>
      %dma_start3A = arith.constant 0 : i32
      %dma_start3A_136 = tpu.memref_slice %arg11[%add3A_128, %dma_start3A] : memref<100352x16xf32, #tpu.memory_space<vmem_shared>> -> memref<784x16xf32, #tpu.memory_space<vmem_shared>>
      %dma_start3A_137 = arith.constant 0 : i32
      %dma_start3A_138 = tpu.memref_slice %arg11[%add3A_128, %dma_start3A_137] : memref<100352x16xf32, #tpu.memory_space<vmem_shared>> -> memref<784x16xf32, #tpu.memory_space<vmem_shared>>
      tpu.enqueue_dma source(%dma_start3A_138 : memref<784x16xf32, #tpu.memory_space<vmem_shared>>) target(%arg10 : memref<784x16xf32, #tpu.memory_space<vmem>>) target_semaphore(%run_scoped3A : memref<!tpu.dma_semaphore, #tpu.memory_space<semaphore_mem>>)
      %dma_wait3A = arith.constant 0 : i32
      %dma_wait3A_139 = tpu.memref_slice %arg11[%add3A_128, %dma_wait3A] : memref<100352x16xf32, #tpu.memory_space<vmem_shared>> -> memref<784x16xf32, #tpu.memory_space<vmem_shared>>
      %dma_wait3A_140 = arith.constant 0 : i32
      %dma_wait3A_141 = tpu.memref_slice %arg11[%add3A_128, %dma_wait3A_140] : memref<100352x16xf32, #tpu.memory_space<vmem_shared>> -> memref<784x16xf32, #tpu.memory_space<vmem_shared>>
      tpu.wait_dma2 semaphore(%run_scoped3A : memref<!tpu.dma_semaphore, #tpu.memory_space<semaphore_mem>>) src(%dma_wait3A_141 : memref<784x16xf32, #tpu.memory_space<vmem_shared>>) dst(%arg10 : memref<784x16xf32, #tpu.memory_space<vmem>>)
      tpu.yield
    }) : () -> ()
    %mul3A_129 = arith.constant 100352 : i32
    %mul3A_130 = arith.muli %add3A_6, %mul3A_129 : i32
    %mul3A_131 = arith.constant 6272 : i32
    %mul3A_132 = arith.muli %arg1, %mul3A_131 : i32
    %add3A_133 = arith.addi %mul3A_130, %mul3A_132 : i32
    %add3A_134 = arith.constant 5488 : i32
    %add3A_135 = arith.addi %add3A_133, %add3A_134 : i32
    "tpu.region"() ({
      %run_scoped3A = tpu.sem_alloc : memref<!tpu.dma_semaphore, #tpu.memory_space<semaphore_mem>>
      %dma_start3A = arith.constant 0 : i32
      %dma_start3A_136 = tpu.memref_slice %arg5[%add3A_135, %dma_start3A] : memref<200704x16xf32, #tpu.memory_space<hbm>> -> memref<784x16xf32, #tpu.memory_space<hbm>>
      %dma_start3A_137 = arith.constant 0 : i32
      %dma_start3A_138 = tpu.memref_slice %arg5[%add3A_135, %dma_start3A_137] : memref<200704x16xf32, #tpu.memory_space<hbm>> -> memref<784x16xf32, #tpu.memory_space<hbm>>
      tpu.enqueue_dma source(%arg10 : memref<784x16xf32, #tpu.memory_space<vmem>>) target(%dma_start3A_138 : memref<784x16xf32, #tpu.memory_space<hbm>>) target_semaphore(%run_scoped3A : memref<!tpu.dma_semaphore, #tpu.memory_space<semaphore_mem>>)
      %dma_wait3A = arith.constant 0 : i32
      %dma_wait3A_139 = tpu.memref_slice %arg5[%add3A_135, %dma_wait3A] : memref<200704x16xf32, #tpu.memory_space<hbm>> -> memref<784x16xf32, #tpu.memory_space<hbm>>
      %dma_wait3A_140 = arith.constant 0 : i32
      %dma_wait3A_141 = tpu.memref_slice %arg5[%add3A_135, %dma_wait3A_140] : memref<200704x16xf32, #tpu.memory_space<hbm>> -> memref<784x16xf32, #tpu.memory_space<hbm>>
      tpu.wait_dma2 semaphore(%run_scoped3A : memref<!tpu.dma_semaphore, #tpu.memory_space<semaphore_mem>>) src(%arg10 : memref<784x16xf32, #tpu.memory_space<vmem>>) dst(%dma_wait3A_141 : memref<784x16xf32, #tpu.memory_space<hbm>>)
      tpu.yield
    }) : () -> ()
    return
  }
}

#map = affine_map<(d0, d1) -> (0)>
module attributes {stable_mosaic.version = 14 : i64} {
  func.func @deg_kernel(%arg0: i32, %arg1: i32, %arg2: memref<1601536xi32, #tpu.memory_space<hbm>>, %arg3: memref<200704xf32, #tpu.memory_space<hbm>>, %arg4: memref<128xi32, #tpu.memory_space<vmem>>, %arg5: memref<128xf32, #tpu.memory_space<vmem>>, %arg6: memref<6272xf32, #tpu.memory_space<vmem>>, %arg7: memref<100352xf32, #tpu.memory_space<vmem_shared>>) attributes {dimension_semantics = [#tpu.dimension_semantics<core_parallel>, #tpu.dimension_semantics<subcore_parallel>], iteration_bounds = array<i64: 2, 16>, scalar_prefetch = 0 : i64, scratch_operands = 4 : i64, tpu.core_type = #tpu.core_type<sc_vector_subcore>, window_params = [{transform_indices = #map}, {transform_indices = #map}]} {
    %broadcast_in_dim3A = arith.constant 1.000000e+00 : f32
    %broadcast_in_dim3A_0 = vector.broadcast %broadcast_in_dim3A : f32 to vector<16xf32>
    %swap3A = arith.constant 0 : index
    %swap3A_1 = tpu.vector_load %arg5[%swap3A] {strides = array<i32>} : memref<128xf32, #tpu.memory_space<vmem>>, vector<16xf32>,
    %swap3A_2 = vector.shape_cast %swap3A_1 : vector<16xf32> to vector<16xf32>
    %swap3A_3 = vector.shape_cast %broadcast_in_dim3A_0 : vector<16xf32> to vector<16xf32>
    tpu.vector_store %arg5[%swap3A], %swap3A_3 {strides = array<i32>} : memref<128xf32, #tpu.memory_space<vmem>>, vector<16xf32>,
    %broadcast_in_dim3A_4 = arith.constant 1.000000e+00 : f32
    %broadcast_in_dim3A_5 = vector.broadcast %broadcast_in_dim3A_4 : f32 to vector<16xf32>
    %swap3A_6 = arith.constant 16 : index
    %swap3A_7 = tpu.vector_load %arg5[%swap3A_6] {strides = array<i32>} : memref<128xf32, #tpu.memory_space<vmem>>, vector<16xf32>,
    %swap3A_8 = vector.shape_cast %swap3A_7 : vector<16xf32> to vector<16xf32>
    %swap3A_9 = vector.shape_cast %broadcast_in_dim3A_5 : vector<16xf32> to vector<16xf32>
    tpu.vector_store %arg5[%swap3A_6], %swap3A_9 {strides = array<i32>} : memref<128xf32, #tpu.memory_space<vmem>>, vector<16xf32>,
    %broadcast_in_dim3A_10 = arith.constant 1.000000e+00 : f32
    %broadcast_in_dim3A_11 = vector.broadcast %broadcast_in_dim3A_10 : f32 to vector<16xf32>
    %swap3A_12 = arith.constant 32 : index
    %swap3A_13 = tpu.vector_load %arg5[%swap3A_12] {strides = array<i32>} : memref<128xf32, #tpu.memory_space<vmem>>, vector<16xf32>,
    %swap3A_14 = vector.shape_cast %swap3A_13 : vector<16xf32> to vector<16xf32>
    %swap3A_15 = vector.shape_cast %broadcast_in_dim3A_11 : vector<16xf32> to vector<16xf32>
    tpu.vector_store %arg5[%swap3A_12], %swap3A_15 {strides = array<i32>} : memref<128xf32, #tpu.memory_space<vmem>>, vector<16xf32>,
    %broadcast_in_dim3A_16 = arith.constant 1.000000e+00 : f32
    %broadcast_in_dim3A_17 = vector.broadcast %broadcast_in_dim3A_16 : f32 to vector<16xf32>
    %swap3A_18 = arith.constant 48 : index
    %swap3A_19 = tpu.vector_load %arg5[%swap3A_18] {strides = array<i32>} : memref<128xf32, #tpu.memory_space<vmem>>, vector<16xf32>,
    %swap3A_20 = vector.shape_cast %swap3A_19 : vector<16xf32> to vector<16xf32>
    %swap3A_21 = vector.shape_cast %broadcast_in_dim3A_17 : vector<16xf32> to vector<16xf32>
    tpu.vector_store %arg5[%swap3A_18], %swap3A_21 {strides = array<i32>} : memref<128xf32, #tpu.memory_space<vmem>>, vector<16xf32>,
    %broadcast_in_dim3A_22 = arith.constant 1.000000e+00 : f32
    %broadcast_in_dim3A_23 = vector.broadcast %broadcast_in_dim3A_22 : f32 to vector<16xf32>
    %swap3A_24 = arith.constant 64 : index
    %swap3A_25 = tpu.vector_load %arg5[%swap3A_24] {strides = array<i32>} : memref<128xf32, #tpu.memory_space<vmem>>, vector<16xf32>,
    %swap3A_26 = vector.shape_cast %swap3A_25 : vector<16xf32> to vector<16xf32>
    %swap3A_27 = vector.shape_cast %broadcast_in_dim3A_23 : vector<16xf32> to vector<16xf32>
    tpu.vector_store %arg5[%swap3A_24], %swap3A_27 {strides = array<i32>} : memref<128xf32, #tpu.memory_space<vmem>>, vector<16xf32>,
    %broadcast_in_dim3A_28 = arith.constant 1.000000e+00 : f32
    %broadcast_in_dim3A_29 = vector.broadcast %broadcast_in_dim3A_28 : f32 to vector<16xf32>
    %swap3A_30 = arith.constant 80 : index
    %swap3A_31 = tpu.vector_load %arg5[%swap3A_30] {strides = array<i32>} : memref<128xf32, #tpu.memory_space<vmem>>, vector<16xf32>,
    %swap3A_32 = vector.shape_cast %swap3A_31 : vector<16xf32> to vector<16xf32>
    %swap3A_33 = vector.shape_cast %broadcast_in_dim3A_29 : vector<16xf32> to vector<16xf32>
    tpu.vector_store %arg5[%swap3A_30], %swap3A_33 {strides = array<i32>} : memref<128xf32, #tpu.memory_space<vmem>>, vector<16xf32>,
    %broadcast_in_dim3A_34 = arith.constant 1.000000e+00 : f32
    %broadcast_in_dim3A_35 = vector.broadcast %broadcast_in_dim3A_34 : f32 to vector<16xf32>
    %swap3A_36 = arith.constant 96 : index
    %swap3A_37 = tpu.vector_load %arg5[%swap3A_36] {strides = array<i32>} : memref<128xf32, #tpu.memory_space<vmem>>, vector<16xf32>,
    %swap3A_38 = vector.shape_cast %swap3A_37 : vector<16xf32> to vector<16xf32>
    %swap3A_39 = vector.shape_cast %broadcast_in_dim3A_35 : vector<16xf32> to vector<16xf32>
    tpu.vector_store %arg5[%swap3A_36], %swap3A_39 {strides = array<i32>} : memref<128xf32, #tpu.memory_space<vmem>>, vector<16xf32>,
    %broadcast_in_dim3A_40 = arith.constant 1.000000e+00 : f32
    %broadcast_in_dim3A_41 = vector.broadcast %broadcast_in_dim3A_40 : f32 to vector<16xf32>
    %swap3A_42 = arith.constant 112 : index
    %swap3A_43 = tpu.vector_load %arg5[%swap3A_42] {strides = array<i32>} : memref<128xf32, #tpu.memory_space<vmem>>, vector<16xf32>,
    %swap3A_44 = vector.shape_cast %swap3A_43 : vector<16xf32> to vector<16xf32>
    %swap3A_45 = vector.shape_cast %broadcast_in_dim3A_41 : vector<16xf32> to vector<16xf32>
    tpu.vector_store %arg5[%swap3A_42], %swap3A_45 {strides = array<i32>} : memref<128xf32, #tpu.memory_space<vmem>>, vector<16xf32>,
    %scan3A = arith.constant 0 : i32
    %scan3A_46 = arith.constant 0 : i32
    %scan3A_47 = arith.constant 392 : i32
    %scan3A_48 = arith.addi %scan3A_46, %scan3A_47 : i32
    %scan3A_49 = arith.constant 1 : i32
    scf.for %scan3A_70 = %scan3A_46 to %scan3A_48 step %scan3A_49  : i32 {
      %broadcast_in_dim3A_71 = arith.constant 0.000000e+00 : f32
      %broadcast_in_dim3A_72 = vector.broadcast %broadcast_in_dim3A_71 : f32 to vector<16xf32>
      %mul3A_73 = arith.constant 16 : i32
      %mul3A_74 = arith.muli %scan3A_70, %mul3A_73 : i32
      %swap3A_75 = arith.index_cast %mul3A_74 : i32 to index
      %swap3A_76 = tpu.vector_load %arg6[%swap3A_75] {strides = array<i32>} : memref<6272xf32, #tpu.memory_space<vmem>>, vector<16xf32>,
      %swap3A_77 = vector.shape_cast %swap3A_76 : vector<16xf32> to vector<16xf32>
      %swap3A_78 = vector.shape_cast %broadcast_in_dim3A_72 : vector<16xf32> to vector<16xf32>
      tpu.vector_store %arg6[%swap3A_75], %swap3A_78 {strides = array<i32>} : memref<6272xf32, #tpu.memory_space<vmem>>, vector<16xf32>,
    }
    %scan3A_50 = arith.constant 392 : i32
    %mul3A = arith.constant 6272 : i32
    %mul3A_51 = arith.muli %arg1, %mul3A : i32
    "tpu.region"() ({
      %run_scoped3A = tpu.sem_alloc : memref<!tpu.dma_semaphore, #tpu.memory_space<semaphore_mem>>
      %dma_start3A = tpu.memref_slice %arg7[%mul3A_51] : memref<100352xf32, #tpu.memory_space<vmem_shared>> -> memref<6272xf32, #tpu.memory_space<vmem_shared>>
      %dma_start3A_70 = tpu.memref_slice %arg7[%mul3A_51] : memref<100352xf32, #tpu.memory_space<vmem_shared>> -> memref<6272xf32, #tpu.memory_space<vmem_shared>>
      tpu.enqueue_dma source(%arg6 : memref<6272xf32, #tpu.memory_space<vmem>>) target(%dma_start3A_70 : memref<6272xf32, #tpu.memory_space<vmem_shared>>) target_semaphore(%run_scoped3A : memref<!tpu.dma_semaphore, #tpu.memory_space<semaphore_mem>>)
      %dma_wait3A = tpu.memref_slice %arg7[%mul3A_51] : memref<100352xf32, #tpu.memory_space<vmem_shared>> -> memref<6272xf32, #tpu.memory_space<vmem_shared>>
      %dma_wait3A_71 = tpu.memref_slice %arg7[%mul3A_51] : memref<100352xf32, #tpu.memory_space<vmem_shared>> -> memref<6272xf32, #tpu.memory_space<vmem_shared>>
      tpu.wait_dma2 semaphore(%run_scoped3A : memref<!tpu.dma_semaphore, #tpu.memory_space<semaphore_mem>>) src(%arg6 : memref<6272xf32, #tpu.memory_space<vmem>>) dst(%dma_wait3A_71 : memref<6272xf32, #tpu.memory_space<vmem_shared>>)
      tpu.yield
    }) : () -> ()
    %barrier3A = arith.constant 0 : index
    tpu.barrier barrier_id(%barrier3A)
    %mul3A_52 = arith.constant 2 : i32
    %mul3A_53 = arith.muli %arg1, %mul3A_52 : i32
    %add3A = arith.addi %mul3A_53, %arg0 : i32
    %mul3A_54 = arith.constant 50048 : i32
    %mul3A_55 = arith.muli %add3A, %mul3A_54 : i32
    %scan3A_56 = arith.constant 0 : i32
    %scan3A_57 = arith.constant 0 : i32
    %scan3A_58 = arith.constant 391 : i32
    %scan3A_59 = arith.addi %scan3A_57, %scan3A_58 : i32
    %scan3A_60 = arith.constant 1 : i32
    scf.for %scan3A_70 = %scan3A_57 to %scan3A_59 step %scan3A_60  : i32 {
      %mul3A_71 = arith.constant 128 : i32
      %mul3A_72 = arith.muli %scan3A_70, %mul3A_71 : i32
      %add3A_73 = arith.addi %mul3A_55, %mul3A_72 : i32
      "tpu.region"() ({
        %run_scoped3A = tpu.sem_alloc : memref<!tpu.dma_semaphore, #tpu.memory_space<semaphore_mem>>
        %dma_start3A = tpu.memref_slice %arg2[%add3A_73] : memref<1601536xi32, #tpu.memory_space<hbm>> -> memref<128xi32, #tpu.memory_space<hbm>>
        %dma_start3A_74 = tpu.memref_slice %arg2[%add3A_73] : memref<1601536xi32, #tpu.memory_space<hbm>> -> memref<128xi32, #tpu.memory_space<hbm>>
        tpu.enqueue_dma source(%dma_start3A_74 : memref<128xi32, #tpu.memory_space<hbm>>) target(%arg4 : memref<128xi32, #tpu.memory_space<vmem>>) target_semaphore(%run_scoped3A : memref<!tpu.dma_semaphore, #tpu.memory_space<semaphore_mem>>)
        %dma_wait3A = tpu.memref_slice %arg2[%add3A_73] : memref<1601536xi32, #tpu.memory_space<hbm>> -> memref<128xi32, #tpu.memory_space<hbm>>
        %dma_wait3A_75 = tpu.memref_slice %arg2[%add3A_73] : memref<1601536xi32, #tpu.memory_space<hbm>> -> memref<128xi32, #tpu.memory_space<hbm>>
        tpu.wait_dma2 semaphore(%run_scoped3A : memref<!tpu.dma_semaphore, #tpu.memory_space<semaphore_mem>>) src(%dma_wait3A_75 : memref<128xi32, #tpu.memory_space<hbm>>) dst(%arg4 : memref<128xi32, #tpu.memory_space<vmem>>)
        tpu.yield
      }) : () -> ()
      "tpu.region"() ({
        %run_scoped3A = tpu.sem_alloc : memref<!tpu.dma_semaphore, #tpu.memory_space<semaphore_mem>>
        %dma_start3A = arith.constant 0 : i32
        %dma_start3A_74 = tpu.memref_slice %arg7[%dma_start3A] : memref<100352xf32, #tpu.memory_space<vmem_shared>> -> memref<100352xf32, #tpu.memory_space<vmem_shared>>
        tpu.enqueue_indirect_dma source(%arg5 : memref<128xf32, #tpu.memory_space<vmem>>) target(%dma_start3A_74 : memref<100352xf32, #tpu.memory_space<vmem_shared>>) offsets(%arg4 : memref<128xi32, #tpu.memory_space<vmem>>) semaphore(%run_scoped3A : memref<!tpu.dma_semaphore, #tpu.memory_space<semaphore_mem>>) {add = true}
        %dma_wait3A = arith.constant 0 : i32
        %dma_wait3A_75 = tpu.memref_slice %arg7[%dma_wait3A] : memref<100352xf32, #tpu.memory_space<vmem_shared>> -> memref<100352xf32, #tpu.memory_space<vmem_shared>>
        tpu.wait_indirect_dma semaphore(%run_scoped3A : memref<!tpu.dma_semaphore, #tpu.memory_space<semaphore_mem>>) src(%arg5 : memref<128xf32, #tpu.memory_space<vmem>>) dst(%dma_wait3A_75 : memref<100352xf32, #tpu.memory_space<vmem_shared>>)
        tpu.yield
      }) : () -> ()
    }
    %scan3A_61 = arith.constant 391 : i32
    %barrier3A_62 = arith.constant 0 : index
    tpu.barrier barrier_id(%barrier3A_62)
    %mul3A_63 = arith.constant 6272 : i32
    %mul3A_64 = arith.muli %arg1, %mul3A_63 : i32
    "tpu.region"() ({
      %run_scoped3A = tpu.sem_alloc : memref<!tpu.dma_semaphore, #tpu.memory_space<semaphore_mem>>
      %dma_start3A = tpu.memref_slice %arg7[%mul3A_64] : memref<100352xf32, #tpu.memory_space<vmem_shared>> -> memref<6272xf32, #tpu.memory_space<vmem_shared>>
      %dma_start3A_70 = tpu.memref_slice %arg7[%mul3A_64] : memref<100352xf32, #tpu.memory_space<vmem_shared>> -> memref<6272xf32, #tpu.memory_space<vmem_shared>>
      tpu.enqueue_dma source(%dma_start3A_70 : memref<6272xf32, #tpu.memory_space<vmem_shared>>) target(%arg6 : memref<6272xf32, #tpu.memory_space<vmem>>) target_semaphore(%run_scoped3A : memref<!tpu.dma_semaphore, #tpu.memory_space<semaphore_mem>>)
      %dma_wait3A = tpu.memref_slice %arg7[%mul3A_64] : memref<100352xf32, #tpu.memory_space<vmem_shared>> -> memref<6272xf32, #tpu.memory_space<vmem_shared>>
      %dma_wait3A_71 = tpu.memref_slice %arg7[%mul3A_64] : memref<100352xf32, #tpu.memory_space<vmem_shared>> -> memref<6272xf32, #tpu.memory_space<vmem_shared>>
      tpu.wait_dma2 semaphore(%run_scoped3A : memref<!tpu.dma_semaphore, #tpu.memory_space<semaphore_mem>>) src(%dma_wait3A_71 : memref<6272xf32, #tpu.memory_space<vmem_shared>>) dst(%arg6 : memref<6272xf32, #tpu.memory_space<vmem>>)
      tpu.yield
    }) : () -> ()
    %mul3A_65 = arith.constant 100352 : i32
    %mul3A_66 = arith.muli %arg0, %mul3A_65 : i32
    %mul3A_67 = arith.constant 6272 : i32
    %mul3A_68 = arith.muli %arg1, %mul3A_67 : i32
    %add3A_69 = arith.addi %mul3A_66, %mul3A_68 : i32
    "tpu.region"() ({
      %run_scoped3A = tpu.sem_alloc : memref<!tpu.dma_semaphore, #tpu.memory_space<semaphore_mem>>
      %dma_start3A = tpu.memref_slice %arg3[%add3A_69] : memref<200704xf32, #tpu.memory_space<hbm>> -> memref<6272xf32, #tpu.memory_space<hbm>>
      %dma_start3A_70 = tpu.memref_slice %arg3[%add3A_69] : memref<200704xf32, #tpu.memory_space<hbm>> -> memref<6272xf32, #tpu.memory_space<hbm>>
      tpu.enqueue_dma source(%arg6 : memref<6272xf32, #tpu.memory_space<vmem>>) target(%dma_start3A_70 : memref<6272xf32, #tpu.memory_space<hbm>>) target_semaphore(%run_scoped3A : memref<!tpu.dma_semaphore, #tpu.memory_space<semaphore_mem>>)
      %dma_wait3A = tpu.memref_slice %arg3[%add3A_69] : memref<200704xf32, #tpu.memory_space<hbm>> -> memref<6272xf32, #tpu.memory_space<hbm>>
      %dma_wait3A_71 = tpu.memref_slice %arg3[%add3A_69] : memref<200704xf32, #tpu.memory_space<hbm>> -> memref<6272xf32, #tpu.memory_space<hbm>>
      tpu.wait_dma2 semaphore(%run_scoped3A : memref<!tpu.dma_semaphore, #tpu.memory_space<semaphore_mem>>) src(%arg6 : memref<6272xf32, #tpu.memory_space<vmem>>) dst(%dma_wait3A_71 : memref<6272xf32, #tpu.memory_space<hbm>>)
      tpu.yield
    }) : () -> ()
    return
  }
}

#map = affine_map<(d0, d1) -> (0, 0)>
#map1 = affine_map<(d0, d1) -> (0)>
module attributes {stable_mosaic.version = 14 : i64} {
  func.func @agg_kernel(%arg0: i32, %arg1: i32, %arg2: memref<401408x16xf32, #tpu.memory_space<hbm>>, %arg3: memref<1601536xi32, #tpu.memory_space<hbm>>, %arg4: memref<1601536xi32, #tpu.memory_space<hbm>>, %arg5: memref<401408x16xf32, #tpu.memory_space<hbm>>, %arg6: memref<128xi32, #tpu.memory_space<vmem>>, %arg7: memref<128xi32, #tpu.memory_space<vmem>>, %arg8: memref<128x16xf32, #tpu.memory_space<vmem>>, %arg9: memref<784x16xf32, #tpu.memory_space<vmem>>, %arg10: memref<784x16xf32, #tpu.memory_space<vmem>>, %arg11: memref<100352x16xf32, #tpu.memory_space<vmem_shared>>, %arg12: memref<!tpu.dma_semaphore, #tpu.memory_space<semaphore_mem>>) attributes {dimension_semantics = [#tpu.dimension_semantics<core_parallel>, #tpu.dimension_semantics<subcore_parallel>], iteration_bounds = array<i64: 2, 16>, scalar_prefetch = 0 : i64, scratch_operands = 7 : i64, tpu.core_type = #tpu.core_type<sc_vector_subcore>, window_params = [{transform_indices = #map}, {transform_indices = #map1}, {transform_indices = #map1}, {transform_indices = #map}]} {
    %mul3A = arith.constant 100096 : i32
    %mul3A_0 = arith.muli %arg1, %mul3A : i32
    %scan3A = arith.constant 0 : i32
    %scan3A_1 = arith.constant 0 : i32
    %scan3A_2 = arith.constant 784 : i32
    %scan3A_3 = arith.addi %scan3A_1, %scan3A_2 : i32
    %scan3A_4 = arith.constant 1 : i32
    scf.for %scan3A_269 = %scan3A_1 to %scan3A_3 step %scan3A_4  : i32 {
      %broadcast_in_dim3A = arith.constant 0.000000e+00 : f32
      %broadcast_in_dim3A_270 = vector.broadcast %broadcast_in_dim3A : f32 to vector<16xf32>
      %swap3A = arith.index_cast %scan3A_269 : i32 to index
      %swap3A_271 = arith.constant 0 : index
      %swap3A_272 = tpu.vector_load %arg9[%swap3A, %swap3A_271] {strides = array<i32>} : memref<784x16xf32, #tpu.memory_space<vmem>>, vector<1x16xf32>,
      %swap3A_273 = vector.shape_cast %swap3A_272 : vector<1x16xf32> to vector<16xf32>
      %swap3A_274 = vector.shape_cast %broadcast_in_dim3A_270 : vector<16xf32> to vector<1x16xf32>
      tpu.vector_store %arg9[%swap3A, %swap3A_271], %swap3A_274 {strides = array<i32>} : memref<784x16xf32, #tpu.memory_space<vmem>>, vector<1x16xf32>,
    }
    %scan3A_5 = arith.constant 784 : i32
    %add3A = arith.constant 0 : i32
    %add3A_6 = arith.addi %arg0, %add3A : i32
    %mul3A_7 = arith.constant 100352 : i32
    %mul3A_8 = arith.muli %add3A_6, %mul3A_7 : i32
    %mul3A_9 = arith.constant 6272 : i32
    %mul3A_10 = arith.muli %arg1, %mul3A_9 : i32
    %add3A_11 = arith.constant 0 : i32
    %add3A_12 = arith.addi %mul3A_10, %add3A_11 : i32
    "tpu.region"() ({
      %run_scoped3A = tpu.sem_alloc : memref<!tpu.dma_semaphore, #tpu.memory_space<semaphore_mem>>
      %dma_start3A = arith.constant 0 : i32
      %dma_start3A_269 = tpu.memref_slice %arg11[%add3A_12, %dma_start3A] : memref<100352x16xf32, #tpu.memory_space<vmem_shared>> -> memref<784x16xf32, #tpu.memory_space<vmem_shared>>
      %dma_start3A_270 = arith.constant 0 : i32
      %dma_start3A_271 = tpu.memref_slice %arg11[%add3A_12, %dma_start3A_270] : memref<100352x16xf32, #tpu.memory_space<vmem_shared>> -> memref<784x16xf32, #tpu.memory_space<vmem_shared>>
      tpu.enqueue_dma source(%arg9 : memref<784x16xf32, #tpu.memory_space<vmem>>) target(%dma_start3A_271 : memref<784x16xf32, #tpu.memory_space<vmem_shared>>) target_semaphore(%run_scoped3A : memref<!tpu.dma_semaphore, #tpu.memory_space<semaphore_mem>>)
      %dma_wait3A = arith.constant 0 : i32
      %dma_wait3A_272 = tpu.memref_slice %arg11[%add3A_12, %dma_wait3A] : memref<100352x16xf32, #tpu.memory_space<vmem_shared>> -> memref<784x16xf32, #tpu.memory_space<vmem_shared>>
      %dma_wait3A_273 = arith.constant 0 : i32
      %dma_wait3A_274 = tpu.memref_slice %arg11[%add3A_12, %dma_wait3A_273] : memref<100352x16xf32, #tpu.memory_space<vmem_shared>> -> memref<784x16xf32, #tpu.memory_space<vmem_shared>>
      tpu.wait_dma2 semaphore(%run_scoped3A : memref<!tpu.dma_semaphore, #tpu.memory_space<semaphore_mem>>) src(%arg9 : memref<784x16xf32, #tpu.memory_space<vmem>>) dst(%dma_wait3A_274 : memref<784x16xf32, #tpu.memory_space<vmem_shared>>)
      tpu.yield
    }) : () -> ()
    %mul3A_13 = arith.constant 6272 : i32
    %mul3A_14 = arith.muli %arg1, %mul3A_13 : i32
    %add3A_15 = arith.constant 784 : i32
    %add3A_16 = arith.addi %mul3A_14, %add3A_15 : i32
    "tpu.region"() ({
      %run_scoped3A = tpu.sem_alloc : memref<!tpu.dma_semaphore, #tpu.memory_space<semaphore_mem>>
      %dma_start3A = arith.constant 0 : i32
      %dma_start3A_269 = tpu.memref_slice %arg11[%add3A_16, %dma_start3A] : memref<100352x16xf32, #tpu.memory_space<vmem_shared>> -> memref<784x16xf32, #tpu.memory_space<vmem_shared>>
      %dma_start3A_270 = arith.constant 0 : i32
      %dma_start3A_271 = tpu.memref_slice %arg11[%add3A_16, %dma_start3A_270] : memref<100352x16xf32, #tpu.memory_space<vmem_shared>> -> memref<784x16xf32, #tpu.memory_space<vmem_shared>>
      tpu.enqueue_dma source(%arg9 : memref<784x16xf32, #tpu.memory_space<vmem>>) target(%dma_start3A_271 : memref<784x16xf32, #tpu.memory_space<vmem_shared>>) target_semaphore(%run_scoped3A : memref<!tpu.dma_semaphore, #tpu.memory_space<semaphore_mem>>)
      %dma_wait3A = arith.constant 0 : i32
      %dma_wait3A_272 = tpu.memref_slice %arg11[%add3A_16, %dma_wait3A] : memref<100352x16xf32, #tpu.memory_space<vmem_shared>> -> memref<784x16xf32, #tpu.memory_space<vmem_shared>>
      %dma_wait3A_273 = arith.constant 0 : i32
      %dma_wait3A_274 = tpu.memref_slice %arg11[%add3A_16, %dma_wait3A_273] : memref<100352x16xf32, #tpu.memory_space<vmem_shared>> -> memref<784x16xf32, #tpu.memory_space<vmem_shared>>
      tpu.wait_dma2 semaphore(%run_scoped3A : memref<!tpu.dma_semaphore, #tpu.memory_space<semaphore_mem>>) src(%arg9 : memref<784x16xf32, #tpu.memory_space<vmem>>) dst(%dma_wait3A_274 : memref<784x16xf32, #tpu.memory_space<vmem_shared>>)
      tpu.yield
    }) : () -> ()
    %mul3A_17 = arith.constant 6272 : i32
    %mul3A_18 = arith.muli %arg1, %mul3A_17 : i32
    %add3A_19 = arith.constant 1568 : i32
    %add3A_20 = arith.addi %mul3A_18, %add3A_19 : i32
    "tpu.region"() ({
      %run_scoped3A = tpu.sem_alloc : memref<!tpu.dma_semaphore, #tpu.memory_space<semaphore_mem>>
      %dma_start3A = arith.constant 0 : i32
      %dma_start3A_269 = tpu.memref_slice %arg11[%add3A_20, %dma_start3A] : memref<100352x16xf32, #tpu.memory_space<vmem_shared>> -> memref<784x16xf32, #tpu.memory_space<vmem_shared>>
      %dma_start3A_270 = arith.constant 0 : i32
      %dma_start3A_271 = tpu.memref_slice %arg11[%add3A_20, %dma_start3A_270] : memref<100352x16xf32, #tpu.memory_space<vmem_shared>> -> memref<784x16xf32, #tpu.memory_space<vmem_shared>>
      tpu.enqueue_dma source(%arg9 : memref<784x16xf32, #tpu.memory_space<vmem>>) target(%dma_start3A_271 : memref<784x16xf32, #tpu.memory_space<vmem_shared>>) target_semaphore(%run_scoped3A : memref<!tpu.dma_semaphore, #tpu.memory_space<semaphore_mem>>)
      %dma_wait3A = arith.constant 0 : i32
      %dma_wait3A_272 = tpu.memref_slice %arg11[%add3A_20, %dma_wait3A] : memref<100352x16xf32, #tpu.memory_space<vmem_shared>> -> memref<784x16xf32, #tpu.memory_space<vmem_shared>>
      %dma_wait3A_273 = arith.constant 0 : i32
      %dma_wait3A_274 = tpu.memref_slice %arg11[%add3A_20, %dma_wait3A_273] : memref<100352x16xf32, #tpu.memory_space<vmem_shared>> -> memref<784x16xf32, #tpu.memory_space<vmem_shared>>
      tpu.wait_dma2 semaphore(%run_scoped3A : memref<!tpu.dma_semaphore, #tpu.memory_space<semaphore_mem>>) src(%arg9 : memref<784x16xf32, #tpu.memory_space<vmem>>) dst(%dma_wait3A_274 : memref<784x16xf32, #tpu.memory_space<vmem_shared>>)
      tpu.yield
    }) : () -> ()
    %mul3A_21 = arith.constant 6272 : i32
    %mul3A_22 = arith.muli %arg1, %mul3A_21 : i32
    %add3A_23 = arith.constant 2352 : i32
    %add3A_24 = arith.addi %mul3A_22, %add3A_23 : i32
    "tpu.region"() ({
      %run_scoped3A = tpu.sem_alloc : memref<!tpu.dma_semaphore, #tpu.memory_space<semaphore_mem>>
      %dma_start3A = arith.constant 0 : i32
      %dma_start3A_269 = tpu.memref_slice %arg11[%add3A_24, %dma_start3A] : memref<100352x16xf32, #tpu.memory_space<vmem_shared>> -> memref<784x16xf32, #tpu.memory_space<vmem_shared>>
      %dma_start3A_270 = arith.constant 0 : i32
      %dma_start3A_271 = tpu.memref_slice %arg11[%add3A_24, %dma_start3A_270] : memref<100352x16xf32, #tpu.memory_space<vmem_shared>> -> memref<784x16xf32, #tpu.memory_space<vmem_shared>>
      tpu.enqueue_dma source(%arg9 : memref<784x16xf32, #tpu.memory_space<vmem>>) target(%dma_start3A_271 : memref<784x16xf32, #tpu.memory_space<vmem_shared>>) target_semaphore(%run_scoped3A : memref<!tpu.dma_semaphore, #tpu.memory_space<semaphore_mem>>)
      %dma_wait3A = arith.constant 0 : i32
      %dma_wait3A_272 = tpu.memref_slice %arg11[%add3A_24, %dma_wait3A] : memref<100352x16xf32, #tpu.memory_space<vmem_shared>> -> memref<784x16xf32, #tpu.memory_space<vmem_shared>>
      %dma_wait3A_273 = arith.constant 0 : i32
      %dma_wait3A_274 = tpu.memref_slice %arg11[%add3A_24, %dma_wait3A_273] : memref<100352x16xf32, #tpu.memory_space<vmem_shared>> -> memref<784x16xf32, #tpu.memory_space<vmem_shared>>
      tpu.wait_dma2 semaphore(%run_scoped3A : memref<!tpu.dma_semaphore, #tpu.memory_space<semaphore_mem>>) src(%arg9 : memref<784x16xf32, #tpu.memory_space<vmem>>) dst(%dma_wait3A_274 : memref<784x16xf32, #tpu.memory_space<vmem_shared>>)
      tpu.yield
    }) : () -> ()
    %mul3A_25 = arith.constant 6272 : i32
    %mul3A_26 = arith.muli %arg1, %mul3A_25 : i32
    %add3A_27 = arith.constant 3136 : i32
    %add3A_28 = arith.addi %mul3A_26, %add3A_27 : i32
    "tpu.region"() ({
      %run_scoped3A = tpu.sem_alloc : memref<!tpu.dma_semaphore, #tpu.memory_space<semaphore_mem>>
      %dma_start3A = arith.constant 0 : i32
      %dma_start3A_269 = tpu.memref_slice %arg11[%add3A_28, %dma_start3A] : memref<100352x16xf32, #tpu.memory_space<vmem_shared>> -> memref<784x16xf32, #tpu.memory_space<vmem_shared>>
      %dma_start3A_270 = arith.constant 0 : i32
      %dma_start3A_271 = tpu.memref_slice %arg11[%add3A_28, %dma_start3A_270] : memref<100352x16xf32, #tpu.memory_space<vmem_shared>> -> memref<784x16xf32, #tpu.memory_space<vmem_shared>>
      tpu.enqueue_dma source(%arg9 : memref<784x16xf32, #tpu.memory_space<vmem>>) target(%dma_start3A_271 : memref<784x16xf32, #tpu.memory_space<vmem_shared>>) target_semaphore(%run_scoped3A : memref<!tpu.dma_semaphore, #tpu.memory_space<semaphore_mem>>)
      %dma_wait3A = arith.constant 0 : i32
      %dma_wait3A_272 = tpu.memref_slice %arg11[%add3A_28, %dma_wait3A] : memref<100352x16xf32, #tpu.memory_space<vmem_shared>> -> memref<784x16xf32, #tpu.memory_space<vmem_shared>>
      %dma_wait3A_273 = arith.constant 0 : i32
      %dma_wait3A_274 = tpu.memref_slice %arg11[%add3A_28, %dma_wait3A_273] : memref<100352x16xf32, #tpu.memory_space<vmem_shared>> -> memref<784x16xf32, #tpu.memory_space<vmem_shared>>
      tpu.wait_dma2 semaphore(%run_scoped3A : memref<!tpu.dma_semaphore, #tpu.memory_space<semaphore_mem>>) src(%arg9 : memref<784x16xf32, #tpu.memory_space<vmem>>) dst(%dma_wait3A_274 : memref<784x16xf32, #tpu.memory_space<vmem_shared>>)
      tpu.yield
    }) : () -> ()
    %mul3A_29 = arith.constant 6272 : i32
    %mul3A_30 = arith.muli %arg1, %mul3A_29 : i32
    %add3A_31 = arith.constant 3920 : i32
    %add3A_32 = arith.addi %mul3A_30, %add3A_31 : i32
    "tpu.region"() ({
      %run_scoped3A = tpu.sem_alloc : memref<!tpu.dma_semaphore, #tpu.memory_space<semaphore_mem>>
      %dma_start3A = arith.constant 0 : i32
      %dma_start3A_269 = tpu.memref_slice %arg11[%add3A_32, %dma_start3A] : memref<100352x16xf32, #tpu.memory_space<vmem_shared>> -> memref<784x16xf32, #tpu.memory_space<vmem_shared>>
      %dma_start3A_270 = arith.constant 0 : i32
      %dma_start3A_271 = tpu.memref_slice %arg11[%add3A_32, %dma_start3A_270] : memref<100352x16xf32, #tpu.memory_space<vmem_shared>> -> memref<784x16xf32, #tpu.memory_space<vmem_shared>>
      tpu.enqueue_dma source(%arg9 : memref<784x16xf32, #tpu.memory_space<vmem>>) target(%dma_start3A_271 : memref<784x16xf32, #tpu.memory_space<vmem_shared>>) target_semaphore(%run_scoped3A : memref<!tpu.dma_semaphore, #tpu.memory_space<semaphore_mem>>)
      %dma_wait3A = arith.constant 0 : i32
      %dma_wait3A_272 = tpu.memref_slice %arg11[%add3A_32, %dma_wait3A] : memref<100352x16xf32, #tpu.memory_space<vmem_shared>> -> memref<784x16xf32, #tpu.memory_space<vmem_shared>>
      %dma_wait3A_273 = arith.constant 0 : i32
      %dma_wait3A_274 = tpu.memref_slice %arg11[%add3A_32, %dma_wait3A_273] : memref<100352x16xf32, #tpu.memory_space<vmem_shared>> -> memref<784x16xf32, #tpu.memory_space<vmem_shared>>
      tpu.wait_dma2 semaphore(%run_scoped3A : memref<!tpu.dma_semaphore, #tpu.memory_space<semaphore_mem>>) src(%arg9 : memref<784x16xf32, #tpu.memory_space<vmem>>) dst(%dma_wait3A_274 : memref<784x16xf32, #tpu.memory_space<vmem_shared>>)
      tpu.yield
    }) : () -> ()
    %mul3A_33 = arith.constant 6272 : i32
    %mul3A_34 = arith.muli %arg1, %mul3A_33 : i32
    %add3A_35 = arith.constant 4704 : i32
    %add3A_36 = arith.addi %mul3A_34, %add3A_35 : i32
    "tpu.region"() ({
      %run_scoped3A = tpu.sem_alloc : memref<!tpu.dma_semaphore, #tpu.memory_space<semaphore_mem>>
      %dma_start3A = arith.constant 0 : i32
      %dma_start3A_269 = tpu.memref_slice %arg11[%add3A_36, %dma_start3A] : memref<100352x16xf32, #tpu.memory_space<vmem_shared>> -> memref<784x16xf32, #tpu.memory_space<vmem_shared>>
      %dma_start3A_270 = arith.constant 0 : i32
      %dma_start3A_271 = tpu.memref_slice %arg11[%add3A_36, %dma_start3A_270] : memref<100352x16xf32, #tpu.memory_space<vmem_shared>> -> memref<784x16xf32, #tpu.memory_space<vmem_shared>>
      tpu.enqueue_dma source(%arg9 : memref<784x16xf32, #tpu.memory_space<vmem>>) target(%dma_start3A_271 : memref<784x16xf32, #tpu.memory_space<vmem_shared>>) target_semaphore(%run_scoped3A : memref<!tpu.dma_semaphore, #tpu.memory_space<semaphore_mem>>)
      %dma_wait3A = arith.constant 0 : i32
      %dma_wait3A_272 = tpu.memref_slice %arg11[%add3A_36, %dma_wait3A] : memref<100352x16xf32, #tpu.memory_space<vmem_shared>> -> memref<784x16xf32, #tpu.memory_space<vmem_shared>>
      %dma_wait3A_273 = arith.constant 0 : i32
      %dma_wait3A_274 = tpu.memref_slice %arg11[%add3A_36, %dma_wait3A_273] : memref<100352x16xf32, #tpu.memory_space<vmem_shared>> -> memref<784x16xf32, #tpu.memory_space<vmem_shared>>
      tpu.wait_dma2 semaphore(%run_scoped3A : memref<!tpu.dma_semaphore, #tpu.memory_space<semaphore_mem>>) src(%arg9 : memref<784x16xf32, #tpu.memory_space<vmem>>) dst(%dma_wait3A_274 : memref<784x16xf32, #tpu.memory_space<vmem_shared>>)
      tpu.yield
    }) : () -> ()
    %mul3A_37 = arith.constant 6272 : i32
    %mul3A_38 = arith.muli %arg1, %mul3A_37 : i32
    %add3A_39 = arith.constant 5488 : i32
    %add3A_40 = arith.addi %mul3A_38, %add3A_39 : i32
    "tpu.region"() ({
      %run_scoped3A = tpu.sem_alloc : memref<!tpu.dma_semaphore, #tpu.memory_space<semaphore_mem>>
      %dma_start3A = arith.constant 0 : i32
      %dma_start3A_269 = tpu.memref_slice %arg11[%add3A_40, %dma_start3A] : memref<100352x16xf32, #tpu.memory_space<vmem_shared>> -> memref<784x16xf32, #tpu.memory_space<vmem_shared>>
      %dma_start3A_270 = arith.constant 0 : i32
      %dma_start3A_271 = tpu.memref_slice %arg11[%add3A_40, %dma_start3A_270] : memref<100352x16xf32, #tpu.memory_space<vmem_shared>> -> memref<784x16xf32, #tpu.memory_space<vmem_shared>>
      tpu.enqueue_dma source(%arg9 : memref<784x16xf32, #tpu.memory_space<vmem>>) target(%dma_start3A_271 : memref<784x16xf32, #tpu.memory_space<vmem_shared>>) target_semaphore(%run_scoped3A : memref<!tpu.dma_semaphore, #tpu.memory_space<semaphore_mem>>)
      %dma_wait3A = arith.constant 0 : i32
      %dma_wait3A_272 = tpu.memref_slice %arg11[%add3A_40, %dma_wait3A] : memref<100352x16xf32, #tpu.memory_space<vmem_shared>> -> memref<784x16xf32, #tpu.memory_space<vmem_shared>>
      %dma_wait3A_273 = arith.constant 0 : i32
      %dma_wait3A_274 = tpu.memref_slice %arg11[%add3A_40, %dma_wait3A_273] : memref<100352x16xf32, #tpu.memory_space<vmem_shared>> -> memref<784x16xf32, #tpu.memory_space<vmem_shared>>
      tpu.wait_dma2 semaphore(%run_scoped3A : memref<!tpu.dma_semaphore, #tpu.memory_space<semaphore_mem>>) src(%arg9 : memref<784x16xf32, #tpu.memory_space<vmem>>) dst(%dma_wait3A_274 : memref<784x16xf32, #tpu.memory_space<vmem_shared>>)
      tpu.yield
    }) : () -> ()
    %barrier3A = arith.constant 0 : index
    tpu.barrier barrier_id(%barrier3A)
    %scan3A_41 = arith.constant 0 : i32
    %scan3A_42 = arith.constant 0 : i32
    %scan3A_43 = arith.constant 782 : i32
    %scan3A_44 = arith.addi %scan3A_42, %scan3A_43 : i32
    %scan3A_45 = arith.constant 1 : i32
    scf.for %scan3A_269 = %scan3A_42 to %scan3A_44 step %scan3A_45  : i32 {
      %mul3A_270 = arith.constant 128 : i32
      %mul3A_271 = arith.muli %scan3A_269, %mul3A_270 : i32
      %add3A_272 = arith.addi %mul3A_0, %mul3A_271 : i32
      "tpu.region"() ({
        %run_scoped3A = tpu.sem_alloc : memref<!tpu.dma_semaphore, #tpu.memory_space<semaphore_mem>>
        %dma_start3A_347 = tpu.memref_slice %arg3[%add3A_272] : memref<1601536xi32, #tpu.memory_space<hbm>> -> memref<128xi32, #tpu.memory_space<hbm>>
        %dma_start3A_348 = tpu.memref_slice %arg3[%add3A_272] : memref<1601536xi32, #tpu.memory_space<hbm>> -> memref<128xi32, #tpu.memory_space<hbm>>
        tpu.enqueue_dma source(%dma_start3A_348 : memref<128xi32, #tpu.memory_space<hbm>>) target(%arg6 : memref<128xi32, #tpu.memory_space<vmem>>) target_semaphore(%run_scoped3A : memref<!tpu.dma_semaphore, #tpu.memory_space<semaphore_mem>>)
        %dma_wait3A_349 = tpu.memref_slice %arg3[%add3A_272] : memref<1601536xi32, #tpu.memory_space<hbm>> -> memref<128xi32, #tpu.memory_space<hbm>>
        %dma_wait3A_350 = tpu.memref_slice %arg3[%add3A_272] : memref<1601536xi32, #tpu.memory_space<hbm>> -> memref<128xi32, #tpu.memory_space<hbm>>
        tpu.wait_dma2 semaphore(%run_scoped3A : memref<!tpu.dma_semaphore, #tpu.memory_space<semaphore_mem>>) src(%dma_wait3A_350 : memref<128xi32, #tpu.memory_space<hbm>>) dst(%arg6 : memref<128xi32, #tpu.memory_space<vmem>>)
        tpu.yield
      }) : () -> ()
      "tpu.region"() ({
        %run_scoped3A = tpu.sem_alloc : memref<!tpu.dma_semaphore, #tpu.memory_space<semaphore_mem>>
        %dma_start3A_347 = tpu.memref_slice %arg4[%add3A_272] : memref<1601536xi32, #tpu.memory_space<hbm>> -> memref<128xi32, #tpu.memory_space<hbm>>
        %dma_start3A_348 = tpu.memref_slice %arg4[%add3A_272] : memref<1601536xi32, #tpu.memory_space<hbm>> -> memref<128xi32, #tpu.memory_space<hbm>>
        tpu.enqueue_dma source(%dma_start3A_348 : memref<128xi32, #tpu.memory_space<hbm>>) target(%arg7 : memref<128xi32, #tpu.memory_space<vmem>>) target_semaphore(%run_scoped3A : memref<!tpu.dma_semaphore, #tpu.memory_space<semaphore_mem>>)
        %dma_wait3A_349 = tpu.memref_slice %arg4[%add3A_272] : memref<1601536xi32, #tpu.memory_space<hbm>> -> memref<128xi32, #tpu.memory_space<hbm>>
        %dma_wait3A_350 = tpu.memref_slice %arg4[%add3A_272] : memref<1601536xi32, #tpu.memory_space<hbm>> -> memref<128xi32, #tpu.memory_space<hbm>>
        tpu.wait_dma2 semaphore(%run_scoped3A : memref<!tpu.dma_semaphore, #tpu.memory_space<semaphore_mem>>) src(%dma_wait3A_350 : memref<128xi32, #tpu.memory_space<hbm>>) dst(%arg7 : memref<128xi32, #tpu.memory_space<vmem>>)
        tpu.yield
      }) : () -> ()
      %get3A = arith.constant 0 : index
      %get3A_273 = tpu.vector_load %arg6[%get3A] {strides = array<i32>} : memref<128xi32, #tpu.memory_space<vmem>>, vector<16xi32>,
      %get3A_274 = vector.shape_cast %get3A_273 : vector<16xi32> to vector<16xi32>
      %add3A_275 = vector.broadcast %mul3A_8 : i32 to vector<16xi32>
      %add3A_276 = arith.addi %get3A_274, %add3A_275 : vector<16xi32>
      %swap3A = arith.constant 0 : index
      %swap3A_277 = tpu.vector_load %arg6[%swap3A] {strides = array<i32>} : memref<128xi32, #tpu.memory_space<vmem>>, vector<16xi32>,
      %swap3A_278 = vector.shape_cast %swap3A_277 : vector<16xi32> to vector<16xi32>
      %swap3A_279 = vector.shape_cast %add3A_276 : vector<16xi32> to vector<16xi32>
      tpu.vector_store %arg6[%swap3A], %swap3A_279 {strides = array<i32>} : memref<128xi32, #tpu.memory_space<vmem>>, vector<16xi32>,
      %get3A_280 = arith.constant 16 : index
      %get3A_281 = tpu.vector_load %arg6[%get3A_280] {strides = array<i32>} : memref<128xi32, #tpu.memory_space<vmem>>, vector<16xi32>,
      %get3A_282 = vector.shape_cast %get3A_281 : vector<16xi32> to vector<16xi32>
      %add3A_283 = vector.broadcast %mul3A_8 : i32 to vector<16xi32>
      %add3A_284 = arith.addi %get3A_282, %add3A_283 : vector<16xi32>
      %swap3A_285 = arith.constant 16 : index
      %swap3A_286 = tpu.vector_load %arg6[%swap3A_285] {strides = array<i32>} : memref<128xi32, #tpu.memory_space<vmem>>, vector<16xi32>,
      %swap3A_287 = vector.shape_cast %swap3A_286 : vector<16xi32> to vector<16xi32>
      %swap3A_288 = vector.shape_cast %add3A_284 : vector<16xi32> to vector<16xi32>
      tpu.vector_store %arg6[%swap3A_285], %swap3A_288 {strides = array<i32>} : memref<128xi32, #tpu.memory_space<vmem>>, vector<16xi32>,
      %get3A_289 = arith.constant 32 : index
      %get3A_290 = tpu.vector_load %arg6[%get3A_289] {strides = array<i32>} : memref<128xi32, #tpu.memory_space<vmem>>, vector<16xi32>,
      %get3A_291 = vector.shape_cast %get3A_290 : vector<16xi32> to vector<16xi32>
      %add3A_292 = vector.broadcast %mul3A_8 : i32 to vector<16xi32>
      %add3A_293 = arith.addi %get3A_291, %add3A_292 : vector<16xi32>
      %swap3A_294 = arith.constant 32 : index
      %swap3A_295 = tpu.vector_load %arg6[%swap3A_294] {strides = array<i32>} : memref<128xi32, #tpu.memory_space<vmem>>, vector<16xi32>,
      %swap3A_296 = vector.shape_cast %swap3A_295 : vector<16xi32> to vector<16xi32>
      %swap3A_297 = vector.shape_cast %add3A_293 : vector<16xi32> to vector<16xi32>
      tpu.vector_store %arg6[%swap3A_294], %swap3A_297 {strides = array<i32>} : memref<128xi32, #tpu.memory_space<vmem>>, vector<16xi32>,
      %get3A_298 = arith.constant 48 : index
      %get3A_299 = tpu.vector_load %arg6[%get3A_298] {strides = array<i32>} : memref<128xi32, #tpu.memory_space<vmem>>, vector<16xi32>,
      %get3A_300 = vector.shape_cast %get3A_299 : vector<16xi32> to vector<16xi32>
      %add3A_301 = vector.broadcast %mul3A_8 : i32 to vector<16xi32>
      %add3A_302 = arith.addi %get3A_300, %add3A_301 : vector<16xi32>
      %swap3A_303 = arith.constant 48 : index
      %swap3A_304 = tpu.vector_load %arg6[%swap3A_303] {strides = array<i32>} : memref<128xi32, #tpu.memory_space<vmem>>, vector<16xi32>,
      %swap3A_305 = vector.shape_cast %swap3A_304 : vector<16xi32> to vector<16xi32>
      %swap3A_306 = vector.shape_cast %add3A_302 : vector<16xi32> to vector<16xi32>
      tpu.vector_store %arg6[%swap3A_303], %swap3A_306 {strides = array<i32>} : memref<128xi32, #tpu.memory_space<vmem>>, vector<16xi32>,
      %get3A_307 = arith.constant 64 : index
      %get3A_308 = tpu.vector_load %arg6[%get3A_307] {strides = array<i32>} : memref<128xi32, #tpu.memory_space<vmem>>, vector<16xi32>,
      %get3A_309 = vector.shape_cast %get3A_308 : vector<16xi32> to vector<16xi32>
      %add3A_310 = vector.broadcast %mul3A_8 : i32 to vector<16xi32>
      %add3A_311 = arith.addi %get3A_309, %add3A_310 : vector<16xi32>
      %swap3A_312 = arith.constant 64 : index
      %swap3A_313 = tpu.vector_load %arg6[%swap3A_312] {strides = array<i32>} : memref<128xi32, #tpu.memory_space<vmem>>, vector<16xi32>,
      %swap3A_314 = vector.shape_cast %swap3A_313 : vector<16xi32> to vector<16xi32>
      %swap3A_315 = vector.shape_cast %add3A_311 : vector<16xi32> to vector<16xi32>
      tpu.vector_store %arg6[%swap3A_312], %swap3A_315 {strides = array<i32>} : memref<128xi32, #tpu.memory_space<vmem>>, vector<16xi32>,
      %get3A_316 = arith.constant 80 : index
      %get3A_317 = tpu.vector_load %arg6[%get3A_316] {strides = array<i32>} : memref<128xi32, #tpu.memory_space<vmem>>, vector<16xi32>,
      %get3A_318 = vector.shape_cast %get3A_317 : vector<16xi32> to vector<16xi32>
      %add3A_319 = vector.broadcast %mul3A_8 : i32 to vector<16xi32>
      %add3A_320 = arith.addi %get3A_318, %add3A_319 : vector<16xi32>
      %swap3A_321 = arith.constant 80 : index
      %swap3A_322 = tpu.vector_load %arg6[%swap3A_321] {strides = array<i32>} : memref<128xi32, #tpu.memory_space<vmem>>, vector<16xi32>,
      %swap3A_323 = vector.shape_cast %swap3A_322 : vector<16xi32> to vector<16xi32>
      %swap3A_324 = vector.shape_cast %add3A_320 : vector<16xi32> to vector<16xi32>
      tpu.vector_store %arg6[%swap3A_321], %swap3A_324 {strides = array<i32>} : memref<128xi32, #tpu.memory_space<vmem>>, vector<16xi32>,
      %get3A_325 = arith.constant 96 : index
      %get3A_326 = tpu.vector_load %arg6[%get3A_325] {strides = array<i32>} : memref<128xi32, #tpu.memory_space<vmem>>, vector<16xi32>,
      %get3A_327 = vector.shape_cast %get3A_326 : vector<16xi32> to vector<16xi32>
      %add3A_328 = vector.broadcast %mul3A_8 : i32 to vector<16xi32>
      %add3A_329 = arith.addi %get3A_327, %add3A_328 : vector<16xi32>
      %swap3A_330 = arith.constant 96 : index
      %swap3A_331 = tpu.vector_load %arg6[%swap3A_330] {strides = array<i32>} : memref<128xi32, #tpu.memory_space<vmem>>, vector<16xi32>,
      %swap3A_332 = vector.shape_cast %swap3A_331 : vector<16xi32> to vector<16xi32>
      %swap3A_333 = vector.shape_cast %add3A_329 : vector<16xi32> to vector<16xi32>
      tpu.vector_store %arg6[%swap3A_330], %swap3A_333 {strides = array<i32>} : memref<128xi32, #tpu.memory_space<vmem>>, vector<16xi32>,
      %get3A_334 = arith.constant 112 : index
      %get3A_335 = tpu.vector_load %arg6[%get3A_334] {strides = array<i32>} : memref<128xi32, #tpu.memory_space<vmem>>, vector<16xi32>,
      %get3A_336 = vector.shape_cast %get3A_335 : vector<16xi32> to vector<16xi32>
      %add3A_337 = vector.broadcast %mul3A_8 : i32 to vector<16xi32>
      %add3A_338 = arith.addi %get3A_336, %add3A_337 : vector<16xi32>
      %swap3A_339 = arith.constant 112 : index
      %swap3A_340 = tpu.vector_load %arg6[%swap3A_339] {strides = array<i32>} : memref<128xi32, #tpu.memory_space<vmem>>, vector<16xi32>,
      %swap3A_341 = vector.shape_cast %swap3A_340 : vector<16xi32> to vector<16xi32>
      %swap3A_342 = vector.shape_cast %add3A_338 : vector<16xi32> to vector<16xi32>
      tpu.vector_store %arg6[%swap3A_339], %swap3A_342 {strides = array<i32>} : memref<128xi32, #tpu.memory_space<vmem>>, vector<16xi32>,
      %dma_start3A = arith.constant 0 : i32
      %dma_start3A_343 = arith.constant 0 : i32
      %dma_start3A_344 = tpu.memref_slice %arg2[%dma_start3A, %dma_start3A_343] : memref<401408x16xf32, #tpu.memory_space<hbm>> -> memref<401408x16xf32, #tpu.memory_space<hbm>>
      tpu.enqueue_indirect_dma source(%dma_start3A_344 : memref<401408x16xf32, #tpu.memory_space<hbm>>) target(%arg8 : memref<128x16xf32, #tpu.memory_space<vmem>>) offsets(%arg6 : memref<128xi32, #tpu.memory_space<vmem>>) semaphore(%arg12 : memref<!tpu.dma_semaphore, #tpu.memory_space<semaphore_mem>>)
      %dma_wait3A = arith.constant 0 : i32
      %dma_wait3A_345 = arith.constant 0 : i32
      %dma_wait3A_346 = tpu.memref_slice %arg2[%dma_wait3A, %dma_wait3A_345] : memref<401408x16xf32, #tpu.memory_space<hbm>> -> memref<401408x16xf32, #tpu.memory_space<hbm>>
      tpu.wait_indirect_dma semaphore(%arg12 : memref<!tpu.dma_semaphore, #tpu.memory_space<semaphore_mem>>) src(%dma_wait3A_346 : memref<401408x16xf32, #tpu.memory_space<hbm>>) dst(%arg8 : memref<128x16xf32, #tpu.memory_space<vmem>>)
      "tpu.region"() ({
        %run_scoped3A = tpu.sem_alloc : memref<!tpu.dma_semaphore, #tpu.memory_space<semaphore_mem>>
        %dma_start3A_347 = arith.constant 0 : i32
        %dma_start3A_348 = arith.constant 0 : i32
        %dma_start3A_349 = tpu.memref_slice %arg11[%dma_start3A_347, %dma_start3A_348] : memref<100352x16xf32, #tpu.memory_space<vmem_shared>> -> memref<100352x16xf32, #tpu.memory_space<vmem_shared>>
        tpu.enqueue_indirect_dma source(%arg8 : memref<128x16xf32, #tpu.memory_space<vmem>>) target(%dma_start3A_349 : memref<100352x16xf32, #tpu.memory_space<vmem_shared>>) offsets(%arg7 : memref<128xi32, #tpu.memory_space<vmem>>) semaphore(%run_scoped3A : memref<!tpu.dma_semaphore, #tpu.memory_space<semaphore_mem>>) {add = true}
        %dma_wait3A_350 = arith.constant 0 : i32
        %dma_wait3A_351 = arith.constant 0 : i32
        %dma_wait3A_352 = tpu.memref_slice %arg11[%dma_wait3A_350, %dma_wait3A_351] : memref<100352x16xf32, #tpu.memory_space<vmem_shared>> -> memref<100352x16xf32, #tpu.memory_space<vmem_shared>>
        tpu.wait_indirect_dma semaphore(%run_scoped3A : memref<!tpu.dma_semaphore, #tpu.memory_space<semaphore_mem>>) src(%arg8 : memref<128x16xf32, #tpu.memory_space<vmem>>) dst(%dma_wait3A_352 : memref<100352x16xf32, #tpu.memory_space<vmem_shared>>)
        tpu.yield
      }) : () -> ()
    }
    %scan3A_46 = arith.constant 782 : i32
    %barrier3A_47 = arith.constant 0 : index
    tpu.barrier barrier_id(%barrier3A_47)
    %mul3A_48 = arith.constant 6272 : i32
    %mul3A_49 = arith.muli %arg1, %mul3A_48 : i32
    %add3A_50 = arith.constant 0 : i32
    %add3A_51 = arith.addi %mul3A_49, %add3A_50 : i32
    "tpu.region"() ({
      %run_scoped3A = tpu.sem_alloc : memref<!tpu.dma_semaphore, #tpu.memory_space<semaphore_mem>>
      %dma_start3A = arith.constant 0 : i32
      %dma_start3A_269 = tpu.memref_slice %arg11[%add3A_51, %dma_start3A] : memref<100352x16xf32, #tpu.memory_space<vmem_shared>> -> memref<784x16xf32, #tpu.memory_space<vmem_shared>>
      %dma_start3A_270 = arith.constant 0 : i32
      %dma_start3A_271 = tpu.memref_slice %arg11[%add3A_51, %dma_start3A_270] : memref<100352x16xf32, #tpu.memory_space<vmem_shared>> -> memref<784x16xf32, #tpu.memory_space<vmem_shared>>
      tpu.enqueue_dma source(%dma_start3A_271 : memref<784x16xf32, #tpu.memory_space<vmem_shared>>) target(%arg10 : memref<784x16xf32, #tpu.memory_space<vmem>>) target_semaphore(%run_scoped3A : memref<!tpu.dma_semaphore, #tpu.memory_space<semaphore_mem>>)
      %dma_wait3A = arith.constant 0 : i32
      %dma_wait3A_272 = tpu.memref_slice %arg11[%add3A_51, %dma_wait3A] : memref<100352x16xf32, #tpu.memory_space<vmem_shared>> -> memref<784x16xf32, #tpu.memory_space<vmem_shared>>
      %dma_wait3A_273 = arith.constant 0 : i32
      %dma_wait3A_274 = tpu.memref_slice %arg11[%add3A_51, %dma_wait3A_273] : memref<100352x16xf32, #tpu.memory_space<vmem_shared>> -> memref<784x16xf32, #tpu.memory_space<vmem_shared>>
      tpu.wait_dma2 semaphore(%run_scoped3A : memref<!tpu.dma_semaphore, #tpu.memory_space<semaphore_mem>>) src(%dma_wait3A_274 : memref<784x16xf32, #tpu.memory_space<vmem_shared>>) dst(%arg10 : memref<784x16xf32, #tpu.memory_space<vmem>>)
      tpu.yield
    }) : () -> ()
    %mul3A_52 = arith.constant 100352 : i32
    %mul3A_53 = arith.muli %add3A_6, %mul3A_52 : i32
    %mul3A_54 = arith.constant 6272 : i32
    %mul3A_55 = arith.muli %arg1, %mul3A_54 : i32
    %add3A_56 = arith.addi %mul3A_53, %mul3A_55 : i32
    %add3A_57 = arith.constant 0 : i32
    %add3A_58 = arith.addi %add3A_56, %add3A_57 : i32
    "tpu.region"() ({
      %run_scoped3A = tpu.sem_alloc : memref<!tpu.dma_semaphore, #tpu.memory_space<semaphore_mem>>
      %dma_start3A = arith.constant 0 : i32
      %dma_start3A_269 = tpu.memref_slice %arg5[%add3A_58, %dma_start3A] : memref<401408x16xf32, #tpu.memory_space<hbm>> -> memref<784x16xf32, #tpu.memory_space<hbm>>
      %dma_start3A_270 = arith.constant 0 : i32
      %dma_start3A_271 = tpu.memref_slice %arg5[%add3A_58, %dma_start3A_270] : memref<401408x16xf32, #tpu.memory_space<hbm>> -> memref<784x16xf32, #tpu.memory_space<hbm>>
      tpu.enqueue_dma source(%arg10 : memref<784x16xf32, #tpu.memory_space<vmem>>) target(%dma_start3A_271 : memref<784x16xf32, #tpu.memory_space<hbm>>) target_semaphore(%run_scoped3A : memref<!tpu.dma_semaphore, #tpu.memory_space<semaphore_mem>>)
      %dma_wait3A = arith.constant 0 : i32
      %dma_wait3A_272 = tpu.memref_slice %arg5[%add3A_58, %dma_wait3A] : memref<401408x16xf32, #tpu.memory_space<hbm>> -> memref<784x16xf32, #tpu.memory_space<hbm>>
      %dma_wait3A_273 = arith.constant 0 : i32
      %dma_wait3A_274 = tpu.memref_slice %arg5[%add3A_58, %dma_wait3A_273] : memref<401408x16xf32, #tpu.memory_space<hbm>> -> memref<784x16xf32, #tpu.memory_space<hbm>>
      tpu.wait_dma2 semaphore(%run_scoped3A : memref<!tpu.dma_semaphore, #tpu.memory_space<semaphore_mem>>) src(%arg10 : memref<784x16xf32, #tpu.memory_space<vmem>>) dst(%dma_wait3A_274 : memref<784x16xf32, #tpu.memory_space<hbm>>)
      tpu.yield
    }) : () -> ()
    %mul3A_59 = arith.constant 6272 : i32
    %mul3A_60 = arith.muli %arg1, %mul3A_59 : i32
    %add3A_61 = arith.constant 784 : i32
    %add3A_62 = arith.addi %mul3A_60, %add3A_61 : i32
    "tpu.region"() ({
      %run_scoped3A = tpu.sem_alloc : memref<!tpu.dma_semaphore, #tpu.memory_space<semaphore_mem>>
      %dma_start3A = arith.constant 0 : i32
      %dma_start3A_269 = tpu.memref_slice %arg11[%add3A_62, %dma_start3A] : memref<100352x16xf32, #tpu.memory_space<vmem_shared>> -> memref<784x16xf32, #tpu.memory_space<vmem_shared>>
      %dma_start3A_270 = arith.constant 0 : i32
      %dma_start3A_271 = tpu.memref_slice %arg11[%add3A_62, %dma_start3A_270] : memref<100352x16xf32, #tpu.memory_space<vmem_shared>> -> memref<784x16xf32, #tpu.memory_space<vmem_shared>>
      tpu.enqueue_dma source(%dma_start3A_271 : memref<784x16xf32, #tpu.memory_space<vmem_shared>>) target(%arg10 : memref<784x16xf32, #tpu.memory_space<vmem>>) target_semaphore(%run_scoped3A : memref<!tpu.dma_semaphore, #tpu.memory_space<semaphore_mem>>)
      %dma_wait3A = arith.constant 0 : i32
      %dma_wait3A_272 = tpu.memref_slice %arg11[%add3A_62, %dma_wait3A] : memref<100352x16xf32, #tpu.memory_space<vmem_shared>> -> memref<784x16xf32, #tpu.memory_space<vmem_shared>>
      %dma_wait3A_273 = arith.constant 0 : i32
      %dma_wait3A_274 = tpu.memref_slice %arg11[%add3A_62, %dma_wait3A_273] : memref<100352x16xf32, #tpu.memory_space<vmem_shared>> -> memref<784x16xf32, #tpu.memory_space<vmem_shared>>
      tpu.wait_dma2 semaphore(%run_scoped3A : memref<!tpu.dma_semaphore, #tpu.memory_space<semaphore_mem>>) src(%dma_wait3A_274 : memref<784x16xf32, #tpu.memory_space<vmem_shared>>) dst(%arg10 : memref<784x16xf32, #tpu.memory_space<vmem>>)
      tpu.yield
    }) : () -> ()
    %mul3A_63 = arith.constant 100352 : i32
    %mul3A_64 = arith.muli %add3A_6, %mul3A_63 : i32
    %mul3A_65 = arith.constant 6272 : i32
    %mul3A_66 = arith.muli %arg1, %mul3A_65 : i32
    %add3A_67 = arith.addi %mul3A_64, %mul3A_66 : i32
    %add3A_68 = arith.constant 784 : i32
    %add3A_69 = arith.addi %add3A_67, %add3A_68 : i32
    "tpu.region"() ({
      %run_scoped3A = tpu.sem_alloc : memref<!tpu.dma_semaphore, #tpu.memory_space<semaphore_mem>>
      %dma_start3A = arith.constant 0 : i32
      %dma_start3A_269 = tpu.memref_slice %arg5[%add3A_69, %dma_start3A] : memref<401408x16xf32, #tpu.memory_space<hbm>> -> memref<784x16xf32, #tpu.memory_space<hbm>>
      %dma_start3A_270 = arith.constant 0 : i32
      %dma_start3A_271 = tpu.memref_slice %arg5[%add3A_69, %dma_start3A_270] : memref<401408x16xf32, #tpu.memory_space<hbm>> -> memref<784x16xf32, #tpu.memory_space<hbm>>
      tpu.enqueue_dma source(%arg10 : memref<784x16xf32, #tpu.memory_space<vmem>>) target(%dma_start3A_271 : memref<784x16xf32, #tpu.memory_space<hbm>>) target_semaphore(%run_scoped3A : memref<!tpu.dma_semaphore, #tpu.memory_space<semaphore_mem>>)
      %dma_wait3A = arith.constant 0 : i32
      %dma_wait3A_272 = tpu.memref_slice %arg5[%add3A_69, %dma_wait3A] : memref<401408x16xf32, #tpu.memory_space<hbm>> -> memref<784x16xf32, #tpu.memory_space<hbm>>
      %dma_wait3A_273 = arith.constant 0 : i32
      %dma_wait3A_274 = tpu.memref_slice %arg5[%add3A_69, %dma_wait3A_273] : memref<401408x16xf32, #tpu.memory_space<hbm>> -> memref<784x16xf32, #tpu.memory_space<hbm>>
      tpu.wait_dma2 semaphore(%run_scoped3A : memref<!tpu.dma_semaphore, #tpu.memory_space<semaphore_mem>>) src(%arg10 : memref<784x16xf32, #tpu.memory_space<vmem>>) dst(%dma_wait3A_274 : memref<784x16xf32, #tpu.memory_space<hbm>>)
      tpu.yield
    }) : () -> ()
    %mul3A_70 = arith.constant 6272 : i32
    %mul3A_71 = arith.muli %arg1, %mul3A_70 : i32
    %add3A_72 = arith.constant 1568 : i32
    %add3A_73 = arith.addi %mul3A_71, %add3A_72 : i32
    "tpu.region"() ({
      %run_scoped3A = tpu.sem_alloc : memref<!tpu.dma_semaphore, #tpu.memory_space<semaphore_mem>>
      %dma_start3A = arith.constant 0 : i32
      %dma_start3A_269 = tpu.memref_slice %arg11[%add3A_73, %dma_start3A] : memref<100352x16xf32, #tpu.memory_space<vmem_shared>> -> memref<784x16xf32, #tpu.memory_space<vmem_shared>>
      %dma_start3A_270 = arith.constant 0 : i32
      %dma_start3A_271 = tpu.memref_slice %arg11[%add3A_73, %dma_start3A_270] : memref<100352x16xf32, #tpu.memory_space<vmem_shared>> -> memref<784x16xf32, #tpu.memory_space<vmem_shared>>
      tpu.enqueue_dma source(%dma_start3A_271 : memref<784x16xf32, #tpu.memory_space<vmem_shared>>) target(%arg10 : memref<784x16xf32, #tpu.memory_space<vmem>>) target_semaphore(%run_scoped3A : memref<!tpu.dma_semaphore, #tpu.memory_space<semaphore_mem>>)
      %dma_wait3A = arith.constant 0 : i32
      %dma_wait3A_272 = tpu.memref_slice %arg11[%add3A_73, %dma_wait3A] : memref<100352x16xf32, #tpu.memory_space<vmem_shared>> -> memref<784x16xf32, #tpu.memory_space<vmem_shared>>
      %dma_wait3A_273 = arith.constant 0 : i32
      %dma_wait3A_274 = tpu.memref_slice %arg11[%add3A_73, %dma_wait3A_273] : memref<100352x16xf32, #tpu.memory_space<vmem_shared>> -> memref<784x16xf32, #tpu.memory_space<vmem_shared>>
      tpu.wait_dma2 semaphore(%run_scoped3A : memref<!tpu.dma_semaphore, #tpu.memory_space<semaphore_mem>>) src(%dma_wait3A_274 : memref<784x16xf32, #tpu.memory_space<vmem_shared>>) dst(%arg10 : memref<784x16xf32, #tpu.memory_space<vmem>>)
      tpu.yield
    }) : () -> ()
    %mul3A_74 = arith.constant 100352 : i32
    %mul3A_75 = arith.muli %add3A_6, %mul3A_74 : i32
    %mul3A_76 = arith.constant 6272 : i32
    %mul3A_77 = arith.muli %arg1, %mul3A_76 : i32
    %add3A_78 = arith.addi %mul3A_75, %mul3A_77 : i32
    %add3A_79 = arith.constant 1568 : i32
    %add3A_80 = arith.addi %add3A_78, %add3A_79 : i32
    "tpu.region"() ({
      %run_scoped3A = tpu.sem_alloc : memref<!tpu.dma_semaphore, #tpu.memory_space<semaphore_mem>>
      %dma_start3A = arith.constant 0 : i32
      %dma_start3A_269 = tpu.memref_slice %arg5[%add3A_80, %dma_start3A] : memref<401408x16xf32, #tpu.memory_space<hbm>> -> memref<784x16xf32, #tpu.memory_space<hbm>>
      %dma_start3A_270 = arith.constant 0 : i32
      %dma_start3A_271 = tpu.memref_slice %arg5[%add3A_80, %dma_start3A_270] : memref<401408x16xf32, #tpu.memory_space<hbm>> -> memref<784x16xf32, #tpu.memory_space<hbm>>
      tpu.enqueue_dma source(%arg10 : memref<784x16xf32, #tpu.memory_space<vmem>>) target(%dma_start3A_271 : memref<784x16xf32, #tpu.memory_space<hbm>>) target_semaphore(%run_scoped3A : memref<!tpu.dma_semaphore, #tpu.memory_space<semaphore_mem>>)
      %dma_wait3A = arith.constant 0 : i32
      %dma_wait3A_272 = tpu.memref_slice %arg5[%add3A_80, %dma_wait3A] : memref<401408x16xf32, #tpu.memory_space<hbm>> -> memref<784x16xf32, #tpu.memory_space<hbm>>
      %dma_wait3A_273 = arith.constant 0 : i32
      %dma_wait3A_274 = tpu.memref_slice %arg5[%add3A_80, %dma_wait3A_273] : memref<401408x16xf32, #tpu.memory_space<hbm>> -> memref<784x16xf32, #tpu.memory_space<hbm>>
      tpu.wait_dma2 semaphore(%run_scoped3A : memref<!tpu.dma_semaphore, #tpu.memory_space<semaphore_mem>>) src(%arg10 : memref<784x16xf32, #tpu.memory_space<vmem>>) dst(%dma_wait3A_274 : memref<784x16xf32, #tpu.memory_space<hbm>>)
      tpu.yield
    }) : () -> ()
    %mul3A_81 = arith.constant 6272 : i32
    %mul3A_82 = arith.muli %arg1, %mul3A_81 : i32
    %add3A_83 = arith.constant 2352 : i32
    %add3A_84 = arith.addi %mul3A_82, %add3A_83 : i32
    "tpu.region"() ({
      %run_scoped3A = tpu.sem_alloc : memref<!tpu.dma_semaphore, #tpu.memory_space<semaphore_mem>>
      %dma_start3A = arith.constant 0 : i32
      %dma_start3A_269 = tpu.memref_slice %arg11[%add3A_84, %dma_start3A] : memref<100352x16xf32, #tpu.memory_space<vmem_shared>> -> memref<784x16xf32, #tpu.memory_space<vmem_shared>>
      %dma_start3A_270 = arith.constant 0 : i32
      %dma_start3A_271 = tpu.memref_slice %arg11[%add3A_84, %dma_start3A_270] : memref<100352x16xf32, #tpu.memory_space<vmem_shared>> -> memref<784x16xf32, #tpu.memory_space<vmem_shared>>
      tpu.enqueue_dma source(%dma_start3A_271 : memref<784x16xf32, #tpu.memory_space<vmem_shared>>) target(%arg10 : memref<784x16xf32, #tpu.memory_space<vmem>>) target_semaphore(%run_scoped3A : memref<!tpu.dma_semaphore, #tpu.memory_space<semaphore_mem>>)
      %dma_wait3A = arith.constant 0 : i32
      %dma_wait3A_272 = tpu.memref_slice %arg11[%add3A_84, %dma_wait3A] : memref<100352x16xf32, #tpu.memory_space<vmem_shared>> -> memref<784x16xf32, #tpu.memory_space<vmem_shared>>
      %dma_wait3A_273 = arith.constant 0 : i32
      %dma_wait3A_274 = tpu.memref_slice %arg11[%add3A_84, %dma_wait3A_273] : memref<100352x16xf32, #tpu.memory_space<vmem_shared>> -> memref<784x16xf32, #tpu.memory_space<vmem_shared>>
      tpu.wait_dma2 semaphore(%run_scoped3A : memref<!tpu.dma_semaphore, #tpu.memory_space<semaphore_mem>>) src(%dma_wait3A_274 : memref<784x16xf32, #tpu.memory_space<vmem_shared>>) dst(%arg10 : memref<784x16xf32, #tpu.memory_space<vmem>>)
      tpu.yield
    }) : () -> ()
    %mul3A_85 = arith.constant 100352 : i32
    %mul3A_86 = arith.muli %add3A_6, %mul3A_85 : i32
    %mul3A_87 = arith.constant 6272 : i32
    %mul3A_88 = arith.muli %arg1, %mul3A_87 : i32
    %add3A_89 = arith.addi %mul3A_86, %mul3A_88 : i32
    %add3A_90 = arith.constant 2352 : i32
    %add3A_91 = arith.addi %add3A_89, %add3A_90 : i32
    "tpu.region"() ({
      %run_scoped3A = tpu.sem_alloc : memref<!tpu.dma_semaphore, #tpu.memory_space<semaphore_mem>>
      %dma_start3A = arith.constant 0 : i32
      %dma_start3A_269 = tpu.memref_slice %arg5[%add3A_91, %dma_start3A] : memref<401408x16xf32, #tpu.memory_space<hbm>> -> memref<784x16xf32, #tpu.memory_space<hbm>>
      %dma_start3A_270 = arith.constant 0 : i32
      %dma_start3A_271 = tpu.memref_slice %arg5[%add3A_91, %dma_start3A_270] : memref<401408x16xf32, #tpu.memory_space<hbm>> -> memref<784x16xf32, #tpu.memory_space<hbm>>
      tpu.enqueue_dma source(%arg10 : memref<784x16xf32, #tpu.memory_space<vmem>>) target(%dma_start3A_271 : memref<784x16xf32, #tpu.memory_space<hbm>>) target_semaphore(%run_scoped3A : memref<!tpu.dma_semaphore, #tpu.memory_space<semaphore_mem>>)
      %dma_wait3A = arith.constant 0 : i32
      %dma_wait3A_272 = tpu.memref_slice %arg5[%add3A_91, %dma_wait3A] : memref<401408x16xf32, #tpu.memory_space<hbm>> -> memref<784x16xf32, #tpu.memory_space<hbm>>
      %dma_wait3A_273 = arith.constant 0 : i32
      %dma_wait3A_274 = tpu.memref_slice %arg5[%add3A_91, %dma_wait3A_273] : memref<401408x16xf32, #tpu.memory_space<hbm>> -> memref<784x16xf32, #tpu.memory_space<hbm>>
      tpu.wait_dma2 semaphore(%run_scoped3A : memref<!tpu.dma_semaphore, #tpu.memory_space<semaphore_mem>>) src(%arg10 : memref<784x16xf32, #tpu.memory_space<vmem>>) dst(%dma_wait3A_274 : memref<784x16xf32, #tpu.memory_space<hbm>>)
      tpu.yield
    }) : () -> ()
    %mul3A_92 = arith.constant 6272 : i32
    %mul3A_93 = arith.muli %arg1, %mul3A_92 : i32
    %add3A_94 = arith.constant 3136 : i32
    %add3A_95 = arith.addi %mul3A_93, %add3A_94 : i32
    "tpu.region"() ({
      %run_scoped3A = tpu.sem_alloc : memref<!tpu.dma_semaphore, #tpu.memory_space<semaphore_mem>>
      %dma_start3A = arith.constant 0 : i32
      %dma_start3A_269 = tpu.memref_slice %arg11[%add3A_95, %dma_start3A] : memref<100352x16xf32, #tpu.memory_space<vmem_shared>> -> memref<784x16xf32, #tpu.memory_space<vmem_shared>>
      %dma_start3A_270 = arith.constant 0 : i32
      %dma_start3A_271 = tpu.memref_slice %arg11[%add3A_95, %dma_start3A_270] : memref<100352x16xf32, #tpu.memory_space<vmem_shared>> -> memref<784x16xf32, #tpu.memory_space<vmem_shared>>
      tpu.enqueue_dma source(%dma_start3A_271 : memref<784x16xf32, #tpu.memory_space<vmem_shared>>) target(%arg10 : memref<784x16xf32, #tpu.memory_space<vmem>>) target_semaphore(%run_scoped3A : memref<!tpu.dma_semaphore, #tpu.memory_space<semaphore_mem>>)
      %dma_wait3A = arith.constant 0 : i32
      %dma_wait3A_272 = tpu.memref_slice %arg11[%add3A_95, %dma_wait3A] : memref<100352x16xf32, #tpu.memory_space<vmem_shared>> -> memref<784x16xf32, #tpu.memory_space<vmem_shared>>
      %dma_wait3A_273 = arith.constant 0 : i32
      %dma_wait3A_274 = tpu.memref_slice %arg11[%add3A_95, %dma_wait3A_273] : memref<100352x16xf32, #tpu.memory_space<vmem_shared>> -> memref<784x16xf32, #tpu.memory_space<vmem_shared>>
      tpu.wait_dma2 semaphore(%run_scoped3A : memref<!tpu.dma_semaphore, #tpu.memory_space<semaphore_mem>>) src(%dma_wait3A_274 : memref<784x16xf32, #tpu.memory_space<vmem_shared>>) dst(%arg10 : memref<784x16xf32, #tpu.memory_space<vmem>>)
      tpu.yield
    }) : () -> ()
    %mul3A_96 = arith.constant 100352 : i32
    %mul3A_97 = arith.muli %add3A_6, %mul3A_96 : i32
    %mul3A_98 = arith.constant 6272 : i32
    %mul3A_99 = arith.muli %arg1, %mul3A_98 : i32
    %add3A_100 = arith.addi %mul3A_97, %mul3A_99 : i32
    %add3A_101 = arith.constant 3136 : i32
    %add3A_102 = arith.addi %add3A_100, %add3A_101 : i32
    "tpu.region"() ({
      %run_scoped3A = tpu.sem_alloc : memref<!tpu.dma_semaphore, #tpu.memory_space<semaphore_mem>>
      %dma_start3A = arith.constant 0 : i32
      %dma_start3A_269 = tpu.memref_slice %arg5[%add3A_102, %dma_start3A] : memref<401408x16xf32, #tpu.memory_space<hbm>> -> memref<784x16xf32, #tpu.memory_space<hbm>>
      %dma_start3A_270 = arith.constant 0 : i32
      %dma_start3A_271 = tpu.memref_slice %arg5[%add3A_102, %dma_start3A_270] : memref<401408x16xf32, #tpu.memory_space<hbm>> -> memref<784x16xf32, #tpu.memory_space<hbm>>
      tpu.enqueue_dma source(%arg10 : memref<784x16xf32, #tpu.memory_space<vmem>>) target(%dma_start3A_271 : memref<784x16xf32, #tpu.memory_space<hbm>>) target_semaphore(%run_scoped3A : memref<!tpu.dma_semaphore, #tpu.memory_space<semaphore_mem>>)
      %dma_wait3A = arith.constant 0 : i32
      %dma_wait3A_272 = tpu.memref_slice %arg5[%add3A_102, %dma_wait3A] : memref<401408x16xf32, #tpu.memory_space<hbm>> -> memref<784x16xf32, #tpu.memory_space<hbm>>
      %dma_wait3A_273 = arith.constant 0 : i32
      %dma_wait3A_274 = tpu.memref_slice %arg5[%add3A_102, %dma_wait3A_273] : memref<401408x16xf32, #tpu.memory_space<hbm>> -> memref<784x16xf32, #tpu.memory_space<hbm>>
      tpu.wait_dma2 semaphore(%run_scoped3A : memref<!tpu.dma_semaphore, #tpu.memory_space<semaphore_mem>>) src(%arg10 : memref<784x16xf32, #tpu.memory_space<vmem>>) dst(%dma_wait3A_274 : memref<784x16xf32, #tpu.memory_space<hbm>>)
      tpu.yield
    }) : () -> ()
    %mul3A_103 = arith.constant 6272 : i32
    %mul3A_104 = arith.muli %arg1, %mul3A_103 : i32
    %add3A_105 = arith.constant 3920 : i32
    %add3A_106 = arith.addi %mul3A_104, %add3A_105 : i32
    "tpu.region"() ({
      %run_scoped3A = tpu.sem_alloc : memref<!tpu.dma_semaphore, #tpu.memory_space<semaphore_mem>>
      %dma_start3A = arith.constant 0 : i32
      %dma_start3A_269 = tpu.memref_slice %arg11[%add3A_106, %dma_start3A] : memref<100352x16xf32, #tpu.memory_space<vmem_shared>> -> memref<784x16xf32, #tpu.memory_space<vmem_shared>>
      %dma_start3A_270 = arith.constant 0 : i32
      %dma_start3A_271 = tpu.memref_slice %arg11[%add3A_106, %dma_start3A_270] : memref<100352x16xf32, #tpu.memory_space<vmem_shared>> -> memref<784x16xf32, #tpu.memory_space<vmem_shared>>
      tpu.enqueue_dma source(%dma_start3A_271 : memref<784x16xf32, #tpu.memory_space<vmem_shared>>) target(%arg10 : memref<784x16xf32, #tpu.memory_space<vmem>>) target_semaphore(%run_scoped3A : memref<!tpu.dma_semaphore, #tpu.memory_space<semaphore_mem>>)
      %dma_wait3A = arith.constant 0 : i32
      %dma_wait3A_272 = tpu.memref_slice %arg11[%add3A_106, %dma_wait3A] : memref<100352x16xf32, #tpu.memory_space<vmem_shared>> -> memref<784x16xf32, #tpu.memory_space<vmem_shared>>
      %dma_wait3A_273 = arith.constant 0 : i32
      %dma_wait3A_274 = tpu.memref_slice %arg11[%add3A_106, %dma_wait3A_273] : memref<100352x16xf32, #tpu.memory_space<vmem_shared>> -> memref<784x16xf32, #tpu.memory_space<vmem_shared>>
      tpu.wait_dma2 semaphore(%run_scoped3A : memref<!tpu.dma_semaphore, #tpu.memory_space<semaphore_mem>>) src(%dma_wait3A_274 : memref<784x16xf32, #tpu.memory_space<vmem_shared>>) dst(%arg10 : memref<784x16xf32, #tpu.memory_space<vmem>>)
      tpu.yield
    }) : () -> ()
    %mul3A_107 = arith.constant 100352 : i32
    %mul3A_108 = arith.muli %add3A_6, %mul3A_107 : i32
    %mul3A_109 = arith.constant 6272 : i32
    %mul3A_110 = arith.muli %arg1, %mul3A_109 : i32
    %add3A_111 = arith.addi %mul3A_108, %mul3A_110 : i32
    %add3A_112 = arith.constant 3920 : i32
    %add3A_113 = arith.addi %add3A_111, %add3A_112 : i32
    "tpu.region"() ({
      %run_scoped3A = tpu.sem_alloc : memref<!tpu.dma_semaphore, #tpu.memory_space<semaphore_mem>>
      %dma_start3A = arith.constant 0 : i32
      %dma_start3A_269 = tpu.memref_slice %arg5[%add3A_113, %dma_start3A] : memref<401408x16xf32, #tpu.memory_space<hbm>> -> memref<784x16xf32, #tpu.memory_space<hbm>>
      %dma_start3A_270 = arith.constant 0 : i32
      %dma_start3A_271 = tpu.memref_slice %arg5[%add3A_113, %dma_start3A_270] : memref<401408x16xf32, #tpu.memory_space<hbm>> -> memref<784x16xf32, #tpu.memory_space<hbm>>
      tpu.enqueue_dma source(%arg10 : memref<784x16xf32, #tpu.memory_space<vmem>>) target(%dma_start3A_271 : memref<784x16xf32, #tpu.memory_space<hbm>>) target_semaphore(%run_scoped3A : memref<!tpu.dma_semaphore, #tpu.memory_space<semaphore_mem>>)
      %dma_wait3A = arith.constant 0 : i32
      %dma_wait3A_272 = tpu.memref_slice %arg5[%add3A_113, %dma_wait3A] : memref<401408x16xf32, #tpu.memory_space<hbm>> -> memref<784x16xf32, #tpu.memory_space<hbm>>
      %dma_wait3A_273 = arith.constant 0 : i32
      %dma_wait3A_274 = tpu.memref_slice %arg5[%add3A_113, %dma_wait3A_273] : memref<401408x16xf32, #tpu.memory_space<hbm>> -> memref<784x16xf32, #tpu.memory_space<hbm>>
      tpu.wait_dma2 semaphore(%run_scoped3A : memref<!tpu.dma_semaphore, #tpu.memory_space<semaphore_mem>>) src(%arg10 : memref<784x16xf32, #tpu.memory_space<vmem>>) dst(%dma_wait3A_274 : memref<784x16xf32, #tpu.memory_space<hbm>>)
      tpu.yield
    }) : () -> ()
    %mul3A_114 = arith.constant 6272 : i32
    %mul3A_115 = arith.muli %arg1, %mul3A_114 : i32
    %add3A_116 = arith.constant 4704 : i32
    %add3A_117 = arith.addi %mul3A_115, %add3A_116 : i32
    "tpu.region"() ({
      %run_scoped3A = tpu.sem_alloc : memref<!tpu.dma_semaphore, #tpu.memory_space<semaphore_mem>>
      %dma_start3A = arith.constant 0 : i32
      %dma_start3A_269 = tpu.memref_slice %arg11[%add3A_117, %dma_start3A] : memref<100352x16xf32, #tpu.memory_space<vmem_shared>> -> memref<784x16xf32, #tpu.memory_space<vmem_shared>>
      %dma_start3A_270 = arith.constant 0 : i32
      %dma_start3A_271 = tpu.memref_slice %arg11[%add3A_117, %dma_start3A_270] : memref<100352x16xf32, #tpu.memory_space<vmem_shared>> -> memref<784x16xf32, #tpu.memory_space<vmem_shared>>
      tpu.enqueue_dma source(%dma_start3A_271 : memref<784x16xf32, #tpu.memory_space<vmem_shared>>) target(%arg10 : memref<784x16xf32, #tpu.memory_space<vmem>>) target_semaphore(%run_scoped3A : memref<!tpu.dma_semaphore, #tpu.memory_space<semaphore_mem>>)
      %dma_wait3A = arith.constant 0 : i32
      %dma_wait3A_272 = tpu.memref_slice %arg11[%add3A_117, %dma_wait3A] : memref<100352x16xf32, #tpu.memory_space<vmem_shared>> -> memref<784x16xf32, #tpu.memory_space<vmem_shared>>
      %dma_wait3A_273 = arith.constant 0 : i32
      %dma_wait3A_274 = tpu.memref_slice %arg11[%add3A_117, %dma_wait3A_273] : memref<100352x16xf32, #tpu.memory_space<vmem_shared>> -> memref<784x16xf32, #tpu.memory_space<vmem_shared>>
      tpu.wait_dma2 semaphore(%run_scoped3A : memref<!tpu.dma_semaphore, #tpu.memory_space<semaphore_mem>>) src(%dma_wait3A_274 : memref<784x16xf32, #tpu.memory_space<vmem_shared>>) dst(%arg10 : memref<784x16xf32, #tpu.memory_space<vmem>>)
      tpu.yield
    }) : () -> ()
    %mul3A_118 = arith.constant 100352 : i32
    %mul3A_119 = arith.muli %add3A_6, %mul3A_118 : i32
    %mul3A_120 = arith.constant 6272 : i32
    %mul3A_121 = arith.muli %arg1, %mul3A_120 : i32
    %add3A_122 = arith.addi %mul3A_119, %mul3A_121 : i32
    %add3A_123 = arith.constant 4704 : i32
    %add3A_124 = arith.addi %add3A_122, %add3A_123 : i32
    "tpu.region"() ({
      %run_scoped3A = tpu.sem_alloc : memref<!tpu.dma_semaphore, #tpu.memory_space<semaphore_mem>>
      %dma_start3A = arith.constant 0 : i32
      %dma_start3A_269 = tpu.memref_slice %arg5[%add3A_124, %dma_start3A] : memref<401408x16xf32, #tpu.memory_space<hbm>> -> memref<784x16xf32, #tpu.memory_space<hbm>>
      %dma_start3A_270 = arith.constant 0 : i32
      %dma_start3A_271 = tpu.memref_slice %arg5[%add3A_124, %dma_start3A_270] : memref<401408x16xf32, #tpu.memory_space<hbm>> -> memref<784x16xf32, #tpu.memory_space<hbm>>
      tpu.enqueue_dma source(%arg10 : memref<784x16xf32, #tpu.memory_space<vmem>>) target(%dma_start3A_271 : memref<784x16xf32, #tpu.memory_space<hbm>>) target_semaphore(%run_scoped3A : memref<!tpu.dma_semaphore, #tpu.memory_space<semaphore_mem>>)
      %dma_wait3A = arith.constant 0 : i32
      %dma_wait3A_272 = tpu.memref_slice %arg5[%add3A_124, %dma_wait3A] : memref<401408x16xf32, #tpu.memory_space<hbm>> -> memref<784x16xf32, #tpu.memory_space<hbm>>
      %dma_wait3A_273 = arith.constant 0 : i32
      %dma_wait3A_274 = tpu.memref_slice %arg5[%add3A_124, %dma_wait3A_273] : memref<401408x16xf32, #tpu.memory_space<hbm>> -> memref<784x16xf32, #tpu.memory_space<hbm>>
      tpu.wait_dma2 semaphore(%run_scoped3A : memref<!tpu.dma_semaphore, #tpu.memory_space<semaphore_mem>>) src(%arg10 : memref<784x16xf32, #tpu.memory_space<vmem>>) dst(%dma_wait3A_274 : memref<784x16xf32, #tpu.memory_space<hbm>>)
      tpu.yield
    }) : () -> ()
    %mul3A_125 = arith.constant 6272 : i32
    %mul3A_126 = arith.muli %arg1, %mul3A_125 : i32
    %add3A_127 = arith.constant 5488 : i32
    %add3A_128 = arith.addi %mul3A_126, %add3A_127 : i32
    "tpu.region"() ({
      %run_scoped3A = tpu.sem_alloc : memref<!tpu.dma_semaphore, #tpu.memory_space<semaphore_mem>>
      %dma_start3A = arith.constant 0 : i32
      %dma_start3A_269 = tpu.memref_slice %arg11[%add3A_128, %dma_start3A] : memref<100352x16xf32, #tpu.memory_space<vmem_shared>> -> memref<784x16xf32, #tpu.memory_space<vmem_shared>>
      %dma_start3A_270 = arith.constant 0 : i32
      %dma_start3A_271 = tpu.memref_slice %arg11[%add3A_128, %dma_start3A_270] : memref<100352x16xf32, #tpu.memory_space<vmem_shared>> -> memref<784x16xf32, #tpu.memory_space<vmem_shared>>
      tpu.enqueue_dma source(%dma_start3A_271 : memref<784x16xf32, #tpu.memory_space<vmem_shared>>) target(%arg10 : memref<784x16xf32, #tpu.memory_space<vmem>>) target_semaphore(%run_scoped3A : memref<!tpu.dma_semaphore, #tpu.memory_space<semaphore_mem>>)
      %dma_wait3A = arith.constant 0 : i32
      %dma_wait3A_272 = tpu.memref_slice %arg11[%add3A_128, %dma_wait3A] : memref<100352x16xf32, #tpu.memory_space<vmem_shared>> -> memref<784x16xf32, #tpu.memory_space<vmem_shared>>
      %dma_wait3A_273 = arith.constant 0 : i32
      %dma_wait3A_274 = tpu.memref_slice %arg11[%add3A_128, %dma_wait3A_273] : memref<100352x16xf32, #tpu.memory_space<vmem_shared>> -> memref<784x16xf32, #tpu.memory_space<vmem_shared>>
      tpu.wait_dma2 semaphore(%run_scoped3A : memref<!tpu.dma_semaphore, #tpu.memory_space<semaphore_mem>>) src(%dma_wait3A_274 : memref<784x16xf32, #tpu.memory_space<vmem_shared>>) dst(%arg10 : memref<784x16xf32, #tpu.memory_space<vmem>>)
      tpu.yield
    }) : () -> ()
    %mul3A_129 = arith.constant 100352 : i32
    %mul3A_130 = arith.muli %add3A_6, %mul3A_129 : i32
    %mul3A_131 = arith.constant 6272 : i32
    %mul3A_132 = arith.muli %arg1, %mul3A_131 : i32
    %add3A_133 = arith.addi %mul3A_130, %mul3A_132 : i32
    %add3A_134 = arith.constant 5488 : i32
    %add3A_135 = arith.addi %add3A_133, %add3A_134 : i32
    "tpu.region"() ({
      %run_scoped3A = tpu.sem_alloc : memref<!tpu.dma_semaphore, #tpu.memory_space<semaphore_mem>>
      %dma_start3A = arith.constant 0 : i32
      %dma_start3A_269 = tpu.memref_slice %arg5[%add3A_135, %dma_start3A] : memref<401408x16xf32, #tpu.memory_space<hbm>> -> memref<784x16xf32, #tpu.memory_space<hbm>>
      %dma_start3A_270 = arith.constant 0 : i32
      %dma_start3A_271 = tpu.memref_slice %arg5[%add3A_135, %dma_start3A_270] : memref<401408x16xf32, #tpu.memory_space<hbm>> -> memref<784x16xf32, #tpu.memory_space<hbm>>
      tpu.enqueue_dma source(%arg10 : memref<784x16xf32, #tpu.memory_space<vmem>>) target(%dma_start3A_271 : memref<784x16xf32, #tpu.memory_space<hbm>>) target_semaphore(%run_scoped3A : memref<!tpu.dma_semaphore, #tpu.memory_space<semaphore_mem>>)
      %dma_wait3A = arith.constant 0 : i32
      %dma_wait3A_272 = tpu.memref_slice %arg5[%add3A_135, %dma_wait3A] : memref<401408x16xf32, #tpu.memory_space<hbm>> -> memref<784x16xf32, #tpu.memory_space<hbm>>
      %dma_wait3A_273 = arith.constant 0 : i32
      %dma_wait3A_274 = tpu.memref_slice %arg5[%add3A_135, %dma_wait3A_273] : memref<401408x16xf32, #tpu.memory_space<hbm>> -> memref<784x16xf32, #tpu.memory_space<hbm>>
      tpu.wait_dma2 semaphore(%run_scoped3A : memref<!tpu.dma_semaphore, #tpu.memory_space<semaphore_mem>>) src(%arg10 : memref<784x16xf32, #tpu.memory_space<vmem>>) dst(%dma_wait3A_274 : memref<784x16xf32, #tpu.memory_space<hbm>>)
      tpu.yield
    }) : () -> ()
    %barrier3A_136 = arith.constant 0 : index
    tpu.barrier barrier_id(%barrier3A_136)
    %add3A_137 = arith.constant 2 : i32
    %add3A_138 = arith.addi %arg0, %add3A_137 : i32
    %mul3A_139 = arith.constant 100352 : i32
    %mul3A_140 = arith.muli %add3A_138, %mul3A_139 : i32
    %mul3A_141 = arith.constant 6272 : i32
    %mul3A_142 = arith.muli %arg1, %mul3A_141 : i32
    %add3A_143 = arith.constant 0 : i32
    %add3A_144 = arith.addi %mul3A_142, %add3A_143 : i32
    "tpu.region"() ({
      %run_scoped3A = tpu.sem_alloc : memref<!tpu.dma_semaphore, #tpu.memory_space<semaphore_mem>>
      %dma_start3A = arith.constant 0 : i32
      %dma_start3A_269 = tpu.memref_slice %arg11[%add3A_144, %dma_start3A] : memref<100352x16xf32, #tpu.memory_space<vmem_shared>> -> memref<784x16xf32, #tpu.memory_space<vmem_shared>>
      %dma_start3A_270 = arith.constant 0 : i32
      %dma_start3A_271 = tpu.memref_slice %arg11[%add3A_144, %dma_start3A_270] : memref<100352x16xf32, #tpu.memory_space<vmem_shared>> -> memref<784x16xf32, #tpu.memory_space<vmem_shared>>
      tpu.enqueue_dma source(%arg9 : memref<784x16xf32, #tpu.memory_space<vmem>>) target(%dma_start3A_271 : memref<784x16xf32, #tpu.memory_space<vmem_shared>>) target_semaphore(%run_scoped3A : memref<!tpu.dma_semaphore, #tpu.memory_space<semaphore_mem>>)
      %dma_wait3A = arith.constant 0 : i32
      %dma_wait3A_272 = tpu.memref_slice %arg11[%add3A_144, %dma_wait3A] : memref<100352x16xf32, #tpu.memory_space<vmem_shared>> -> memref<784x16xf32, #tpu.memory_space<vmem_shared>>
      %dma_wait3A_273 = arith.constant 0 : i32
      %dma_wait3A_274 = tpu.memref_slice %arg11[%add3A_144, %dma_wait3A_273] : memref<100352x16xf32, #tpu.memory_space<vmem_shared>> -> memref<784x16xf32, #tpu.memory_space<vmem_shared>>
      tpu.wait_dma2 semaphore(%run_scoped3A : memref<!tpu.dma_semaphore, #tpu.memory_space<semaphore_mem>>) src(%arg9 : memref<784x16xf32, #tpu.memory_space<vmem>>) dst(%dma_wait3A_274 : memref<784x16xf32, #tpu.memory_space<vmem_shared>>)
      tpu.yield
    }) : () -> ()
    %mul3A_145 = arith.constant 6272 : i32
    %mul3A_146 = arith.muli %arg1, %mul3A_145 : i32
    %add3A_147 = arith.constant 784 : i32
    %add3A_148 = arith.addi %mul3A_146, %add3A_147 : i32
    "tpu.region"() ({
      %run_scoped3A = tpu.sem_alloc : memref<!tpu.dma_semaphore, #tpu.memory_space<semaphore_mem>>
      %dma_start3A = arith.constant 0 : i32
      %dma_start3A_269 = tpu.memref_slice %arg11[%add3A_148, %dma_start3A] : memref<100352x16xf32, #tpu.memory_space<vmem_shared>> -> memref<784x16xf32, #tpu.memory_space<vmem_shared>>
      %dma_start3A_270 = arith.constant 0 : i32
      %dma_start3A_271 = tpu.memref_slice %arg11[%add3A_148, %dma_start3A_270] : memref<100352x16xf32, #tpu.memory_space<vmem_shared>> -> memref<784x16xf32, #tpu.memory_space<vmem_shared>>
      tpu.enqueue_dma source(%arg9 : memref<784x16xf32, #tpu.memory_space<vmem>>) target(%dma_start3A_271 : memref<784x16xf32, #tpu.memory_space<vmem_shared>>) target_semaphore(%run_scoped3A : memref<!tpu.dma_semaphore, #tpu.memory_space<semaphore_mem>>)
      %dma_wait3A = arith.constant 0 : i32
      %dma_wait3A_272 = tpu.memref_slice %arg11[%add3A_148, %dma_wait3A] : memref<100352x16xf32, #tpu.memory_space<vmem_shared>> -> memref<784x16xf32, #tpu.memory_space<vmem_shared>>
      %dma_wait3A_273 = arith.constant 0 : i32
      %dma_wait3A_274 = tpu.memref_slice %arg11[%add3A_148, %dma_wait3A_273] : memref<100352x16xf32, #tpu.memory_space<vmem_shared>> -> memref<784x16xf32, #tpu.memory_space<vmem_shared>>
      tpu.wait_dma2 semaphore(%run_scoped3A : memref<!tpu.dma_semaphore, #tpu.memory_space<semaphore_mem>>) src(%arg9 : memref<784x16xf32, #tpu.memory_space<vmem>>) dst(%dma_wait3A_274 : memref<784x16xf32, #tpu.memory_space<vmem_shared>>)
      tpu.yield
    }) : () -> ()
    %mul3A_149 = arith.constant 6272 : i32
    %mul3A_150 = arith.muli %arg1, %mul3A_149 : i32
    %add3A_151 = arith.constant 1568 : i32
    %add3A_152 = arith.addi %mul3A_150, %add3A_151 : i32
    "tpu.region"() ({
      %run_scoped3A = tpu.sem_alloc : memref<!tpu.dma_semaphore, #tpu.memory_space<semaphore_mem>>
      %dma_start3A = arith.constant 0 : i32
      %dma_start3A_269 = tpu.memref_slice %arg11[%add3A_152, %dma_start3A] : memref<100352x16xf32, #tpu.memory_space<vmem_shared>> -> memref<784x16xf32, #tpu.memory_space<vmem_shared>>
      %dma_start3A_270 = arith.constant 0 : i32
      %dma_start3A_271 = tpu.memref_slice %arg11[%add3A_152, %dma_start3A_270] : memref<100352x16xf32, #tpu.memory_space<vmem_shared>> -> memref<784x16xf32, #tpu.memory_space<vmem_shared>>
      tpu.enqueue_dma source(%arg9 : memref<784x16xf32, #tpu.memory_space<vmem>>) target(%dma_start3A_271 : memref<784x16xf32, #tpu.memory_space<vmem_shared>>) target_semaphore(%run_scoped3A : memref<!tpu.dma_semaphore, #tpu.memory_space<semaphore_mem>>)
      %dma_wait3A = arith.constant 0 : i32
      %dma_wait3A_272 = tpu.memref_slice %arg11[%add3A_152, %dma_wait3A] : memref<100352x16xf32, #tpu.memory_space<vmem_shared>> -> memref<784x16xf32, #tpu.memory_space<vmem_shared>>
      %dma_wait3A_273 = arith.constant 0 : i32
      %dma_wait3A_274 = tpu.memref_slice %arg11[%add3A_152, %dma_wait3A_273] : memref<100352x16xf32, #tpu.memory_space<vmem_shared>> -> memref<784x16xf32, #tpu.memory_space<vmem_shared>>
      tpu.wait_dma2 semaphore(%run_scoped3A : memref<!tpu.dma_semaphore, #tpu.memory_space<semaphore_mem>>) src(%arg9 : memref<784x16xf32, #tpu.memory_space<vmem>>) dst(%dma_wait3A_274 : memref<784x16xf32, #tpu.memory_space<vmem_shared>>)
      tpu.yield
    }) : () -> ()
    %mul3A_153 = arith.constant 6272 : i32
    %mul3A_154 = arith.muli %arg1, %mul3A_153 : i32
    %add3A_155 = arith.constant 2352 : i32
    %add3A_156 = arith.addi %mul3A_154, %add3A_155 : i32
    "tpu.region"() ({
      %run_scoped3A = tpu.sem_alloc : memref<!tpu.dma_semaphore, #tpu.memory_space<semaphore_mem>>
      %dma_start3A = arith.constant 0 : i32
      %dma_start3A_269 = tpu.memref_slice %arg11[%add3A_156, %dma_start3A] : memref<100352x16xf32, #tpu.memory_space<vmem_shared>> -> memref<784x16xf32, #tpu.memory_space<vmem_shared>>
      %dma_start3A_270 = arith.constant 0 : i32
      %dma_start3A_271 = tpu.memref_slice %arg11[%add3A_156, %dma_start3A_270] : memref<100352x16xf32, #tpu.memory_space<vmem_shared>> -> memref<784x16xf32, #tpu.memory_space<vmem_shared>>
      tpu.enqueue_dma source(%arg9 : memref<784x16xf32, #tpu.memory_space<vmem>>) target(%dma_start3A_271 : memref<784x16xf32, #tpu.memory_space<vmem_shared>>) target_semaphore(%run_scoped3A : memref<!tpu.dma_semaphore, #tpu.memory_space<semaphore_mem>>)
      %dma_wait3A = arith.constant 0 : i32
      %dma_wait3A_272 = tpu.memref_slice %arg11[%add3A_156, %dma_wait3A] : memref<100352x16xf32, #tpu.memory_space<vmem_shared>> -> memref<784x16xf32, #tpu.memory_space<vmem_shared>>
      %dma_wait3A_273 = arith.constant 0 : i32
      %dma_wait3A_274 = tpu.memref_slice %arg11[%add3A_156, %dma_wait3A_273] : memref<100352x16xf32, #tpu.memory_space<vmem_shared>> -> memref<784x16xf32, #tpu.memory_space<vmem_shared>>
      tpu.wait_dma2 semaphore(%run_scoped3A : memref<!tpu.dma_semaphore, #tpu.memory_space<semaphore_mem>>) src(%arg9 : memref<784x16xf32, #tpu.memory_space<vmem>>) dst(%dma_wait3A_274 : memref<784x16xf32, #tpu.memory_space<vmem_shared>>)
      tpu.yield
    }) : () -> ()
    %mul3A_157 = arith.constant 6272 : i32
    %mul3A_158 = arith.muli %arg1, %mul3A_157 : i32
    %add3A_159 = arith.constant 3136 : i32
    %add3A_160 = arith.addi %mul3A_158, %add3A_159 : i32
    "tpu.region"() ({
      %run_scoped3A = tpu.sem_alloc : memref<!tpu.dma_semaphore, #tpu.memory_space<semaphore_mem>>
      %dma_start3A = arith.constant 0 : i32
      %dma_start3A_269 = tpu.memref_slice %arg11[%add3A_160, %dma_start3A] : memref<100352x16xf32, #tpu.memory_space<vmem_shared>> -> memref<784x16xf32, #tpu.memory_space<vmem_shared>>
      %dma_start3A_270 = arith.constant 0 : i32
      %dma_start3A_271 = tpu.memref_slice %arg11[%add3A_160, %dma_start3A_270] : memref<100352x16xf32, #tpu.memory_space<vmem_shared>> -> memref<784x16xf32, #tpu.memory_space<vmem_shared>>
      tpu.enqueue_dma source(%arg9 : memref<784x16xf32, #tpu.memory_space<vmem>>) target(%dma_start3A_271 : memref<784x16xf32, #tpu.memory_space<vmem_shared>>) target_semaphore(%run_scoped3A : memref<!tpu.dma_semaphore, #tpu.memory_space<semaphore_mem>>)
      %dma_wait3A = arith.constant 0 : i32
      %dma_wait3A_272 = tpu.memref_slice %arg11[%add3A_160, %dma_wait3A] : memref<100352x16xf32, #tpu.memory_space<vmem_shared>> -> memref<784x16xf32, #tpu.memory_space<vmem_shared>>
      %dma_wait3A_273 = arith.constant 0 : i32
      %dma_wait3A_274 = tpu.memref_slice %arg11[%add3A_160, %dma_wait3A_273] : memref<100352x16xf32, #tpu.memory_space<vmem_shared>> -> memref<784x16xf32, #tpu.memory_space<vmem_shared>>
      tpu.wait_dma2 semaphore(%run_scoped3A : memref<!tpu.dma_semaphore, #tpu.memory_space<semaphore_mem>>) src(%arg9 : memref<784x16xf32, #tpu.memory_space<vmem>>) dst(%dma_wait3A_274 : memref<784x16xf32, #tpu.memory_space<vmem_shared>>)
      tpu.yield
    }) : () -> ()
    %mul3A_161 = arith.constant 6272 : i32
    %mul3A_162 = arith.muli %arg1, %mul3A_161 : i32
    %add3A_163 = arith.constant 3920 : i32
    %add3A_164 = arith.addi %mul3A_162, %add3A_163 : i32
    "tpu.region"() ({
      %run_scoped3A = tpu.sem_alloc : memref<!tpu.dma_semaphore, #tpu.memory_space<semaphore_mem>>
      %dma_start3A = arith.constant 0 : i32
      %dma_start3A_269 = tpu.memref_slice %arg11[%add3A_164, %dma_start3A] : memref<100352x16xf32, #tpu.memory_space<vmem_shared>> -> memref<784x16xf32, #tpu.memory_space<vmem_shared>>
      %dma_start3A_270 = arith.constant 0 : i32
      %dma_start3A_271 = tpu.memref_slice %arg11[%add3A_164, %dma_start3A_270] : memref<100352x16xf32, #tpu.memory_space<vmem_shared>> -> memref<784x16xf32, #tpu.memory_space<vmem_shared>>
      tpu.enqueue_dma source(%arg9 : memref<784x16xf32, #tpu.memory_space<vmem>>) target(%dma_start3A_271 : memref<784x16xf32, #tpu.memory_space<vmem_shared>>) target_semaphore(%run_scoped3A : memref<!tpu.dma_semaphore, #tpu.memory_space<semaphore_mem>>)
      %dma_wait3A = arith.constant 0 : i32
      %dma_wait3A_272 = tpu.memref_slice %arg11[%add3A_164, %dma_wait3A] : memref<100352x16xf32, #tpu.memory_space<vmem_shared>> -> memref<784x16xf32, #tpu.memory_space<vmem_shared>>
      %dma_wait3A_273 = arith.constant 0 : i32
      %dma_wait3A_274 = tpu.memref_slice %arg11[%add3A_164, %dma_wait3A_273] : memref<100352x16xf32, #tpu.memory_space<vmem_shared>> -> memref<784x16xf32, #tpu.memory_space<vmem_shared>>
      tpu.wait_dma2 semaphore(%run_scoped3A : memref<!tpu.dma_semaphore, #tpu.memory_space<semaphore_mem>>) src(%arg9 : memref<784x16xf32, #tpu.memory_space<vmem>>) dst(%dma_wait3A_274 : memref<784x16xf32, #tpu.memory_space<vmem_shared>>)
      tpu.yield
    }) : () -> ()
    %mul3A_165 = arith.constant 6272 : i32
    %mul3A_166 = arith.muli %arg1, %mul3A_165 : i32
    %add3A_167 = arith.constant 4704 : i32
    %add3A_168 = arith.addi %mul3A_166, %add3A_167 : i32
    "tpu.region"() ({
      %run_scoped3A = tpu.sem_alloc : memref<!tpu.dma_semaphore, #tpu.memory_space<semaphore_mem>>
      %dma_start3A = arith.constant 0 : i32
      %dma_start3A_269 = tpu.memref_slice %arg11[%add3A_168, %dma_start3A] : memref<100352x16xf32, #tpu.memory_space<vmem_shared>> -> memref<784x16xf32, #tpu.memory_space<vmem_shared>>
      %dma_start3A_270 = arith.constant 0 : i32
      %dma_start3A_271 = tpu.memref_slice %arg11[%add3A_168, %dma_start3A_270] : memref<100352x16xf32, #tpu.memory_space<vmem_shared>> -> memref<784x16xf32, #tpu.memory_space<vmem_shared>>
      tpu.enqueue_dma source(%arg9 : memref<784x16xf32, #tpu.memory_space<vmem>>) target(%dma_start3A_271 : memref<784x16xf32, #tpu.memory_space<vmem_shared>>) target_semaphore(%run_scoped3A : memref<!tpu.dma_semaphore, #tpu.memory_space<semaphore_mem>>)
      %dma_wait3A = arith.constant 0 : i32
      %dma_wait3A_272 = tpu.memref_slice %arg11[%add3A_168, %dma_wait3A] : memref<100352x16xf32, #tpu.memory_space<vmem_shared>> -> memref<784x16xf32, #tpu.memory_space<vmem_shared>>
      %dma_wait3A_273 = arith.constant 0 : i32
      %dma_wait3A_274 = tpu.memref_slice %arg11[%add3A_168, %dma_wait3A_273] : memref<100352x16xf32, #tpu.memory_space<vmem_shared>> -> memref<784x16xf32, #tpu.memory_space<vmem_shared>>
      tpu.wait_dma2 semaphore(%run_scoped3A : memref<!tpu.dma_semaphore, #tpu.memory_space<semaphore_mem>>) src(%arg9 : memref<784x16xf32, #tpu.memory_space<vmem>>) dst(%dma_wait3A_274 : memref<784x16xf32, #tpu.memory_space<vmem_shared>>)
      tpu.yield
    }) : () -> ()
    %mul3A_169 = arith.constant 6272 : i32
    %mul3A_170 = arith.muli %arg1, %mul3A_169 : i32
    %add3A_171 = arith.constant 5488 : i32
    %add3A_172 = arith.addi %mul3A_170, %add3A_171 : i32
    "tpu.region"() ({
      %run_scoped3A = tpu.sem_alloc : memref<!tpu.dma_semaphore, #tpu.memory_space<semaphore_mem>>
      %dma_start3A = arith.constant 0 : i32
      %dma_start3A_269 = tpu.memref_slice %arg11[%add3A_172, %dma_start3A] : memref<100352x16xf32, #tpu.memory_space<vmem_shared>> -> memref<784x16xf32, #tpu.memory_space<vmem_shared>>
      %dma_start3A_270 = arith.constant 0 : i32
      %dma_start3A_271 = tpu.memref_slice %arg11[%add3A_172, %dma_start3A_270] : memref<100352x16xf32, #tpu.memory_space<vmem_shared>> -> memref<784x16xf32, #tpu.memory_space<vmem_shared>>
      tpu.enqueue_dma source(%arg9 : memref<784x16xf32, #tpu.memory_space<vmem>>) target(%dma_start3A_271 : memref<784x16xf32, #tpu.memory_space<vmem_shared>>) target_semaphore(%run_scoped3A : memref<!tpu.dma_semaphore, #tpu.memory_space<semaphore_mem>>)
      %dma_wait3A = arith.constant 0 : i32
      %dma_wait3A_272 = tpu.memref_slice %arg11[%add3A_172, %dma_wait3A] : memref<100352x16xf32, #tpu.memory_space<vmem_shared>> -> memref<784x16xf32, #tpu.memory_space<vmem_shared>>
      %dma_wait3A_273 = arith.constant 0 : i32
      %dma_wait3A_274 = tpu.memref_slice %arg11[%add3A_172, %dma_wait3A_273] : memref<100352x16xf32, #tpu.memory_space<vmem_shared>> -> memref<784x16xf32, #tpu.memory_space<vmem_shared>>
      tpu.wait_dma2 semaphore(%run_scoped3A : memref<!tpu.dma_semaphore, #tpu.memory_space<semaphore_mem>>) src(%arg9 : memref<784x16xf32, #tpu.memory_space<vmem>>) dst(%dma_wait3A_274 : memref<784x16xf32, #tpu.memory_space<vmem_shared>>)
      tpu.yield
    }) : () -> ()
    %barrier3A_173 = arith.constant 0 : index
    tpu.barrier barrier_id(%barrier3A_173)
    %scan3A_174 = arith.constant 0 : i32
    %scan3A_175 = arith.constant 0 : i32
    %scan3A_176 = arith.constant 782 : i32
    %scan3A_177 = arith.addi %scan3A_175, %scan3A_176 : i32
    %scan3A_178 = arith.constant 1 : i32
    scf.for %scan3A_269 = %scan3A_175 to %scan3A_177 step %scan3A_178  : i32 {
      %mul3A_270 = arith.constant 128 : i32
      %mul3A_271 = arith.muli %scan3A_269, %mul3A_270 : i32
      %add3A_272 = arith.addi %mul3A_0, %mul3A_271 : i32
      "tpu.region"() ({
        %run_scoped3A = tpu.sem_alloc : memref<!tpu.dma_semaphore, #tpu.memory_space<semaphore_mem>>
        %dma_start3A_347 = tpu.memref_slice %arg3[%add3A_272] : memref<1601536xi32, #tpu.memory_space<hbm>> -> memref<128xi32, #tpu.memory_space<hbm>>
        %dma_start3A_348 = tpu.memref_slice %arg3[%add3A_272] : memref<1601536xi32, #tpu.memory_space<hbm>> -> memref<128xi32, #tpu.memory_space<hbm>>
        tpu.enqueue_dma source(%dma_start3A_348 : memref<128xi32, #tpu.memory_space<hbm>>) target(%arg6 : memref<128xi32, #tpu.memory_space<vmem>>) target_semaphore(%run_scoped3A : memref<!tpu.dma_semaphore, #tpu.memory_space<semaphore_mem>>)
        %dma_wait3A_349 = tpu.memref_slice %arg3[%add3A_272] : memref<1601536xi32, #tpu.memory_space<hbm>> -> memref<128xi32, #tpu.memory_space<hbm>>
        %dma_wait3A_350 = tpu.memref_slice %arg3[%add3A_272] : memref<1601536xi32, #tpu.memory_space<hbm>> -> memref<128xi32, #tpu.memory_space<hbm>>
        tpu.wait_dma2 semaphore(%run_scoped3A : memref<!tpu.dma_semaphore, #tpu.memory_space<semaphore_mem>>) src(%dma_wait3A_350 : memref<128xi32, #tpu.memory_space<hbm>>) dst(%arg6 : memref<128xi32, #tpu.memory_space<vmem>>)
        tpu.yield
      }) : () -> ()
      "tpu.region"() ({
        %run_scoped3A = tpu.sem_alloc : memref<!tpu.dma_semaphore, #tpu.memory_space<semaphore_mem>>
        %dma_start3A_347 = tpu.memref_slice %arg4[%add3A_272] : memref<1601536xi32, #tpu.memory_space<hbm>> -> memref<128xi32, #tpu.memory_space<hbm>>
        %dma_start3A_348 = tpu.memref_slice %arg4[%add3A_272] : memref<1601536xi32, #tpu.memory_space<hbm>> -> memref<128xi32, #tpu.memory_space<hbm>>
        tpu.enqueue_dma source(%dma_start3A_348 : memref<128xi32, #tpu.memory_space<hbm>>) target(%arg7 : memref<128xi32, #tpu.memory_space<vmem>>) target_semaphore(%run_scoped3A : memref<!tpu.dma_semaphore, #tpu.memory_space<semaphore_mem>>)
        %dma_wait3A_349 = tpu.memref_slice %arg4[%add3A_272] : memref<1601536xi32, #tpu.memory_space<hbm>> -> memref<128xi32, #tpu.memory_space<hbm>>
        %dma_wait3A_350 = tpu.memref_slice %arg4[%add3A_272] : memref<1601536xi32, #tpu.memory_space<hbm>> -> memref<128xi32, #tpu.memory_space<hbm>>
        tpu.wait_dma2 semaphore(%run_scoped3A : memref<!tpu.dma_semaphore, #tpu.memory_space<semaphore_mem>>) src(%dma_wait3A_350 : memref<128xi32, #tpu.memory_space<hbm>>) dst(%arg7 : memref<128xi32, #tpu.memory_space<vmem>>)
        tpu.yield
      }) : () -> ()
      %get3A = arith.constant 0 : index
      %get3A_273 = tpu.vector_load %arg6[%get3A] {strides = array<i32>} : memref<128xi32, #tpu.memory_space<vmem>>, vector<16xi32>,
      %get3A_274 = vector.shape_cast %get3A_273 : vector<16xi32> to vector<16xi32>
      %add3A_275 = vector.broadcast %mul3A_140 : i32 to vector<16xi32>
      %add3A_276 = arith.addi %get3A_274, %add3A_275 : vector<16xi32>
      %swap3A = arith.constant 0 : index
      %swap3A_277 = tpu.vector_load %arg6[%swap3A] {strides = array<i32>} : memref<128xi32, #tpu.memory_space<vmem>>, vector<16xi32>,
      %swap3A_278 = vector.shape_cast %swap3A_277 : vector<16xi32> to vector<16xi32>
      %swap3A_279 = vector.shape_cast %add3A_276 : vector<16xi32> to vector<16xi32>
      tpu.vector_store %arg6[%swap3A], %swap3A_279 {strides = array<i32>} : memref<128xi32, #tpu.memory_space<vmem>>, vector<16xi32>,
      %get3A_280 = arith.constant 16 : index
      %get3A_281 = tpu.vector_load %arg6[%get3A_280] {strides = array<i32>} : memref<128xi32, #tpu.memory_space<vmem>>, vector<16xi32>,
      %get3A_282 = vector.shape_cast %get3A_281 : vector<16xi32> to vector<16xi32>
      %add3A_283 = vector.broadcast %mul3A_140 : i32 to vector<16xi32>
      %add3A_284 = arith.addi %get3A_282, %add3A_283 : vector<16xi32>
      %swap3A_285 = arith.constant 16 : index
      %swap3A_286 = tpu.vector_load %arg6[%swap3A_285] {strides = array<i32>} : memref<128xi32, #tpu.memory_space<vmem>>, vector<16xi32>,
      %swap3A_287 = vector.shape_cast %swap3A_286 : vector<16xi32> to vector<16xi32>
      %swap3A_288 = vector.shape_cast %add3A_284 : vector<16xi32> to vector<16xi32>
      tpu.vector_store %arg6[%swap3A_285], %swap3A_288 {strides = array<i32>} : memref<128xi32, #tpu.memory_space<vmem>>, vector<16xi32>,
      %get3A_289 = arith.constant 32 : index
      %get3A_290 = tpu.vector_load %arg6[%get3A_289] {strides = array<i32>} : memref<128xi32, #tpu.memory_space<vmem>>, vector<16xi32>,
      %get3A_291 = vector.shape_cast %get3A_290 : vector<16xi32> to vector<16xi32>
      %add3A_292 = vector.broadcast %mul3A_140 : i32 to vector<16xi32>
      %add3A_293 = arith.addi %get3A_291, %add3A_292 : vector<16xi32>
      %swap3A_294 = arith.constant 32 : index
      %swap3A_295 = tpu.vector_load %arg6[%swap3A_294] {strides = array<i32>} : memref<128xi32, #tpu.memory_space<vmem>>, vector<16xi32>,
      %swap3A_296 = vector.shape_cast %swap3A_295 : vector<16xi32> to vector<16xi32>
      %swap3A_297 = vector.shape_cast %add3A_293 : vector<16xi32> to vector<16xi32>
      tpu.vector_store %arg6[%swap3A_294], %swap3A_297 {strides = array<i32>} : memref<128xi32, #tpu.memory_space<vmem>>, vector<16xi32>,
      %get3A_298 = arith.constant 48 : index
      %get3A_299 = tpu.vector_load %arg6[%get3A_298] {strides = array<i32>} : memref<128xi32, #tpu.memory_space<vmem>>, vector<16xi32>,
      %get3A_300 = vector.shape_cast %get3A_299 : vector<16xi32> to vector<16xi32>
      %add3A_301 = vector.broadcast %mul3A_140 : i32 to vector<16xi32>
      %add3A_302 = arith.addi %get3A_300, %add3A_301 : vector<16xi32>
      %swap3A_303 = arith.constant 48 : index
      %swap3A_304 = tpu.vector_load %arg6[%swap3A_303] {strides = array<i32>} : memref<128xi32, #tpu.memory_space<vmem>>, vector<16xi32>,
      %swap3A_305 = vector.shape_cast %swap3A_304 : vector<16xi32> to vector<16xi32>
      %swap3A_306 = vector.shape_cast %add3A_302 : vector<16xi32> to vector<16xi32>
      tpu.vector_store %arg6[%swap3A_303], %swap3A_306 {strides = array<i32>} : memref<128xi32, #tpu.memory_space<vmem>>, vector<16xi32>,
      %get3A_307 = arith.constant 64 : index
      %get3A_308 = tpu.vector_load %arg6[%get3A_307] {strides = array<i32>} : memref<128xi32, #tpu.memory_space<vmem>>, vector<16xi32>,
      %get3A_309 = vector.shape_cast %get3A_308 : vector<16xi32> to vector<16xi32>
      %add3A_310 = vector.broadcast %mul3A_140 : i32 to vector<16xi32>
      %add3A_311 = arith.addi %get3A_309, %add3A_310 : vector<16xi32>
      %swap3A_312 = arith.constant 64 : index
      %swap3A_313 = tpu.vector_load %arg6[%swap3A_312] {strides = array<i32>} : memref<128xi32, #tpu.memory_space<vmem>>, vector<16xi32>,
      %swap3A_314 = vector.shape_cast %swap3A_313 : vector<16xi32> to vector<16xi32>
      %swap3A_315 = vector.shape_cast %add3A_311 : vector<16xi32> to vector<16xi32>
      tpu.vector_store %arg6[%swap3A_312], %swap3A_315 {strides = array<i32>} : memref<128xi32, #tpu.memory_space<vmem>>, vector<16xi32>,
      %get3A_316 = arith.constant 80 : index
      %get3A_317 = tpu.vector_load %arg6[%get3A_316] {strides = array<i32>} : memref<128xi32, #tpu.memory_space<vmem>>, vector<16xi32>,
      %get3A_318 = vector.shape_cast %get3A_317 : vector<16xi32> to vector<16xi32>
      %add3A_319 = vector.broadcast %mul3A_140 : i32 to vector<16xi32>
      %add3A_320 = arith.addi %get3A_318, %add3A_319 : vector<16xi32>
      %swap3A_321 = arith.constant 80 : index
      %swap3A_322 = tpu.vector_load %arg6[%swap3A_321] {strides = array<i32>} : memref<128xi32, #tpu.memory_space<vmem>>, vector<16xi32>,
      %swap3A_323 = vector.shape_cast %swap3A_322 : vector<16xi32> to vector<16xi32>
      %swap3A_324 = vector.shape_cast %add3A_320 : vector<16xi32> to vector<16xi32>
      tpu.vector_store %arg6[%swap3A_321], %swap3A_324 {strides = array<i32>} : memref<128xi32, #tpu.memory_space<vmem>>, vector<16xi32>,
      %get3A_325 = arith.constant 96 : index
      %get3A_326 = tpu.vector_load %arg6[%get3A_325] {strides = array<i32>} : memref<128xi32, #tpu.memory_space<vmem>>, vector<16xi32>,
      %get3A_327 = vector.shape_cast %get3A_326 : vector<16xi32> to vector<16xi32>
      %add3A_328 = vector.broadcast %mul3A_140 : i32 to vector<16xi32>
      %add3A_329 = arith.addi %get3A_327, %add3A_328 : vector<16xi32>
      %swap3A_330 = arith.constant 96 : index
      %swap3A_331 = tpu.vector_load %arg6[%swap3A_330] {strides = array<i32>} : memref<128xi32, #tpu.memory_space<vmem>>, vector<16xi32>,
      %swap3A_332 = vector.shape_cast %swap3A_331 : vector<16xi32> to vector<16xi32>
      %swap3A_333 = vector.shape_cast %add3A_329 : vector<16xi32> to vector<16xi32>
      tpu.vector_store %arg6[%swap3A_330], %swap3A_333 {strides = array<i32>} : memref<128xi32, #tpu.memory_space<vmem>>, vector<16xi32>,
      %get3A_334 = arith.constant 112 : index
      %get3A_335 = tpu.vector_load %arg6[%get3A_334] {strides = array<i32>} : memref<128xi32, #tpu.memory_space<vmem>>, vector<16xi32>,
      %get3A_336 = vector.shape_cast %get3A_335 : vector<16xi32> to vector<16xi32>
      %add3A_337 = vector.broadcast %mul3A_140 : i32 to vector<16xi32>
      %add3A_338 = arith.addi %get3A_336, %add3A_337 : vector<16xi32>
      %swap3A_339 = arith.constant 112 : index
      %swap3A_340 = tpu.vector_load %arg6[%swap3A_339] {strides = array<i32>} : memref<128xi32, #tpu.memory_space<vmem>>, vector<16xi32>,
      %swap3A_341 = vector.shape_cast %swap3A_340 : vector<16xi32> to vector<16xi32>
      %swap3A_342 = vector.shape_cast %add3A_338 : vector<16xi32> to vector<16xi32>
      tpu.vector_store %arg6[%swap3A_339], %swap3A_342 {strides = array<i32>} : memref<128xi32, #tpu.memory_space<vmem>>, vector<16xi32>,
      %dma_start3A = arith.constant 0 : i32
      %dma_start3A_343 = arith.constant 0 : i32
      %dma_start3A_344 = tpu.memref_slice %arg2[%dma_start3A, %dma_start3A_343] : memref<401408x16xf32, #tpu.memory_space<hbm>> -> memref<401408x16xf32, #tpu.memory_space<hbm>>
      tpu.enqueue_indirect_dma source(%dma_start3A_344 : memref<401408x16xf32, #tpu.memory_space<hbm>>) target(%arg8 : memref<128x16xf32, #tpu.memory_space<vmem>>) offsets(%arg6 : memref<128xi32, #tpu.memory_space<vmem>>) semaphore(%arg12 : memref<!tpu.dma_semaphore, #tpu.memory_space<semaphore_mem>>)
      %dma_wait3A = arith.constant 0 : i32
      %dma_wait3A_345 = arith.constant 0 : i32
      %dma_wait3A_346 = tpu.memref_slice %arg2[%dma_wait3A, %dma_wait3A_345] : memref<401408x16xf32, #tpu.memory_space<hbm>> -> memref<401408x16xf32, #tpu.memory_space<hbm>>
      tpu.wait_indirect_dma semaphore(%arg12 : memref<!tpu.dma_semaphore, #tpu.memory_space<semaphore_mem>>) src(%dma_wait3A_346 : memref<401408x16xf32, #tpu.memory_space<hbm>>) dst(%arg8 : memref<128x16xf32, #tpu.memory_space<vmem>>)
      "tpu.region"() ({
        %run_scoped3A = tpu.sem_alloc : memref<!tpu.dma_semaphore, #tpu.memory_space<semaphore_mem>>
        %dma_start3A_347 = arith.constant 0 : i32
        %dma_start3A_348 = arith.constant 0 : i32
        %dma_start3A_349 = tpu.memref_slice %arg11[%dma_start3A_347, %dma_start3A_348] : memref<100352x16xf32, #tpu.memory_space<vmem_shared>> -> memref<100352x16xf32, #tpu.memory_space<vmem_shared>>
        tpu.enqueue_indirect_dma source(%arg8 : memref<128x16xf32, #tpu.memory_space<vmem>>) target(%dma_start3A_349 : memref<100352x16xf32, #tpu.memory_space<vmem_shared>>) offsets(%arg7 : memref<128xi32, #tpu.memory_space<vmem>>) semaphore(%run_scoped3A : memref<!tpu.dma_semaphore, #tpu.memory_space<semaphore_mem>>) {add = true}
        %dma_wait3A_350 = arith.constant 0 : i32
        %dma_wait3A_351 = arith.constant 0 : i32
        %dma_wait3A_352 = tpu.memref_slice %arg11[%dma_wait3A_350, %dma_wait3A_351] : memref<100352x16xf32, #tpu.memory_space<vmem_shared>> -> memref<100352x16xf32, #tpu.memory_space<vmem_shared>>
        tpu.wait_indirect_dma semaphore(%run_scoped3A : memref<!tpu.dma_semaphore, #tpu.memory_space<semaphore_mem>>) src(%arg8 : memref<128x16xf32, #tpu.memory_space<vmem>>) dst(%dma_wait3A_352 : memref<100352x16xf32, #tpu.memory_space<vmem_shared>>)
        tpu.yield
      }) : () -> ()
    }
    %scan3A_179 = arith.constant 782 : i32
    %barrier3A_180 = arith.constant 0 : index
    tpu.barrier barrier_id(%barrier3A_180)
    %mul3A_181 = arith.constant 6272 : i32
    %mul3A_182 = arith.muli %arg1, %mul3A_181 : i32
    %add3A_183 = arith.constant 0 : i32
    %add3A_184 = arith.addi %mul3A_182, %add3A_183 : i32
    "tpu.region"() ({
      %run_scoped3A = tpu.sem_alloc : memref<!tpu.dma_semaphore, #tpu.memory_space<semaphore_mem>>
      %dma_start3A = arith.constant 0 : i32
      %dma_start3A_269 = tpu.memref_slice %arg11[%add3A_184, %dma_start3A] : memref<100352x16xf32, #tpu.memory_space<vmem_shared>> -> memref<784x16xf32, #tpu.memory_space<vmem_shared>>
      %dma_start3A_270 = arith.constant 0 : i32
      %dma_start3A_271 = tpu.memref_slice %arg11[%add3A_184, %dma_start3A_270] : memref<100352x16xf32, #tpu.memory_space<vmem_shared>> -> memref<784x16xf32, #tpu.memory_space<vmem_shared>>
      tpu.enqueue_dma source(%dma_start3A_271 : memref<784x16xf32, #tpu.memory_space<vmem_shared>>) target(%arg10 : memref<784x16xf32, #tpu.memory_space<vmem>>) target_semaphore(%run_scoped3A : memref<!tpu.dma_semaphore, #tpu.memory_space<semaphore_mem>>)
      %dma_wait3A = arith.constant 0 : i32
      %dma_wait3A_272 = tpu.memref_slice %arg11[%add3A_184, %dma_wait3A] : memref<100352x16xf32, #tpu.memory_space<vmem_shared>> -> memref<784x16xf32, #tpu.memory_space<vmem_shared>>
      %dma_wait3A_273 = arith.constant 0 : i32
      %dma_wait3A_274 = tpu.memref_slice %arg11[%add3A_184, %dma_wait3A_273] : memref<100352x16xf32, #tpu.memory_space<vmem_shared>> -> memref<784x16xf32, #tpu.memory_space<vmem_shared>>
      tpu.wait_dma2 semaphore(%run_scoped3A : memref<!tpu.dma_semaphore, #tpu.memory_space<semaphore_mem>>) src(%dma_wait3A_274 : memref<784x16xf32, #tpu.memory_space<vmem_shared>>) dst(%arg10 : memref<784x16xf32, #tpu.memory_space<vmem>>)
      tpu.yield
    }) : () -> ()
    %mul3A_185 = arith.constant 100352 : i32
    %mul3A_186 = arith.muli %add3A_138, %mul3A_185 : i32
    %mul3A_187 = arith.constant 6272 : i32
    %mul3A_188 = arith.muli %arg1, %mul3A_187 : i32
    %add3A_189 = arith.addi %mul3A_186, %mul3A_188 : i32
    %add3A_190 = arith.constant 0 : i32
    %add3A_191 = arith.addi %add3A_189, %add3A_190 : i32
    "tpu.region"() ({
      %run_scoped3A = tpu.sem_alloc : memref<!tpu.dma_semaphore, #tpu.memory_space<semaphore_mem>>
      %dma_start3A = arith.constant 0 : i32
      %dma_start3A_269 = tpu.memref_slice %arg5[%add3A_191, %dma_start3A] : memref<401408x16xf32, #tpu.memory_space<hbm>> -> memref<784x16xf32, #tpu.memory_space<hbm>>
      %dma_start3A_270 = arith.constant 0 : i32
      %dma_start3A_271 = tpu.memref_slice %arg5[%add3A_191, %dma_start3A_270] : memref<401408x16xf32, #tpu.memory_space<hbm>> -> memref<784x16xf32, #tpu.memory_space<hbm>>
      tpu.enqueue_dma source(%arg10 : memref<784x16xf32, #tpu.memory_space<vmem>>) target(%dma_start3A_271 : memref<784x16xf32, #tpu.memory_space<hbm>>) target_semaphore(%run_scoped3A : memref<!tpu.dma_semaphore, #tpu.memory_space<semaphore_mem>>)
      %dma_wait3A = arith.constant 0 : i32
      %dma_wait3A_272 = tpu.memref_slice %arg5[%add3A_191, %dma_wait3A] : memref<401408x16xf32, #tpu.memory_space<hbm>> -> memref<784x16xf32, #tpu.memory_space<hbm>>
      %dma_wait3A_273 = arith.constant 0 : i32
      %dma_wait3A_274 = tpu.memref_slice %arg5[%add3A_191, %dma_wait3A_273] : memref<401408x16xf32, #tpu.memory_space<hbm>> -> memref<784x16xf32, #tpu.memory_space<hbm>>
      tpu.wait_dma2 semaphore(%run_scoped3A : memref<!tpu.dma_semaphore, #tpu.memory_space<semaphore_mem>>) src(%arg10 : memref<784x16xf32, #tpu.memory_space<vmem>>) dst(%dma_wait3A_274 : memref<784x16xf32, #tpu.memory_space<hbm>>)
      tpu.yield
    }) : () -> ()
    %mul3A_192 = arith.constant 6272 : i32
    %mul3A_193 = arith.muli %arg1, %mul3A_192 : i32
    %add3A_194 = arith.constant 784 : i32
    %add3A_195 = arith.addi %mul3A_193, %add3A_194 : i32
    "tpu.region"() ({
      %run_scoped3A = tpu.sem_alloc : memref<!tpu.dma_semaphore, #tpu.memory_space<semaphore_mem>>
      %dma_start3A = arith.constant 0 : i32
      %dma_start3A_269 = tpu.memref_slice %arg11[%add3A_195, %dma_start3A] : memref<100352x16xf32, #tpu.memory_space<vmem_shared>> -> memref<784x16xf32, #tpu.memory_space<vmem_shared>>
      %dma_start3A_270 = arith.constant 0 : i32
      %dma_start3A_271 = tpu.memref_slice %arg11[%add3A_195, %dma_start3A_270] : memref<100352x16xf32, #tpu.memory_space<vmem_shared>> -> memref<784x16xf32, #tpu.memory_space<vmem_shared>>
      tpu.enqueue_dma source(%dma_start3A_271 : memref<784x16xf32, #tpu.memory_space<vmem_shared>>) target(%arg10 : memref<784x16xf32, #tpu.memory_space<vmem>>) target_semaphore(%run_scoped3A : memref<!tpu.dma_semaphore, #tpu.memory_space<semaphore_mem>>)
      %dma_wait3A = arith.constant 0 : i32
      %dma_wait3A_272 = tpu.memref_slice %arg11[%add3A_195, %dma_wait3A] : memref<100352x16xf32, #tpu.memory_space<vmem_shared>> -> memref<784x16xf32, #tpu.memory_space<vmem_shared>>
      %dma_wait3A_273 = arith.constant 0 : i32
      %dma_wait3A_274 = tpu.memref_slice %arg11[%add3A_195, %dma_wait3A_273] : memref<100352x16xf32, #tpu.memory_space<vmem_shared>> -> memref<784x16xf32, #tpu.memory_space<vmem_shared>>
      tpu.wait_dma2 semaphore(%run_scoped3A : memref<!tpu.dma_semaphore, #tpu.memory_space<semaphore_mem>>) src(%dma_wait3A_274 : memref<784x16xf32, #tpu.memory_space<vmem_shared>>) dst(%arg10 : memref<784x16xf32, #tpu.memory_space<vmem>>)
      tpu.yield
    }) : () -> ()
    %mul3A_196 = arith.constant 100352 : i32
    %mul3A_197 = arith.muli %add3A_138, %mul3A_196 : i32
    %mul3A_198 = arith.constant 6272 : i32
    %mul3A_199 = arith.muli %arg1, %mul3A_198 : i32
    %add3A_200 = arith.addi %mul3A_197, %mul3A_199 : i32
    %add3A_201 = arith.constant 784 : i32
    %add3A_202 = arith.addi %add3A_200, %add3A_201 : i32
    "tpu.region"() ({
      %run_scoped3A = tpu.sem_alloc : memref<!tpu.dma_semaphore, #tpu.memory_space<semaphore_mem>>
      %dma_start3A = arith.constant 0 : i32
      %dma_start3A_269 = tpu.memref_slice %arg5[%add3A_202, %dma_start3A] : memref<401408x16xf32, #tpu.memory_space<hbm>> -> memref<784x16xf32, #tpu.memory_space<hbm>>
      %dma_start3A_270 = arith.constant 0 : i32
      %dma_start3A_271 = tpu.memref_slice %arg5[%add3A_202, %dma_start3A_270] : memref<401408x16xf32, #tpu.memory_space<hbm>> -> memref<784x16xf32, #tpu.memory_space<hbm>>
      tpu.enqueue_dma source(%arg10 : memref<784x16xf32, #tpu.memory_space<vmem>>) target(%dma_start3A_271 : memref<784x16xf32, #tpu.memory_space<hbm>>) target_semaphore(%run_scoped3A : memref<!tpu.dma_semaphore, #tpu.memory_space<semaphore_mem>>)
      %dma_wait3A = arith.constant 0 : i32
      %dma_wait3A_272 = tpu.memref_slice %arg5[%add3A_202, %dma_wait3A] : memref<401408x16xf32, #tpu.memory_space<hbm>> -> memref<784x16xf32, #tpu.memory_space<hbm>>
      %dma_wait3A_273 = arith.constant 0 : i32
      %dma_wait3A_274 = tpu.memref_slice %arg5[%add3A_202, %dma_wait3A_273] : memref<401408x16xf32, #tpu.memory_space<hbm>> -> memref<784x16xf32, #tpu.memory_space<hbm>>
      tpu.wait_dma2 semaphore(%run_scoped3A : memref<!tpu.dma_semaphore, #tpu.memory_space<semaphore_mem>>) src(%arg10 : memref<784x16xf32, #tpu.memory_space<vmem>>) dst(%dma_wait3A_274 : memref<784x16xf32, #tpu.memory_space<hbm>>)
      tpu.yield
    }) : () -> ()
    %mul3A_203 = arith.constant 6272 : i32
    %mul3A_204 = arith.muli %arg1, %mul3A_203 : i32
    %add3A_205 = arith.constant 1568 : i32
    %add3A_206 = arith.addi %mul3A_204, %add3A_205 : i32
    "tpu.region"() ({
      %run_scoped3A = tpu.sem_alloc : memref<!tpu.dma_semaphore, #tpu.memory_space<semaphore_mem>>
      %dma_start3A = arith.constant 0 : i32
      %dma_start3A_269 = tpu.memref_slice %arg11[%add3A_206, %dma_start3A] : memref<100352x16xf32, #tpu.memory_space<vmem_shared>> -> memref<784x16xf32, #tpu.memory_space<vmem_shared>>
      %dma_start3A_270 = arith.constant 0 : i32
      %dma_start3A_271 = tpu.memref_slice %arg11[%add3A_206, %dma_start3A_270] : memref<100352x16xf32, #tpu.memory_space<vmem_shared>> -> memref<784x16xf32, #tpu.memory_space<vmem_shared>>
      tpu.enqueue_dma source(%dma_start3A_271 : memref<784x16xf32, #tpu.memory_space<vmem_shared>>) target(%arg10 : memref<784x16xf32, #tpu.memory_space<vmem>>) target_semaphore(%run_scoped3A : memref<!tpu.dma_semaphore, #tpu.memory_space<semaphore_mem>>)
      %dma_wait3A = arith.constant 0 : i32
      %dma_wait3A_272 = tpu.memref_slice %arg11[%add3A_206, %dma_wait3A] : memref<100352x16xf32, #tpu.memory_space<vmem_shared>> -> memref<784x16xf32, #tpu.memory_space<vmem_shared>>
      %dma_wait3A_273 = arith.constant 0 : i32
      %dma_wait3A_274 = tpu.memref_slice %arg11[%add3A_206, %dma_wait3A_273] : memref<100352x16xf32, #tpu.memory_space<vmem_shared>> -> memref<784x16xf32, #tpu.memory_space<vmem_shared>>
      tpu.wait_dma2 semaphore(%run_scoped3A : memref<!tpu.dma_semaphore, #tpu.memory_space<semaphore_mem>>) src(%dma_wait3A_274 : memref<784x16xf32, #tpu.memory_space<vmem_shared>>) dst(%arg10 : memref<784x16xf32, #tpu.memory_space<vmem>>)
      tpu.yield
    }) : () -> ()
    %mul3A_207 = arith.constant 100352 : i32
    %mul3A_208 = arith.muli %add3A_138, %mul3A_207 : i32
    %mul3A_209 = arith.constant 6272 : i32
    %mul3A_210 = arith.muli %arg1, %mul3A_209 : i32
    %add3A_211 = arith.addi %mul3A_208, %mul3A_210 : i32
    %add3A_212 = arith.constant 1568 : i32
    %add3A_213 = arith.addi %add3A_211, %add3A_212 : i32
    "tpu.region"() ({
      %run_scoped3A = tpu.sem_alloc : memref<!tpu.dma_semaphore, #tpu.memory_space<semaphore_mem>>
      %dma_start3A = arith.constant 0 : i32
      %dma_start3A_269 = tpu.memref_slice %arg5[%add3A_213, %dma_start3A] : memref<401408x16xf32, #tpu.memory_space<hbm>> -> memref<784x16xf32, #tpu.memory_space<hbm>>
      %dma_start3A_270 = arith.constant 0 : i32
      %dma_start3A_271 = tpu.memref_slice %arg5[%add3A_213, %dma_start3A_270] : memref<401408x16xf32, #tpu.memory_space<hbm>> -> memref<784x16xf32, #tpu.memory_space<hbm>>
      tpu.enqueue_dma source(%arg10 : memref<784x16xf32, #tpu.memory_space<vmem>>) target(%dma_start3A_271 : memref<784x16xf32, #tpu.memory_space<hbm>>) target_semaphore(%run_scoped3A : memref<!tpu.dma_semaphore, #tpu.memory_space<semaphore_mem>>)
      %dma_wait3A = arith.constant 0 : i32
      %dma_wait3A_272 = tpu.memref_slice %arg5[%add3A_213, %dma_wait3A] : memref<401408x16xf32, #tpu.memory_space<hbm>> -> memref<784x16xf32, #tpu.memory_space<hbm>>
      %dma_wait3A_273 = arith.constant 0 : i32
      %dma_wait3A_274 = tpu.memref_slice %arg5[%add3A_213, %dma_wait3A_273] : memref<401408x16xf32, #tpu.memory_space<hbm>> -> memref<784x16xf32, #tpu.memory_space<hbm>>
      tpu.wait_dma2 semaphore(%run_scoped3A : memref<!tpu.dma_semaphore, #tpu.memory_space<semaphore_mem>>) src(%arg10 : memref<784x16xf32, #tpu.memory_space<vmem>>) dst(%dma_wait3A_274 : memref<784x16xf32, #tpu.memory_space<hbm>>)
      tpu.yield
    }) : () -> ()
    %mul3A_214 = arith.constant 6272 : i32
    %mul3A_215 = arith.muli %arg1, %mul3A_214 : i32
    %add3A_216 = arith.constant 2352 : i32
    %add3A_217 = arith.addi %mul3A_215, %add3A_216 : i32
    "tpu.region"() ({
      %run_scoped3A = tpu.sem_alloc : memref<!tpu.dma_semaphore, #tpu.memory_space<semaphore_mem>>
      %dma_start3A = arith.constant 0 : i32
      %dma_start3A_269 = tpu.memref_slice %arg11[%add3A_217, %dma_start3A] : memref<100352x16xf32, #tpu.memory_space<vmem_shared>> -> memref<784x16xf32, #tpu.memory_space<vmem_shared>>
      %dma_start3A_270 = arith.constant 0 : i32
      %dma_start3A_271 = tpu.memref_slice %arg11[%add3A_217, %dma_start3A_270] : memref<100352x16xf32, #tpu.memory_space<vmem_shared>> -> memref<784x16xf32, #tpu.memory_space<vmem_shared>>
      tpu.enqueue_dma source(%dma_start3A_271 : memref<784x16xf32, #tpu.memory_space<vmem_shared>>) target(%arg10 : memref<784x16xf32, #tpu.memory_space<vmem>>) target_semaphore(%run_scoped3A : memref<!tpu.dma_semaphore, #tpu.memory_space<semaphore_mem>>)
      %dma_wait3A = arith.constant 0 : i32
      %dma_wait3A_272 = tpu.memref_slice %arg11[%add3A_217, %dma_wait3A] : memref<100352x16xf32, #tpu.memory_space<vmem_shared>> -> memref<784x16xf32, #tpu.memory_space<vmem_shared>>
      %dma_wait3A_273 = arith.constant 0 : i32
      %dma_wait3A_274 = tpu.memref_slice %arg11[%add3A_217, %dma_wait3A_273] : memref<100352x16xf32, #tpu.memory_space<vmem_shared>> -> memref<784x16xf32, #tpu.memory_space<vmem_shared>>
      tpu.wait_dma2 semaphore(%run_scoped3A : memref<!tpu.dma_semaphore, #tpu.memory_space<semaphore_mem>>) src(%dma_wait3A_274 : memref<784x16xf32, #tpu.memory_space<vmem_shared>>) dst(%arg10 : memref<784x16xf32, #tpu.memory_space<vmem>>)
      tpu.yield
    }) : () -> ()
    %mul3A_218 = arith.constant 100352 : i32
    %mul3A_219 = arith.muli %add3A_138, %mul3A_218 : i32
    %mul3A_220 = arith.constant 6272 : i32
    %mul3A_221 = arith.muli %arg1, %mul3A_220 : i32
    %add3A_222 = arith.addi %mul3A_219, %mul3A_221 : i32
    %add3A_223 = arith.constant 2352 : i32
    %add3A_224 = arith.addi %add3A_222, %add3A_223 : i32
    "tpu.region"() ({
      %run_scoped3A = tpu.sem_alloc : memref<!tpu.dma_semaphore, #tpu.memory_space<semaphore_mem>>
      %dma_start3A = arith.constant 0 : i32
      %dma_start3A_269 = tpu.memref_slice %arg5[%add3A_224, %dma_start3A] : memref<401408x16xf32, #tpu.memory_space<hbm>> -> memref<784x16xf32, #tpu.memory_space<hbm>>
      %dma_start3A_270 = arith.constant 0 : i32
      %dma_start3A_271 = tpu.memref_slice %arg5[%add3A_224, %dma_start3A_270] : memref<401408x16xf32, #tpu.memory_space<hbm>> -> memref<784x16xf32, #tpu.memory_space<hbm>>
      tpu.enqueue_dma source(%arg10 : memref<784x16xf32, #tpu.memory_space<vmem>>) target(%dma_start3A_271 : memref<784x16xf32, #tpu.memory_space<hbm>>) target_semaphore(%run_scoped3A : memref<!tpu.dma_semaphore, #tpu.memory_space<semaphore_mem>>)
      %dma_wait3A = arith.constant 0 : i32
      %dma_wait3A_272 = tpu.memref_slice %arg5[%add3A_224, %dma_wait3A] : memref<401408x16xf32, #tpu.memory_space<hbm>> -> memref<784x16xf32, #tpu.memory_space<hbm>>
      %dma_wait3A_273 = arith.constant 0 : i32
      %dma_wait3A_274 = tpu.memref_slice %arg5[%add3A_224, %dma_wait3A_273] : memref<401408x16xf32, #tpu.memory_space<hbm>> -> memref<784x16xf32, #tpu.memory_space<hbm>>
      tpu.wait_dma2 semaphore(%run_scoped3A : memref<!tpu.dma_semaphore, #tpu.memory_space<semaphore_mem>>) src(%arg10 : memref<784x16xf32, #tpu.memory_space<vmem>>) dst(%dma_wait3A_274 : memref<784x16xf32, #tpu.memory_space<hbm>>)
      tpu.yield
    }) : () -> ()
    %mul3A_225 = arith.constant 6272 : i32
    %mul3A_226 = arith.muli %arg1, %mul3A_225 : i32
    %add3A_227 = arith.constant 3136 : i32
    %add3A_228 = arith.addi %mul3A_226, %add3A_227 : i32
    "tpu.region"() ({
      %run_scoped3A = tpu.sem_alloc : memref<!tpu.dma_semaphore, #tpu.memory_space<semaphore_mem>>
      %dma_start3A = arith.constant 0 : i32
      %dma_start3A_269 = tpu.memref_slice %arg11[%add3A_228, %dma_start3A] : memref<100352x16xf32, #tpu.memory_space<vmem_shared>> -> memref<784x16xf32, #tpu.memory_space<vmem_shared>>
      %dma_start3A_270 = arith.constant 0 : i32
      %dma_start3A_271 = tpu.memref_slice %arg11[%add3A_228, %dma_start3A_270] : memref<100352x16xf32, #tpu.memory_space<vmem_shared>> -> memref<784x16xf32, #tpu.memory_space<vmem_shared>>
      tpu.enqueue_dma source(%dma_start3A_271 : memref<784x16xf32, #tpu.memory_space<vmem_shared>>) target(%arg10 : memref<784x16xf32, #tpu.memory_space<vmem>>) target_semaphore(%run_scoped3A : memref<!tpu.dma_semaphore, #tpu.memory_space<semaphore_mem>>)
      %dma_wait3A = arith.constant 0 : i32
      %dma_wait3A_272 = tpu.memref_slice %arg11[%add3A_228, %dma_wait3A] : memref<100352x16xf32, #tpu.memory_space<vmem_shared>> -> memref<784x16xf32, #tpu.memory_space<vmem_shared>>
      %dma_wait3A_273 = arith.constant 0 : i32
      %dma_wait3A_274 = tpu.memref_slice %arg11[%add3A_228, %dma_wait3A_273] : memref<100352x16xf32, #tpu.memory_space<vmem_shared>> -> memref<784x16xf32, #tpu.memory_space<vmem_shared>>
      tpu.wait_dma2 semaphore(%run_scoped3A : memref<!tpu.dma_semaphore, #tpu.memory_space<semaphore_mem>>) src(%dma_wait3A_274 : memref<784x16xf32, #tpu.memory_space<vmem_shared>>) dst(%arg10 : memref<784x16xf32, #tpu.memory_space<vmem>>)
      tpu.yield
    }) : () -> ()
    %mul3A_229 = arith.constant 100352 : i32
    %mul3A_230 = arith.muli %add3A_138, %mul3A_229 : i32
    %mul3A_231 = arith.constant 6272 : i32
    %mul3A_232 = arith.muli %arg1, %mul3A_231 : i32
    %add3A_233 = arith.addi %mul3A_230, %mul3A_232 : i32
    %add3A_234 = arith.constant 3136 : i32
    %add3A_235 = arith.addi %add3A_233, %add3A_234 : i32
    "tpu.region"() ({
      %run_scoped3A = tpu.sem_alloc : memref<!tpu.dma_semaphore, #tpu.memory_space<semaphore_mem>>
      %dma_start3A = arith.constant 0 : i32
      %dma_start3A_269 = tpu.memref_slice %arg5[%add3A_235, %dma_start3A] : memref<401408x16xf32, #tpu.memory_space<hbm>> -> memref<784x16xf32, #tpu.memory_space<hbm>>
      %dma_start3A_270 = arith.constant 0 : i32
      %dma_start3A_271 = tpu.memref_slice %arg5[%add3A_235, %dma_start3A_270] : memref<401408x16xf32, #tpu.memory_space<hbm>> -> memref<784x16xf32, #tpu.memory_space<hbm>>
      tpu.enqueue_dma source(%arg10 : memref<784x16xf32, #tpu.memory_space<vmem>>) target(%dma_start3A_271 : memref<784x16xf32, #tpu.memory_space<hbm>>) target_semaphore(%run_scoped3A : memref<!tpu.dma_semaphore, #tpu.memory_space<semaphore_mem>>)
      %dma_wait3A = arith.constant 0 : i32
      %dma_wait3A_272 = tpu.memref_slice %arg5[%add3A_235, %dma_wait3A] : memref<401408x16xf32, #tpu.memory_space<hbm>> -> memref<784x16xf32, #tpu.memory_space<hbm>>
      %dma_wait3A_273 = arith.constant 0 : i32
      %dma_wait3A_274 = tpu.memref_slice %arg5[%add3A_235, %dma_wait3A_273] : memref<401408x16xf32, #tpu.memory_space<hbm>> -> memref<784x16xf32, #tpu.memory_space<hbm>>
      tpu.wait_dma2 semaphore(%run_scoped3A : memref<!tpu.dma_semaphore, #tpu.memory_space<semaphore_mem>>) src(%arg10 : memref<784x16xf32, #tpu.memory_space<vmem>>) dst(%dma_wait3A_274 : memref<784x16xf32, #tpu.memory_space<hbm>>)
      tpu.yield
    }) : () -> ()
    %mul3A_236 = arith.constant 6272 : i32
    %mul3A_237 = arith.muli %arg1, %mul3A_236 : i32
    %add3A_238 = arith.constant 3920 : i32
    %add3A_239 = arith.addi %mul3A_237, %add3A_238 : i32
    "tpu.region"() ({
      %run_scoped3A = tpu.sem_alloc : memref<!tpu.dma_semaphore, #tpu.memory_space<semaphore_mem>>
      %dma_start3A = arith.constant 0 : i32
      %dma_start3A_269 = tpu.memref_slice %arg11[%add3A_239, %dma_start3A] : memref<100352x16xf32, #tpu.memory_space<vmem_shared>> -> memref<784x16xf32, #tpu.memory_space<vmem_shared>>
      %dma_start3A_270 = arith.constant 0 : i32
      %dma_start3A_271 = tpu.memref_slice %arg11[%add3A_239, %dma_start3A_270] : memref<100352x16xf32, #tpu.memory_space<vmem_shared>> -> memref<784x16xf32, #tpu.memory_space<vmem_shared>>
      tpu.enqueue_dma source(%dma_start3A_271 : memref<784x16xf32, #tpu.memory_space<vmem_shared>>) target(%arg10 : memref<784x16xf32, #tpu.memory_space<vmem>>) target_semaphore(%run_scoped3A : memref<!tpu.dma_semaphore, #tpu.memory_space<semaphore_mem>>)
      %dma_wait3A = arith.constant 0 : i32
      %dma_wait3A_272 = tpu.memref_slice %arg11[%add3A_239, %dma_wait3A] : memref<100352x16xf32, #tpu.memory_space<vmem_shared>> -> memref<784x16xf32, #tpu.memory_space<vmem_shared>>
      %dma_wait3A_273 = arith.constant 0 : i32
      %dma_wait3A_274 = tpu.memref_slice %arg11[%add3A_239, %dma_wait3A_273] : memref<100352x16xf32, #tpu.memory_space<vmem_shared>> -> memref<784x16xf32, #tpu.memory_space<vmem_shared>>
      tpu.wait_dma2 semaphore(%run_scoped3A : memref<!tpu.dma_semaphore, #tpu.memory_space<semaphore_mem>>) src(%dma_wait3A_274 : memref<784x16xf32, #tpu.memory_space<vmem_shared>>) dst(%arg10 : memref<784x16xf32, #tpu.memory_space<vmem>>)
      tpu.yield
    }) : () -> ()
    %mul3A_240 = arith.constant 100352 : i32
    %mul3A_241 = arith.muli %add3A_138, %mul3A_240 : i32
    %mul3A_242 = arith.constant 6272 : i32
    %mul3A_243 = arith.muli %arg1, %mul3A_242 : i32
    %add3A_244 = arith.addi %mul3A_241, %mul3A_243 : i32
    %add3A_245 = arith.constant 3920 : i32
    %add3A_246 = arith.addi %add3A_244, %add3A_245 : i32
    "tpu.region"() ({
      %run_scoped3A = tpu.sem_alloc : memref<!tpu.dma_semaphore, #tpu.memory_space<semaphore_mem>>
      %dma_start3A = arith.constant 0 : i32
      %dma_start3A_269 = tpu.memref_slice %arg5[%add3A_246, %dma_start3A] : memref<401408x16xf32, #tpu.memory_space<hbm>> -> memref<784x16xf32, #tpu.memory_space<hbm>>
      %dma_start3A_270 = arith.constant 0 : i32
      %dma_start3A_271 = tpu.memref_slice %arg5[%add3A_246, %dma_start3A_270] : memref<401408x16xf32, #tpu.memory_space<hbm>> -> memref<784x16xf32, #tpu.memory_space<hbm>>
      tpu.enqueue_dma source(%arg10 : memref<784x16xf32, #tpu.memory_space<vmem>>) target(%dma_start3A_271 : memref<784x16xf32, #tpu.memory_space<hbm>>) target_semaphore(%run_scoped3A : memref<!tpu.dma_semaphore, #tpu.memory_space<semaphore_mem>>)
      %dma_wait3A = arith.constant 0 : i32
      %dma_wait3A_272 = tpu.memref_slice %arg5[%add3A_246, %dma_wait3A] : memref<401408x16xf32, #tpu.memory_space<hbm>> -> memref<784x16xf32, #tpu.memory_space<hbm>>
      %dma_wait3A_273 = arith.constant 0 : i32
      %dma_wait3A_274 = tpu.memref_slice %arg5[%add3A_246, %dma_wait3A_273] : memref<401408x16xf32, #tpu.memory_space<hbm>> -> memref<784x16xf32, #tpu.memory_space<hbm>>
      tpu.wait_dma2 semaphore(%run_scoped3A : memref<!tpu.dma_semaphore, #tpu.memory_space<semaphore_mem>>) src(%arg10 : memref<784x16xf32, #tpu.memory_space<vmem>>) dst(%dma_wait3A_274 : memref<784x16xf32, #tpu.memory_space<hbm>>)
      tpu.yield
    }) : () -> ()
    %mul3A_247 = arith.constant 6272 : i32
    %mul3A_248 = arith.muli %arg1, %mul3A_247 : i32
    %add3A_249 = arith.constant 4704 : i32
    %add3A_250 = arith.addi %mul3A_248, %add3A_249 : i32
    "tpu.region"() ({
      %run_scoped3A = tpu.sem_alloc : memref<!tpu.dma_semaphore, #tpu.memory_space<semaphore_mem>>
      %dma_start3A = arith.constant 0 : i32
      %dma_start3A_269 = tpu.memref_slice %arg11[%add3A_250, %dma_start3A] : memref<100352x16xf32, #tpu.memory_space<vmem_shared>> -> memref<784x16xf32, #tpu.memory_space<vmem_shared>>
      %dma_start3A_270 = arith.constant 0 : i32
      %dma_start3A_271 = tpu.memref_slice %arg11[%add3A_250, %dma_start3A_270] : memref<100352x16xf32, #tpu.memory_space<vmem_shared>> -> memref<784x16xf32, #tpu.memory_space<vmem_shared>>
      tpu.enqueue_dma source(%dma_start3A_271 : memref<784x16xf32, #tpu.memory_space<vmem_shared>>) target(%arg10 : memref<784x16xf32, #tpu.memory_space<vmem>>) target_semaphore(%run_scoped3A : memref<!tpu.dma_semaphore, #tpu.memory_space<semaphore_mem>>)
      %dma_wait3A = arith.constant 0 : i32
      %dma_wait3A_272 = tpu.memref_slice %arg11[%add3A_250, %dma_wait3A] : memref<100352x16xf32, #tpu.memory_space<vmem_shared>> -> memref<784x16xf32, #tpu.memory_space<vmem_shared>>
      %dma_wait3A_273 = arith.constant 0 : i32
      %dma_wait3A_274 = tpu.memref_slice %arg11[%add3A_250, %dma_wait3A_273] : memref<100352x16xf32, #tpu.memory_space<vmem_shared>> -> memref<784x16xf32, #tpu.memory_space<vmem_shared>>
      tpu.wait_dma2 semaphore(%run_scoped3A : memref<!tpu.dma_semaphore, #tpu.memory_space<semaphore_mem>>) src(%dma_wait3A_274 : memref<784x16xf32, #tpu.memory_space<vmem_shared>>) dst(%arg10 : memref<784x16xf32, #tpu.memory_space<vmem>>)
      tpu.yield
    }) : () -> ()
    %mul3A_251 = arith.constant 100352 : i32
    %mul3A_252 = arith.muli %add3A_138, %mul3A_251 : i32
    %mul3A_253 = arith.constant 6272 : i32
    %mul3A_254 = arith.muli %arg1, %mul3A_253 : i32
    %add3A_255 = arith.addi %mul3A_252, %mul3A_254 : i32
    %add3A_256 = arith.constant 4704 : i32
    %add3A_257 = arith.addi %add3A_255, %add3A_256 : i32
    "tpu.region"() ({
      %run_scoped3A = tpu.sem_alloc : memref<!tpu.dma_semaphore, #tpu.memory_space<semaphore_mem>>
      %dma_start3A = arith.constant 0 : i32
      %dma_start3A_269 = tpu.memref_slice %arg5[%add3A_257, %dma_start3A] : memref<401408x16xf32, #tpu.memory_space<hbm>> -> memref<784x16xf32, #tpu.memory_space<hbm>>
      %dma_start3A_270 = arith.constant 0 : i32
      %dma_start3A_271 = tpu.memref_slice %arg5[%add3A_257, %dma_start3A_270] : memref<401408x16xf32, #tpu.memory_space<hbm>> -> memref<784x16xf32, #tpu.memory_space<hbm>>
      tpu.enqueue_dma source(%arg10 : memref<784x16xf32, #tpu.memory_space<vmem>>) target(%dma_start3A_271 : memref<784x16xf32, #tpu.memory_space<hbm>>) target_semaphore(%run_scoped3A : memref<!tpu.dma_semaphore, #tpu.memory_space<semaphore_mem>>)
      %dma_wait3A = arith.constant 0 : i32
      %dma_wait3A_272 = tpu.memref_slice %arg5[%add3A_257, %dma_wait3A] : memref<401408x16xf32, #tpu.memory_space<hbm>> -> memref<784x16xf32, #tpu.memory_space<hbm>>
      %dma_wait3A_273 = arith.constant 0 : i32
      %dma_wait3A_274 = tpu.memref_slice %arg5[%add3A_257, %dma_wait3A_273] : memref<401408x16xf32, #tpu.memory_space<hbm>> -> memref<784x16xf32, #tpu.memory_space<hbm>>
      tpu.wait_dma2 semaphore(%run_scoped3A : memref<!tpu.dma_semaphore, #tpu.memory_space<semaphore_mem>>) src(%arg10 : memref<784x16xf32, #tpu.memory_space<vmem>>) dst(%dma_wait3A_274 : memref<784x16xf32, #tpu.memory_space<hbm>>)
      tpu.yield
    }) : () -> ()
    %mul3A_258 = arith.constant 6272 : i32
    %mul3A_259 = arith.muli %arg1, %mul3A_258 : i32
    %add3A_260 = arith.constant 5488 : i32
    %add3A_261 = arith.addi %mul3A_259, %add3A_260 : i32
    "tpu.region"() ({
      %run_scoped3A = tpu.sem_alloc : memref<!tpu.dma_semaphore, #tpu.memory_space<semaphore_mem>>
      %dma_start3A = arith.constant 0 : i32
      %dma_start3A_269 = tpu.memref_slice %arg11[%add3A_261, %dma_start3A] : memref<100352x16xf32, #tpu.memory_space<vmem_shared>> -> memref<784x16xf32, #tpu.memory_space<vmem_shared>>
      %dma_start3A_270 = arith.constant 0 : i32
      %dma_start3A_271 = tpu.memref_slice %arg11[%add3A_261, %dma_start3A_270] : memref<100352x16xf32, #tpu.memory_space<vmem_shared>> -> memref<784x16xf32, #tpu.memory_space<vmem_shared>>
      tpu.enqueue_dma source(%dma_start3A_271 : memref<784x16xf32, #tpu.memory_space<vmem_shared>>) target(%arg10 : memref<784x16xf32, #tpu.memory_space<vmem>>) target_semaphore(%run_scoped3A : memref<!tpu.dma_semaphore, #tpu.memory_space<semaphore_mem>>)
      %dma_wait3A = arith.constant 0 : i32
      %dma_wait3A_272 = tpu.memref_slice %arg11[%add3A_261, %dma_wait3A] : memref<100352x16xf32, #tpu.memory_space<vmem_shared>> -> memref<784x16xf32, #tpu.memory_space<vmem_shared>>
      %dma_wait3A_273 = arith.constant 0 : i32
      %dma_wait3A_274 = tpu.memref_slice %arg11[%add3A_261, %dma_wait3A_273] : memref<100352x16xf32, #tpu.memory_space<vmem_shared>> -> memref<784x16xf32, #tpu.memory_space<vmem_shared>>
      tpu.wait_dma2 semaphore(%run_scoped3A : memref<!tpu.dma_semaphore, #tpu.memory_space<semaphore_mem>>) src(%dma_wait3A_274 : memref<784x16xf32, #tpu.memory_space<vmem_shared>>) dst(%arg10 : memref<784x16xf32, #tpu.memory_space<vmem>>)
      tpu.yield
    }) : () -> ()
    %mul3A_262 = arith.constant 100352 : i32
    %mul3A_263 = arith.muli %add3A_138, %mul3A_262 : i32
    %mul3A_264 = arith.constant 6272 : i32
    %mul3A_265 = arith.muli %arg1, %mul3A_264 : i32
    %add3A_266 = arith.addi %mul3A_263, %mul3A_265 : i32
    %add3A_267 = arith.constant 5488 : i32
    %add3A_268 = arith.addi %add3A_266, %add3A_267 : i32
    "tpu.region"() ({
      %run_scoped3A = tpu.sem_alloc : memref<!tpu.dma_semaphore, #tpu.memory_space<semaphore_mem>>
      %dma_start3A = arith.constant 0 : i32
      %dma_start3A_269 = tpu.memref_slice %arg5[%add3A_268, %dma_start3A] : memref<401408x16xf32, #tpu.memory_space<hbm>> -> memref<784x16xf32, #tpu.memory_space<hbm>>
      %dma_start3A_270 = arith.constant 0 : i32
      %dma_start3A_271 = tpu.memref_slice %arg5[%add3A_268, %dma_start3A_270] : memref<401408x16xf32, #tpu.memory_space<hbm>> -> memref<784x16xf32, #tpu.memory_space<hbm>>
      tpu.enqueue_dma source(%arg10 : memref<784x16xf32, #tpu.memory_space<vmem>>) target(%dma_start3A_271 : memref<784x16xf32, #tpu.memory_space<hbm>>) target_semaphore(%run_scoped3A : memref<!tpu.dma_semaphore, #tpu.memory_space<semaphore_mem>>)
      %dma_wait3A = arith.constant 0 : i32
      %dma_wait3A_272 = tpu.memref_slice %arg5[%add3A_268, %dma_wait3A] : memref<401408x16xf32, #tpu.memory_space<hbm>> -> memref<784x16xf32, #tpu.memory_space<hbm>>
      %dma_wait3A_273 = arith.constant 0 : i32
      %dma_wait3A_274 = tpu.memref_slice %arg5[%add3A_268, %dma_wait3A_273] : memref<401408x16xf32, #tpu.memory_space<hbm>> -> memref<784x16xf32, #tpu.memory_space<hbm>>
      tpu.wait_dma2 semaphore(%run_scoped3A : memref<!tpu.dma_semaphore, #tpu.memory_space<semaphore_mem>>) src(%arg10 : memref<784x16xf32, #tpu.memory_space<vmem>>) dst(%dma_wait3A_274 : memref<784x16xf32, #tpu.memory_space<hbm>>)
      tpu.yield
    }) : () -> ()
    return
  }
}

#map = affine_map<(d0, d1) -> (0, 0)>
#map1 = affine_map<(d0, d1) -> (0)>
module attributes {stable_mosaic.version = 14 : i64} {
  func.func @agg_kernel(%arg0: i32, %arg1: i32, %arg2: memref<100352x16xf32, #tpu.memory_space<hbm>>, %arg3: memref<1601536xi32, #tpu.memory_space<hbm>>, %arg4: memref<1601536xi32, #tpu.memory_space<hbm>>, %arg5: memref<200704x16xf32, #tpu.memory_space<hbm>>, %arg6: memref<128xi32, #tpu.memory_space<vmem>>, %arg7: memref<128xi32, #tpu.memory_space<vmem>>, %arg8: memref<128x16xf32, #tpu.memory_space<vmem>>, %arg9: memref<784x16xf32, #tpu.memory_space<vmem>>, %arg10: memref<784x16xf32, #tpu.memory_space<vmem>>, %arg11: memref<100352x16xf32, #tpu.memory_space<vmem_shared>>, %arg12: memref<!tpu.dma_semaphore, #tpu.memory_space<semaphore_mem>>) attributes {dimension_semantics = [#tpu.dimension_semantics<core_parallel>, #tpu.dimension_semantics<subcore_parallel>], iteration_bounds = array<i64: 2, 16>, scalar_prefetch = 0 : i64, scratch_operands = 7 : i64, tpu.core_type = #tpu.core_type<sc_vector_subcore>, window_params = [{transform_indices = #map}, {transform_indices = #map1}, {transform_indices = #map1}, {transform_indices = #map}]} {
    %mul3A = arith.constant 2 : i32
    %mul3A_0 = arith.muli %arg1, %mul3A : i32
    %add3A = arith.addi %mul3A_0, %arg0 : i32
    %mul3A_1 = arith.constant 50048 : i32
    %mul3A_2 = arith.muli %add3A, %mul3A_1 : i32
    %scan3A = arith.constant 0 : i32
    %scan3A_3 = arith.constant 0 : i32
    %scan3A_4 = arith.constant 784 : i32
    %scan3A_5 = arith.addi %scan3A_3, %scan3A_4 : i32
    %scan3A_6 = arith.constant 1 : i32
    scf.for %scan3A_135 = %scan3A_3 to %scan3A_5 step %scan3A_6  : i32 {
      %broadcast_in_dim3A = arith.constant 0.000000e+00 : f32
      %broadcast_in_dim3A_136 = vector.broadcast %broadcast_in_dim3A : f32 to vector<16xf32>
      %swap3A = arith.index_cast %scan3A_135 : i32 to index
      %swap3A_137 = arith.constant 0 : index
      %swap3A_138 = tpu.vector_load %arg9[%swap3A, %swap3A_137] {strides = array<i32>} : memref<784x16xf32, #tpu.memory_space<vmem>>, vector<1x16xf32>,
      %swap3A_139 = vector.shape_cast %swap3A_138 : vector<1x16xf32> to vector<16xf32>
      %swap3A_140 = vector.shape_cast %broadcast_in_dim3A_136 : vector<16xf32> to vector<1x16xf32>
      tpu.vector_store %arg9[%swap3A, %swap3A_137], %swap3A_140 {strides = array<i32>} : memref<784x16xf32, #tpu.memory_space<vmem>>, vector<1x16xf32>,
    }
    %scan3A_7 = arith.constant 784 : i32
    %mul3A_8 = arith.constant 6272 : i32
    %mul3A_9 = arith.muli %arg1, %mul3A_8 : i32
    %add3A_10 = arith.constant 0 : i32
    %add3A_11 = arith.addi %mul3A_9, %add3A_10 : i32
    "tpu.region"() ({
      %run_scoped3A = tpu.sem_alloc : memref<!tpu.dma_semaphore, #tpu.memory_space<semaphore_mem>>
      %dma_start3A = arith.constant 0 : i32
      %dma_start3A_135 = tpu.memref_slice %arg11[%add3A_11, %dma_start3A] : memref<100352x16xf32, #tpu.memory_space<vmem_shared>> -> memref<784x16xf32, #tpu.memory_space<vmem_shared>>
      %dma_start3A_136 = arith.constant 0 : i32
      %dma_start3A_137 = tpu.memref_slice %arg11[%add3A_11, %dma_start3A_136] : memref<100352x16xf32, #tpu.memory_space<vmem_shared>> -> memref<784x16xf32, #tpu.memory_space<vmem_shared>>
      tpu.enqueue_dma source(%arg9 : memref<784x16xf32, #tpu.memory_space<vmem>>) target(%dma_start3A_137 : memref<784x16xf32, #tpu.memory_space<vmem_shared>>) target_semaphore(%run_scoped3A : memref<!tpu.dma_semaphore, #tpu.memory_space<semaphore_mem>>)
      %dma_wait3A = arith.constant 0 : i32
      %dma_wait3A_138 = tpu.memref_slice %arg11[%add3A_11, %dma_wait3A] : memref<100352x16xf32, #tpu.memory_space<vmem_shared>> -> memref<784x16xf32, #tpu.memory_space<vmem_shared>>
      %dma_wait3A_139 = arith.constant 0 : i32
      %dma_wait3A_140 = tpu.memref_slice %arg11[%add3A_11, %dma_wait3A_139] : memref<100352x16xf32, #tpu.memory_space<vmem_shared>> -> memref<784x16xf32, #tpu.memory_space<vmem_shared>>
      tpu.wait_dma2 semaphore(%run_scoped3A : memref<!tpu.dma_semaphore, #tpu.memory_space<semaphore_mem>>) src(%arg9 : memref<784x16xf32, #tpu.memory_space<vmem>>) dst(%dma_wait3A_140 : memref<784x16xf32, #tpu.memory_space<vmem_shared>>)
      tpu.yield
    }) : () -> ()
    %mul3A_12 = arith.constant 6272 : i32
    %mul3A_13 = arith.muli %arg1, %mul3A_12 : i32
    %add3A_14 = arith.constant 784 : i32
    %add3A_15 = arith.addi %mul3A_13, %add3A_14 : i32
    "tpu.region"() ({
      %run_scoped3A = tpu.sem_alloc : memref<!tpu.dma_semaphore, #tpu.memory_space<semaphore_mem>>
      %dma_start3A = arith.constant 0 : i32
      %dma_start3A_135 = tpu.memref_slice %arg11[%add3A_15, %dma_start3A] : memref<100352x16xf32, #tpu.memory_space<vmem_shared>> -> memref<784x16xf32, #tpu.memory_space<vmem_shared>>
      %dma_start3A_136 = arith.constant 0 : i32
      %dma_start3A_137 = tpu.memref_slice %arg11[%add3A_15, %dma_start3A_136] : memref<100352x16xf32, #tpu.memory_space<vmem_shared>> -> memref<784x16xf32, #tpu.memory_space<vmem_shared>>
      tpu.enqueue_dma source(%arg9 : memref<784x16xf32, #tpu.memory_space<vmem>>) target(%dma_start3A_137 : memref<784x16xf32, #tpu.memory_space<vmem_shared>>) target_semaphore(%run_scoped3A : memref<!tpu.dma_semaphore, #tpu.memory_space<semaphore_mem>>)
      %dma_wait3A = arith.constant 0 : i32
      %dma_wait3A_138 = tpu.memref_slice %arg11[%add3A_15, %dma_wait3A] : memref<100352x16xf32, #tpu.memory_space<vmem_shared>> -> memref<784x16xf32, #tpu.memory_space<vmem_shared>>
      %dma_wait3A_139 = arith.constant 0 : i32
      %dma_wait3A_140 = tpu.memref_slice %arg11[%add3A_15, %dma_wait3A_139] : memref<100352x16xf32, #tpu.memory_space<vmem_shared>> -> memref<784x16xf32, #tpu.memory_space<vmem_shared>>
      tpu.wait_dma2 semaphore(%run_scoped3A : memref<!tpu.dma_semaphore, #tpu.memory_space<semaphore_mem>>) src(%arg9 : memref<784x16xf32, #tpu.memory_space<vmem>>) dst(%dma_wait3A_140 : memref<784x16xf32, #tpu.memory_space<vmem_shared>>)
      tpu.yield
    }) : () -> ()
    %mul3A_16 = arith.constant 6272 : i32
    %mul3A_17 = arith.muli %arg1, %mul3A_16 : i32
    %add3A_18 = arith.constant 1568 : i32
    %add3A_19 = arith.addi %mul3A_17, %add3A_18 : i32
    "tpu.region"() ({
      %run_scoped3A = tpu.sem_alloc : memref<!tpu.dma_semaphore, #tpu.memory_space<semaphore_mem>>
      %dma_start3A = arith.constant 0 : i32
      %dma_start3A_135 = tpu.memref_slice %arg11[%add3A_19, %dma_start3A] : memref<100352x16xf32, #tpu.memory_space<vmem_shared>> -> memref<784x16xf32, #tpu.memory_space<vmem_shared>>
      %dma_start3A_136 = arith.constant 0 : i32
      %dma_start3A_137 = tpu.memref_slice %arg11[%add3A_19, %dma_start3A_136] : memref<100352x16xf32, #tpu.memory_space<vmem_shared>> -> memref<784x16xf32, #tpu.memory_space<vmem_shared>>
      tpu.enqueue_dma source(%arg9 : memref<784x16xf32, #tpu.memory_space<vmem>>) target(%dma_start3A_137 : memref<784x16xf32, #tpu.memory_space<vmem_shared>>) target_semaphore(%run_scoped3A : memref<!tpu.dma_semaphore, #tpu.memory_space<semaphore_mem>>)
      %dma_wait3A = arith.constant 0 : i32
      %dma_wait3A_138 = tpu.memref_slice %arg11[%add3A_19, %dma_wait3A] : memref<100352x16xf32, #tpu.memory_space<vmem_shared>> -> memref<784x16xf32, #tpu.memory_space<vmem_shared>>
      %dma_wait3A_139 = arith.constant 0 : i32
      %dma_wait3A_140 = tpu.memref_slice %arg11[%add3A_19, %dma_wait3A_139] : memref<100352x16xf32, #tpu.memory_space<vmem_shared>> -> memref<784x16xf32, #tpu.memory_space<vmem_shared>>
      tpu.wait_dma2 semaphore(%run_scoped3A : memref<!tpu.dma_semaphore, #tpu.memory_space<semaphore_mem>>) src(%arg9 : memref<784x16xf32, #tpu.memory_space<vmem>>) dst(%dma_wait3A_140 : memref<784x16xf32, #tpu.memory_space<vmem_shared>>)
      tpu.yield
    }) : () -> ()
    %mul3A_20 = arith.constant 6272 : i32
    %mul3A_21 = arith.muli %arg1, %mul3A_20 : i32
    %add3A_22 = arith.constant 2352 : i32
    %add3A_23 = arith.addi %mul3A_21, %add3A_22 : i32
    "tpu.region"() ({
      %run_scoped3A = tpu.sem_alloc : memref<!tpu.dma_semaphore, #tpu.memory_space<semaphore_mem>>
      %dma_start3A = arith.constant 0 : i32
      %dma_start3A_135 = tpu.memref_slice %arg11[%add3A_23, %dma_start3A] : memref<100352x16xf32, #tpu.memory_space<vmem_shared>> -> memref<784x16xf32, #tpu.memory_space<vmem_shared>>
      %dma_start3A_136 = arith.constant 0 : i32
      %dma_start3A_137 = tpu.memref_slice %arg11[%add3A_23, %dma_start3A_136] : memref<100352x16xf32, #tpu.memory_space<vmem_shared>> -> memref<784x16xf32, #tpu.memory_space<vmem_shared>>
      tpu.enqueue_dma source(%arg9 : memref<784x16xf32, #tpu.memory_space<vmem>>) target(%dma_start3A_137 : memref<784x16xf32, #tpu.memory_space<vmem_shared>>) target_semaphore(%run_scoped3A : memref<!tpu.dma_semaphore, #tpu.memory_space<semaphore_mem>>)
      %dma_wait3A = arith.constant 0 : i32
      %dma_wait3A_138 = tpu.memref_slice %arg11[%add3A_23, %dma_wait3A] : memref<100352x16xf32, #tpu.memory_space<vmem_shared>> -> memref<784x16xf32, #tpu.memory_space<vmem_shared>>
      %dma_wait3A_139 = arith.constant 0 : i32
      %dma_wait3A_140 = tpu.memref_slice %arg11[%add3A_23, %dma_wait3A_139] : memref<100352x16xf32, #tpu.memory_space<vmem_shared>> -> memref<784x16xf32, #tpu.memory_space<vmem_shared>>
      tpu.wait_dma2 semaphore(%run_scoped3A : memref<!tpu.dma_semaphore, #tpu.memory_space<semaphore_mem>>) src(%arg9 : memref<784x16xf32, #tpu.memory_space<vmem>>) dst(%dma_wait3A_140 : memref<784x16xf32, #tpu.memory_space<vmem_shared>>)
      tpu.yield
    }) : () -> ()
    %mul3A_24 = arith.constant 6272 : i32
    %mul3A_25 = arith.muli %arg1, %mul3A_24 : i32
    %add3A_26 = arith.constant 3136 : i32
    %add3A_27 = arith.addi %mul3A_25, %add3A_26 : i32
    "tpu.region"() ({
      %run_scoped3A = tpu.sem_alloc : memref<!tpu.dma_semaphore, #tpu.memory_space<semaphore_mem>>
      %dma_start3A = arith.constant 0 : i32
      %dma_start3A_135 = tpu.memref_slice %arg11[%add3A_27, %dma_start3A] : memref<100352x16xf32, #tpu.memory_space<vmem_shared>> -> memref<784x16xf32, #tpu.memory_space<vmem_shared>>
      %dma_start3A_136 = arith.constant 0 : i32
      %dma_start3A_137 = tpu.memref_slice %arg11[%add3A_27, %dma_start3A_136] : memref<100352x16xf32, #tpu.memory_space<vmem_shared>> -> memref<784x16xf32, #tpu.memory_space<vmem_shared>>
      tpu.enqueue_dma source(%arg9 : memref<784x16xf32, #tpu.memory_space<vmem>>) target(%dma_start3A_137 : memref<784x16xf32, #tpu.memory_space<vmem_shared>>) target_semaphore(%run_scoped3A : memref<!tpu.dma_semaphore, #tpu.memory_space<semaphore_mem>>)
      %dma_wait3A = arith.constant 0 : i32
      %dma_wait3A_138 = tpu.memref_slice %arg11[%add3A_27, %dma_wait3A] : memref<100352x16xf32, #tpu.memory_space<vmem_shared>> -> memref<784x16xf32, #tpu.memory_space<vmem_shared>>
      %dma_wait3A_139 = arith.constant 0 : i32
      %dma_wait3A_140 = tpu.memref_slice %arg11[%add3A_27, %dma_wait3A_139] : memref<100352x16xf32, #tpu.memory_space<vmem_shared>> -> memref<784x16xf32, #tpu.memory_space<vmem_shared>>
      tpu.wait_dma2 semaphore(%run_scoped3A : memref<!tpu.dma_semaphore, #tpu.memory_space<semaphore_mem>>) src(%arg9 : memref<784x16xf32, #tpu.memory_space<vmem>>) dst(%dma_wait3A_140 : memref<784x16xf32, #tpu.memory_space<vmem_shared>>)
      tpu.yield
    }) : () -> ()
    %mul3A_28 = arith.constant 6272 : i32
    %mul3A_29 = arith.muli %arg1, %mul3A_28 : i32
    %add3A_30 = arith.constant 3920 : i32
    %add3A_31 = arith.addi %mul3A_29, %add3A_30 : i32
    "tpu.region"() ({
      %run_scoped3A = tpu.sem_alloc : memref<!tpu.dma_semaphore, #tpu.memory_space<semaphore_mem>>
      %dma_start3A = arith.constant 0 : i32
      %dma_start3A_135 = tpu.memref_slice %arg11[%add3A_31, %dma_start3A] : memref<100352x16xf32, #tpu.memory_space<vmem_shared>> -> memref<784x16xf32, #tpu.memory_space<vmem_shared>>
      %dma_start3A_136 = arith.constant 0 : i32
      %dma_start3A_137 = tpu.memref_slice %arg11[%add3A_31, %dma_start3A_136] : memref<100352x16xf32, #tpu.memory_space<vmem_shared>> -> memref<784x16xf32, #tpu.memory_space<vmem_shared>>
      tpu.enqueue_dma source(%arg9 : memref<784x16xf32, #tpu.memory_space<vmem>>) target(%dma_start3A_137 : memref<784x16xf32, #tpu.memory_space<vmem_shared>>) target_semaphore(%run_scoped3A : memref<!tpu.dma_semaphore, #tpu.memory_space<semaphore_mem>>)
      %dma_wait3A = arith.constant 0 : i32
      %dma_wait3A_138 = tpu.memref_slice %arg11[%add3A_31, %dma_wait3A] : memref<100352x16xf32, #tpu.memory_space<vmem_shared>> -> memref<784x16xf32, #tpu.memory_space<vmem_shared>>
      %dma_wait3A_139 = arith.constant 0 : i32
      %dma_wait3A_140 = tpu.memref_slice %arg11[%add3A_31, %dma_wait3A_139] : memref<100352x16xf32, #tpu.memory_space<vmem_shared>> -> memref<784x16xf32, #tpu.memory_space<vmem_shared>>
      tpu.wait_dma2 semaphore(%run_scoped3A : memref<!tpu.dma_semaphore, #tpu.memory_space<semaphore_mem>>) src(%arg9 : memref<784x16xf32, #tpu.memory_space<vmem>>) dst(%dma_wait3A_140 : memref<784x16xf32, #tpu.memory_space<vmem_shared>>)
      tpu.yield
    }) : () -> ()
    %mul3A_32 = arith.constant 6272 : i32
    %mul3A_33 = arith.muli %arg1, %mul3A_32 : i32
    %add3A_34 = arith.constant 4704 : i32
    %add3A_35 = arith.addi %mul3A_33, %add3A_34 : i32
    "tpu.region"() ({
      %run_scoped3A = tpu.sem_alloc : memref<!tpu.dma_semaphore, #tpu.memory_space<semaphore_mem>>
      %dma_start3A = arith.constant 0 : i32
      %dma_start3A_135 = tpu.memref_slice %arg11[%add3A_35, %dma_start3A] : memref<100352x16xf32, #tpu.memory_space<vmem_shared>> -> memref<784x16xf32, #tpu.memory_space<vmem_shared>>
      %dma_start3A_136 = arith.constant 0 : i32
      %dma_start3A_137 = tpu.memref_slice %arg11[%add3A_35, %dma_start3A_136] : memref<100352x16xf32, #tpu.memory_space<vmem_shared>> -> memref<784x16xf32, #tpu.memory_space<vmem_shared>>
      tpu.enqueue_dma source(%arg9 : memref<784x16xf32, #tpu.memory_space<vmem>>) target(%dma_start3A_137 : memref<784x16xf32, #tpu.memory_space<vmem_shared>>) target_semaphore(%run_scoped3A : memref<!tpu.dma_semaphore, #tpu.memory_space<semaphore_mem>>)
      %dma_wait3A = arith.constant 0 : i32
      %dma_wait3A_138 = tpu.memref_slice %arg11[%add3A_35, %dma_wait3A] : memref<100352x16xf32, #tpu.memory_space<vmem_shared>> -> memref<784x16xf32, #tpu.memory_space<vmem_shared>>
      %dma_wait3A_139 = arith.constant 0 : i32
      %dma_wait3A_140 = tpu.memref_slice %arg11[%add3A_35, %dma_wait3A_139] : memref<100352x16xf32, #tpu.memory_space<vmem_shared>> -> memref<784x16xf32, #tpu.memory_space<vmem_shared>>
      tpu.wait_dma2 semaphore(%run_scoped3A : memref<!tpu.dma_semaphore, #tpu.memory_space<semaphore_mem>>) src(%arg9 : memref<784x16xf32, #tpu.memory_space<vmem>>) dst(%dma_wait3A_140 : memref<784x16xf32, #tpu.memory_space<vmem_shared>>)
      tpu.yield
    }) : () -> ()
    %mul3A_36 = arith.constant 6272 : i32
    %mul3A_37 = arith.muli %arg1, %mul3A_36 : i32
    %add3A_38 = arith.constant 5488 : i32
    %add3A_39 = arith.addi %mul3A_37, %add3A_38 : i32
    "tpu.region"() ({
      %run_scoped3A = tpu.sem_alloc : memref<!tpu.dma_semaphore, #tpu.memory_space<semaphore_mem>>
      %dma_start3A = arith.constant 0 : i32
      %dma_start3A_135 = tpu.memref_slice %arg11[%add3A_39, %dma_start3A] : memref<100352x16xf32, #tpu.memory_space<vmem_shared>> -> memref<784x16xf32, #tpu.memory_space<vmem_shared>>
      %dma_start3A_136 = arith.constant 0 : i32
      %dma_start3A_137 = tpu.memref_slice %arg11[%add3A_39, %dma_start3A_136] : memref<100352x16xf32, #tpu.memory_space<vmem_shared>> -> memref<784x16xf32, #tpu.memory_space<vmem_shared>>
      tpu.enqueue_dma source(%arg9 : memref<784x16xf32, #tpu.memory_space<vmem>>) target(%dma_start3A_137 : memref<784x16xf32, #tpu.memory_space<vmem_shared>>) target_semaphore(%run_scoped3A : memref<!tpu.dma_semaphore, #tpu.memory_space<semaphore_mem>>)
      %dma_wait3A = arith.constant 0 : i32
      %dma_wait3A_138 = tpu.memref_slice %arg11[%add3A_39, %dma_wait3A] : memref<100352x16xf32, #tpu.memory_space<vmem_shared>> -> memref<784x16xf32, #tpu.memory_space<vmem_shared>>
      %dma_wait3A_139 = arith.constant 0 : i32
      %dma_wait3A_140 = tpu.memref_slice %arg11[%add3A_39, %dma_wait3A_139] : memref<100352x16xf32, #tpu.memory_space<vmem_shared>> -> memref<784x16xf32, #tpu.memory_space<vmem_shared>>
      tpu.wait_dma2 semaphore(%run_scoped3A : memref<!tpu.dma_semaphore, #tpu.memory_space<semaphore_mem>>) src(%arg9 : memref<784x16xf32, #tpu.memory_space<vmem>>) dst(%dma_wait3A_140 : memref<784x16xf32, #tpu.memory_space<vmem_shared>>)
      tpu.yield
    }) : () -> ()
    %barrier3A = arith.constant 0 : index
    tpu.barrier barrier_id(%barrier3A)
    %scan3A_40 = arith.constant 0 : i32
    %scan3A_41 = arith.constant 0 : i32
    %scan3A_42 = arith.constant 391 : i32
    %scan3A_43 = arith.addi %scan3A_41, %scan3A_42 : i32
    %scan3A_44 = arith.constant 1 : i32
    scf.for %scan3A_135 = %scan3A_41 to %scan3A_43 step %scan3A_44  : i32 {
      %mul3A_136 = arith.constant 128 : i32
      %mul3A_137 = arith.muli %scan3A_135, %mul3A_136 : i32
      %add3A_138 = arith.addi %mul3A_2, %mul3A_137 : i32
      "tpu.region"() ({
        %run_scoped3A = tpu.sem_alloc : memref<!tpu.dma_semaphore, #tpu.memory_space<semaphore_mem>>
        %dma_start3A_143 = tpu.memref_slice %arg3[%add3A_138] : memref<1601536xi32, #tpu.memory_space<hbm>> -> memref<128xi32, #tpu.memory_space<hbm>>
        %dma_start3A_144 = tpu.memref_slice %arg3[%add3A_138] : memref<1601536xi32, #tpu.memory_space<hbm>> -> memref<128xi32, #tpu.memory_space<hbm>>
        tpu.enqueue_dma source(%dma_start3A_144 : memref<128xi32, #tpu.memory_space<hbm>>) target(%arg6 : memref<128xi32, #tpu.memory_space<vmem>>) target_semaphore(%run_scoped3A : memref<!tpu.dma_semaphore, #tpu.memory_space<semaphore_mem>>)
        %dma_wait3A_145 = tpu.memref_slice %arg3[%add3A_138] : memref<1601536xi32, #tpu.memory_space<hbm>> -> memref<128xi32, #tpu.memory_space<hbm>>
        %dma_wait3A_146 = tpu.memref_slice %arg3[%add3A_138] : memref<1601536xi32, #tpu.memory_space<hbm>> -> memref<128xi32, #tpu.memory_space<hbm>>
        tpu.wait_dma2 semaphore(%run_scoped3A : memref<!tpu.dma_semaphore, #tpu.memory_space<semaphore_mem>>) src(%dma_wait3A_146 : memref<128xi32, #tpu.memory_space<hbm>>) dst(%arg6 : memref<128xi32, #tpu.memory_space<vmem>>)
        tpu.yield
      }) : () -> ()
      "tpu.region"() ({
        %run_scoped3A = tpu.sem_alloc : memref<!tpu.dma_semaphore, #tpu.memory_space<semaphore_mem>>
        %dma_start3A_143 = tpu.memref_slice %arg4[%add3A_138] : memref<1601536xi32, #tpu.memory_space<hbm>> -> memref<128xi32, #tpu.memory_space<hbm>>
        %dma_start3A_144 = tpu.memref_slice %arg4[%add3A_138] : memref<1601536xi32, #tpu.memory_space<hbm>> -> memref<128xi32, #tpu.memory_space<hbm>>
        tpu.enqueue_dma source(%dma_start3A_144 : memref<128xi32, #tpu.memory_space<hbm>>) target(%arg7 : memref<128xi32, #tpu.memory_space<vmem>>) target_semaphore(%run_scoped3A : memref<!tpu.dma_semaphore, #tpu.memory_space<semaphore_mem>>)
        %dma_wait3A_145 = tpu.memref_slice %arg4[%add3A_138] : memref<1601536xi32, #tpu.memory_space<hbm>> -> memref<128xi32, #tpu.memory_space<hbm>>
        %dma_wait3A_146 = tpu.memref_slice %arg4[%add3A_138] : memref<1601536xi32, #tpu.memory_space<hbm>> -> memref<128xi32, #tpu.memory_space<hbm>>
        tpu.wait_dma2 semaphore(%run_scoped3A : memref<!tpu.dma_semaphore, #tpu.memory_space<semaphore_mem>>) src(%dma_wait3A_146 : memref<128xi32, #tpu.memory_space<hbm>>) dst(%arg7 : memref<128xi32, #tpu.memory_space<vmem>>)
        tpu.yield
      }) : () -> ()
      %dma_start3A = arith.constant 0 : i32
      %dma_start3A_139 = arith.constant 0 : i32
      %dma_start3A_140 = tpu.memref_slice %arg2[%dma_start3A, %dma_start3A_139] : memref<100352x16xf32, #tpu.memory_space<hbm>> -> memref<100352x16xf32, #tpu.memory_space<hbm>>
      tpu.enqueue_indirect_dma source(%dma_start3A_140 : memref<100352x16xf32, #tpu.memory_space<hbm>>) target(%arg8 : memref<128x16xf32, #tpu.memory_space<vmem>>) offsets(%arg6 : memref<128xi32, #tpu.memory_space<vmem>>) semaphore(%arg12 : memref<!tpu.dma_semaphore, #tpu.memory_space<semaphore_mem>>)
      %dma_wait3A = arith.constant 0 : i32
      %dma_wait3A_141 = arith.constant 0 : i32
      %dma_wait3A_142 = tpu.memref_slice %arg2[%dma_wait3A, %dma_wait3A_141] : memref<100352x16xf32, #tpu.memory_space<hbm>> -> memref<100352x16xf32, #tpu.memory_space<hbm>>
      tpu.wait_indirect_dma semaphore(%arg12 : memref<!tpu.dma_semaphore, #tpu.memory_space<semaphore_mem>>) src(%dma_wait3A_142 : memref<100352x16xf32, #tpu.memory_space<hbm>>) dst(%arg8 : memref<128x16xf32, #tpu.memory_space<vmem>>)
      "tpu.region"() ({
        %run_scoped3A = tpu.sem_alloc : memref<!tpu.dma_semaphore, #tpu.memory_space<semaphore_mem>>
        %dma_start3A_143 = arith.constant 0 : i32
        %dma_start3A_144 = arith.constant 0 : i32
        %dma_start3A_145 = tpu.memref_slice %arg11[%dma_start3A_143, %dma_start3A_144] : memref<100352x16xf32, #tpu.memory_space<vmem_shared>> -> memref<100352x16xf32, #tpu.memory_space<vmem_shared>>
        tpu.enqueue_indirect_dma source(%arg8 : memref<128x16xf32, #tpu.memory_space<vmem>>) target(%dma_start3A_145 : memref<100352x16xf32, #tpu.memory_space<vmem_shared>>) offsets(%arg7 : memref<128xi32, #tpu.memory_space<vmem>>) semaphore(%run_scoped3A : memref<!tpu.dma_semaphore, #tpu.memory_space<semaphore_mem>>) {add = true}
        %dma_wait3A_146 = arith.constant 0 : i32
        %dma_wait3A_147 = arith.constant 0 : i32
        %dma_wait3A_148 = tpu.memref_slice %arg11[%dma_wait3A_146, %dma_wait3A_147] : memref<100352x16xf32, #tpu.memory_space<vmem_shared>> -> memref<100352x16xf32, #tpu.memory_space<vmem_shared>>
        tpu.wait_indirect_dma semaphore(%run_scoped3A : memref<!tpu.dma_semaphore, #tpu.memory_space<semaphore_mem>>) src(%arg8 : memref<128x16xf32, #tpu.memory_space<vmem>>) dst(%dma_wait3A_148 : memref<100352x16xf32, #tpu.memory_space<vmem_shared>>)
        tpu.yield
      }) : () -> ()
    }
    %scan3A_45 = arith.constant 391 : i32
    %barrier3A_46 = arith.constant 0 : index
    tpu.barrier barrier_id(%barrier3A_46)
    %mul3A_47 = arith.constant 6272 : i32
    %mul3A_48 = arith.muli %arg1, %mul3A_47 : i32
    %add3A_49 = arith.constant 0 : i32
    %add3A_50 = arith.addi %mul3A_48, %add3A_49 : i32
    "tpu.region"() ({
      %run_scoped3A = tpu.sem_alloc : memref<!tpu.dma_semaphore, #tpu.memory_space<semaphore_mem>>
      %dma_start3A = arith.constant 0 : i32
      %dma_start3A_135 = tpu.memref_slice %arg11[%add3A_50, %dma_start3A] : memref<100352x16xf32, #tpu.memory_space<vmem_shared>> -> memref<784x16xf32, #tpu.memory_space<vmem_shared>>
      %dma_start3A_136 = arith.constant 0 : i32
      %dma_start3A_137 = tpu.memref_slice %arg11[%add3A_50, %dma_start3A_136] : memref<100352x16xf32, #tpu.memory_space<vmem_shared>> -> memref<784x16xf32, #tpu.memory_space<vmem_shared>>
      tpu.enqueue_dma source(%dma_start3A_137 : memref<784x16xf32, #tpu.memory_space<vmem_shared>>) target(%arg10 : memref<784x16xf32, #tpu.memory_space<vmem>>) target_semaphore(%run_scoped3A : memref<!tpu.dma_semaphore, #tpu.memory_space<semaphore_mem>>)
      %dma_wait3A = arith.constant 0 : i32
      %dma_wait3A_138 = tpu.memref_slice %arg11[%add3A_50, %dma_wait3A] : memref<100352x16xf32, #tpu.memory_space<vmem_shared>> -> memref<784x16xf32, #tpu.memory_space<vmem_shared>>
      %dma_wait3A_139 = arith.constant 0 : i32
      %dma_wait3A_140 = tpu.memref_slice %arg11[%add3A_50, %dma_wait3A_139] : memref<100352x16xf32, #tpu.memory_space<vmem_shared>> -> memref<784x16xf32, #tpu.memory_space<vmem_shared>>
      tpu.wait_dma2 semaphore(%run_scoped3A : memref<!tpu.dma_semaphore, #tpu.memory_space<semaphore_mem>>) src(%dma_wait3A_140 : memref<784x16xf32, #tpu.memory_space<vmem_shared>>) dst(%arg10 : memref<784x16xf32, #tpu.memory_space<vmem>>)
      tpu.yield
    }) : () -> ()
    %mul3A_51 = arith.constant 100352 : i32
    %mul3A_52 = arith.muli %arg0, %mul3A_51 : i32
    %mul3A_53 = arith.constant 6272 : i32
    %mul3A_54 = arith.muli %arg1, %mul3A_53 : i32
    %add3A_55 = arith.addi %mul3A_52, %mul3A_54 : i32
    %add3A_56 = arith.constant 0 : i32
    %add3A_57 = arith.addi %add3A_55, %add3A_56 : i32
    "tpu.region"() ({
      %run_scoped3A = tpu.sem_alloc : memref<!tpu.dma_semaphore, #tpu.memory_space<semaphore_mem>>
      %dma_start3A = arith.constant 0 : i32
      %dma_start3A_135 = tpu.memref_slice %arg5[%add3A_57, %dma_start3A] : memref<200704x16xf32, #tpu.memory_space<hbm>> -> memref<784x16xf32, #tpu.memory_space<hbm>>
      %dma_start3A_136 = arith.constant 0 : i32
      %dma_start3A_137 = tpu.memref_slice %arg5[%add3A_57, %dma_start3A_136] : memref<200704x16xf32, #tpu.memory_space<hbm>> -> memref<784x16xf32, #tpu.memory_space<hbm>>
      tpu.enqueue_dma source(%arg10 : memref<784x16xf32, #tpu.memory_space<vmem>>) target(%dma_start3A_137 : memref<784x16xf32, #tpu.memory_space<hbm>>) target_semaphore(%run_scoped3A : memref<!tpu.dma_semaphore, #tpu.memory_space<semaphore_mem>>)
      %dma_wait3A = arith.constant 0 : i32
      %dma_wait3A_138 = tpu.memref_slice %arg5[%add3A_57, %dma_wait3A] : memref<200704x16xf32, #tpu.memory_space<hbm>> -> memref<784x16xf32, #tpu.memory_space<hbm>>
      %dma_wait3A_139 = arith.constant 0 : i32
      %dma_wait3A_140 = tpu.memref_slice %arg5[%add3A_57, %dma_wait3A_139] : memref<200704x16xf32, #tpu.memory_space<hbm>> -> memref<784x16xf32, #tpu.memory_space<hbm>>
      tpu.wait_dma2 semaphore(%run_scoped3A : memref<!tpu.dma_semaphore, #tpu.memory_space<semaphore_mem>>) src(%arg10 : memref<784x16xf32, #tpu.memory_space<vmem>>) dst(%dma_wait3A_140 : memref<784x16xf32, #tpu.memory_space<hbm>>)
      tpu.yield
    }) : () -> ()
    %mul3A_58 = arith.constant 6272 : i32
    %mul3A_59 = arith.muli %arg1, %mul3A_58 : i32
    %add3A_60 = arith.constant 784 : i32
    %add3A_61 = arith.addi %mul3A_59, %add3A_60 : i32
    "tpu.region"() ({
      %run_scoped3A = tpu.sem_alloc : memref<!tpu.dma_semaphore, #tpu.memory_space<semaphore_mem>>
      %dma_start3A = arith.constant 0 : i32
      %dma_start3A_135 = tpu.memref_slice %arg11[%add3A_61, %dma_start3A] : memref<100352x16xf32, #tpu.memory_space<vmem_shared>> -> memref<784x16xf32, #tpu.memory_space<vmem_shared>>
      %dma_start3A_136 = arith.constant 0 : i32
      %dma_start3A_137 = tpu.memref_slice %arg11[%add3A_61, %dma_start3A_136] : memref<100352x16xf32, #tpu.memory_space<vmem_shared>> -> memref<784x16xf32, #tpu.memory_space<vmem_shared>>
      tpu.enqueue_dma source(%dma_start3A_137 : memref<784x16xf32, #tpu.memory_space<vmem_shared>>) target(%arg10 : memref<784x16xf32, #tpu.memory_space<vmem>>) target_semaphore(%run_scoped3A : memref<!tpu.dma_semaphore, #tpu.memory_space<semaphore_mem>>)
      %dma_wait3A = arith.constant 0 : i32
      %dma_wait3A_138 = tpu.memref_slice %arg11[%add3A_61, %dma_wait3A] : memref<100352x16xf32, #tpu.memory_space<vmem_shared>> -> memref<784x16xf32, #tpu.memory_space<vmem_shared>>
      %dma_wait3A_139 = arith.constant 0 : i32
      %dma_wait3A_140 = tpu.memref_slice %arg11[%add3A_61, %dma_wait3A_139] : memref<100352x16xf32, #tpu.memory_space<vmem_shared>> -> memref<784x16xf32, #tpu.memory_space<vmem_shared>>
      tpu.wait_dma2 semaphore(%run_scoped3A : memref<!tpu.dma_semaphore, #tpu.memory_space<semaphore_mem>>) src(%dma_wait3A_140 : memref<784x16xf32, #tpu.memory_space<vmem_shared>>) dst(%arg10 : memref<784x16xf32, #tpu.memory_space<vmem>>)
      tpu.yield
    }) : () -> ()
    %mul3A_62 = arith.constant 100352 : i32
    %mul3A_63 = arith.muli %arg0, %mul3A_62 : i32
    %mul3A_64 = arith.constant 6272 : i32
    %mul3A_65 = arith.muli %arg1, %mul3A_64 : i32
    %add3A_66 = arith.addi %mul3A_63, %mul3A_65 : i32
    %add3A_67 = arith.constant 784 : i32
    %add3A_68 = arith.addi %add3A_66, %add3A_67 : i32
    "tpu.region"() ({
      %run_scoped3A = tpu.sem_alloc : memref<!tpu.dma_semaphore, #tpu.memory_space<semaphore_mem>>
      %dma_start3A = arith.constant 0 : i32
      %dma_start3A_135 = tpu.memref_slice %arg5[%add3A_68, %dma_start3A] : memref<200704x16xf32, #tpu.memory_space<hbm>> -> memref<784x16xf32, #tpu.memory_space<hbm>>
      %dma_start3A_136 = arith.constant 0 : i32
      %dma_start3A_137 = tpu.memref_slice %arg5[%add3A_68, %dma_start3A_136] : memref<200704x16xf32, #tpu.memory_space<hbm>> -> memref<784x16xf32, #tpu.memory_space<hbm>>
      tpu.enqueue_dma source(%arg10 : memref<784x16xf32, #tpu.memory_space<vmem>>) target(%dma_start3A_137 : memref<784x16xf32, #tpu.memory_space<hbm>>) target_semaphore(%run_scoped3A : memref<!tpu.dma_semaphore, #tpu.memory_space<semaphore_mem>>)
      %dma_wait3A = arith.constant 0 : i32
      %dma_wait3A_138 = tpu.memref_slice %arg5[%add3A_68, %dma_wait3A] : memref<200704x16xf32, #tpu.memory_space<hbm>> -> memref<784x16xf32, #tpu.memory_space<hbm>>
      %dma_wait3A_139 = arith.constant 0 : i32
      %dma_wait3A_140 = tpu.memref_slice %arg5[%add3A_68, %dma_wait3A_139] : memref<200704x16xf32, #tpu.memory_space<hbm>> -> memref<784x16xf32, #tpu.memory_space<hbm>>
      tpu.wait_dma2 semaphore(%run_scoped3A : memref<!tpu.dma_semaphore, #tpu.memory_space<semaphore_mem>>) src(%arg10 : memref<784x16xf32, #tpu.memory_space<vmem>>) dst(%dma_wait3A_140 : memref<784x16xf32, #tpu.memory_space<hbm>>)
      tpu.yield
    }) : () -> ()
    %mul3A_69 = arith.constant 6272 : i32
    %mul3A_70 = arith.muli %arg1, %mul3A_69 : i32
    %add3A_71 = arith.constant 1568 : i32
    %add3A_72 = arith.addi %mul3A_70, %add3A_71 : i32
    "tpu.region"() ({
      %run_scoped3A = tpu.sem_alloc : memref<!tpu.dma_semaphore, #tpu.memory_space<semaphore_mem>>
      %dma_start3A = arith.constant 0 : i32
      %dma_start3A_135 = tpu.memref_slice %arg11[%add3A_72, %dma_start3A] : memref<100352x16xf32, #tpu.memory_space<vmem_shared>> -> memref<784x16xf32, #tpu.memory_space<vmem_shared>>
      %dma_start3A_136 = arith.constant 0 : i32
      %dma_start3A_137 = tpu.memref_slice %arg11[%add3A_72, %dma_start3A_136] : memref<100352x16xf32, #tpu.memory_space<vmem_shared>> -> memref<784x16xf32, #tpu.memory_space<vmem_shared>>
      tpu.enqueue_dma source(%dma_start3A_137 : memref<784x16xf32, #tpu.memory_space<vmem_shared>>) target(%arg10 : memref<784x16xf32, #tpu.memory_space<vmem>>) target_semaphore(%run_scoped3A : memref<!tpu.dma_semaphore, #tpu.memory_space<semaphore_mem>>)
      %dma_wait3A = arith.constant 0 : i32
      %dma_wait3A_138 = tpu.memref_slice %arg11[%add3A_72, %dma_wait3A] : memref<100352x16xf32, #tpu.memory_space<vmem_shared>> -> memref<784x16xf32, #tpu.memory_space<vmem_shared>>
      %dma_wait3A_139 = arith.constant 0 : i32
      %dma_wait3A_140 = tpu.memref_slice %arg11[%add3A_72, %dma_wait3A_139] : memref<100352x16xf32, #tpu.memory_space<vmem_shared>> -> memref<784x16xf32, #tpu.memory_space<vmem_shared>>
      tpu.wait_dma2 semaphore(%run_scoped3A : memref<!tpu.dma_semaphore, #tpu.memory_space<semaphore_mem>>) src(%dma_wait3A_140 : memref<784x16xf32, #tpu.memory_space<vmem_shared>>) dst(%arg10 : memref<784x16xf32, #tpu.memory_space<vmem>>)
      tpu.yield
    }) : () -> ()
    %mul3A_73 = arith.constant 100352 : i32
    %mul3A_74 = arith.muli %arg0, %mul3A_73 : i32
    %mul3A_75 = arith.constant 6272 : i32
    %mul3A_76 = arith.muli %arg1, %mul3A_75 : i32
    %add3A_77 = arith.addi %mul3A_74, %mul3A_76 : i32
    %add3A_78 = arith.constant 1568 : i32
    %add3A_79 = arith.addi %add3A_77, %add3A_78 : i32
    "tpu.region"() ({
      %run_scoped3A = tpu.sem_alloc : memref<!tpu.dma_semaphore, #tpu.memory_space<semaphore_mem>>
      %dma_start3A = arith.constant 0 : i32
      %dma_start3A_135 = tpu.memref_slice %arg5[%add3A_79, %dma_start3A] : memref<200704x16xf32, #tpu.memory_space<hbm>> -> memref<784x16xf32, #tpu.memory_space<hbm>>
      %dma_start3A_136 = arith.constant 0 : i32
      %dma_start3A_137 = tpu.memref_slice %arg5[%add3A_79, %dma_start3A_136] : memref<200704x16xf32, #tpu.memory_space<hbm>> -> memref<784x16xf32, #tpu.memory_space<hbm>>
      tpu.enqueue_dma source(%arg10 : memref<784x16xf32, #tpu.memory_space<vmem>>) target(%dma_start3A_137 : memref<784x16xf32, #tpu.memory_space<hbm>>) target_semaphore(%run_scoped3A : memref<!tpu.dma_semaphore, #tpu.memory_space<semaphore_mem>>)
      %dma_wait3A = arith.constant 0 : i32
      %dma_wait3A_138 = tpu.memref_slice %arg5[%add3A_79, %dma_wait3A] : memref<200704x16xf32, #tpu.memory_space<hbm>> -> memref<784x16xf32, #tpu.memory_space<hbm>>
      %dma_wait3A_139 = arith.constant 0 : i32
      %dma_wait3A_140 = tpu.memref_slice %arg5[%add3A_79, %dma_wait3A_139] : memref<200704x16xf32, #tpu.memory_space<hbm>> -> memref<784x16xf32, #tpu.memory_space<hbm>>
      tpu.wait_dma2 semaphore(%run_scoped3A : memref<!tpu.dma_semaphore, #tpu.memory_space<semaphore_mem>>) src(%arg10 : memref<784x16xf32, #tpu.memory_space<vmem>>) dst(%dma_wait3A_140 : memref<784x16xf32, #tpu.memory_space<hbm>>)
      tpu.yield
    }) : () -> ()
    %mul3A_80 = arith.constant 6272 : i32
    %mul3A_81 = arith.muli %arg1, %mul3A_80 : i32
    %add3A_82 = arith.constant 2352 : i32
    %add3A_83 = arith.addi %mul3A_81, %add3A_82 : i32
    "tpu.region"() ({
      %run_scoped3A = tpu.sem_alloc : memref<!tpu.dma_semaphore, #tpu.memory_space<semaphore_mem>>
      %dma_start3A = arith.constant 0 : i32
      %dma_start3A_135 = tpu.memref_slice %arg11[%add3A_83, %dma_start3A] : memref<100352x16xf32, #tpu.memory_space<vmem_shared>> -> memref<784x16xf32, #tpu.memory_space<vmem_shared>>
      %dma_start3A_136 = arith.constant 0 : i32
      %dma_start3A_137 = tpu.memref_slice %arg11[%add3A_83, %dma_start3A_136] : memref<100352x16xf32, #tpu.memory_space<vmem_shared>> -> memref<784x16xf32, #tpu.memory_space<vmem_shared>>
      tpu.enqueue_dma source(%dma_start3A_137 : memref<784x16xf32, #tpu.memory_space<vmem_shared>>) target(%arg10 : memref<784x16xf32, #tpu.memory_space<vmem>>) target_semaphore(%run_scoped3A : memref<!tpu.dma_semaphore, #tpu.memory_space<semaphore_mem>>)
      %dma_wait3A = arith.constant 0 : i32
      %dma_wait3A_138 = tpu.memref_slice %arg11[%add3A_83, %dma_wait3A] : memref<100352x16xf32, #tpu.memory_space<vmem_shared>> -> memref<784x16xf32, #tpu.memory_space<vmem_shared>>
      %dma_wait3A_139 = arith.constant 0 : i32
      %dma_wait3A_140 = tpu.memref_slice %arg11[%add3A_83, %dma_wait3A_139] : memref<100352x16xf32, #tpu.memory_space<vmem_shared>> -> memref<784x16xf32, #tpu.memory_space<vmem_shared>>
      tpu.wait_dma2 semaphore(%run_scoped3A : memref<!tpu.dma_semaphore, #tpu.memory_space<semaphore_mem>>) src(%dma_wait3A_140 : memref<784x16xf32, #tpu.memory_space<vmem_shared>>) dst(%arg10 : memref<784x16xf32, #tpu.memory_space<vmem>>)
      tpu.yield
    }) : () -> ()
    %mul3A_84 = arith.constant 100352 : i32
    %mul3A_85 = arith.muli %arg0, %mul3A_84 : i32
    %mul3A_86 = arith.constant 6272 : i32
    %mul3A_87 = arith.muli %arg1, %mul3A_86 : i32
    %add3A_88 = arith.addi %mul3A_85, %mul3A_87 : i32
    %add3A_89 = arith.constant 2352 : i32
    %add3A_90 = arith.addi %add3A_88, %add3A_89 : i32
    "tpu.region"() ({
      %run_scoped3A = tpu.sem_alloc : memref<!tpu.dma_semaphore, #tpu.memory_space<semaphore_mem>>
      %dma_start3A = arith.constant 0 : i32
      %dma_start3A_135 = tpu.memref_slice %arg5[%add3A_90, %dma_start3A] : memref<200704x16xf32, #tpu.memory_space<hbm>> -> memref<784x16xf32, #tpu.memory_space<hbm>>
      %dma_start3A_136 = arith.constant 0 : i32
      %dma_start3A_137 = tpu.memref_slice %arg5[%add3A_90, %dma_start3A_136] : memref<200704x16xf32, #tpu.memory_space<hbm>> -> memref<784x16xf32, #tpu.memory_space<hbm>>
      tpu.enqueue_dma source(%arg10 : memref<784x16xf32, #tpu.memory_space<vmem>>) target(%dma_start3A_137 : memref<784x16xf32, #tpu.memory_space<hbm>>) target_semaphore(%run_scoped3A : memref<!tpu.dma_semaphore, #tpu.memory_space<semaphore_mem>>)
      %dma_wait3A = arith.constant 0 : i32
      %dma_wait3A_138 = tpu.memref_slice %arg5[%add3A_90, %dma_wait3A] : memref<200704x16xf32, #tpu.memory_space<hbm>> -> memref<784x16xf32, #tpu.memory_space<hbm>>
      %dma_wait3A_139 = arith.constant 0 : i32
      %dma_wait3A_140 = tpu.memref_slice %arg5[%add3A_90, %dma_wait3A_139] : memref<200704x16xf32, #tpu.memory_space<hbm>> -> memref<784x16xf32, #tpu.memory_space<hbm>>
      tpu.wait_dma2 semaphore(%run_scoped3A : memref<!tpu.dma_semaphore, #tpu.memory_space<semaphore_mem>>) src(%arg10 : memref<784x16xf32, #tpu.memory_space<vmem>>) dst(%dma_wait3A_140 : memref<784x16xf32, #tpu.memory_space<hbm>>)
      tpu.yield
    }) : () -> ()
    %mul3A_91 = arith.constant 6272 : i32
    %mul3A_92 = arith.muli %arg1, %mul3A_91 : i32
    %add3A_93 = arith.constant 3136 : i32
    %add3A_94 = arith.addi %mul3A_92, %add3A_93 : i32
    "tpu.region"() ({
      %run_scoped3A = tpu.sem_alloc : memref<!tpu.dma_semaphore, #tpu.memory_space<semaphore_mem>>
      %dma_start3A = arith.constant 0 : i32
      %dma_start3A_135 = tpu.memref_slice %arg11[%add3A_94, %dma_start3A] : memref<100352x16xf32, #tpu.memory_space<vmem_shared>> -> memref<784x16xf32, #tpu.memory_space<vmem_shared>>
      %dma_start3A_136 = arith.constant 0 : i32
      %dma_start3A_137 = tpu.memref_slice %arg11[%add3A_94, %dma_start3A_136] : memref<100352x16xf32, #tpu.memory_space<vmem_shared>> -> memref<784x16xf32, #tpu.memory_space<vmem_shared>>
      tpu.enqueue_dma source(%dma_start3A_137 : memref<784x16xf32, #tpu.memory_space<vmem_shared>>) target(%arg10 : memref<784x16xf32, #tpu.memory_space<vmem>>) target_semaphore(%run_scoped3A : memref<!tpu.dma_semaphore, #tpu.memory_space<semaphore_mem>>)
      %dma_wait3A = arith.constant 0 : i32
      %dma_wait3A_138 = tpu.memref_slice %arg11[%add3A_94, %dma_wait3A] : memref<100352x16xf32, #tpu.memory_space<vmem_shared>> -> memref<784x16xf32, #tpu.memory_space<vmem_shared>>
      %dma_wait3A_139 = arith.constant 0 : i32
      %dma_wait3A_140 = tpu.memref_slice %arg11[%add3A_94, %dma_wait3A_139] : memref<100352x16xf32, #tpu.memory_space<vmem_shared>> -> memref<784x16xf32, #tpu.memory_space<vmem_shared>>
      tpu.wait_dma2 semaphore(%run_scoped3A : memref<!tpu.dma_semaphore, #tpu.memory_space<semaphore_mem>>) src(%dma_wait3A_140 : memref<784x16xf32, #tpu.memory_space<vmem_shared>>) dst(%arg10 : memref<784x16xf32, #tpu.memory_space<vmem>>)
      tpu.yield
    }) : () -> ()
    %mul3A_95 = arith.constant 100352 : i32
    %mul3A_96 = arith.muli %arg0, %mul3A_95 : i32
    %mul3A_97 = arith.constant 6272 : i32
    %mul3A_98 = arith.muli %arg1, %mul3A_97 : i32
    %add3A_99 = arith.addi %mul3A_96, %mul3A_98 : i32
    %add3A_100 = arith.constant 3136 : i32
    %add3A_101 = arith.addi %add3A_99, %add3A_100 : i32
    "tpu.region"() ({
      %run_scoped3A = tpu.sem_alloc : memref<!tpu.dma_semaphore, #tpu.memory_space<semaphore_mem>>
      %dma_start3A = arith.constant 0 : i32
      %dma_start3A_135 = tpu.memref_slice %arg5[%add3A_101, %dma_start3A] : memref<200704x16xf32, #tpu.memory_space<hbm>> -> memref<784x16xf32, #tpu.memory_space<hbm>>
      %dma_start3A_136 = arith.constant 0 : i32
      %dma_start3A_137 = tpu.memref_slice %arg5[%add3A_101, %dma_start3A_136] : memref<200704x16xf32, #tpu.memory_space<hbm>> -> memref<784x16xf32, #tpu.memory_space<hbm>>
      tpu.enqueue_dma source(%arg10 : memref<784x16xf32, #tpu.memory_space<vmem>>) target(%dma_start3A_137 : memref<784x16xf32, #tpu.memory_space<hbm>>) target_semaphore(%run_scoped3A : memref<!tpu.dma_semaphore, #tpu.memory_space<semaphore_mem>>)
      %dma_wait3A = arith.constant 0 : i32
      %dma_wait3A_138 = tpu.memref_slice %arg5[%add3A_101, %dma_wait3A] : memref<200704x16xf32, #tpu.memory_space<hbm>> -> memref<784x16xf32, #tpu.memory_space<hbm>>
      %dma_wait3A_139 = arith.constant 0 : i32
      %dma_wait3A_140 = tpu.memref_slice %arg5[%add3A_101, %dma_wait3A_139] : memref<200704x16xf32, #tpu.memory_space<hbm>> -> memref<784x16xf32, #tpu.memory_space<hbm>>
      tpu.wait_dma2 semaphore(%run_scoped3A : memref<!tpu.dma_semaphore, #tpu.memory_space<semaphore_mem>>) src(%arg10 : memref<784x16xf32, #tpu.memory_space<vmem>>) dst(%dma_wait3A_140 : memref<784x16xf32, #tpu.memory_space<hbm>>)
      tpu.yield
    }) : () -> ()
    %mul3A_102 = arith.constant 6272 : i32
    %mul3A_103 = arith.muli %arg1, %mul3A_102 : i32
    %add3A_104 = arith.constant 3920 : i32
    %add3A_105 = arith.addi %mul3A_103, %add3A_104 : i32
    "tpu.region"() ({
      %run_scoped3A = tpu.sem_alloc : memref<!tpu.dma_semaphore, #tpu.memory_space<semaphore_mem>>
      %dma_start3A = arith.constant 0 : i32
      %dma_start3A_135 = tpu.memref_slice %arg11[%add3A_105, %dma_start3A] : memref<100352x16xf32, #tpu.memory_space<vmem_shared>> -> memref<784x16xf32, #tpu.memory_space<vmem_shared>>
      %dma_start3A_136 = arith.constant 0 : i32
      %dma_start3A_137 = tpu.memref_slice %arg11[%add3A_105, %dma_start3A_136] : memref<100352x16xf32, #tpu.memory_space<vmem_shared>> -> memref<784x16xf32, #tpu.memory_space<vmem_shared>>
      tpu.enqueue_dma source(%dma_start3A_137 : memref<784x16xf32, #tpu.memory_space<vmem_shared>>) target(%arg10 : memref<784x16xf32, #tpu.memory_space<vmem>>) target_semaphore(%run_scoped3A : memref<!tpu.dma_semaphore, #tpu.memory_space<semaphore_mem>>)
      %dma_wait3A = arith.constant 0 : i32
      %dma_wait3A_138 = tpu.memref_slice %arg11[%add3A_105, %dma_wait3A] : memref<100352x16xf32, #tpu.memory_space<vmem_shared>> -> memref<784x16xf32, #tpu.memory_space<vmem_shared>>
      %dma_wait3A_139 = arith.constant 0 : i32
      %dma_wait3A_140 = tpu.memref_slice %arg11[%add3A_105, %dma_wait3A_139] : memref<100352x16xf32, #tpu.memory_space<vmem_shared>> -> memref<784x16xf32, #tpu.memory_space<vmem_shared>>
      tpu.wait_dma2 semaphore(%run_scoped3A : memref<!tpu.dma_semaphore, #tpu.memory_space<semaphore_mem>>) src(%dma_wait3A_140 : memref<784x16xf32, #tpu.memory_space<vmem_shared>>) dst(%arg10 : memref<784x16xf32, #tpu.memory_space<vmem>>)
      tpu.yield
    }) : () -> ()
    %mul3A_106 = arith.constant 100352 : i32
    %mul3A_107 = arith.muli %arg0, %mul3A_106 : i32
    %mul3A_108 = arith.constant 6272 : i32
    %mul3A_109 = arith.muli %arg1, %mul3A_108 : i32
    %add3A_110 = arith.addi %mul3A_107, %mul3A_109 : i32
    %add3A_111 = arith.constant 3920 : i32
    %add3A_112 = arith.addi %add3A_110, %add3A_111 : i32
    "tpu.region"() ({
      %run_scoped3A = tpu.sem_alloc : memref<!tpu.dma_semaphore, #tpu.memory_space<semaphore_mem>>
      %dma_start3A = arith.constant 0 : i32
      %dma_start3A_135 = tpu.memref_slice %arg5[%add3A_112, %dma_start3A] : memref<200704x16xf32, #tpu.memory_space<hbm>> -> memref<784x16xf32, #tpu.memory_space<hbm>>
      %dma_start3A_136 = arith.constant 0 : i32
      %dma_start3A_137 = tpu.memref_slice %arg5[%add3A_112, %dma_start3A_136] : memref<200704x16xf32, #tpu.memory_space<hbm>> -> memref<784x16xf32, #tpu.memory_space<hbm>>
      tpu.enqueue_dma source(%arg10 : memref<784x16xf32, #tpu.memory_space<vmem>>) target(%dma_start3A_137 : memref<784x16xf32, #tpu.memory_space<hbm>>) target_semaphore(%run_scoped3A : memref<!tpu.dma_semaphore, #tpu.memory_space<semaphore_mem>>)
      %dma_wait3A = arith.constant 0 : i32
      %dma_wait3A_138 = tpu.memref_slice %arg5[%add3A_112, %dma_wait3A] : memref<200704x16xf32, #tpu.memory_space<hbm>> -> memref<784x16xf32, #tpu.memory_space<hbm>>
      %dma_wait3A_139 = arith.constant 0 : i32
      %dma_wait3A_140 = tpu.memref_slice %arg5[%add3A_112, %dma_wait3A_139] : memref<200704x16xf32, #tpu.memory_space<hbm>> -> memref<784x16xf32, #tpu.memory_space<hbm>>
      tpu.wait_dma2 semaphore(%run_scoped3A : memref<!tpu.dma_semaphore, #tpu.memory_space<semaphore_mem>>) src(%arg10 : memref<784x16xf32, #tpu.memory_space<vmem>>) dst(%dma_wait3A_140 : memref<784x16xf32, #tpu.memory_space<hbm>>)
      tpu.yield
    }) : () -> ()
    %mul3A_113 = arith.constant 6272 : i32
    %mul3A_114 = arith.muli %arg1, %mul3A_113 : i32
    %add3A_115 = arith.constant 4704 : i32
    %add3A_116 = arith.addi %mul3A_114, %add3A_115 : i32
    "tpu.region"() ({
      %run_scoped3A = tpu.sem_alloc : memref<!tpu.dma_semaphore, #tpu.memory_space<semaphore_mem>>
      %dma_start3A = arith.constant 0 : i32
      %dma_start3A_135 = tpu.memref_slice %arg11[%add3A_116, %dma_start3A] : memref<100352x16xf32, #tpu.memory_space<vmem_shared>> -> memref<784x16xf32, #tpu.memory_space<vmem_shared>>
      %dma_start3A_136 = arith.constant 0 : i32
      %dma_start3A_137 = tpu.memref_slice %arg11[%add3A_116, %dma_start3A_136] : memref<100352x16xf32, #tpu.memory_space<vmem_shared>> -> memref<784x16xf32, #tpu.memory_space<vmem_shared>>
      tpu.enqueue_dma source(%dma_start3A_137 : memref<784x16xf32, #tpu.memory_space<vmem_shared>>) target(%arg10 : memref<784x16xf32, #tpu.memory_space<vmem>>) target_semaphore(%run_scoped3A : memref<!tpu.dma_semaphore, #tpu.memory_space<semaphore_mem>>)
      %dma_wait3A = arith.constant 0 : i32
      %dma_wait3A_138 = tpu.memref_slice %arg11[%add3A_116, %dma_wait3A] : memref<100352x16xf32, #tpu.memory_space<vmem_shared>> -> memref<784x16xf32, #tpu.memory_space<vmem_shared>>
      %dma_wait3A_139 = arith.constant 0 : i32
      %dma_wait3A_140 = tpu.memref_slice %arg11[%add3A_116, %dma_wait3A_139] : memref<100352x16xf32, #tpu.memory_space<vmem_shared>> -> memref<784x16xf32, #tpu.memory_space<vmem_shared>>
      tpu.wait_dma2 semaphore(%run_scoped3A : memref<!tpu.dma_semaphore, #tpu.memory_space<semaphore_mem>>) src(%dma_wait3A_140 : memref<784x16xf32, #tpu.memory_space<vmem_shared>>) dst(%arg10 : memref<784x16xf32, #tpu.memory_space<vmem>>)
      tpu.yield
    }) : () -> ()
    %mul3A_117 = arith.constant 100352 : i32
    %mul3A_118 = arith.muli %arg0, %mul3A_117 : i32
    %mul3A_119 = arith.constant 6272 : i32
    %mul3A_120 = arith.muli %arg1, %mul3A_119 : i32
    %add3A_121 = arith.addi %mul3A_118, %mul3A_120 : i32
    %add3A_122 = arith.constant 4704 : i32
    %add3A_123 = arith.addi %add3A_121, %add3A_122 : i32
    "tpu.region"() ({
      %run_scoped3A = tpu.sem_alloc : memref<!tpu.dma_semaphore, #tpu.memory_space<semaphore_mem>>
      %dma_start3A = arith.constant 0 : i32
      %dma_start3A_135 = tpu.memref_slice %arg5[%add3A_123, %dma_start3A] : memref<200704x16xf32, #tpu.memory_space<hbm>> -> memref<784x16xf32, #tpu.memory_space<hbm>>
      %dma_start3A_136 = arith.constant 0 : i32
      %dma_start3A_137 = tpu.memref_slice %arg5[%add3A_123, %dma_start3A_136] : memref<200704x16xf32, #tpu.memory_space<hbm>> -> memref<784x16xf32, #tpu.memory_space<hbm>>
      tpu.enqueue_dma source(%arg10 : memref<784x16xf32, #tpu.memory_space<vmem>>) target(%dma_start3A_137 : memref<784x16xf32, #tpu.memory_space<hbm>>) target_semaphore(%run_scoped3A : memref<!tpu.dma_semaphore, #tpu.memory_space<semaphore_mem>>)
      %dma_wait3A = arith.constant 0 : i32
      %dma_wait3A_138 = tpu.memref_slice %arg5[%add3A_123, %dma_wait3A] : memref<200704x16xf32, #tpu.memory_space<hbm>> -> memref<784x16xf32, #tpu.memory_space<hbm>>
      %dma_wait3A_139 = arith.constant 0 : i32
      %dma_wait3A_140 = tpu.memref_slice %arg5[%add3A_123, %dma_wait3A_139] : memref<200704x16xf32, #tpu.memory_space<hbm>> -> memref<784x16xf32, #tpu.memory_space<hbm>>
      tpu.wait_dma2 semaphore(%run_scoped3A : memref<!tpu.dma_semaphore, #tpu.memory_space<semaphore_mem>>) src(%arg10 : memref<784x16xf32, #tpu.memory_space<vmem>>) dst(%dma_wait3A_140 : memref<784x16xf32, #tpu.memory_space<hbm>>)
      tpu.yield
    }) : () -> ()
    %mul3A_124 = arith.constant 6272 : i32
    %mul3A_125 = arith.muli %arg1, %mul3A_124 : i32
    %add3A_126 = arith.constant 5488 : i32
    %add3A_127 = arith.addi %mul3A_125, %add3A_126 : i32
    "tpu.region"() ({
      %run_scoped3A = tpu.sem_alloc : memref<!tpu.dma_semaphore, #tpu.memory_space<semaphore_mem>>
      %dma_start3A = arith.constant 0 : i32
      %dma_start3A_135 = tpu.memref_slice %arg11[%add3A_127, %dma_start3A] : memref<100352x16xf32, #tpu.memory_space<vmem_shared>> -> memref<784x16xf32, #tpu.memory_space<vmem_shared>>
      %dma_start3A_136 = arith.constant 0 : i32
      %dma_start3A_137 = tpu.memref_slice %arg11[%add3A_127, %dma_start3A_136] : memref<100352x16xf32, #tpu.memory_space<vmem_shared>> -> memref<784x16xf32, #tpu.memory_space<vmem_shared>>
      tpu.enqueue_dma source(%dma_start3A_137 : memref<784x16xf32, #tpu.memory_space<vmem_shared>>) target(%arg10 : memref<784x16xf32, #tpu.memory_space<vmem>>) target_semaphore(%run_scoped3A : memref<!tpu.dma_semaphore, #tpu.memory_space<semaphore_mem>>)
      %dma_wait3A = arith.constant 0 : i32
      %dma_wait3A_138 = tpu.memref_slice %arg11[%add3A_127, %dma_wait3A] : memref<100352x16xf32, #tpu.memory_space<vmem_shared>> -> memref<784x16xf32, #tpu.memory_space<vmem_shared>>
      %dma_wait3A_139 = arith.constant 0 : i32
      %dma_wait3A_140 = tpu.memref_slice %arg11[%add3A_127, %dma_wait3A_139] : memref<100352x16xf32, #tpu.memory_space<vmem_shared>> -> memref<784x16xf32, #tpu.memory_space<vmem_shared>>
      tpu.wait_dma2 semaphore(%run_scoped3A : memref<!tpu.dma_semaphore, #tpu.memory_space<semaphore_mem>>) src(%dma_wait3A_140 : memref<784x16xf32, #tpu.memory_space<vmem_shared>>) dst(%arg10 : memref<784x16xf32, #tpu.memory_space<vmem>>)
      tpu.yield
    }) : () -> ()
    %mul3A_128 = arith.constant 100352 : i32
    %mul3A_129 = arith.muli %arg0, %mul3A_128 : i32
    %mul3A_130 = arith.constant 6272 : i32
    %mul3A_131 = arith.muli %arg1, %mul3A_130 : i32
    %add3A_132 = arith.addi %mul3A_129, %mul3A_131 : i32
    %add3A_133 = arith.constant 5488 : i32
    %add3A_134 = arith.addi %add3A_132, %add3A_133 : i32
    "tpu.region"() ({
      %run_scoped3A = tpu.sem_alloc : memref<!tpu.dma_semaphore, #tpu.memory_space<semaphore_mem>>
      %dma_start3A = arith.constant 0 : i32
      %dma_start3A_135 = tpu.memref_slice %arg5[%add3A_134, %dma_start3A] : memref<200704x16xf32, #tpu.memory_space<hbm>> -> memref<784x16xf32, #tpu.memory_space<hbm>>
      %dma_start3A_136 = arith.constant 0 : i32
      %dma_start3A_137 = tpu.memref_slice %arg5[%add3A_134, %dma_start3A_136] : memref<200704x16xf32, #tpu.memory_space<hbm>> -> memref<784x16xf32, #tpu.memory_space<hbm>>
      tpu.enqueue_dma source(%arg10 : memref<784x16xf32, #tpu.memory_space<vmem>>) target(%dma_start3A_137 : memref<784x16xf32, #tpu.memory_space<hbm>>) target_semaphore(%run_scoped3A : memref<!tpu.dma_semaphore, #tpu.memory_space<semaphore_mem>>)
      %dma_wait3A = arith.constant 0 : i32
      %dma_wait3A_138 = tpu.memref_slice %arg5[%add3A_134, %dma_wait3A] : memref<200704x16xf32, #tpu.memory_space<hbm>> -> memref<784x16xf32, #tpu.memory_space<hbm>>
      %dma_wait3A_139 = arith.constant 0 : i32
      %dma_wait3A_140 = tpu.memref_slice %arg5[%add3A_134, %dma_wait3A_139] : memref<200704x16xf32, #tpu.memory_space<hbm>> -> memref<784x16xf32, #tpu.memory_space<hbm>>
      tpu.wait_dma2 semaphore(%run_scoped3A : memref<!tpu.dma_semaphore, #tpu.memory_space<semaphore_mem>>) src(%arg10 : memref<784x16xf32, #tpu.memory_space<vmem>>) dst(%dma_wait3A_140 : memref<784x16xf32, #tpu.memory_space<hbm>>)
      tpu.yield
    }) : () -> ()
    return
  }
}

module attributes {stable_mosaic.version = 14 : i64} {
  func.func @body(%arg0: i32, %arg1: memref<2x1024x1xf32, #tpu.memory_space<vmem>>, %arg2: memref<1024x16xf32, #tpu.memory_space<vmem>>, %arg3: memref<1024x1xf32, #tpu.memory_space<vmem>>, %arg4: memref<1024x1xf32, #tpu.memory_space<vmem>>, %arg5: memref<1024x16xf32, #tpu.memory_space<vmem>>) attributes {dimension_semantics = [#tpu.dimension_semantics<arbitrary>], iteration_bounds = array<i64: 98>, scalar_prefetch = 0 : i64, scratch_operands = 0 : i64, tpu.core_type = #tpu.core_type<tc>, window_params = [{transform_indices = @transform_0, window_bounds = array<i64: 2, 1024, 1>}, {transform_indices = @transform_1, window_bounds = array<i64: 1024, 16>}, {transform_indices = @transform_2, window_bounds = array<i64: 1024, 1>}, {transform_indices = @transform_3, window_bounds = array<i64: 1024, 1>}, {transform_indices = @transform_4, window_bounds = array<i64: 1024, 16>}]} {
    %get3A = arith.constant 0 : index
    %get3A_0 = arith.constant 0 : index
    %get3A_1 = arith.constant 0 : index
    %get3A_2 = vector.load %arg1[%get3A, %get3A_0, %get3A_1] : memref<2x1024x1xf32, #tpu.memory_space<vmem>>, vector<1x1024x1xf32>
    %get3A_3 = vector.shape_cast %get3A_2 : vector<1x1024x1xf32> to vector<1024x1xf32>
    %get3A_4 = arith.constant 1 : index
    %get3A_5 = arith.constant 0 : index
    %get3A_6 = arith.constant 0 : index
    %get3A_7 = vector.load %arg1[%get3A_4, %get3A_5, %get3A_6] : memref<2x1024x1xf32, #tpu.memory_space<vmem>>, vector<1x1024x1xf32>
    %get3A_8 = vector.shape_cast %get3A_7 : vector<1x1024x1xf32> to vector<1024x1xf32>
    %add3A = arith.addf %get3A_3, %get3A_8 : vector<1024x1xf32>
    %add3A_9 = arith.constant 1.000000e+00 : f32
    %add3A_10 = vector.broadcast %add3A_9 : f32 to vector<1024x1xf32>
    %add3A_11 = arith.addf %add3A, %add3A_10 : vector<1024x1xf32>
    %rsqrt3A = math.rsqrt %add3A_11 : vector<1024x1xf32>
    %swap3A = arith.constant 0 : index
    %swap3A_12 = arith.constant 0 : index
    %swap3A_13 = vector.load %arg3[%swap3A, %swap3A_12] : memref<1024x1xf32, #tpu.memory_space<vmem>>, vector<1024x1xf32>
    tpu.vector_store %arg3[%swap3A, %swap3A_12], %rsqrt3A {strides = array<i32>} : memref<1024x1xf32, #tpu.memory_space<vmem>>, vector<1024x1xf32>,
    %mul3A = arith.mulf %rsqrt3A, %rsqrt3A : vector<1024x1xf32>
    %swap3A_14 = arith.constant 0 : index
    %swap3A_15 = arith.constant 0 : index
    %swap3A_16 = vector.load %arg4[%swap3A_14, %swap3A_15] : memref<1024x1xf32, #tpu.memory_space<vmem>>, vector<1024x1xf32>
    tpu.vector_store %arg4[%swap3A_14, %swap3A_15], %mul3A {strides = array<i32>} : memref<1024x1xf32, #tpu.memory_space<vmem>>, vector<1024x1xf32>,
    %get3A_17 = arith.constant 0 : index
    %get3A_18 = arith.constant 0 : index
    %get3A_19 = vector.load %arg2[%get3A_17, %get3A_18] : memref<1024x16xf32, #tpu.memory_space<vmem>>, vector<1024x16xf32>
    %mul3A_20 = vector.broadcast %rsqrt3A : vector<1024x1xf32> to vector<1024x16xf32>
    %mul3A_21 = arith.mulf %get3A_19, %mul3A_20 : vector<1024x16xf32>
    %swap3A_22 = arith.constant 0 : index
    %swap3A_23 = arith.constant 0 : index
    %swap3A_24 = vector.load %arg5[%swap3A_22, %swap3A_23] : memref<1024x16xf32, #tpu.memory_space<vmem>>, vector<1024x16xf32>
    tpu.vector_store %arg5[%swap3A_22, %swap3A_23], %mul3A_21 {strides = array<i32>} : memref<1024x16xf32, #tpu.memory_space<vmem>>, vector<1024x16xf32>,
    return
  }
  func.func @transform_0(%arg0: i32) -> (i32, i32, i32) {
    %c0_i32 = arith.constant 0 : i32
    %c0_i32_0 = arith.constant 0 : i32
    %c0_i32_1 = arith.constant 0 : i32
    return %c0_i32, %arg0, %c0_i32_0 : i32, i32, i32
  }
  func.func @transform_1(%arg0: i32) -> (i32, i32) {
    %c0_i32 = arith.constant 0 : i32
    %c0_i32_0 = arith.constant 0 : i32
    return %arg0, %c0_i32 : i32, i32
  }
  func.func @transform_2(%arg0: i32) -> (i32, i32) {
    %c0_i32 = arith.constant 0 : i32
    %c0_i32_0 = arith.constant 0 : i32
    return %arg0, %c0_i32 : i32, i32
  }
  func.func @transform_3(%arg0: i32) -> (i32, i32) {
    %c0_i32 = arith.constant 0 : i32
    %c0_i32_0 = arith.constant 0 : i32
    return %arg0, %c0_i32 : i32, i32
  }
  func.func @transform_4(%arg0: i32) -> (i32, i32) {
    %c0_i32 = arith.constant 0 : i32
    %c0_i32_0 = arith.constant 0 : i32
    return %arg0, %c0_i32 : i32, i32
  }
}

module attributes {stable_mosaic.version = 14 : i64} {
  func.func @body(%arg0: i32, %arg1: memref<2x1024x16xf32, #tpu.memory_space<vmem>>, %arg2: memref<1024x16xf32, #tpu.memory_space<vmem>>, %arg3: memref<1024x1xf32, #tpu.memory_space<vmem>>, %arg4: memref<1024x1xf32, #tpu.memory_space<vmem>>, %arg5: memref<16x64xf32, #tpu.memory_space<vmem>>, %arg6: memref<1x64xf32, #tpu.memory_space<vmem>>, %arg7: memref<4x1024x16xf32, #tpu.memory_space<vmem>>, %arg8: memref<1024x64xf32, #tpu.memory_space<vmem>>) attributes {dimension_semantics = [#tpu.dimension_semantics<arbitrary>], iteration_bounds = array<i64: 98>, scalar_prefetch = 0 : i64, scratch_operands = 0 : i64, tpu.core_type = #tpu.core_type<tc>, window_params = [{transform_indices = @transform_0, window_bounds = array<i64: 2, 1024, 16>}, {transform_indices = @transform_1, window_bounds = array<i64: 1024, 16>}, {transform_indices = @transform_2, window_bounds = array<i64: 1024, 1>}, {transform_indices = @transform_3, window_bounds = array<i64: 1024, 1>}, {pipeline_mode = #tpu.pipeline_mode<synchronous>, transform_indices = @transform_4, window_bounds = array<i64: 16, 64>}, {pipeline_mode = #tpu.pipeline_mode<synchronous>, transform_indices = @transform_5, window_bounds = array<i64: 1, 64>}, {transform_indices = @transform_6, window_bounds = array<i64: 4, 1024, 16>}, {transform_indices = @transform_7, window_bounds = array<i64: 1024, 64>}]} {
    %get3A = arith.constant 0 : index
    %get3A_0 = arith.constant 0 : index
    %get3A_1 = vector.load %arg3[%get3A, %get3A_0] : memref<1024x1xf32, #tpu.memory_space<vmem>>, vector<1024x1xf32>
    %get3A_2 = arith.constant 0 : index
    %get3A_3 = arith.constant 0 : index
    %get3A_4 = arith.constant 0 : index
    %get3A_5 = vector.load %arg1[%get3A_2, %get3A_3, %get3A_4] : memref<2x1024x16xf32, #tpu.memory_space<vmem>>, vector<1x1024x16xf32>
    %get3A_6 = vector.shape_cast %get3A_5 : vector<1x1024x16xf32> to vector<1024x16xf32>
    %get3A_7 = arith.constant 1 : index
    %get3A_8 = arith.constant 0 : index
    %get3A_9 = arith.constant 0 : index
    %get3A_10 = vector.load %arg1[%get3A_7, %get3A_8, %get3A_9] : memref<2x1024x16xf32, #tpu.memory_space<vmem>>, vector<1x1024x16xf32>
    %get3A_11 = vector.shape_cast %get3A_10 : vector<1x1024x16xf32> to vector<1024x16xf32>
    %add3A = arith.addf %get3A_6, %get3A_11 : vector<1024x16xf32>
    %mul3A = vector.broadcast %get3A_1 : vector<1024x1xf32> to vector<1024x16xf32>
    %mul3A_12 = arith.mulf %add3A, %mul3A : vector<1024x16xf32>
    %get3A_13 = arith.constant 0 : index
    %get3A_14 = arith.constant 0 : index
    %get3A_15 = vector.load %arg2[%get3A_13, %get3A_14] : memref<1024x16xf32, #tpu.memory_space<vmem>>, vector<1024x16xf32>
    %get3A_16 = arith.constant 0 : index
    %get3A_17 = arith.constant 0 : index
    %get3A_18 = vector.load %arg4[%get3A_16, %get3A_17] : memref<1024x1xf32, #tpu.memory_space<vmem>>, vector<1024x1xf32>
    %mul3A_19 = vector.broadcast %get3A_18 : vector<1024x1xf32> to vector<1024x16xf32>
    %mul3A_20 = arith.mulf %get3A_15, %mul3A_19 : vector<1024x16xf32>
    %add3A_21 = arith.addf %mul3A_12, %mul3A_20 : vector<1024x16xf32>
    %get3A_22 = arith.constant 0 : index
    %get3A_23 = arith.constant 0 : index
    %get3A_24 = vector.load %arg5[%get3A_22, %get3A_23] : memref<16x64xf32, #tpu.memory_space<vmem>>, vector<16x64xf32>
    %dot_general3A = arith.constant dense<0.000000e+00> : vector<1024x64xf32>
    %dot_general3A_25 = tpu.matmul %add3A_21, %get3A_24, %dot_general3A {dimension_numbers = #tpu.dot_dimension_numbers<[1], [0], [0], [1], [0, 0, 1, 1], [], []>, transpose_lhs_hint = false} : vector<1024x16xf32>, vector<16x64xf32>, vector<1024x64xf32> -> vector<1024x64xf32>
    %get3A_26 = arith.constant 0 : index
    %get3A_27 = arith.constant 0 : index
    %get3A_28 = vector.load %arg6[%get3A_26, %get3A_27] : memref<1x64xf32, #tpu.memory_space<vmem>>, vector<1x64xf32>
    %add3A_29 = vector.broadcast %get3A_28 : vector<1x64xf32> to vector<1024x64xf32>
    %add3A_30 = arith.addf %dot_general3A_25, %add3A_29 : vector<1024x64xf32>
    %max3A = arith.constant 0.000000e+00 : f32
    %max3A_31 = vector.broadcast %max3A : f32 to vector<1024x64xf32>
    %max3A_32 = arith.maximumf %add3A_30, %max3A_31 : vector<1024x64xf32>
    %mul3A_33 = vector.broadcast %get3A_1 : vector<1024x1xf32> to vector<1024x64xf32>
    %mul3A_34 = arith.mulf %max3A_32, %mul3A_33 : vector<1024x64xf32>
    %slice3A = vector.extract_strided_slice %mul3A_34 {offsets = [0, 0], sizes = [1024, 16], strides = [1, 1]} : vector<1024x64xf32> to vector<1024x16xf32>
    %swap3A = arith.constant 0 : index
    %swap3A_35 = arith.constant 0 : index
    %swap3A_36 = arith.constant 0 : index
    %swap3A_37 = vector.load %arg7[%swap3A, %swap3A_35, %swap3A_36] : memref<4x1024x16xf32, #tpu.memory_space<vmem>>, vector<1x1024x16xf32>
    %swap3A_38 = vector.shape_cast %swap3A_37 : vector<1x1024x16xf32> to vector<1024x16xf32>
    %swap3A_39 = vector.shape_cast %slice3A : vector<1024x16xf32> to vector<1x1024x16xf32>
    tpu.vector_store %arg7[%swap3A, %swap3A_35, %swap3A_36], %swap3A_39 {strides = array<i32>} : memref<4x1024x16xf32, #tpu.memory_space<vmem>>, vector<1x1024x16xf32>,
    %slice3A_40 = vector.extract_strided_slice %mul3A_34 {offsets = [0, 16], sizes = [1024, 16], strides = [1, 1]} : vector<1024x64xf32> to vector<1024x16xf32>
    %swap3A_41 = arith.constant 1 : index
    %swap3A_42 = arith.constant 0 : index
    %swap3A_43 = arith.constant 0 : index
    %swap3A_44 = vector.load %arg7[%swap3A_41, %swap3A_42, %swap3A_43] : memref<4x1024x16xf32, #tpu.memory_space<vmem>>, vector<1x1024x16xf32>
    %swap3A_45 = vector.shape_cast %swap3A_44 : vector<1x1024x16xf32> to vector<1024x16xf32>
    %swap3A_46 = vector.shape_cast %slice3A_40 : vector<1024x16xf32> to vector<1x1024x16xf32>
    tpu.vector_store %arg7[%swap3A_41, %swap3A_42, %swap3A_43], %swap3A_46 {strides = array<i32>} : memref<4x1024x16xf32, #tpu.memory_space<vmem>>, vector<1x1024x16xf32>,
    %slice3A_47 = vector.extract_strided_slice %mul3A_34 {offsets = [0, 32], sizes = [1024, 16], strides = [1, 1]} : vector<1024x64xf32> to vector<1024x16xf32>
    %swap3A_48 = arith.constant 2 : index
    %swap3A_49 = arith.constant 0 : index
    %swap3A_50 = arith.constant 0 : index
    %swap3A_51 = vector.load %arg7[%swap3A_48, %swap3A_49, %swap3A_50] : memref<4x1024x16xf32, #tpu.memory_space<vmem>>, vector<1x1024x16xf32>
    %swap3A_52 = vector.shape_cast %swap3A_51 : vector<1x1024x16xf32> to vector<1024x16xf32>
    %swap3A_53 = vector.shape_cast %slice3A_47 : vector<1024x16xf32> to vector<1x1024x16xf32>
    tpu.vector_store %arg7[%swap3A_48, %swap3A_49, %swap3A_50], %swap3A_53 {strides = array<i32>} : memref<4x1024x16xf32, #tpu.memory_space<vmem>>, vector<1x1024x16xf32>,
    %slice3A_54 = vector.extract_strided_slice %mul3A_34 {offsets = [0, 48], sizes = [1024, 16], strides = [1, 1]} : vector<1024x64xf32> to vector<1024x16xf32>
    %swap3A_55 = arith.constant 3 : index
    %swap3A_56 = arith.constant 0 : index
    %swap3A_57 = arith.constant 0 : index
    %swap3A_58 = vector.load %arg7[%swap3A_55, %swap3A_56, %swap3A_57] : memref<4x1024x16xf32, #tpu.memory_space<vmem>>, vector<1x1024x16xf32>
    %swap3A_59 = vector.shape_cast %swap3A_58 : vector<1x1024x16xf32> to vector<1024x16xf32>
    %swap3A_60 = vector.shape_cast %slice3A_54 : vector<1024x16xf32> to vector<1x1024x16xf32>
    tpu.vector_store %arg7[%swap3A_55, %swap3A_56, %swap3A_57], %swap3A_60 {strides = array<i32>} : memref<4x1024x16xf32, #tpu.memory_space<vmem>>, vector<1x1024x16xf32>,
    %get3A_61 = arith.constant 0 : index
    %get3A_62 = arith.constant 0 : index
    %get3A_63 = vector.load %arg4[%get3A_61, %get3A_62] : memref<1024x1xf32, #tpu.memory_space<vmem>>, vector<1024x1xf32>
    %mul3A_64 = vector.broadcast %get3A_63 : vector<1024x1xf32> to vector<1024x64xf32>
    %mul3A_65 = arith.mulf %max3A_32, %mul3A_64 : vector<1024x64xf32>
    %swap3A_66 = arith.constant 0 : index
    %swap3A_67 = arith.constant 0 : index
    %swap3A_68 = vector.load %arg8[%swap3A_66, %swap3A_67] : memref<1024x64xf32, #tpu.memory_space<vmem>>, vector<1024x64xf32>
    tpu.vector_store %arg8[%swap3A_66, %swap3A_67], %mul3A_65 {strides = array<i32>} : memref<1024x64xf32, #tpu.memory_space<vmem>>, vector<1024x64xf32>,
    return
  }
  func.func @transform_0(%arg0: i32) -> (i32, i32, i32) {
    %c0_i32 = arith.constant 0 : i32
    %c0_i32_0 = arith.constant 0 : i32
    %c0_i32_1 = arith.constant 0 : i32
    return %c0_i32, %arg0, %c0_i32_0 : i32, i32, i32
  }
  func.func @transform_1(%arg0: i32) -> (i32, i32) {
    %c0_i32 = arith.constant 0 : i32
    %c0_i32_0 = arith.constant 0 : i32
    return %arg0, %c0_i32 : i32, i32
  }
  func.func @transform_2(%arg0: i32) -> (i32, i32) {
    %c0_i32 = arith.constant 0 : i32
    %c0_i32_0 = arith.constant 0 : i32
    return %arg0, %c0_i32 : i32, i32
  }
  func.func @transform_3(%arg0: i32) -> (i32, i32) {
    %c0_i32 = arith.constant 0 : i32
    %c0_i32_0 = arith.constant 0 : i32
    return %arg0, %c0_i32 : i32, i32
  }
  func.func @transform_4(%arg0: i32) -> (i32, i32) {
    %c0_i32 = arith.constant 0 : i32
    %c0_i32_0 = arith.constant 0 : i32
    %c0_i32_1 = arith.constant 0 : i32
    return %c0_i32, %c0_i32_0 : i32, i32
  }
  func.func @transform_5(%arg0: i32) -> (i32, i32) {
    %c0_i32 = arith.constant 0 : i32
    %c0_i32_0 = arith.constant 0 : i32
    %c0_i32_1 = arith.constant 0 : i32
    return %c0_i32, %c0_i32_0 : i32, i32
  }
  func.func @transform_6(%arg0: i32) -> (i32, i32, i32) {
    %c0_i32 = arith.constant 0 : i32
    %c0_i32_0 = arith.constant 0 : i32
    %c0_i32_1 = arith.constant 0 : i32
    return %c0_i32, %arg0, %c0_i32_0 : i32, i32, i32
  }
  func.func @transform_7(%arg0: i32) -> (i32, i32) {
    %c0_i32 = arith.constant 0 : i32
    %c0_i32_0 = arith.constant 0 : i32
    return %arg0, %c0_i32 : i32, i32
  }
}

module attributes {stable_mosaic.version = 14 : i64} {
  func.func @body(%arg0: i32, %arg1: memref<4x1024x16xf32, #tpu.memory_space<vmem>>, %arg2: memref<1024x64xf32, #tpu.memory_space<vmem>>, %arg3: memref<1024x1xf32, #tpu.memory_space<vmem>>, %arg4: memref<1024x1xf32, #tpu.memory_space<vmem>>, %arg5: memref<64x64xf32, #tpu.memory_space<vmem>>, %arg6: memref<1x64xf32, #tpu.memory_space<vmem>>, %arg7: memref<64x32xf32, #tpu.memory_space<vmem>>, %arg8: memref<2x1024x16xf32, #tpu.memory_space<vmem>>, %arg9: memref<1024x32xf32, #tpu.memory_space<vmem>>) attributes {dimension_semantics = [#tpu.dimension_semantics<arbitrary>], iteration_bounds = array<i64: 98>, scalar_prefetch = 0 : i64, scratch_operands = 0 : i64, tpu.core_type = #tpu.core_type<tc>, window_params = [{transform_indices = @transform_0, window_bounds = array<i64: 4, 1024, 16>}, {transform_indices = @transform_1, window_bounds = array<i64: 1024, 64>}, {transform_indices = @transform_2, window_bounds = array<i64: 1024, 1>}, {transform_indices = @transform_3, window_bounds = array<i64: 1024, 1>}, {pipeline_mode = #tpu.pipeline_mode<synchronous>, transform_indices = @transform_4, window_bounds = array<i64: 64, 64>}, {pipeline_mode = #tpu.pipeline_mode<synchronous>, transform_indices = @transform_5, window_bounds = array<i64: 1, 64>}, {pipeline_mode = #tpu.pipeline_mode<synchronous>, transform_indices = @transform_6, window_bounds = array<i64: 64, 32>}, {transform_indices = @transform_7, window_bounds = array<i64: 2, 1024, 16>}, {transform_indices = @transform_8, window_bounds = array<i64: 1024, 32>}]} {
    %get3A = arith.constant 0 : index
    %get3A_0 = arith.constant 0 : index
    %get3A_1 = vector.load %arg3[%get3A, %get3A_0] : memref<1024x1xf32, #tpu.memory_space<vmem>>, vector<1024x1xf32>
    %get3A_2 = arith.constant 0 : index
    %get3A_3 = arith.constant 0 : index
    %get3A_4 = arith.constant 0 : index
    %get3A_5 = vector.load %arg1[%get3A_2, %get3A_3, %get3A_4] : memref<4x1024x16xf32, #tpu.memory_space<vmem>>, vector<1x1024x16xf32>
    %get3A_6 = vector.shape_cast %get3A_5 : vector<1x1024x16xf32> to vector<1024x16xf32>
    %get3A_7 = arith.constant 1 : index
    %get3A_8 = arith.constant 0 : index
    %get3A_9 = arith.constant 0 : index
    %get3A_10 = vector.load %arg1[%get3A_7, %get3A_8, %get3A_9] : memref<4x1024x16xf32, #tpu.memory_space<vmem>>, vector<1x1024x16xf32>
    %get3A_11 = vector.shape_cast %get3A_10 : vector<1x1024x16xf32> to vector<1024x16xf32>
    %get3A_12 = arith.constant 2 : index
    %get3A_13 = arith.constant 0 : index
    %get3A_14 = arith.constant 0 : index
    %get3A_15 = vector.load %arg1[%get3A_12, %get3A_13, %get3A_14] : memref<4x1024x16xf32, #tpu.memory_space<vmem>>, vector<1x1024x16xf32>
    %get3A_16 = vector.shape_cast %get3A_15 : vector<1x1024x16xf32> to vector<1024x16xf32>
    %get3A_17 = arith.constant 3 : index
    %get3A_18 = arith.constant 0 : index
    %get3A_19 = arith.constant 0 : index
    %get3A_20 = vector.load %arg1[%get3A_17, %get3A_18, %get3A_19] : memref<4x1024x16xf32, #tpu.memory_space<vmem>>, vector<1x1024x16xf32>
    %get3A_21 = vector.shape_cast %get3A_20 : vector<1x1024x16xf32> to vector<1024x16xf32>
    %concatenate3A = tpu.concatenate %get3A_6, %get3A_11, %get3A_16, %get3A_21 in 1 : vector<1024x16xf32>, vector<1024x16xf32>, vector<1024x16xf32>, vector<1024x16xf32> -> vector<1024x64xf32>
    %mul3A = vector.broadcast %get3A_1 : vector<1024x1xf32> to vector<1024x64xf32>
    %mul3A_22 = arith.mulf %concatenate3A, %mul3A : vector<1024x64xf32>
    %get3A_23 = arith.constant 0 : index
    %get3A_24 = arith.constant 0 : index
    %get3A_25 = vector.load %arg2[%get3A_23, %get3A_24] : memref<1024x64xf32, #tpu.memory_space<vmem>>, vector<1024x64xf32>
    %add3A = arith.addf %mul3A_22, %get3A_25 : vector<1024x64xf32>
    %get3A_26 = arith.constant 0 : index
    %get3A_27 = arith.constant 0 : index
    %get3A_28 = vector.load %arg5[%get3A_26, %get3A_27] : memref<64x64xf32, #tpu.memory_space<vmem>>, vector<64x64xf32>
    %dot_general3A = arith.constant dense<0.000000e+00> : vector<1024x64xf32>
    %dot_general3A_29 = tpu.matmul %add3A, %get3A_28, %dot_general3A {dimension_numbers = #tpu.dot_dimension_numbers<[1], [0], [0], [1], [0, 0, 1, 1], [], []>, transpose_lhs_hint = false} : vector<1024x64xf32>, vector<64x64xf32>, vector<1024x64xf32> -> vector<1024x64xf32>
    %get3A_30 = arith.constant 0 : index
    %get3A_31 = arith.constant 0 : index
    %get3A_32 = vector.load %arg6[%get3A_30, %get3A_31] : memref<1x64xf32, #tpu.memory_space<vmem>>, vector<1x64xf32>
    %add3A_33 = vector.broadcast %get3A_32 : vector<1x64xf32> to vector<1024x64xf32>
    %add3A_34 = arith.addf %dot_general3A_29, %add3A_33 : vector<1024x64xf32>
    %max3A = arith.constant 0.000000e+00 : f32
    %max3A_35 = vector.broadcast %max3A : f32 to vector<1024x64xf32>
    %max3A_36 = arith.maximumf %add3A_34, %max3A_35 : vector<1024x64xf32>
    %get3A_37 = arith.constant 0 : index
    %get3A_38 = arith.constant 0 : index
    %get3A_39 = vector.load %arg7[%get3A_37, %get3A_38] : memref<64x32xf32, #tpu.memory_space<vmem>>, vector<64x32xf32>
    %dot_general3A_40 = arith.constant dense<0.000000e+00> : vector<1024x32xf32>
    %dot_general3A_41 = tpu.matmul %max3A_36, %get3A_39, %dot_general3A_40 {dimension_numbers = #tpu.dot_dimension_numbers<[1], [0], [0], [1], [0, 0, 1, 1], [], []>, transpose_lhs_hint = false} : vector<1024x64xf32>, vector<64x32xf32>, vector<1024x32xf32> -> vector<1024x32xf32>
    %mul3A_42 = vector.broadcast %get3A_1 : vector<1024x1xf32> to vector<1024x32xf32>
    %mul3A_43 = arith.mulf %dot_general3A_41, %mul3A_42 : vector<1024x32xf32>
    %slice3A = vector.extract_strided_slice %mul3A_43 {offsets = [0, 0], sizes = [1024, 16], strides = [1, 1]} : vector<1024x32xf32> to vector<1024x16xf32>
    %swap3A = arith.constant 0 : index
    %swap3A_44 = arith.constant 0 : index
    %swap3A_45 = arith.constant 0 : index
    %swap3A_46 = vector.load %arg8[%swap3A, %swap3A_44, %swap3A_45] : memref<2x1024x16xf32, #tpu.memory_space<vmem>>, vector<1x1024x16xf32>
    %swap3A_47 = vector.shape_cast %swap3A_46 : vector<1x1024x16xf32> to vector<1024x16xf32>
    %swap3A_48 = vector.shape_cast %slice3A : vector<1024x16xf32> to vector<1x1024x16xf32>
    tpu.vector_store %arg8[%swap3A, %swap3A_44, %swap3A_45], %swap3A_48 {strides = array<i32>} : memref<2x1024x16xf32, #tpu.memory_space<vmem>>, vector<1x1024x16xf32>,
    %slice3A_49 = vector.extract_strided_slice %mul3A_43 {offsets = [0, 16], sizes = [1024, 16], strides = [1, 1]} : vector<1024x32xf32> to vector<1024x16xf32>
    %swap3A_50 = arith.constant 1 : index
    %swap3A_51 = arith.constant 0 : index
    %swap3A_52 = arith.constant 0 : index
    %swap3A_53 = vector.load %arg8[%swap3A_50, %swap3A_51, %swap3A_52] : memref<2x1024x16xf32, #tpu.memory_space<vmem>>, vector<1x1024x16xf32>
    %swap3A_54 = vector.shape_cast %swap3A_53 : vector<1x1024x16xf32> to vector<1024x16xf32>
    %swap3A_55 = vector.shape_cast %slice3A_49 : vector<1024x16xf32> to vector<1x1024x16xf32>
    tpu.vector_store %arg8[%swap3A_50, %swap3A_51, %swap3A_52], %swap3A_55 {strides = array<i32>} : memref<2x1024x16xf32, #tpu.memory_space<vmem>>, vector<1x1024x16xf32>,
    %get3A_56 = arith.constant 0 : index
    %get3A_57 = arith.constant 0 : index
    %get3A_58 = vector.load %arg4[%get3A_56, %get3A_57] : memref<1024x1xf32, #tpu.memory_space<vmem>>, vector<1024x1xf32>
    %mul3A_59 = vector.broadcast %get3A_58 : vector<1024x1xf32> to vector<1024x32xf32>
    %mul3A_60 = arith.mulf %dot_general3A_41, %mul3A_59 : vector<1024x32xf32>
    %swap3A_61 = arith.constant 0 : index
    %swap3A_62 = arith.constant 0 : index
    %swap3A_63 = vector.load %arg9[%swap3A_61, %swap3A_62] : memref<1024x32xf32, #tpu.memory_space<vmem>>, vector<1024x32xf32>
    tpu.vector_store %arg9[%swap3A_61, %swap3A_62], %mul3A_60 {strides = array<i32>} : memref<1024x32xf32, #tpu.memory_space<vmem>>, vector<1024x32xf32>,
    return
  }
  func.func @transform_0(%arg0: i32) -> (i32, i32, i32) {
    %c0_i32 = arith.constant 0 : i32
    %c0_i32_0 = arith.constant 0 : i32
    %c0_i32_1 = arith.constant 0 : i32
    return %c0_i32, %arg0, %c0_i32_0 : i32, i32, i32
  }
  func.func @transform_1(%arg0: i32) -> (i32, i32) {
    %c0_i32 = arith.constant 0 : i32
    %c0_i32_0 = arith.constant 0 : i32
    return %arg0, %c0_i32 : i32, i32
  }
  func.func @transform_2(%arg0: i32) -> (i32, i32) {
    %c0_i32 = arith.constant 0 : i32
    %c0_i32_0 = arith.constant 0 : i32
    return %arg0, %c0_i32 : i32, i32
  }
  func.func @transform_3(%arg0: i32) -> (i32, i32) {
    %c0_i32 = arith.constant 0 : i32
    %c0_i32_0 = arith.constant 0 : i32
    return %arg0, %c0_i32 : i32, i32
  }
  func.func @transform_4(%arg0: i32) -> (i32, i32) {
    %c0_i32 = arith.constant 0 : i32
    %c0_i32_0 = arith.constant 0 : i32
    %c0_i32_1 = arith.constant 0 : i32
    return %c0_i32, %c0_i32_0 : i32, i32
  }
  func.func @transform_5(%arg0: i32) -> (i32, i32) {
    %c0_i32 = arith.constant 0 : i32
    %c0_i32_0 = arith.constant 0 : i32
    %c0_i32_1 = arith.constant 0 : i32
    return %c0_i32, %c0_i32_0 : i32, i32
  }
  func.func @transform_6(%arg0: i32) -> (i32, i32) {
    %c0_i32 = arith.constant 0 : i32
    %c0_i32_0 = arith.constant 0 : i32
    %c0_i32_1 = arith.constant 0 : i32
    return %c0_i32, %c0_i32_0 : i32, i32
  }
  func.func @transform_7(%arg0: i32) -> (i32, i32, i32) {
    %c0_i32 = arith.constant 0 : i32
    %c0_i32_0 = arith.constant 0 : i32
    %c0_i32_1 = arith.constant 0 : i32
    return %c0_i32, %arg0, %c0_i32_0 : i32, i32, i32
  }
  func.func @transform_8(%arg0: i32) -> (i32, i32) {
    %c0_i32 = arith.constant 0 : i32
    %c0_i32_0 = arith.constant 0 : i32
    return %arg0, %c0_i32 : i32, i32
  }
}

module attributes {stable_mosaic.version = 14 : i64} {
  func.func @body(%arg0: i32, %arg1: memref<2x1024x16xf32, #tpu.memory_space<vmem>>, %arg2: memref<1024x32xf32, #tpu.memory_space<vmem>>, %arg3: memref<1024x1xf32, #tpu.memory_space<vmem>>, %arg4: memref<1x32xf32, #tpu.memory_space<vmem>>, %arg5: memref<1024x1xi32, #tpu.memory_space<vmem>>, %arg6: memref<32x2xf32, #tpu.memory_space<vmem>>, %arg7: memref<1x2xf32, #tpu.memory_space<vmem>>, %arg8: memref<256x2xf32, #tpu.memory_space<vmem>>, %arg9: memref<256x32xf32, #tpu.memory_space<vmem>>, %arg10: memref<1x256xf32, #tpu.memory_space<vmem>>) attributes {dimension_semantics = [#tpu.dimension_semantics<arbitrary>], iteration_bounds = array<i64: 98>, scalar_prefetch = 0 : i64, scratch_operands = 2 : i64, tpu.core_type = #tpu.core_type<tc>, window_params = [{transform_indices = @transform_0, window_bounds = array<i64: 2, 1024, 16>}, {transform_indices = @transform_1, window_bounds = array<i64: 1024, 32>}, {transform_indices = @transform_2, window_bounds = array<i64: 1024, 1>}, {pipeline_mode = #tpu.pipeline_mode<synchronous>, transform_indices = @transform_3, window_bounds = array<i64: 1, 32>}, {transform_indices = @transform_4, window_bounds = array<i64: 1024, 1>}, {pipeline_mode = #tpu.pipeline_mode<synchronous>, transform_indices = @transform_5, window_bounds = array<i64: 32, 2>}, {pipeline_mode = #tpu.pipeline_mode<synchronous>, transform_indices = @transform_6, window_bounds = array<i64: 1, 2>}, {pipeline_mode = #tpu.pipeline_mode<synchronous>, transform_indices = @transform_7, window_bounds = array<i64: 256, 2>}]} {
    %eq3A = arith.constant 0 : i32
    %eq3A_0 = arith.cmpi eq, %arg0, %eq3A : i32
    %convert_element_type3A = arith.extui %eq3A_0 : i1 to i32
    %cond3A = arith.constant 0 : i32
    %cond3A_1 = arith.cmpi ne, %convert_element_type3A, %cond3A : i32
    scf.if %cond3A_1 {
      %broadcast_in_dim3A_71 = arith.constant 0.000000e+00 : f32
      %broadcast_in_dim3A_72 = vector.broadcast %broadcast_in_dim3A_71 : f32 to vector<256x32xf32>
      %swap3A_73 = arith.constant 0 : index
      %swap3A_74 = arith.constant 0 : index
      %swap3A_75 = vector.load %arg9[%swap3A_73, %swap3A_74] : memref<256x32xf32, #tpu.memory_space<vmem>>, vector<256x32xf32>
      tpu.vector_store %arg9[%swap3A_73, %swap3A_74], %broadcast_in_dim3A_72 {strides = array<i32>} : memref<256x32xf32, #tpu.memory_space<vmem>>, vector<256x32xf32>,
      %broadcast_in_dim3A_76 = arith.constant 0.000000e+00 : f32
      %broadcast_in_dim3A_77 = vector.broadcast %broadcast_in_dim3A_76 : f32 to vector<1x256xf32>
      %swap3A_78 = arith.constant 0 : index
      %swap3A_79 = arith.constant 0 : index
      %swap3A_80 = vector.load %arg10[%swap3A_78, %swap3A_79] : memref<1x256xf32, #tpu.memory_space<vmem>>, vector<1x256xf32>
      tpu.vector_store %arg10[%swap3A_78, %swap3A_79], %broadcast_in_dim3A_77 {strides = array<i32>} : memref<1x256xf32, #tpu.memory_space<vmem>>, vector<1x256xf32>,
    } else {
    }
    %get3A = arith.constant 0 : index
    %get3A_2 = arith.constant 0 : index
    %get3A_3 = arith.constant 0 : index
    %get3A_4 = vector.load %arg1[%get3A, %get3A_2, %get3A_3] : memref<2x1024x16xf32, #tpu.memory_space<vmem>>, vector<1x1024x16xf32>
    %get3A_5 = vector.shape_cast %get3A_4 : vector<1x1024x16xf32> to vector<1024x16xf32>
    %get3A_6 = arith.constant 1 : index
    %get3A_7 = arith.constant 0 : index
    %get3A_8 = arith.constant 0 : index
    %get3A_9 = vector.load %arg1[%get3A_6, %get3A_7, %get3A_8] : memref<2x1024x16xf32, #tpu.memory_space<vmem>>, vector<1x1024x16xf32>
    %get3A_10 = vector.shape_cast %get3A_9 : vector<1x1024x16xf32> to vector<1024x16xf32>
    %concatenate3A = tpu.concatenate %get3A_5, %get3A_10 in 1 : vector<1024x16xf32>, vector<1024x16xf32> -> vector<1024x32xf32>
    %get3A_11 = arith.constant 0 : index
    %get3A_12 = arith.constant 0 : index
    %get3A_13 = vector.load %arg3[%get3A_11, %get3A_12] : memref<1024x1xf32, #tpu.memory_space<vmem>>, vector<1024x1xf32>
    %mul3A = vector.broadcast %get3A_13 : vector<1024x1xf32> to vector<1024x32xf32>
    %mul3A_14 = arith.mulf %concatenate3A, %mul3A : vector<1024x32xf32>
    %get3A_15 = arith.constant 0 : index
    %get3A_16 = arith.constant 0 : index
    %get3A_17 = vector.load %arg2[%get3A_15, %get3A_16] : memref<1024x32xf32, #tpu.memory_space<vmem>>, vector<1024x32xf32>
    %add3A = arith.addf %mul3A_14, %get3A_17 : vector<1024x32xf32>
    %get3A_18 = arith.constant 0 : index
    %get3A_19 = arith.constant 0 : index
    %get3A_20 = vector.load %arg4[%get3A_18, %get3A_19] : memref<1x32xf32, #tpu.memory_space<vmem>>, vector<1x32xf32>
    %add3A_21 = vector.broadcast %get3A_20 : vector<1x32xf32> to vector<1024x32xf32>
    %add3A_22 = arith.addf %add3A, %add3A_21 : vector<1024x32xf32>
    %max3A = arith.constant 0.000000e+00 : f32
    %max3A_23 = vector.broadcast %max3A : f32 to vector<1024x32xf32>
    %max3A_24 = arith.maximumf %add3A_22, %max3A_23 : vector<1024x32xf32>
    %get3A_25 = arith.constant 0 : index
    %get3A_26 = arith.constant 0 : index
    %get3A_27 = vector.load %arg5[%get3A_25, %get3A_26] : memref<1024x1xi32, #tpu.memory_space<vmem>>, vector<1024x1xi32>
    %iota3A = tpu.iota {dimensions = array<i32: 1>} : vector<1x256xi32>
    %eq3A_28 = vector.broadcast %get3A_27 : vector<1024x1xi32> to vector<1024x256xi32>
    %eq3A_29 = vector.broadcast %iota3A : vector<1x256xi32> to vector<1024x256xi32>
    %eq3A_30 = arith.cmpi eq, %eq3A_28, %eq3A_29 : vector<1024x256xi32>
    %convert_element_type3A_31 = arith.extui %eq3A_30 : vector<1024x256xi1> to vector<1024x256xi32>
    %convert_element_type3A_32 = arith.sitofp %convert_element_type3A_31 : vector<1024x256xi32> to vector<1024x256xf32>
    %get3A_33 = arith.constant 0 : index
    %get3A_34 = arith.constant 0 : index
    %get3A_35 = vector.load %arg9[%get3A_33, %get3A_34] : memref<256x32xf32, #tpu.memory_space<vmem>>, vector<256x32xf32>
    %dot_general3A = arith.constant dense<0.000000e+00> : vector<256x32xf32>
    %dot_general3A_36 = tpu.matmul %convert_element_type3A_32, %max3A_24, %dot_general3A {dimension_numbers = #tpu.dot_dimension_numbers<[0], [0], [1], [1], [0, 1, 1, 1], [], []>, transpose_lhs_hint = false} : vector<1024x256xf32>, vector<1024x32xf32>, vector<256x32xf32> -> vector<256x32xf32>
    %add3A_37 = arith.addf %get3A_35, %dot_general3A_36 : vector<256x32xf32>
    %swap3A = arith.constant 0 : index
    %swap3A_38 = arith.constant 0 : index
    %swap3A_39 = vector.load %arg9[%swap3A, %swap3A_38] : memref<256x32xf32, #tpu.memory_space<vmem>>, vector<256x32xf32>
    tpu.vector_store %arg9[%swap3A, %swap3A_38], %add3A_37 {strides = array<i32>} : memref<256x32xf32, #tpu.memory_space<vmem>>, vector<256x32xf32>,
    %get3A_40 = arith.constant 0 : index
    %get3A_41 = arith.constant 0 : index
    %get3A_42 = vector.load %arg10[%get3A_40, %get3A_41] : memref<1x256xf32, #tpu.memory_space<vmem>>, vector<1x256xf32>
    %reduce_sum3A = arith.constant dense<0.000000e+00> : vector<256xf32>
    %reduce_sum3A_43 = vector.multi_reduction <add>, %convert_element_type3A_32, %reduce_sum3A [0] : vector<1024x256xf32> to vector<256xf32>
    %broadcast_in_dim3A = vector.shape_cast %reduce_sum3A_43 : vector<256xf32> to vector<1x256xf32>
    %add3A_44 = arith.addf %get3A_42, %broadcast_in_dim3A : vector<1x256xf32>
    %swap3A_45 = arith.constant 0 : index
    %swap3A_46 = arith.constant 0 : index
    %swap3A_47 = vector.load %arg10[%swap3A_45, %swap3A_46] : memref<1x256xf32, #tpu.memory_space<vmem>>, vector<1x256xf32>
    tpu.vector_store %arg10[%swap3A_45, %swap3A_46], %add3A_44 {strides = array<i32>} : memref<1x256xf32, #tpu.memory_space<vmem>>, vector<1x256xf32>,
    %get3A_48 = arith.constant 0 : index
    %get3A_49 = arith.constant 0 : index
    %get3A_50 = vector.load %arg9[%get3A_48, %get3A_49] : memref<256x32xf32, #tpu.memory_space<vmem>>, vector<256x32xf32>
    %get3A_51 = arith.constant 0 : index
    %get3A_52 = arith.constant 0 : index
    %get3A_53 = vector.load %arg10[%get3A_51, %get3A_52] : memref<1x256xf32, #tpu.memory_space<vmem>>, vector<1x256xf32>
    %max3A_54 = arith.constant 1.000000e+00 : f32
    %max3A_55 = vector.broadcast %max3A_54 : f32 to vector<1x256xf32>
    %max3A_56 = arith.maximumf %get3A_53, %max3A_55 : vector<1x256xf32>
    %reshape3A = vector.shape_cast %max3A_56 : vector<1x256xf32> to vector<256x1xf32>
    %div3A = vector.broadcast %reshape3A : vector<256x1xf32> to vector<256x32xf32>
    %div3A_57 = arith.divf %get3A_50, %div3A : vector<256x32xf32>
    %get3A_58 = arith.constant 0 : index
    %get3A_59 = arith.constant 0 : index
    %get3A_60 = vector.load %arg6[%get3A_58, %get3A_59] : memref<32x2xf32, #tpu.memory_space<vmem>>, vector<32x2xf32>
    %dot_general3A_61 = arith.constant dense<0.000000e+00> : vector<256x2xf32>
    %dot_general3A_62 = tpu.matmul %div3A_57, %get3A_60, %dot_general3A_61 {dimension_numbers = #tpu.dot_dimension_numbers<[1], [0], [0], [1], [0, 0, 1, 1], [], []>, transpose_lhs_hint = false} : vector<256x32xf32>, vector<32x2xf32>, vector<256x2xf32> -> vector<256x2xf32>
    %get3A_63 = arith.constant 0 : index
    %get3A_64 = arith.constant 0 : index
    %get3A_65 = vector.load %arg7[%get3A_63, %get3A_64] : memref<1x2xf32, #tpu.memory_space<vmem>>, vector<1x2xf32>
    %add3A_66 = vector.broadcast %get3A_65 : vector<1x2xf32> to vector<256x2xf32>
    %add3A_67 = arith.addf %dot_general3A_62, %add3A_66 : vector<256x2xf32>
    %swap3A_68 = arith.constant 0 : index
    %swap3A_69 = arith.constant 0 : index
    %swap3A_70 = vector.load %arg8[%swap3A_68, %swap3A_69] : memref<256x2xf32, #tpu.memory_space<vmem>>, vector<256x2xf32>
    tpu.vector_store %arg8[%swap3A_68, %swap3A_69], %add3A_67 {strides = array<i32>} : memref<256x2xf32, #tpu.memory_space<vmem>>, vector<256x2xf32>,
    return
  }
  func.func @transform_0(%arg0: i32) -> (i32, i32, i32) {
    %c0_i32 = arith.constant 0 : i32
    %c0_i32_0 = arith.constant 0 : i32
    %c0_i32_1 = arith.constant 0 : i32
    return %c0_i32, %arg0, %c0_i32_0 : i32, i32, i32
  }
  func.func @transform_1(%arg0: i32) -> (i32, i32) {
    %c0_i32 = arith.constant 0 : i32
    %c0_i32_0 = arith.constant 0 : i32
    return %arg0, %c0_i32 : i32, i32
  }
  func.func @transform_2(%arg0: i32) -> (i32, i32) {
    %c0_i32 = arith.constant 0 : i32
    %c0_i32_0 = arith.constant 0 : i32
    return %arg0, %c0_i32 : i32, i32
  }
  func.func @transform_3(%arg0: i32) -> (i32, i32) {
    %c0_i32 = arith.constant 0 : i32
    %c0_i32_0 = arith.constant 0 : i32
    %c0_i32_1 = arith.constant 0 : i32
    return %c0_i32, %c0_i32_0 : i32, i32
  }
  func.func @transform_4(%arg0: i32) -> (i32, i32) {
    %c0_i32 = arith.constant 0 : i32
    %c0_i32_0 = arith.constant 0 : i32
    return %arg0, %c0_i32 : i32, i32
  }
  func.func @transform_5(%arg0: i32) -> (i32, i32) {
    %c0_i32 = arith.constant 0 : i32
    %c0_i32_0 = arith.constant 0 : i32
    %c0_i32_1 = arith.constant 0 : i32
    return %c0_i32, %c0_i32_0 : i32, i32
  }
  func.func @transform_6(%arg0: i32) -> (i32, i32) {
    %c0_i32 = arith.constant 0 : i32
    %c0_i32_0 = arith.constant 0 : i32
    %c0_i32_1 = arith.constant 0 : i32
    return %c0_i32, %c0_i32_0 : i32, i32
  }
  func.func @transform_7(%arg0: i32) -> (i32, i32) {
    %c0_i32 = arith.constant 0 : i32
    %c0_i32_0 = arith.constant 0 : i32
    %c0_i32_1 = arith.constant 0 : i32
    return %c0_i32, %c0_i32_0 : i32, i32
  }
}

</mosaic_0001>

<sc_bundles>
// kernel: kernel.10.cloned.1.call-start
scs
__scs_entry_jumppad:
0x0: {  	(pc) =	sbr.rel $0x88, $3  }
0x1: {  	(tag) =	ssettag $0x0;
	lr =	simm.s32 $0x1  }
0x2: {  	[smem:$0x3F96] =	sst lr;
	_ =	strace $0xD0000000  }
0x3: {  	_ = 	snop  }
0x4: {  	_ = 	snop  }
0x5: {  	_ = 	snop  }
0x6: {  	_ = 	snop  }
0x7: {  	_ = 	snop  }
__scs_overlays_trampoline_lowered:
0x8: {  	[smem:$0x3FA5] =	sst s0  }
0x9: {  	[smem:$0x3FA6] =	sst s1  }
0xa: {  	[smem:$0x3FA7] =	sst s2  }
0xb: {  	[smem:$0x3FA8] =	sst s3  }
0xc: {  	[smem:$0x3FA9] =	sst s4  }
0xd: {  	[smem:$0x3FAA] =	sst s5  }
0xe: {  	[smem:$0x3FAB] =	sst s6  }
0xf: {  	[smem:$0x3FAC] =	sst s7  }
0x10: {  	[smem:$0x3FAD] =	sst s8  }
0x11: {  	[smem:$0x3FAE] =	sst s9;
	s0 =	simm.s32 @!p0 $0x0  }
0x12: {  	s1 =	sld [smem:$0x3F94];
	s0 =	simm.s32 @p0 $0x1  }
0x13: {  	[smem:$0x3FAF] =	sst s0;
	s0 =	simm.s32 @!p1 $0x0  }
0x14: {  	s2 =	sld [smem:$0x3F93];
	s0 =	simm.s32 @p1 $0x1  }
0x15: {  	[smem:$0x3FB0] =	sst s0;
	s0 =	simm.s32 @!p2 $0x0  }
0x16: {  	s3 =	sld [smem:$0x3FDB];
	s0 =	simm.s32 @p2 $0x1  }
0x17: {  	s4 =	simm.s32 $0x1BF5;
	[smem:$0x3FB2] =	sst s0  }
0x18: {  	s0 =	sld [smem:$0x3F95];
	_ =	swait.ge [sflag:s4], $0x0  }
0x19: {  	s7 =	sld [smem:$0x3F96]  }
0x1a: {  	s8 =	sadd.s32 $0xFFFFE003, lr  }
0x1b: {  	s9 =	sadd.s32 $0xFFFFFEF7, lr;
	s5 =	simm.s32 $0xFFFFFFFF;
	p2 =	slt.u32 s8, $0xFFFFF086  }
0x1c: {  	p1 =	slt.u32 s9, $0xF7A;
	s5 =	simm.s32 @!p2 $0x0  }
0x1d: {  	s5 =	simm.s32 @p1 $0x1;
	p0 =	seq.s32 s7, s2  }
0x1e: {  	s7 =	smul.u32 @!p0 $0xF7A, s2;
	p2 =	seq.s32 @!p0 s5, $0x0  }
0x1f: {  	s9 =	smul.u32 $0xF7A, s1;
	s8 =	simm.s32 @!p0 $0x1BF5;
	p2 =	por !p2, p0  }
0x20: {  	[sflag:s8] =	ssyncset.s32 @!p0 $0xFFFFF086;
	s6 =	sadd.s32 @!p0 s3, s7;
	s7 =	simm.s32 @!p0 $0x108  }
0x21: {  	s3 =	sadd.s32 s3, s9;
	s6 =	sadd.s32 @!p0 $0x88, s6;
	s7 =	simm.s32 @p2 $0x1082  }
0x22: {  	[simem:s7], [sflag:s8] =	dma.local @!p0 [hbm:s6], $0xF7A  }
0x23: {  	s9 =	sor.u32 $0xD0000000, s2;
	s6 =	simm.s32 $0x108;
	_ =	swait.ge @!p0 [sflag:s8], $0x0  }
0x24: {  	s3 =	sadd.s32 $0x88, s3;
	s6 =	simm.s32 @!p1 $0x1082;
	[sflag:s4] =	ssyncset.s32 $0xFFFFF086  }
0x25: {  	[simem:s6], [sflag:s4] =	dma.local [hbm:s3], $0xF7A  }
0x26: {  	[smem:$0x3F96] =	sst s1;
	(tag) =	ssettag s2;
	_ =	strace s9  }
0x27: {  	s1 =	sld [smem:$0x3FA6]  }
0x28: {  	s2 =	sld [smem:$0x3FA7]  }
0x29: {  	s4 =	sld [smem:$0x3FA9]  }
0x2a: {  	p0 =	seq.s32 s5, $0x0;
	s5 =	sld [smem:$0x3FAA]  }
0x2b: {  	s6 =	sld [smem:$0x3FAB]  }
0x2c: {  	s7 =	sld [smem:$0x3FAC]  }
0x2d: {  	s3 =	simm.s32 $0x108;
	s8 =	sld [smem:$0x3FAD]  }
0x2e: {  	s3 =	simm.s32 @!p0 $0x1082;
	s9 =	sld [smem:$0x3FAE]  }
0x2f: {  	lr =	sadd.s32 s0, s3;
	s0 =	sld [smem:$0x3FA5]  }
0x30: {  	s3 =	sld [smem:$0x3FA8]  }
0x31: {  	[smem:$0x3FB1] =	sst s10  }
0x32: {  	s10 =	sld [smem:$0x3FAF];
	_ =	sdelay $0x3  }
0x33: {  	p0 =	seq.s32 s10, $0x1;
	s10 =	sld [smem:$0x3FB1];
	_ =	sdelay $0x3  }
0x34: {  	[smem:$0x3FB1] =	sst s10  }
0x35: {  	s10 =	sld [smem:$0x3FB0];
	_ =	sdelay $0x3  }
0x36: {  	p1 =	seq.s32 s10, $0x1;
	s10 =	sld [smem:$0x3FB1];
	_ =	sdelay $0x3  }
0x37: {  	[smem:$0x3FB1] =	sst s10  }
0x38: {  	s10 =	sld [smem:$0x3FB2]  }
0x39: {  	_ = 	snop;
	(pc) =	sbr.ind lr, $3  }
0x3a: {  	_ = 	snop  }
0x3b: {  	_ = 	snop  }
0x3c: {  	p2 =	seq.s32 s10, $0x1;
	s10 =	sld [smem:$0x3FB1]  }
0x3d: {  	_ =	shalt  }
0x3e: {  	_ =	shalt  }
0x3f: {  	_ =	shalt  }
0x40: {  	_ =	shalt  }
0x41: {  	_ =	shalt  }
0x42: {  	_ =	shalt  }
0x43: {  	_ =	shalt  }
0x44: {  	_ =	shalt  }
0x45: {  	_ =	shalt  }
0x46: {  	_ =	shalt  }
0x47: {  	_ =	shalt  }
0x48: {  	_ =	shalt  }
0x49: {  	_ =	shalt  }
0x4a: {  	_ =	shalt  }
0x4b: {  	_ =	shalt  }
0x4c: {  	_ =	shalt  }
0x4d: {  	_ =	shalt  }
0x4e: {  	_ =	shalt  }
0x4f: {  	_ =	shalt  }
0x50: {  	_ =	shalt  }
0x51: {  	_ =	shalt  }
0x52: {  	_ =	shalt  }
0x53: {  	_ =	shalt  }
0x54: {  	_ =	shalt  }
0x55: {  	_ =	shalt  }
0x56: {  	_ =	shalt  }
0x57: {  	_ =	shalt  }
0x58: {  	_ =	shalt  }
0x59: {  	_ =	shalt  }
0x5a: {  	_ =	shalt  }
0x5b: {  	_ =	shalt  }
0x5c: {  	_ =	shalt  }
0x5d: {  	_ =	shalt  }
0x5e: {  	_ =	shalt  }
0x5f: {  	_ =	shalt  }
0x60: {  	_ =	shalt  }
0x61: {  	_ =	shalt  }
0x62: {  	_ =	shalt  }
0x63: {  	_ =	shalt  }
0x64: {  	_ =	shalt  }
0x65: {  	_ =	shalt  }
0x66: {  	_ =	shalt  }
0x67: {  	_ =	shalt  }
0x68: {  	_ =	shalt  }
0x69: {  	_ =	shalt  }
0x6a: {  	_ =	shalt  }
0x6b: {  	_ =	shalt  }
0x6c: {  	_ =	shalt  }
0x6d: {  	_ =	shalt  }
0x6e: {  	_ =	shalt  }
0x6f: {  	_ =	shalt  }
0x70: {  	_ =	shalt  }
0x71: {  	_ =	shalt  }
0x72: {  	_ =	shalt  }
0x73: {  	_ =	shalt  }
0x74: {  	_ =	shalt  }
0x75: {  	_ =	shalt  }
0x76: {  	_ =	shalt  }
0x77: {  	_ =	shalt  }
0x78: {  	_ =	shalt  }
0x79: {  	_ =	shalt  }
0x7a: {  	_ =	shalt  }
0x7b: {  	_ =	shalt  }
0x7c: {  	_ =	shalt  }
0x7d: {  	_ =	shalt  }
0x7e: {  	_ =	shalt  }
0x7f: {  	_ =	shalt  }
0x80: {  	_ =	shalt  }
0x81: {  	_ =	shalt  }
0x82: {  	_ =	shalt  }
0x83: {  	_ =	shalt  }
0x84: {  	_ =	shalt  }
0x85: {  	_ =	shalt  }
0x86: {  	_ =	shalt  }
0x87: {  	_ =	shalt  }
.Lfunc_end0:
.L_simem_size_0:
called_computation_lowered:
.L_overlay_start_0:
0x88: {  	s2 =	sld [smem:$0x3FD9]  }
0x89: {  	s3 =	sld [smem:$0x3FFE];
	_ =	sdelay $0x1  }
0x8a: {  	s1 =	srdreg.scid  }
0x8b: {  	s0 =	sand.u32 $0x1, s1  }
0x8c: {  	s16 =	sshll.u32 s0, $0xA;
	s2 =	sadd.s32 s3, s2  }
0x8d: {  	s2 =	sadd.s32 s2, s16  }
0x8e: {  	[smem:$0x3FBD] =	sst s2  }
0x8f: {  	_ = 	snop  }
0x90: {  	(tm) =	ssettm $0x1  }
0x91: {  	s17 =	sld [smem:$0x3FFB];
	_ =	sdelay $0x3  }
0x92: {  	_ =	strace s17  }
0x93: {  	s2 =	sld [smem:$0x3FFC];
	_ =	sdelay $0x3  }
0x94: {  	_ =	strace s2  }
0x95: {  	s2 =	sld [smem:$0x3FFD];
	_ =	sdelay $0x3  }
0x96: {  	_ =	strace s2  }
0x97: {  	_ =	strace $0x8FFFFFFF  }
0x98: {  	s18 =	sld [smem:$0x3FDB];
	_ =	sdelay $0x1  }
0x99: {  	s19 =	simm.s32 $_scs_section_size  }
0x9a: {  	s4 =	simm.s32 $_size__tile_overlayer_lowered;
	s5 =	simm.s32 $_tile_overlayer_lowered  }
0x9b: {  	s22 =	simm.s32 $0x1BFF;
	s21 =	sshll.u32 s5, $0x1;
	s2 =	sadd.s32 s19, s18  }
0x9c: {  	s6 =	simm.s32 $0x0;
	s20 =	sshll.u32 s4, $0x1;
	s4 =	sadd.s32 s21, s2  }
0x9d: {  	[timem:s6], [sflag:s22] =	dma.local [hbm:s4], s20  }
0x9e: {  	_ =	swait.ge [sflag:s22], s20  }
0x9f: {  	s3 =	ssub.s32 $0x0, s20;
	[sflag:s22] =	ssyncset.done $0x0  }
0xa0: {  	[sflag:s22] =	ssyncadd.s32 s3;
	_ =	sdelay $0x1  }
0xa1: {  	s23 =	simm.s32 $0x1B8B  }
0xa2: {  	_ =	swait.ge [sflag:s23], $0x1  }
0xa3: {  	[sflag:s23] =	ssyncset.done $0x0  }
0xa4: {  	s25 =	simm.s32 $0x1B8E;
	s24 =	sld [smem:$0x3FFE];
	[sflag:s23] =	ssyncadd.s32 $0xFFFFFFFF  }
0xa5: {  	s26 =	simm.s32 $execute0_lowered;
	[smem:$0x3FD2] =	sst s25  }
0xa6: {  	s4 =	sshll.u32 s26, $0x1;
	_ =	strace $0x80000046;
	[dreg:$0x1] =	wrdreg $0xFFFFFFFF  }
0xa7: {  	s28 =	simm.s32 $_size_execute0_lowered;
	s2 =	sadd.s32 s2, s4;
	[dreg:$0x0] =	wrdreg $0x0  }
0xa8: {  	s4 =	sshll.u32 s28, $0x1;
	[dreg:$0x2] =	wrdreg s2  }
0xa9: {  	[dreg:$0x3] =	wrdreg s4  }
0xaa: {  	[dreg:$0x4] =	wrdreg $0xC0  }
0xab: {  	_ =	task [dreg:s6], $0x5FFFF  }
0xac: {  	[dreg:$0x1] =	wrdreg $0xFFFFFFFF  }
0xad: {  	[dreg:$0x0] =	wrdreg $0x60  }
0xae: {  	[dreg:$0x2] =	wrdreg s24  }
0xaf: {  	[dreg:$0x3] =	wrdreg $0x19800  }
0xb0: {  	[dreg:$0x4] =	wrdreg $0x9  }
0xb1: {  	_ =	task.clear_ibuf [dreg:s6], $0x5FFFF;
	_ =	strace $0x90000046  }
0xb2: {  	s29 =	simm.s32 $0x9;
	_ =	strace $0x80000048  }
0xb3: {  	_ =	swait.ge [sflag:s29], $0x1  }
0xb4: {  	[sflag:s29] =	ssyncadd.s32 $0xFFFFFFFF  }
0xb5: {  	_ =	strace $0x90000048  }
0xb6: {  	_ =	sfence  }
0xb7: {  	s30 =	sld [smem:$0x0];
	_ =	sdelay $0x2  }
0xb8: {  	s31 =	sshll.u32 s1, $0xD;
	s1 =	sshrl.u32 s1, $0x2  }
0xb9: {  	s3 =	sand.u32 $0x4000, s31;
	s1 =	sadd.s32 s1, s30  }
0xba: {  	s0 =	sor.u32 s3, s0;
	s1 =	sshll.u32 s1, $0x11  }
0xbb: {  	s0 =	sor.u32 s1, s0  }
0xbc: {  	s0 =	sadd.s32 $0x8F2B, s0  }
0xbd: {  	[sflag:s0] =	ssyncadd.remote.s32 $0x1  }
0xbe: {  	_ =	sfence.sel $0xFFFF  }
0xbf: {  	[dreg:$0x0] =	wrdreg $0xFFFFFFFF;
	(pc) =	sbr.abs _section_cstart, $3  }
0xc0: {  	[dreg:$0x1] =	wrdreg $0xFFFFFFFF  }
0xc1: {  	_ =	task.clear_ibuf [dreg:s6], $0x2FFFF;
	_ =	strace $0x9FFFFFFF  }
0xc2: {  	(tm) =	ssettm $0x7FFFFFFF  }
0xc3: {  	_ =	shalt  }
tec
execute0_lowered:
.L_overlay_start_1:
0x0: {  	(tag) =	ssettag $0x1  }
0x1: {  	s0 =	stileid.u32  }
0x2: {  	s1 =	srdreg.scid;
	s5 =	smul.u32 $0x18700, s0  }
0x3: {  	s6 =	rddreg [dreg:$0x0];
	s4 =	sand.u32 $0x1, s1;
	s8 =	smul.u32 $0x1880, s0  }
0x4: {  	s2 =	rddreg [dreg:$0x1];
	s3 =	simm.s32 $0x0;
	s7 =	smul.u32 $0xC380, s4  }
0x5: {  	s10 =	simm.s32 $0x80;
	[smem:$0x7FF] =	sst s3;
	s9 =	smul.u32 $0x18800, s4  }
0x6: {  	s11 =	simm.s32 $0x0;
	s1 =	rddreg [dreg:$0x2];
	_ =	strace $0x80000047  }
0x7: {  	s4 =	ssub.s32 $0x2, s4;
	s5 =	sadd.s32 s7, s5;
	s28 =	sadd.s32 s8, s9  }
0x8: {  	s31 =	sshrl.u32 s4, $0x1;
	s5 =	sshrl.u32 s5, $0x3;
	s7 =	sshrl.u32 s28, $0x3  }
0x9: {  	s9 =	simm.s32 $0x1;
	s29 =	sadd.s32 s5, s6;
	s30 =	sadd.s32 s7, s6  }
0xa: {  	s6 =	ssub.s32 s4, s31;
	s4 =	sadd.s32 s8, s2;
	s8 =	simm.s32 $0x100  }
0xb: {  	v0 =	vimm.f32 $1.000000000e+00;
	v1 =	vimm.f32 $0.0e+00;
	s5 =	sadd.s32 $0x33000, s30;
	s6 =	smax.u32 s6, $0x1;
	s7 =	sadd.s32 $0x2200, s29  }
.LBB2_1:
0xc: {  	[tilespmem:$0x80] =	vst v0  }
0xd: {  	[tilespmem:$0x90] =	vst v0  }
0xe: {  	[tilespmem:$0xA0] =	vst v0  }
0xf: {  	[tilespmem:$0xB0] =	vst v0  }
0x10: {  	[tilespmem:$0xC0] =	vst v0  }
0x11: {  	[tilespmem:$0xD0] =	vst v0  }
0x12: {  	[tilespmem:$0xE0] =	vst v0  }
0x13: {  	[tilespmem:$0xF0] =	vst v0;
	s12 =	simm.s32 $0x40;
	s13 =	simm.s32 $0x0  }
.LBB2_2:
0x14: {  	p0 =	sne.s32 s12, $0x61C0;
	[tilespmem:s13+$0x100] =	vst v1;
	s13 =	smov.u32 s12;
	s12 =	sadd.s32 $0x40, s12  }
.Ltmp0:
0x15: {  	(pc) =	sbr.rel @p0 .LBB2_2-.Ltmp0, $2  }
0x16: {  	_ =	sdelay $0x2  }
0x17: {  	s13 =	sshra.s32 s13, $0x2  }
0x18: {  	[tilespmem:s13+$0x100] =	vst v1  }
0x19: {  	[spmem:s4] =	stream.linear.scatter [tilespmem:s8], [sflag:$0x1], $0x1880, $0x38;
	[tilespmem:$0x3200] =	vst v63  }
0x1a: {  	_ =	swait.ge [sflag:s9], $0x1880  }
0x1b: {  	[sflag:s9] =	ssyncset.done $0x0  }
0x1c: {  	[sflag:s9] =	ssyncadd.s32 $0xFFFFE780  }
0x1d: {  	s12 =	sadd.s32 $0x0, s7;
	[bflag:$0x0] =	sbarrier.arrive $0xFFFF  }
0x1e: {  	[tilespmem:s3], [sflag:$0x1] =	stream.linear.gather [hbm4b:s12+s3], $0x80, $0x38;
	[tilespmem:$0x3200] =	vst v63  }
0x1f: {  	_ =	swait.ge [sflag:s9], $0x80  }
0x20: {  	[sflag:s9] =	ssyncset.done $0x0  }
0x21: {  	[sflag:s9] =	ssyncadd.s32 $0xFFFFFF80  }
0x22: {  	[spmem:s2] =	stream.indirect.scatter.add.f32 [tilespmem:s10], [sflag:$0x1], $0x1, s3, s10, $0xb8;
	[tilespmem:$0x3200] =	vst v63  }
0x23: {  	_ =	swait.ge [sflag:s9], $0x80  }
0x24: {  	s13 =	simm.s32 $0x20;
	s12 =	simm.s32 $0x10;
	[sflag:s9] =	ssyncset.done $0x0  }
.LBB2_4:
0x25: {  	s14 =	sadd.s32 s12, s7  }
0x26: {  	[sflag:s9] =	ssyncadd.s32 $0xFFFFFF80;
	s12 =	smov.u32 s13;
	s15 =	sadd.s32 $0x10, s13  }
0x27: {  	[tilespmem:s3], [sflag:$0x1] =	stream.linear.gather [hbm4b:s14+s3], $0x80, $0x38;
	[tilespmem:$0x3200] =	vst v63  }
0x28: {  	p0 =	sne.s32 s13, $0x1860;
	_ =	swait.ge [sflag:s9], $0x80  }
.Ltmp1:
0x29: {  	[sflag:s9] =	ssyncset.done $0x0;
	(pc) =	sbr.rel @p0 .LBB2_4-.Ltmp1, $4  }
0x2a: {  	[sflag:s9] =	ssyncadd.s32 $0xFFFFFF80  }
0x2b: {  	[spmem:s2] =	stream.indirect.scatter.add.f32 [tilespmem:s10], [sflag:$0x1], $0x1, s3, s10, $0xb8;
	[tilespmem:$0x3200] =	vst v63  }
0x2c: {  	_ =	swait.ge [sflag:s9], $0x80  }
0x2d: {  	s13 =	smov.u32 s15;
	[sflag:s9] =	ssyncset.done $0x0  }
0x2e: {  	s12 =	sadd.s32 s12, s7;
	[sflag:s9] =	ssyncadd.s32 $0xFFFFFF80  }
0x2f: {  	[tilespmem:s3], [sflag:$0x1] =	stream.linear.gather [hbm4b:s12+s3], $0x80, $0x38;
	[tilespmem:$0x3200] =	vst v63  }
0x30: {  	_ =	swait.ge [sflag:s9], $0x80  }
0x31: {  	[sflag:s9] =	ssyncset.done $0x0  }
0x32: {  	[sflag:s9] =	ssyncadd.s32 $0xFFFFFF80  }
0x33: {  	[spmem:s2] =	stream.indirect.scatter.add.f32 [tilespmem:s10], [sflag:$0x1], $0x1, s3, s10, $0xb8;
	[tilespmem:$0x3200] =	vst v63  }
0x34: {  	_ =	swait.ge [sflag:s9], $0x80  }
0x35: {  	[sflag:s9] =	ssyncset.done $0x0  }
0x36: {  	[sflag:s9] =	ssyncadd.s32 $0xFFFFFF80  }
0x37: {  	[bflag:$0x0] =	sbarrier.arrive $0xFFFF  }
0x38: {  	[tilespmem:s8], [sflag:$0x1] =	stream.linear.gather [spmem:s4], $0x1880, $0x38;
	[tilespmem:$0x3200] =	vst v63  }
0x39: {  	s11 =	sadd.s32 $0x1, s11;
	_ =	swait.ge [sflag:s9], $0x1880  }
0x3a: {  	p0 =	sne.s32 s11, s6;
	[sflag:s9] =	ssyncset.done $0x0  }
.Ltmp2:
0x3b: {  	[sflag:s9] =	ssyncadd.s32 $0xFFFFE780;
	(pc) =	sbr.rel @p0 .LBB2_1-.Ltmp2, $4  }
0x3c: {  	[hbm4b:s5+s3] =	stream.linear.scatter [tilespmem:s8], [sflag:$0x1], $0x1880, $0x38;
	[tilespmem:$0x3200] =	vst v63  }
0x3d: {  	_ =	swait.ge [sflag:s9], $0x1880  }
0x3e: {  	[sflag:s9] =	ssyncset.done $0x0  }
0x3f: {  	[sflag:s9] =	ssyncadd.s32 $0xFFFFE780  }
0x40: {  	_ =	sfence.sel $0x180000  }
0x41: {  	[bflag:$0x0] =	sbarrier.arrive $0xFFFF  }
0x42: {  	p0 =	sne.s32 s0, $0x0;
	_ =	strace $0x90000047  }
0x43: {  	s0 =	sadd.s32 @!p0 $0x100000, s1;
	[bflag:$0x2] =	sbarrier.arrive $0xFFFF  }
0x44: {  	[sflag:s0] =	ssyncadd.tile.s32 @!p0 $0x1;
	_ =	shalt  }
.Lfunc_end2:
_tile_overlayer_lowered:
.L_overlay_start_2:
0x45: {  	(tag) =	ssettag $0x2  }
0x46: {  	s0 =	rddreg [dreg:$0x0];
	s2 =	stileid.u32  }
0x47: {  	s1 =	rddreg [dreg:$0x1];
	p0 =	sne.s32 s2, $0x0  }
0x48: {  	s3 =	rddreg [dreg:$0x2];
	[bflag:$0x3] =	sbarrier.arrive $0xFFFF;
	s2 =	simm.s32 @!p0 $0x1C01  }
0x49: {  	[timem:s3], [sflag:s2] =	dma.local @!p0 [hbm:s0], s1  }
0x4a: {  	s0 =	simm.s32 @!p0 $0x1  }
0x4b: {  	_ =	swait.ge @!p0 [sflag:s0], s1  }
0x4c: {  	s1 =	ssub.s32 @!p0 $0x0, s1;
	[sflag:s0] =	ssyncset.done @!p0 $0x0  }
0x4d: {  	[sflag:s0] =	ssyncadd.s32 @!p0 s1  }
0x4e: {  	[bflag:$0x3] =	sbarrier.arrive $0xFFFF  }
0x4f: {  	_ =	shalt  }

// kernel: kernel.13.cloned.1.call-start
scs
__scs_entry_jumppad:
0x0: {  	(pc) =	sbr.rel $0x88, $3  }
0x1: {  	(tag) =	ssettag $0x0;
	lr =	simm.s32 $0x1  }
0x2: {  	[smem:$0x3F96] =	sst lr;
	_ =	strace $0xD0000000  }
0x3: {  	_ = 	snop  }
0x4: {  	_ = 	snop  }
0x5: {  	_ = 	snop  }
0x6: {  	_ = 	snop  }
0x7: {  	_ = 	snop  }
__scs_overlays_trampoline_lowered:
0x8: {  	[smem:$0x3FA5] =	sst s0  }
0x9: {  	[smem:$0x3FA6] =	sst s1  }
0xa: {  	[smem:$0x3FA7] =	sst s2  }
0xb: {  	[smem:$0x3FA8] =	sst s3  }
0xc: {  	[smem:$0x3FA9] =	sst s4  }
0xd: {  	[smem:$0x3FAA] =	sst s5  }
0xe: {  	[smem:$0x3FAB] =	sst s6  }
0xf: {  	[smem:$0x3FAC] =	sst s7  }
0x10: {  	[smem:$0x3FAD] =	sst s8  }
0x11: {  	[smem:$0x3FAE] =	sst s9;
	s0 =	simm.s32 @!p0 $0x0  }
0x12: {  	s1 =	sld [smem:$0x3F94];
	s0 =	simm.s32 @p0 $0x1  }
0x13: {  	[smem:$0x3FAF] =	sst s0;
	s0 =	simm.s32 @!p1 $0x0  }
0x14: {  	s2 =	sld [smem:$0x3F93];
	s0 =	simm.s32 @p1 $0x1  }
0x15: {  	[smem:$0x3FB0] =	sst s0;
	s0 =	simm.s32 @!p2 $0x0  }
0x16: {  	s3 =	sld [smem:$0x3FDB];
	s0 =	simm.s32 @p2 $0x1  }
0x17: {  	s4 =	simm.s32 $0x1BF5;
	[smem:$0x3FB2] =	sst s0  }
0x18: {  	s0 =	sld [smem:$0x3F95];
	_ =	swait.ge [sflag:s4], $0x0  }
0x19: {  	s7 =	sld [smem:$0x3F96]  }
0x1a: {  	s8 =	sadd.s32 $0xFFFFE003, lr  }
0x1b: {  	s9 =	sadd.s32 $0xFFFFFEF7, lr;
	s5 =	simm.s32 $0xFFFFFFFF;
	p2 =	slt.u32 s8, $0xFFFFF086  }
0x1c: {  	p1 =	slt.u32 s9, $0xF7A;
	s5 =	simm.s32 @!p2 $0x0  }
0x1d: {  	s5 =	simm.s32 @p1 $0x1;
	p0 =	seq.s32 s7, s2  }
0x1e: {  	s7 =	smul.u32 @!p0 $0xF7A, s2;
	p2 =	seq.s32 @!p0 s5, $0x0  }
0x1f: {  	s9 =	smul.u32 $0xF7A, s1;
	s8 =	simm.s32 @!p0 $0x1BF5;
	p2 =	por !p2, p0  }
0x20: {  	[sflag:s8] =	ssyncset.s32 @!p0 $0xFFFFF086;
	s6 =	sadd.s32 @!p0 s3, s7;
	s7 =	simm.s32 @!p0 $0x108  }
0x21: {  	s3 =	sadd.s32 s3, s9;
	s6 =	sadd.s32 @!p0 $0x88, s6;
	s7 =	simm.s32 @p2 $0x1082  }
0x22: {  	[simem:s7], [sflag:s8] =	dma.local @!p0 [hbm:s6], $0xF7A  }
0x23: {  	s9 =	sor.u32 $0xD0000000, s2;
	s6 =	simm.s32 $0x108;
	_ =	swait.ge @!p0 [sflag:s8], $0x0  }
0x24: {  	s3 =	sadd.s32 $0x88, s3;
	s6 =	simm.s32 @!p1 $0x1082;
	[sflag:s4] =	ssyncset.s32 $0xFFFFF086  }
0x25: {  	[simem:s6], [sflag:s4] =	dma.local [hbm:s3], $0xF7A  }
0x26: {  	[smem:$0x3F96] =	sst s1;
	(tag) =	ssettag s2;
	_ =	strace s9  }
0x27: {  	s1 =	sld [smem:$0x3FA6]  }
0x28: {  	s2 =	sld [smem:$0x3FA7]  }
0x29: {  	s4 =	sld [smem:$0x3FA9]  }
0x2a: {  	p0 =	seq.s32 s5, $0x0;
	s5 =	sld [smem:$0x3FAA]  }
0x2b: {  	s6 =	sld [smem:$0x3FAB]  }
0x2c: {  	s7 =	sld [smem:$0x3FAC]  }
0x2d: {  	s3 =	simm.s32 $0x108;
	s8 =	sld [smem:$0x3FAD]  }
0x2e: {  	s3 =	simm.s32 @!p0 $0x1082;
	s9 =	sld [smem:$0x3FAE]  }
0x2f: {  	lr =	sadd.s32 s0, s3;
	s0 =	sld [smem:$0x3FA5]  }
0x30: {  	s3 =	sld [smem:$0x3FA8]  }
0x31: {  	[smem:$0x3FB1] =	sst s10  }
0x32: {  	s10 =	sld [smem:$0x3FAF];
	_ =	sdelay $0x3  }
0x33: {  	p0 =	seq.s32 s10, $0x1;
	s10 =	sld [smem:$0x3FB1];
	_ =	sdelay $0x3  }
0x34: {  	[smem:$0x3FB1] =	sst s10  }
0x35: {  	s10 =	sld [smem:$0x3FB0];
	_ =	sdelay $0x3  }
0x36: {  	p1 =	seq.s32 s10, $0x1;
	s10 =	sld [smem:$0x3FB1];
	_ =	sdelay $0x3  }
0x37: {  	[smem:$0x3FB1] =	sst s10  }
0x38: {  	s10 =	sld [smem:$0x3FB2]  }
0x39: {  	_ = 	snop;
	(pc) =	sbr.ind lr, $3  }
0x3a: {  	_ = 	snop  }
0x3b: {  	_ = 	snop  }
0x3c: {  	p2 =	seq.s32 s10, $0x1;
	s10 =	sld [smem:$0x3FB1]  }
0x3d: {  	_ =	shalt  }
0x3e: {  	_ =	shalt  }
0x3f: {  	_ =	shalt  }
0x40: {  	_ =	shalt  }
0x41: {  	_ =	shalt  }
0x42: {  	_ =	shalt  }
0x43: {  	_ =	shalt  }
0x44: {  	_ =	shalt  }
0x45: {  	_ =	shalt  }
0x46: {  	_ =	shalt  }
0x47: {  	_ =	shalt  }
0x48: {  	_ =	shalt  }
0x49: {  	_ =	shalt  }
0x4a: {  	_ =	shalt  }
0x4b: {  	_ =	shalt  }
0x4c: {  	_ =	shalt  }
0x4d: {  	_ =	shalt  }
0x4e: {  	_ =	shalt  }
0x4f: {  	_ =	shalt  }
0x50: {  	_ =	shalt  }
0x51: {  	_ =	shalt  }
0x52: {  	_ =	shalt  }
0x53: {  	_ =	shalt  }
0x54: {  	_ =	shalt  }
0x55: {  	_ =	shalt  }
0x56: {  	_ =	shalt  }
0x57: {  	_ =	shalt  }
0x58: {  	_ =	shalt  }
0x59: {  	_ =	shalt  }
0x5a: {  	_ =	shalt  }
0x5b: {  	_ =	shalt  }
0x5c: {  	_ =	shalt  }
0x5d: {  	_ =	shalt  }
0x5e: {  	_ =	shalt  }
0x5f: {  	_ =	shalt  }
0x60: {  	_ =	shalt  }
0x61: {  	_ =	shalt  }
0x62: {  	_ =	shalt  }
0x63: {  	_ =	shalt  }
0x64: {  	_ =	shalt  }
0x65: {  	_ =	shalt  }
0x66: {  	_ =	shalt  }
0x67: {  	_ =	shalt  }
0x68: {  	_ =	shalt  }
0x69: {  	_ =	shalt  }
0x6a: {  	_ =	shalt  }
0x6b: {  	_ =	shalt  }
0x6c: {  	_ =	shalt  }
0x6d: {  	_ =	shalt  }
0x6e: {  	_ =	shalt  }
0x6f: {  	_ =	shalt  }
0x70: {  	_ =	shalt  }
0x71: {  	_ =	shalt  }
0x72: {  	_ =	shalt  }
0x73: {  	_ =	shalt  }
0x74: {  	_ =	shalt  }
0x75: {  	_ =	shalt  }
0x76: {  	_ =	shalt  }
0x77: {  	_ =	shalt  }
0x78: {  	_ =	shalt  }
0x79: {  	_ =	shalt  }
0x7a: {  	_ =	shalt  }
0x7b: {  	_ =	shalt  }
0x7c: {  	_ =	shalt  }
0x7d: {  	_ =	shalt  }
0x7e: {  	_ =	shalt  }
0x7f: {  	_ =	shalt  }
0x80: {  	_ =	shalt  }
0x81: {  	_ =	shalt  }
0x82: {  	_ =	shalt  }
0x83: {  	_ =	shalt  }
0x84: {  	_ =	shalt  }
0x85: {  	_ =	shalt  }
0x86: {  	_ =	shalt  }
0x87: {  	_ =	shalt  }
.Lfunc_end0:
.L_simem_size_0:
called_computation.1_lowered:
.L_overlay_start_0:
0x88: {  	s2 =	sld [smem:$0x3FD9]  }
0x89: {  	s3 =	sld [smem:$0x3FFE];
	_ =	sdelay $0x1  }
0x8a: {  	s1 =	srdreg.scid  }
0x8b: {  	s0 =	sand.u32 $0x1, s1  }
0x8c: {  	s16 =	sshll.u32 s0, $0xA;
	s2 =	sadd.s32 s3, s2  }
0x8d: {  	s2 =	sadd.s32 s2, s16  }
0x8e: {  	[smem:$0x3FBD] =	sst s2  }
0x8f: {  	_ = 	snop  }
0x90: {  	(tm) =	ssettm $0x1  }
0x91: {  	s17 =	sld [smem:$0x3FFB];
	_ =	sdelay $0x3  }
0x92: {  	_ =	strace s17  }
0x93: {  	s2 =	sld [smem:$0x3FFC];
	_ =	sdelay $0x3  }
0x94: {  	_ =	strace s2  }
0x95: {  	s2 =	sld [smem:$0x3FFD];
	_ =	sdelay $0x3  }
0x96: {  	_ =	strace s2  }
0x97: {  	_ =	strace $0x8FFFFFFF  }
0x98: {  	s18 =	sld [smem:$0x3FDB];
	_ =	sdelay $0x1  }
0x99: {  	s19 =	simm.s32 $_scs_section_size  }
0x9a: {  	s4 =	simm.s32 $_size__tile_overlayer_lowered;
	s5 =	simm.s32 $_tile_overlayer_lowered  }
0x9b: {  	s22 =	simm.s32 $0x1BFF;
	s21 =	sshll.u32 s5, $0x1;
	s2 =	sadd.s32 s19, s18  }
0x9c: {  	s6 =	simm.s32 $0x0;
	s20 =	sshll.u32 s4, $0x1;
	s4 =	sadd.s32 s21, s2  }
0x9d: {  	[timem:s6], [sflag:s22] =	dma.local [hbm:s4], s20  }
0x9e: {  	_ =	swait.ge [sflag:s22], s20  }
0x9f: {  	s3 =	ssub.s32 $0x0, s20;
	[sflag:s22] =	ssyncset.done $0x0  }
0xa0: {  	[sflag:s22] =	ssyncadd.s32 s3;
	_ =	sdelay $0x1  }
0xa1: {  	s23 =	simm.s32 $0x1B8B  }
0xa2: {  	_ =	swait.ge [sflag:s23], $0x1  }
0xa3: {  	[sflag:s23] =	ssyncset.done $0x0  }
0xa4: {  	s25 =	simm.s32 $0x1B8E;
	s24 =	sld [smem:$0x3FFE];
	[sflag:s23] =	ssyncadd.s32 $0xFFFFFFFF  }
0xa5: {  	s26 =	simm.s32 $execute0_lowered;
	[smem:$0x3FD2] =	sst s25  }
0xa6: {  	s4 =	sshll.u32 s26, $0x1;
	_ =	strace $0x80000049;
	[dreg:$0x1] =	wrdreg $0xFFFFFFFF  }
0xa7: {  	s28 =	simm.s32 $_size_execute0_lowered;
	s2 =	sadd.s32 s2, s4;
	[dreg:$0x0] =	wrdreg $0x0  }
0xa8: {  	s4 =	sshll.u32 s28, $0x1;
	[dreg:$0x2] =	wrdreg s2  }
0xa9: {  	[dreg:$0x3] =	wrdreg s4  }
0xaa: {  	[dreg:$0x4] =	wrdreg $0xC0  }
0xab: {  	_ =	task [dreg:s6], $0x5FFFF  }
0xac: {  	[dreg:$0x1] =	wrdreg $0xFFFFFFFF  }
0xad: {  	[dreg:$0x0] =	wrdreg $0x60  }
0xae: {  	[dreg:$0x2] =	wrdreg s24  }
0xaf: {  	[dreg:$0x3] =	wrdreg $0x6B000  }
0xb0: {  	[dreg:$0x4] =	wrdreg $0x9  }
0xb1: {  	_ =	task.clear_ibuf [dreg:s6], $0x5FFFF;
	_ =	strace $0x90000049  }
0xb2: {  	s29 =	simm.s32 $0x9;
	_ =	strace $0x8000004B  }
0xb3: {  	_ =	swait.ge [sflag:s29], $0x1  }
0xb4: {  	[sflag:s29] =	ssyncadd.s32 $0xFFFFFFFF  }
0xb5: {  	_ =	strace $0x9000004B  }
0xb6: {  	_ =	sfence  }
0xb7: {  	s30 =	sld [smem:$0x0];
	_ =	sdelay $0x2  }
0xb8: {  	s31 =	sshll.u32 s1, $0xD;
	s1 =	sshrl.u32 s1, $0x2  }
0xb9: {  	s3 =	sand.u32 $0x4000, s31;
	s1 =	sadd.s32 s1, s30  }
0xba: {  	s0 =	sor.u32 s3, s0;
	s1 =	sshll.u32 s1, $0x11  }
0xbb: {  	s0 =	sor.u32 s1, s0  }
0xbc: {  	s0 =	sadd.s32 $0x8F2B, s0  }
0xbd: {  	[sflag:s0] =	ssyncadd.remote.s32 $0x1  }
0xbe: {  	_ =	sfence.sel $0xFFFF  }
0xbf: {  	[dreg:$0x0] =	wrdreg $0xFFFFFFFF;
	(pc) =	sbr.abs _section_cstart, $3  }
0xc0: {  	[dreg:$0x1] =	wrdreg $0xFFFFFFFF  }
0xc1: {  	_ =	task.clear_ibuf [dreg:s6], $0x2FFFF;
	_ =	strace $0x9FFFFFFF  }
0xc2: {  	(tm) =	ssettm $0x7FFFFFFF  }
0xc3: {  	_ =	shalt  }
tec
execute0_lowered:
.L_overlay_start_1:
0x0: {  	(tag) =	ssettag $0x1  }
0x1: {  	s0 =	srdreg.scid  }
0x2: {  	s8 =	stileid.u32;
	s1 =	rddreg [dreg:$0x0]  }
0x3: {  	s2 =	rddreg [dreg:$0x1];
	s4 =	smul.u32 $0x18700, s8  }
0x4: {  	s3 =	simm.s32 $0x0;
	s28 =	simm.s32 $0x100;
	s6 =	smul.u32 $0x1880, s8  }
0x5: {  	s29 =	simm.s32 $0x1;
	s0 =	sand.u32 $0x1, s0;
	s8 =	smul.u32 $0x62000, s8  }
0x6: {  	s30 =	simm.s32 $0x3A00;
	s31 =	simm.s32 $0x0;
	s5 =	smul.u32 $0xC380, s0  }
0x7: {  	[smem:$0x7FF] =	sst s3;
	s20 =	smul.u32 $0x18800, s0;
	s0 =	ssub.s32 $0x2, s0  }
0x8: {  	_ =	strace $0x8000004A;
	s21 =	sshrl.u32 s8, $0x2;
	s24 =	sshrl.u32 s0, $0x1  }
0x9: {  	s4 =	sadd.s32 s5, s4;
	s5 =	sadd.s32 s6, s20;
	s0 =	ssub.s32 s0, s24  }
0xa: {  	s24 =	simm.s32 $0x900;
	s7 =	sshrl.u32 s4, $0x3;
	s4 =	sadd.s32 $0x378A00, s1  }
0xb: {  	s22 =	sshll.u32 s5, $0x1;
	s5 =	sadd.s32 s21, s2;
	s21 =	smax.u32 s0, $0x1  }
0xc: {  	s23 =	sadd.s32 s7, s1;
	s1 =	sadd.s32 s22, s1;
	s6 =	sadd.s32 $0x3100, s5  }
0xd: {  	s7 =	sadd.s32 $0x6200, s5;
	s8 =	sadd.s32 $0x9300, s5;
	s9 =	sadd.s32 $0xC400, s5  }
0xe: {  	s10 =	sadd.s32 $0xF500, s5;
	s11 =	sadd.s32 $0x12600, s5;
	s12 =	sadd.s32 $0x15700, s5  }
0xf: {  	s13 =	sadd.s32 $0x33000, s1;
	s25 =	sadd.s32 $0x33620, s1;
	s26 =	sadd.s32 $0x33C40, s1  }
0x10: {  	s16 =	sadd.s32 $0x34260, s1;
	s17 =	sadd.s32 $0x34880, s1;
	s18 =	sadd.s32 $0x34EA0, s1  }
0x11: {  	s19 =	sadd.s32 $0x354C0, s1;
	s20 =	sadd.s32 $0x35AE0, s1;
	[dreg:$0x3] =	wrdreg s13  }
0x12: {  	s22 =	sadd.s32 $0x2200, s23;
	s23 =	sadd.s32 $0x1BFC00, s23;
	[dreg:$0x4] =	wrdreg s25  }
0x13: {  	v0 =	vimm.f32 $0.0e+00;
	[dreg:$0x5] =	wrdreg s26;
	s25 =	simm.s32 $0x2;
	s26 =	simm.s32 $0x80  }
.LBB2_1:
0x14: {  	s1 =	simm.s32 $0x40;
	s0 =	simm.s32 $0x0  }
.LBB2_2:
0x15: {  	p0 =	sne.s32 s1, $0xC3C0;
	[tilespmem:s0+$0x900] =	vst v0;
	s0 =	smov.u32 s1;
	s1 =	sadd.s32 $0x40, s1  }
.Ltmp0:
0x16: {  	(pc) =	sbr.rel @p0 .LBB2_2-.Ltmp0, $2  }
0x17: {  	_ =	sdelay $0x2  }
0x18: {  	s0 =	sshra.s32 s0, $0x2  }
0x19: {  	[tilespmem:s0+$0x900] =	vst v0  }
0x1a: {  	[spmem:s5] =	stream.linear.scatter [tilespmem:s24], [sflag:$0x2], $0x3100, $0x38;
	[tilespmem:$0x1F300] =	vst v63  }
0x1b: {  	_ =	swait.ge [sflag:s25], $0x3100  }
0x1c: {  	[sflag:s25] =	ssyncset.done $0x0  }
0x1d: {  	[sflag:s25] =	ssyncadd.s32 $0xFFFFCF00  }
0x1e: {  	[spmem:s6] =	stream.linear.scatter [tilespmem:s24], [sflag:$0x2], $0x3100, $0x38;
	[tilespmem:$0x1F300] =	vst v63  }
0x1f: {  	_ =	swait.ge [sflag:s25], $0x3100  }
0x20: {  	[sflag:s25] =	ssyncset.done $0x0  }
0x21: {  	[sflag:s25] =	ssyncadd.s32 $0xFFFFCF00  }
0x22: {  	[spmem:s7] =	stream.linear.scatter [tilespmem:s24], [sflag:$0x2], $0x3100, $0x38;
	[tilespmem:$0x1F300] =	vst v63  }
0x23: {  	_ =	swait.ge [sflag:s25], $0x3100  }
0x24: {  	[sflag:s25] =	ssyncset.done $0x0  }
0x25: {  	[sflag:s25] =	ssyncadd.s32 $0xFFFFCF00  }
0x26: {  	[spmem:s8] =	stream.linear.scatter [tilespmem:s24], [sflag:$0x2], $0x3100, $0x38;
	[tilespmem:$0x1F300] =	vst v63  }
0x27: {  	_ =	swait.ge [sflag:s25], $0x3100  }
0x28: {  	[sflag:s25] =	ssyncset.done $0x0  }
0x29: {  	[sflag:s25] =	ssyncadd.s32 $0xFFFFCF00  }
0x2a: {  	[spmem:s9] =	stream.linear.scatter [tilespmem:s24], [sflag:$0x2], $0x3100, $0x38;
	[tilespmem:$0x1F300] =	vst v63  }
0x2b: {  	_ =	swait.ge [sflag:s25], $0x3100  }
0x2c: {  	[sflag:s25] =	ssyncset.done $0x0  }
0x2d: {  	[sflag:s25] =	ssyncadd.s32 $0xFFFFCF00  }
0x2e: {  	[spmem:s10] =	stream.linear.scatter [tilespmem:s24], [sflag:$0x2], $0x3100, $0x38;
	[tilespmem:$0x1F300] =	vst v63  }
0x2f: {  	_ =	swait.ge [sflag:s25], $0x3100  }
0x30: {  	[sflag:s25] =	ssyncset.done $0x0  }
0x31: {  	[sflag:s25] =	ssyncadd.s32 $0xFFFFCF00  }
0x32: {  	[spmem:s11] =	stream.linear.scatter [tilespmem:s24], [sflag:$0x2], $0x3100, $0x38;
	[tilespmem:$0x1F300] =	vst v63  }
0x33: {  	_ =	swait.ge [sflag:s25], $0x3100  }
0x34: {  	[sflag:s25] =	ssyncset.done $0x0  }
0x35: {  	[sflag:s25] =	ssyncadd.s32 $0xFFFFCF00  }
0x36: {  	[spmem:s12] =	stream.linear.scatter [tilespmem:s24], [sflag:$0x2], $0x3100, $0x38;
	[tilespmem:$0x1F300] =	vst v63  }
0x37: {  	_ =	swait.ge [sflag:s25], $0x3100  }
0x38: {  	[sflag:s25] =	ssyncset.done $0x0  }
0x39: {  	[sflag:s25] =	ssyncadd.s32 $0xFFFFCF00  }
0x3a: {  	s14 =	sadd.s32 $0x0, s23;
	[bflag:$0x0] =	sbarrier.arrive $0xFFFF  }
0x3b: {  	[tilespmem:s3], [sflag:$0x2] =	stream.linear.gather [hbm4b:s14+s3], $0x80, $0x38;
	[tilespmem:$0x1F300] =	vst v63  }
0x3c: {  	_ =	swait.ge [sflag:s25], $0x80  }
0x3d: {  	[sflag:s25] =	ssyncset.done $0x0  }
0x3e: {  	s15 =	sadd.s32 $0x0, s22;
	[sflag:s25] =	ssyncadd.s32 $0xFFFFFF80  }
0x3f: {  	[tilespmem:s26], [sflag:$0x2] =	stream.linear.gather [hbm4b:s15+s3], $0x80, $0x38;
	[tilespmem:$0x1F300] =	vst v63  }
0x40: {  	_ =	swait.ge [sflag:s25], $0x80  }
0x41: {  	[sflag:s25] =	ssyncset.done $0x0  }
0x42: {  	[sflag:s25] =	ssyncadd.s32 $0xFFFFFF80  }
0x43: {  	[tilespmem:s28], [sflag:$0x1] =	stream.indirect.gather [hbm4b:s4+s26], $0x10, s3, s26, $0xb8;
	[tilespmem:$0x1F300] =	vst v63  }
0x44: {  	_ =	swait.ge [sflag:s29], $0x800  }
0x45: {  	[sflag:s29] =	ssyncset.done $0x0  }
0x46: {  	[sflag:s29] =	ssyncadd.s32 $0xFFFFF800  }
0x47: {  	[spmem:s2] =	stream.indirect.scatter.add.f32 [tilespmem:s28], [sflag:$0x2], $0x10, s26, s26, $0xb8;
	[tilespmem:$0x1F300] =	vst v63  }
0x48: {  	_ =	swait.ge [sflag:s25], $0x800  }
0x49: {  	s1 =	simm.s32 $0x10;
	s0 =	simm.s32 $0x20;
	[sflag:s25] =	ssyncset.done $0x0  }
.LBB2_4:
0x4a: {  	s13 =	sadd.s32 s1, s23  }
0x4b: {  	[sflag:s25] =	ssyncadd.s32 $0xFFFFF800;
	s14 =	smov.u32 s0;
	s15 =	sadd.s32 $0x10, s0  }
0x4c: {  	[tilespmem:s3], [sflag:$0x2] =	stream.linear.gather [hbm4b:s13+s3], $0x80, $0x38;
	[tilespmem:$0x1F300] =	vst v63  }
0x4d: {  	p0 =	sne.s32 s0, $0x1860;
	_ =	swait.ge [sflag:s25], $0x80  }
0x4e: {  	[sflag:s25] =	ssyncset.done $0x0  }
0x4f: {  	s0 =	sadd.s32 s1, s22;
	s1 =	smov.u32 s14;
	[sflag:s25] =	ssyncadd.s32 $0xFFFFFF80  }
0x50: {  	[tilespmem:s26], [sflag:$0x2] =	stream.linear.gather [hbm4b:s0+s3], $0x80, $0x38;
	[tilespmem:$0x1F300] =	vst v63  }
0x51: {  	_ =	swait.ge [sflag:s25], $0x80  }
0x52: {  	[sflag:s25] =	ssyncset.done $0x0  }
0x53: {  	[sflag:s25] =	ssyncadd.s32 $0xFFFFFF80  }
0x54: {  	[tilespmem:s28], [sflag:$0x1] =	stream.indirect.gather [hbm4b:s4+s26], $0x10, s3, s26, $0xb8;
	[tilespmem:$0x1F300] =	vst v63  }
0x55: {  	_ =	swait.ge [sflag:s29], $0x800  }
.Ltmp1:
0x56: {  	[sflag:s29] =	ssyncset.done $0x0;
	(pc) =	sbr.rel @p0 .LBB2_4-.Ltmp1, $4  }
0x57: {  	[sflag:s29] =	ssyncadd.s32 $0xFFFFF800  }
0x58: {  	[spmem:s2] =	stream.indirect.scatter.add.f32 [tilespmem:s28], [sflag:$0x2], $0x10, s26, s26, $0xb8;
	[tilespmem:$0x1F300] =	vst v63  }
0x59: {  	_ =	swait.ge [sflag:s25], $0x800  }
0x5a: {  	s0 =	smov.u32 s15;
	[sflag:s25] =	ssyncset.done $0x0  }
0x5b: {  	s0 =	sadd.s32 s1, s23;
	[sflag:s25] =	ssyncadd.s32 $0xFFFFF800  }
0x5c: {  	[tilespmem:s3], [sflag:$0x2] =	stream.linear.gather [hbm4b:s0+s3], $0x80, $0x38;
	[tilespmem:$0x1F300] =	vst v63  }
0x5d: {  	_ =	swait.ge [sflag:s25], $0x80  }
0x5e: {  	[sflag:s25] =	ssyncset.done $0x0  }
0x5f: {  	s1 =	sadd.s32 s1, s22;
	[sflag:s25] =	ssyncadd.s32 $0xFFFFFF80  }
0x60: {  	[tilespmem:s26], [sflag:$0x2] =	stream.linear.gather [hbm4b:s1+s3], $0x80, $0x38;
	[tilespmem:$0x1F300] =	vst v63  }
0x61: {  	_ =	swait.ge [sflag:s25], $0x80  }
0x62: {  	[sflag:s25] =	ssyncset.done $0x0  }
0x63: {  	[sflag:s25] =	ssyncadd.s32 $0xFFFFFF80  }
0x64: {  	[tilespmem:s28], [sflag:$0x1] =	stream.indirect.gather [hbm4b:s4+s26], $0x10, s3, s26, $0xb8;
	[tilespmem:$0x1F300] =	vst v63  }
0x65: {  	_ =	swait.ge [sflag:s29], $0x800  }
0x66: {  	[sflag:s29] =	ssyncset.done $0x0  }
0x67: {  	[sflag:s29] =	ssyncadd.s32 $0xFFFFF800  }
0x68: {  	[spmem:s2] =	stream.indirect.scatter.add.f32 [tilespmem:s28], [sflag:$0x2], $0x10, s26, s26, $0xb8;
	[tilespmem:$0x1F300] =	vst v63  }
0x69: {  	_ =	swait.ge [sflag:s25], $0x800  }
0x6a: {  	[sflag:s25] =	ssyncset.done $0x0  }
0x6b: {  	[sflag:s25] =	ssyncadd.s32 $0xFFFFF800  }
0x6c: {  	[bflag:$0x0] =	sbarrier.arrive $0xFFFF  }
0x6d: {  	[tilespmem:s30], [sflag:$0x2] =	stream.linear.gather [spmem:s5], $0x3100, $0x38;
	[tilespmem:$0x1F300] =	vst v63  }
0x6e: {  	_ =	swait.ge [sflag:s25], $0x3100  }
0x6f: {  	[sflag:s25] =	ssyncset.done $0x0  }
0x70: {  	s13 =	rddreg [dreg:$0x3];
	[sflag:s25] =	ssyncadd.s32 $0xFFFFCF00  }
0x71: {  	[hbm4b:s13+s3] =	stream.linear.scatter [tilespmem:s30], [sflag:$0x2], $0x3100, $0x38;
	[tilespmem:$0x1F300] =	vst v63  }
0x72: {  	_ =	swait.ge [sflag:s25], $0x3100  }
0x73: {  	[sflag:s25] =	ssyncset.done $0x0  }
0x74: {  	[sflag:s25] =	ssyncadd.s32 $0xFFFFCF00  }
0x75: {  	[tilespmem:s30], [sflag:$0x2] =	stream.linear.gather [spmem:s6], $0x3100, $0x38;
	[tilespmem:$0x1F300] =	vst v63  }
0x76: {  	_ =	swait.ge [sflag:s25], $0x3100  }
0x77: {  	[sflag:s25] =	ssyncset.done $0x0  }
0x78: {  	s14 =	rddreg [dreg:$0x4];
	[sflag:s25] =	ssyncadd.s32 $0xFFFFCF00  }
0x79: {  	[hbm4b:s14+s3] =	stream.linear.scatter [tilespmem:s30], [sflag:$0x2], $0x3100, $0x38;
	[tilespmem:$0x1F300] =	vst v63  }
0x7a: {  	_ =	swait.ge [sflag:s25], $0x3100  }
0x7b: {  	[sflag:s25] =	ssyncset.done $0x0  }
0x7c: {  	[sflag:s25] =	ssyncadd.s32 $0xFFFFCF00  }
0x7d: {  	[tilespmem:s30], [sflag:$0x2] =	stream.linear.gather [spmem:s7], $0x3100, $0x38;
	[tilespmem:$0x1F300] =	vst v63  }
0x7e: {  	_ =	swait.ge [sflag:s25], $0x3100  }
0x7f: {  	[sflag:s25] =	ssyncset.done $0x0  }
0x80: {  	s15 =	rddreg [dreg:$0x5];
	[sflag:s25] =	ssyncadd.s32 $0xFFFFCF00  }
0x81: {  	[hbm4b:s15+s3] =	stream.linear.scatter [tilespmem:s30], [sflag:$0x2], $0x3100, $0x38;
	[tilespmem:$0x1F300] =	vst v63  }
0x82: {  	_ =	swait.ge [sflag:s25], $0x3100  }
0x83: {  	[sflag:s25] =	ssyncset.done $0x0  }
0x84: {  	[sflag:s25] =	ssyncadd.s32 $0xFFFFCF00  }
0x85: {  	[tilespmem:s30], [sflag:$0x2] =	stream.linear.gather [spmem:s8], $0x3100, $0x38;
	[tilespmem:$0x1F300] =	vst v63  }
0x86: {  	_ =	swait.ge [sflag:s25], $0x3100  }
0x87: {  	[sflag:s25] =	ssyncset.done $0x0  }
0x88: {  	[sflag:s25] =	ssyncadd.s32 $0xFFFFCF00  }
0x89: {  	[hbm4b:s16+s3] =	stream.linear.scatter [tilespmem:s30], [sflag:$0x2], $0x3100, $0x38;
	[tilespmem:$0x1F300] =	vst v63  }
0x8a: {  	_ =	swait.ge [sflag:s25], $0x3100  }
0x8b: {  	[sflag:s25] =	ssyncset.done $0x0  }
0x8c: {  	[sflag:s25] =	ssyncadd.s32 $0xFFFFCF00  }
0x8d: {  	[tilespmem:s30], [sflag:$0x2] =	stream.linear.gather [spmem:s9], $0x3100, $0x38;
	[tilespmem:$0x1F300] =	vst v63  }
0x8e: {  	_ =	swait.ge [sflag:s25], $0x3100  }
0x8f: {  	[sflag:s25] =	ssyncset.done $0x0  }
0x90: {  	[sflag:s25] =	ssyncadd.s32 $0xFFFFCF00  }
0x91: {  	[hbm4b:s17+s3] =	stream.linear.scatter [tilespmem:s30], [sflag:$0x2], $0x3100, $0x38;
	[tilespmem:$0x1F300] =	vst v63  }
0x92: {  	_ =	swait.ge [sflag:s25], $0x3100  }
0x93: {  	[sflag:s25] =	ssyncset.done $0x0  }
0x94: {  	[sflag:s25] =	ssyncadd.s32 $0xFFFFCF00  }
0x95: {  	[tilespmem:s30], [sflag:$0x2] =	stream.linear.gather [spmem:s10], $0x3100, $0x38;
	[tilespmem:$0x1F300] =	vst v63  }
0x96: {  	_ =	swait.ge [sflag:s25], $0x3100  }
0x97: {  	[sflag:s25] =	ssyncset.done $0x0  }
0x98: {  	[sflag:s25] =	ssyncadd.s32 $0xFFFFCF00  }
0x99: {  	[hbm4b:s18+s3] =	stream.linear.scatter [tilespmem:s30], [sflag:$0x2], $0x3100, $0x38;
	[tilespmem:$0x1F300] =	vst v63  }
0x9a: {  	_ =	swait.ge [sflag:s25], $0x3100  }
0x9b: {  	[sflag:s25] =	ssyncset.done $0x0  }
0x9c: {  	[sflag:s25] =	ssyncadd.s32 $0xFFFFCF00  }
0x9d: {  	[tilespmem:s30], [sflag:$0x2] =	stream.linear.gather [spmem:s11], $0x3100, $0x38;
	[tilespmem:$0x1F300] =	vst v63  }
0x9e: {  	_ =	swait.ge [sflag:s25], $0x3100  }
0x9f: {  	[sflag:s25] =	ssyncset.done $0x0  }
0xa0: {  	[sflag:s25] =	ssyncadd.s32 $0xFFFFCF00  }
0xa1: {  	[hbm4b:s19+s3] =	stream.linear.scatter [tilespmem:s30], [sflag:$0x2], $0x3100, $0x38;
	[tilespmem:$0x1F300] =	vst v63  }
0xa2: {  	_ =	swait.ge [sflag:s25], $0x3100  }
0xa3: {  	[sflag:s25] =	ssyncset.done $0x0  }
0xa4: {  	[sflag:s25] =	ssyncadd.s32 $0xFFFFCF00  }
0xa5: {  	[tilespmem:s30], [sflag:$0x2] =	stream.linear.gather [spmem:s12], $0x3100, $0x38;
	[tilespmem:$0x1F300] =	vst v63  }
0xa6: {  	s31 =	sadd.s32 $0x1, s31;
	_ =	swait.ge [sflag:s25], $0x3100  }
0xa7: {  	p0 =	sne.s32 s31, s21;
	[sflag:s25] =	ssyncset.done $0x0  }
.Ltmp2:
0xa8: {  	[sflag:s25] =	ssyncadd.s32 $0xFFFFCF00;
	(pc) =	sbr.rel @p0 .LBB2_1-.Ltmp2, $4  }
0xa9: {  	[hbm4b:s20+s3] =	stream.linear.scatter [tilespmem:s30], [sflag:$0x2], $0x3100, $0x38;
	[tilespmem:$0x1F300] =	vst v63  }
0xaa: {  	_ =	swait.ge [sflag:s25], $0x3100  }
0xab: {  	[sflag:s25] =	ssyncset.done $0x0  }
0xac: {  	[sflag:s25] =	ssyncadd.s32 $0xFFFFCF00  }
0xad: {  	_ =	sfence.sel $0x180000  }
0xae: {  	[bflag:$0x0] =	sbarrier.arrive $0xFFFF  }
0xaf: {  	_ =	strace $0x9000004A  }
0xb0: {  	s0 =	stileid.u32;
	[bflag:$0x2] =	sbarrier.arrive $0xFFFF  }
0xb1: {  	p0 =	sne.s32 s0, $0x0;
	s0 =	rddreg [dreg:$0x2]  }
0xb2: {  	s0 =	sadd.s32 @!p0 $0x100000, s0  }
0xb3: {  	[sflag:s0] =	ssyncadd.tile.s32 @!p0 $0x1;
	_ =	shalt  }
.Lfunc_end2:
_tile_overlayer_lowered:
.L_overlay_start_2:
0xb4: {  	(tag) =	ssettag $0x2  }
0xb5: {  	s0 =	rddreg [dreg:$0x0];
	s2 =	stileid.u32  }
0xb6: {  	s1 =	rddreg [dreg:$0x1];
	p0 =	sne.s32 s2, $0x0  }
0xb7: {  	s3 =	rddreg [dreg:$0x2];
	[bflag:$0x3] =	sbarrier.arrive $0xFFFF;
	s2 =	simm.s32 @!p0 $0x1C02  }
0xb8: {  	[timem:s3], [sflag:s2] =	dma.local @!p0 [hbm:s0], s1  }
0xb9: {  	s0 =	simm.s32 @!p0 $0x2  }
0xba: {  	_ =	swait.ge @!p0 [sflag:s0], s1  }
0xbb: {  	s1 =	ssub.s32 @!p0 $0x0, s1;
	[sflag:s0] =	ssyncset.done @!p0 $0x0  }
0xbc: {  	[sflag:s0] =	ssyncadd.s32 @!p0 s1  }
0xbd: {  	[bflag:$0x3] =	sbarrier.arrive $0xFFFF  }
0xbe: {  	_ =	shalt  }

// kernel: kernel.16.cloned.1.call-start
scs
__scs_entry_jumppad:
0x0: {  	(pc) =	sbr.rel $0x88, $3  }
0x1: {  	(tag) =	ssettag $0x0;
	lr =	simm.s32 $0x1  }
0x2: {  	[smem:$0x3F96] =	sst lr;
	_ =	strace $0xD0000000  }
0x3: {  	_ = 	snop  }
0x4: {  	_ = 	snop  }
0x5: {  	_ = 	snop  }
0x6: {  	_ = 	snop  }
0x7: {  	_ = 	snop  }
__scs_overlays_trampoline_lowered:
0x8: {  	[smem:$0x3FA5] =	sst s0  }
0x9: {  	[smem:$0x3FA6] =	sst s1  }
0xa: {  	[smem:$0x3FA7] =	sst s2  }
0xb: {  	[smem:$0x3FA8] =	sst s3  }
0xc: {  	[smem:$0x3FA9] =	sst s4  }
0xd: {  	[smem:$0x3FAA] =	sst s5  }
0xe: {  	[smem:$0x3FAB] =	sst s6  }
0xf: {  	[smem:$0x3FAC] =	sst s7  }
0x10: {  	[smem:$0x3FAD] =	sst s8  }
0x11: {  	[smem:$0x3FAE] =	sst s9;
	s0 =	simm.s32 @!p0 $0x0  }
0x12: {  	s1 =	sld [smem:$0x3F94];
	s0 =	simm.s32 @p0 $0x1  }
0x13: {  	[smem:$0x3FAF] =	sst s0;
	s0 =	simm.s32 @!p1 $0x0  }
0x14: {  	s2 =	sld [smem:$0x3F93];
	s0 =	simm.s32 @p1 $0x1  }
0x15: {  	[smem:$0x3FB0] =	sst s0;
	s0 =	simm.s32 @!p2 $0x0  }
0x16: {  	s3 =	sld [smem:$0x3FDB];
	s0 =	simm.s32 @p2 $0x1  }
0x17: {  	s4 =	simm.s32 $0x1BF5;
	[smem:$0x3FB2] =	sst s0  }
0x18: {  	s0 =	sld [smem:$0x3F95];
	_ =	swait.ge [sflag:s4], $0x0  }
0x19: {  	s7 =	sld [smem:$0x3F96]  }
0x1a: {  	s8 =	sadd.s32 $0xFFFFE003, lr  }
0x1b: {  	s9 =	sadd.s32 $0xFFFFFEF7, lr;
	s5 =	simm.s32 $0xFFFFFFFF;
	p2 =	slt.u32 s8, $0xFFFFF086  }
0x1c: {  	p1 =	slt.u32 s9, $0xF7A;
	s5 =	simm.s32 @!p2 $0x0  }
0x1d: {  	s5 =	simm.s32 @p1 $0x1;
	p0 =	seq.s32 s7, s2  }
0x1e: {  	s7 =	smul.u32 @!p0 $0xF7A, s2;
	p2 =	seq.s32 @!p0 s5, $0x0  }
0x1f: {  	s9 =	smul.u32 $0xF7A, s1;
	s8 =	simm.s32 @!p0 $0x1BF5;
	p2 =	por !p2, p0  }
0x20: {  	[sflag:s8] =	ssyncset.s32 @!p0 $0xFFFFF086;
	s6 =	sadd.s32 @!p0 s3, s7;
	s7 =	simm.s32 @!p0 $0x108  }
0x21: {  	s3 =	sadd.s32 s3, s9;
	s6 =	sadd.s32 @!p0 $0x88, s6;
	s7 =	simm.s32 @p2 $0x1082  }
0x22: {  	[simem:s7], [sflag:s8] =	dma.local @!p0 [hbm:s6], $0xF7A  }
0x23: {  	s9 =	sor.u32 $0xD0000000, s2;
	s6 =	simm.s32 $0x108;
	_ =	swait.ge @!p0 [sflag:s8], $0x0  }
0x24: {  	s3 =	sadd.s32 $0x88, s3;
	s6 =	simm.s32 @!p1 $0x1082;
	[sflag:s4] =	ssyncset.s32 $0xFFFFF086  }
0x25: {  	[simem:s6], [sflag:s4] =	dma.local [hbm:s3], $0xF7A  }
0x26: {  	[smem:$0x3F96] =	sst s1;
	(tag) =	ssettag s2;
	_ =	strace s9  }
0x27: {  	s1 =	sld [smem:$0x3FA6]  }
0x28: {  	s2 =	sld [smem:$0x3FA7]  }
0x29: {  	s4 =	sld [smem:$0x3FA9]  }
0x2a: {  	p0 =	seq.s32 s5, $0x0;
	s5 =	sld [smem:$0x3FAA]  }
0x2b: {  	s6 =	sld [smem:$0x3FAB]  }
0x2c: {  	s7 =	sld [smem:$0x3FAC]  }
0x2d: {  	s3 =	simm.s32 $0x108;
	s8 =	sld [smem:$0x3FAD]  }
0x2e: {  	s3 =	simm.s32 @!p0 $0x1082;
	s9 =	sld [smem:$0x3FAE]  }
0x2f: {  	lr =	sadd.s32 s0, s3;
	s0 =	sld [smem:$0x3FA5]  }
0x30: {  	s3 =	sld [smem:$0x3FA8]  }
0x31: {  	[smem:$0x3FB1] =	sst s10  }
0x32: {  	s10 =	sld [smem:$0x3FAF];
	_ =	sdelay $0x3  }
0x33: {  	p0 =	seq.s32 s10, $0x1;
	s10 =	sld [smem:$0x3FB1];
	_ =	sdelay $0x3  }
0x34: {  	[smem:$0x3FB1] =	sst s10  }
0x35: {  	s10 =	sld [smem:$0x3FB0];
	_ =	sdelay $0x3  }
0x36: {  	p1 =	seq.s32 s10, $0x1;
	s10 =	sld [smem:$0x3FB1];
	_ =	sdelay $0x3  }
0x37: {  	[smem:$0x3FB1] =	sst s10  }
0x38: {  	s10 =	sld [smem:$0x3FB2]  }
0x39: {  	_ = 	snop;
	(pc) =	sbr.ind lr, $3  }
0x3a: {  	_ = 	snop  }
0x3b: {  	_ = 	snop  }
0x3c: {  	p2 =	seq.s32 s10, $0x1;
	s10 =	sld [smem:$0x3FB1]  }
0x3d: {  	_ =	shalt  }
0x3e: {  	_ =	shalt  }
0x3f: {  	_ =	shalt  }
0x40: {  	_ =	shalt  }
0x41: {  	_ =	shalt  }
0x42: {  	_ =	shalt  }
0x43: {  	_ =	shalt  }
0x44: {  	_ =	shalt  }
0x45: {  	_ =	shalt  }
0x46: {  	_ =	shalt  }
0x47: {  	_ =	shalt  }
0x48: {  	_ =	shalt  }
0x49: {  	_ =	shalt  }
0x4a: {  	_ =	shalt  }
0x4b: {  	_ =	shalt  }
0x4c: {  	_ =	shalt  }
0x4d: {  	_ =	shalt  }
0x4e: {  	_ =	shalt  }
0x4f: {  	_ =	shalt  }
0x50: {  	_ =	shalt  }
0x51: {  	_ =	shalt  }
0x52: {  	_ =	shalt  }
0x53: {  	_ =	shalt  }
0x54: {  	_ =	shalt  }
0x55: {  	_ =	shalt  }
0x56: {  	_ =	shalt  }
0x57: {  	_ =	shalt  }
0x58: {  	_ =	shalt  }
0x59: {  	_ =	shalt  }
0x5a: {  	_ =	shalt  }
0x5b: {  	_ =	shalt  }
0x5c: {  	_ =	shalt  }
0x5d: {  	_ =	shalt  }
0x5e: {  	_ =	shalt  }
0x5f: {  	_ =	shalt  }
0x60: {  	_ =	shalt  }
0x61: {  	_ =	shalt  }
0x62: {  	_ =	shalt  }
0x63: {  	_ =	shalt  }
0x64: {  	_ =	shalt  }
0x65: {  	_ =	shalt  }
0x66: {  	_ =	shalt  }
0x67: {  	_ =	shalt  }
0x68: {  	_ =	shalt  }
0x69: {  	_ =	shalt  }
0x6a: {  	_ =	shalt  }
0x6b: {  	_ =	shalt  }
0x6c: {  	_ =	shalt  }
0x6d: {  	_ =	shalt  }
0x6e: {  	_ =	shalt  }
0x6f: {  	_ =	shalt  }
0x70: {  	_ =	shalt  }
0x71: {  	_ =	shalt  }
0x72: {  	_ =	shalt  }
0x73: {  	_ =	shalt  }
0x74: {  	_ =	shalt  }
0x75: {  	_ =	shalt  }
0x76: {  	_ =	shalt  }
0x77: {  	_ =	shalt  }
0x78: {  	_ =	shalt  }
0x79: {  	_ =	shalt  }
0x7a: {  	_ =	shalt  }
0x7b: {  	_ =	shalt  }
0x7c: {  	_ =	shalt  }
0x7d: {  	_ =	shalt  }
0x7e: {  	_ =	shalt  }
0x7f: {  	_ =	shalt  }
0x80: {  	_ =	shalt  }
0x81: {  	_ =	shalt  }
0x82: {  	_ =	shalt  }
0x83: {  	_ =	shalt  }
0x84: {  	_ =	shalt  }
0x85: {  	_ =	shalt  }
0x86: {  	_ =	shalt  }
0x87: {  	_ =	shalt  }
.Lfunc_end0:
.L_simem_size_0:
called_computation.2_lowered:
.L_overlay_start_0:
0x88: {  	s2 =	sld [smem:$0x3FD9]  }
0x89: {  	s3 =	sld [smem:$0x3FFE];
	_ =	sdelay $0x1  }
0x8a: {  	s1 =	srdreg.scid  }
0x8b: {  	s0 =	sand.u32 $0x1, s1  }
0x8c: {  	s16 =	sshll.u32 s0, $0xA;
	s2 =	sadd.s32 s3, s2  }
0x8d: {  	s2 =	sadd.s32 s2, s16  }
0x8e: {  	[smem:$0x3FBD] =	sst s2  }
0x8f: {  	_ = 	snop  }
0x90: {  	(tm) =	ssettm $0x1  }
0x91: {  	s17 =	sld [smem:$0x3FFB];
	_ =	sdelay $0x3  }
0x92: {  	_ =	strace s17  }
0x93: {  	s2 =	sld [smem:$0x3FFC];
	_ =	sdelay $0x3  }
0x94: {  	_ =	strace s2  }
0x95: {  	s2 =	sld [smem:$0x3FFD];
	_ =	sdelay $0x3  }
0x96: {  	_ =	strace s2  }
0x97: {  	_ =	strace $0x8FFFFFFF  }
0x98: {  	s18 =	sld [smem:$0x3FDB];
	_ =	sdelay $0x1  }
0x99: {  	s19 =	simm.s32 $_scs_section_size  }
0x9a: {  	s4 =	simm.s32 $_size__tile_overlayer_lowered;
	s5 =	simm.s32 $_tile_overlayer_lowered  }
0x9b: {  	s22 =	simm.s32 $0x1BFF;
	s21 =	sshll.u32 s5, $0x1;
	s2 =	sadd.s32 s19, s18  }
0x9c: {  	s6 =	simm.s32 $0x0;
	s20 =	sshll.u32 s4, $0x1;
	s4 =	sadd.s32 s21, s2  }
0x9d: {  	[timem:s6], [sflag:s22] =	dma.local [hbm:s4], s20  }
0x9e: {  	_ =	swait.ge [sflag:s22], s20  }
0x9f: {  	s3 =	ssub.s32 $0x0, s20;
	[sflag:s22] =	ssyncset.done $0x0  }
0xa0: {  	[sflag:s22] =	ssyncadd.s32 s3;
	_ =	sdelay $0x1  }
0xa1: {  	s23 =	simm.s32 $0x1B8B  }
0xa2: {  	_ =	swait.ge [sflag:s23], $0x1  }
0xa3: {  	[sflag:s23] =	ssyncset.done $0x0  }
0xa4: {  	s25 =	simm.s32 $0x1B8E;
	s24 =	sld [smem:$0x3FFE];
	[sflag:s23] =	ssyncadd.s32 $0xFFFFFFFF  }
0xa5: {  	s26 =	simm.s32 $execute0_lowered;
	[smem:$0x3FD2] =	sst s25  }
0xa6: {  	s4 =	sshll.u32 s26, $0x1;
	_ =	strace $0x8000004C;
	[dreg:$0x1] =	wrdreg $0xFFFFFFFF  }
0xa7: {  	s28 =	simm.s32 $_size_execute0_lowered;
	s2 =	sadd.s32 s2, s4;
	[dreg:$0x0] =	wrdreg $0x0  }
0xa8: {  	s4 =	sshll.u32 s28, $0x1;
	[dreg:$0x2] =	wrdreg s2  }
0xa9: {  	[dreg:$0x3] =	wrdreg s4  }
0xaa: {  	[dreg:$0x4] =	wrdreg $0xC0  }
0xab: {  	_ =	task [dreg:s6], $0x5FFFF  }
0xac: {  	[dreg:$0x1] =	wrdreg $0xFFFFFFFF  }
0xad: {  	[dreg:$0x0] =	wrdreg $0x60  }
0xae: {  	[dreg:$0x2] =	wrdreg s24  }
0xaf: {  	[dreg:$0x3] =	wrdreg $0x6B000  }
0xb0: {  	[dreg:$0x4] =	wrdreg $0x9  }
0xb1: {  	_ =	task.clear_ibuf [dreg:s6], $0x5FFFF;
	_ =	strace $0x9000004C  }
0xb2: {  	s29 =	simm.s32 $0x9;
	_ =	strace $0x8000004E  }
0xb3: {  	_ =	swait.ge [sflag:s29], $0x1  }
0xb4: {  	[sflag:s29] =	ssyncadd.s32 $0xFFFFFFFF  }
0xb5: {  	_ =	strace $0x9000004E  }
0xb6: {  	_ =	sfence  }
0xb7: {  	s30 =	sld [smem:$0x0];
	_ =	sdelay $0x2  }
0xb8: {  	s31 =	sshll.u32 s1, $0xD;
	s1 =	sshrl.u32 s1, $0x2  }
0xb9: {  	s3 =	sand.u32 $0x4000, s31;
	s1 =	sadd.s32 s1, s30  }
0xba: {  	s0 =	sor.u32 s3, s0;
	s1 =	sshll.u32 s1, $0x11  }
0xbb: {  	s0 =	sor.u32 s1, s0  }
0xbc: {  	s0 =	sadd.s32 $0x8F2B, s0  }
0xbd: {  	[sflag:s0] =	ssyncadd.remote.s32 $0x1  }
0xbe: {  	_ =	sfence.sel $0xFFFF  }
0xbf: {  	[dreg:$0x0] =	wrdreg $0xFFFFFFFF;
	(pc) =	sbr.abs _section_cstart, $3  }
0xc0: {  	[dreg:$0x1] =	wrdreg $0xFFFFFFFF  }
0xc1: {  	_ =	task.clear_ibuf [dreg:s6], $0x2FFFF;
	_ =	strace $0x9FFFFFFF  }
0xc2: {  	(tm) =	ssettm $0x7FFFFFFF  }
0xc3: {  	_ =	shalt  }
tec
execute0_lowered:
.L_overlay_start_1:
0x0: {  	(tag) =	ssettag $0x1  }
0x1: {  	s0 =	rddreg [dreg:$0x0]  }
0x2: {  	s2 =	rddreg [dreg:$0x1]  }
0x3: {  	s3 =	simm.s32 $0x0;
	s8 =	stileid.u32;
	s5 =	srdreg.scid  }
0x4: {  	[smem:$0x7FF] =	sst s3;
	s1 =	smul.u32 $0x30E0, s8  }
0x5: {  	s4 =	sadd.s32 $0x1F0A00, s0;
	s6 =	smul.u32 $0x62000, s8;
	s5 =	sand.u32 $0x1, s5  }
0x6: {  	s14 =	smul.u32 $0x1880, s8;
	_ =	strace $0x8000004D;
	s7 =	ssub.s32 $0x2, s5  }
0x7: {  	s17 =	smul.u32 $0x18800, s5;
	s1 =	sadd.s32 s1, s0;
	s16 =	sshrl.u32 s6, $0x2  }
0x8: {  	s0 =	sadd.s32 $0x2B4A00, s0;
	s18 =	sshrl.u32 s7, $0x1;
	s5 =	sadd.s32 s16, s2  }
0x9: {  	s15 =	ssub.s32 s7, s18;
	s12 =	sadd.s32 s14, s17;
	s18 =	sadd.s32 $0x31000, s17  }
0xa: {  	v0 =	vmov s17;
	s17 =	simm.s32 $0x1;
	s6 =	sadd.s32 $0x3100, s5;
	s7 =	sadd.s32 $0x6200, s5  }
0xb: {  	s8 =	sadd.s32 $0x9300, s5;
	s9 =	sadd.s32 $0xC400, s5;
	s13 =	sshll.u32 s12, $0x1  }
0xc: {  	s10 =	sadd.s32 $0xF500, s5;
	s24 =	smax.u32 s15, $0x1;
	s13 =	sadd.s32 s0, s13  }
0xd: {  	s11 =	sadd.s32 $0x12600, s5;
	[dreg:$0x9] =	wrdreg s24;
	s16 =	sadd.s32 $0x620, s13  }
0xe: {  	s12 =	sadd.s32 $0x15700, s5;
	s19 =	sadd.s32 $0xC40, s13;
	[dreg:$0x3] =	wrdreg s16  }
0xf: {  	s14 =	sadd.s32 s14, s18;
	s20 =	sadd.s32 $0x1260, s13;
	[dreg:$0x4] =	wrdreg s19  }
0x10: {  	s15 =	simm.s32 $0x80;
	s21 =	sadd.s32 $0x1880, s13;
	[dreg:$0x5] =	wrdreg s20  }
0x11: {  	v1 =	vmov s18;
	s18 =	simm.s32 $0x3A00;
	s22 =	sadd.s32 $0x1EA0, s13;
	[dreg:$0x6] =	wrdreg s21  }
0x12: {  	s14 =	sshll.u32 s14, $0x1;
	s23 =	sadd.s32 $0x24C0, s13;
	[dreg:$0x7] =	wrdreg s22  }
0x13: {  	s25 =	sadd.s32 $0x2AE0, s13;
	[dreg:$0x8] =	wrdreg s23;
	s20 =	sadd.s32 s0, s14  }
0x14: {  	s22 =	sadd.s32 $0x2200, s1;
	s23 =	sadd.s32 $0x1BFC00, s1;
	[dreg:$0xa] =	wrdreg s25  }
0x15: {  	s1 =	simm.s32 $0x900;
	s14 =	simm.s32 $0x2;
	s16 =	simm.s32 $0x100  }
0x16: {  	s19 =	simm.s32 $0x0;
	s26 =	sadd.s32 $0x620, s20;
	s28 =	sadd.s32 $0x1260, s20  }
0x17: {  	s29 =	sadd.s32 $0x1880, s20;
	s30 =	sadd.s32 $0x1EA0, s20;
	s31 =	sadd.s32 $0x24C0, s20  }
0x18: {  	v2 =	vimm.f32 $0.0e+00;
	s0 =	sadd.s32 $0x2AE0, s20;
	[dreg:$0xb] =	wrdreg s26;
	s26 =	sadd.s32 $0xC40, s20  }
.LBB2_1:
0x19: {  	s21 =	simm.s32 $0x40;
	s24 =	simm.s32 $0x0  }
.LBB2_2:
0x1a: {  	p0 =	sne.s32 s21, $0xC3C0;
	[tilespmem:s24+$0x900] =	vst v2;
	s24 =	smov.u32 s21;
	s21 =	sadd.s32 $0x40, s21  }
.Ltmp0:
0x1b: {  	(pc) =	sbr.rel @p0 .LBB2_2-.Ltmp0, $2  }
0x1c: {  	_ =	sdelay $0x2  }
0x1d: {  	s24 =	sshra.s32 s24, $0x2  }
0x1e: {  	[tilespmem:s24+$0x900] =	vst v2  }
0x1f: {  	[spmem:s5] =	stream.linear.scatter [tilespmem:s1], [sflag:$0x2], $0x3100, $0x38;
	[tilespmem:$0x1F300] =	vst v63  }
0x20: {  	_ =	swait.ge [sflag:s14], $0x3100  }
0x21: {  	[sflag:s14] =	ssyncset.done $0x0  }
0x22: {  	[sflag:s14] =	ssyncadd.s32 $0xFFFFCF00  }
0x23: {  	[spmem:s6] =	stream.linear.scatter [tilespmem:s1], [sflag:$0x2], $0x3100, $0x38;
	[tilespmem:$0x1F300] =	vst v63  }
0x24: {  	_ =	swait.ge [sflag:s14], $0x3100  }
0x25: {  	[sflag:s14] =	ssyncset.done $0x0  }
0x26: {  	[sflag:s14] =	ssyncadd.s32 $0xFFFFCF00  }
0x27: {  	[spmem:s7] =	stream.linear.scatter [tilespmem:s1], [sflag:$0x2], $0x3100, $0x38;
	[tilespmem:$0x1F300] =	vst v63  }
0x28: {  	_ =	swait.ge [sflag:s14], $0x3100  }
0x29: {  	[sflag:s14] =	ssyncset.done $0x0  }
0x2a: {  	[sflag:s14] =	ssyncadd.s32 $0xFFFFCF00  }
0x2b: {  	[spmem:s8] =	stream.linear.scatter [tilespmem:s1], [sflag:$0x2], $0x3100, $0x38;
	[tilespmem:$0x1F300] =	vst v63  }
0x2c: {  	_ =	swait.ge [sflag:s14], $0x3100  }
0x2d: {  	[sflag:s14] =	ssyncset.done $0x0  }
0x2e: {  	[sflag:s14] =	ssyncadd.s32 $0xFFFFCF00  }
0x2f: {  	[spmem:s9] =	stream.linear.scatter [tilespmem:s1], [sflag:$0x2], $0x3100, $0x38;
	[tilespmem:$0x1F300] =	vst v63  }
0x30: {  	_ =	swait.ge [sflag:s14], $0x3100  }
0x31: {  	[sflag:s14] =	ssyncset.done $0x0  }
0x32: {  	[sflag:s14] =	ssyncadd.s32 $0xFFFFCF00  }
0x33: {  	[spmem:s10] =	stream.linear.scatter [tilespmem:s1], [sflag:$0x2], $0x3100, $0x38;
	[tilespmem:$0x1F300] =	vst v63  }
0x34: {  	_ =	swait.ge [sflag:s14], $0x3100  }
0x35: {  	[sflag:s14] =	ssyncset.done $0x0  }
0x36: {  	[sflag:s14] =	ssyncadd.s32 $0xFFFFCF00  }
0x37: {  	[spmem:s11] =	stream.linear.scatter [tilespmem:s1], [sflag:$0x2], $0x3100, $0x38;
	[tilespmem:$0x1F300] =	vst v63  }
0x38: {  	_ =	swait.ge [sflag:s14], $0x3100  }
0x39: {  	[sflag:s14] =	ssyncset.done $0x0  }
0x3a: {  	[sflag:s14] =	ssyncadd.s32 $0xFFFFCF00  }
0x3b: {  	[spmem:s12] =	stream.linear.scatter [tilespmem:s1], [sflag:$0x2], $0x3100, $0x38;
	[tilespmem:$0x1F300] =	vst v63  }
0x3c: {  	_ =	swait.ge [sflag:s14], $0x3100  }
0x3d: {  	[sflag:s14] =	ssyncset.done $0x0  }
0x3e: {  	[sflag:s14] =	ssyncadd.s32 $0xFFFFCF00  }
0x3f: {  	s21 =	sadd.s32 $0x0, s23;
	[bflag:$0x0] =	sbarrier.arrive $0xFFFF  }
0x40: {  	[tilespmem:s3], [sflag:$0x2] =	stream.linear.gather [hbm4b:s21+s3], $0x80, $0x38;
	[tilespmem:$0x1F300] =	vst v63  }
0x41: {  	_ =	swait.ge [sflag:s14], $0x80  }
0x42: {  	[sflag:s14] =	ssyncset.done $0x0  }
0x43: {  	s25 =	sadd.s32 $0x0, s22;
	[sflag:s14] =	ssyncadd.s32 $0xFFFFFF80  }
0x44: {  	[tilespmem:s15], [sflag:$0x2] =	stream.linear.gather [hbm4b:s25+s3], $0x80, $0x38;
	[tilespmem:$0x1F300] =	vst v63  }
0x45: {  	_ =	swait.ge [sflag:s14], $0x80  }
0x46: {  	[sflag:s14] =	ssyncset.done $0x0  }
0x47: {  	[sflag:s14] =	ssyncadd.s32 $0xFFFFFF80  }
0x48: {  	v3 =	vld [tilespmem:$0x70]  }
0x49: {  	v4 =	vld [tilespmem:$0x30]  }
0x4a: {  	v5 =	vld [tilespmem:$0x50]  }
0x4b: {  	v6 =	vld [tilespmem:$0x60]  }
0x4c: {  	v7 =	vld [tilespmem:$0x20]  }
0x4d: {  	v8 =	vld [tilespmem:$0x10];
	v3 =	vadd.s32 v0, v3  }
0x4e: {  	v9 =	vld [tilespmem:$0x40];
	v4 =	vadd.s32 v0, v4;
	[tilespmem:$0x70] =	vst v3  }
0x4f: {  	v59 =	vadd.s32 v0, v5;
	v3 =	vld [tilespmem:$0x0];
	[tilespmem:$0x30] =	vst v4  }
0x50: {  	v60 =	vadd.s32 v0, v6;
	[tilespmem:$0x50] =	vst v59  }
0x51: {  	v61 =	vadd.s32 v0, v7;
	[tilespmem:$0x60] =	vst v60  }
0x52: {  	v62 =	vadd.s32 v0, v8;
	[tilespmem:$0x20] =	vst v61  }
0x53: {  	v63 =	vadd.s32 v0, v9;
	[tilespmem:$0x10] =	vst v62  }
0x54: {  	[tilespmem:$0x40] =	vst v63;
	v3 =	vadd.s32 v0, v3  }
0x55: {  	s21 =	simm.s32 $0x10;
	[tilespmem:$0x0] =	vst v3  }
.LBB2_4:
0x56: {  	[tilespmem:s16], [sflag:$0x1] =	stream.indirect.gather [hbm4b:s4+s15], $0x10, s3, s15, $0xb8;
	[tilespmem:$0x1F300] =	vst v63  }
0x57: {  	s24 =	smov.u32 s21  }
0x58: {  	p0 =	sne.s32 s21, $0x30D0;
	s21 =	sadd.s32 $0x10, s21;
	_ =	swait.ge [sflag:s17], $0x800  }
0x59: {  	[sflag:s17] =	ssyncset.done $0x0  }
0x5a: {  	[sflag:s17] =	ssyncadd.s32 $0xFFFFF800  }
0x5b: {  	[spmem:s2] =	stream.indirect.scatter.add.f32 [tilespmem:s16], [sflag:$0x2], $0x10, s15, s15, $0xb8;
	[tilespmem:$0x1F300] =	vst v63  }
0x5c: {  	_ =	swait.ge [sflag:s14], $0x800  }
0x5d: {  	[sflag:s14] =	ssyncset.done $0x0  }
0x5e: {  	s25 =	sadd.s32 s24, s23;
	[sflag:s14] =	ssyncadd.s32 $0xFFFFF800  }
0x5f: {  	[tilespmem:s3], [sflag:$0x2] =	stream.linear.gather [hbm4b:s25+s3], $0x80, $0x38;
	[tilespmem:$0x1F300] =	vst v63  }
0x60: {  	_ =	swait.ge [sflag:s14], $0x80  }
0x61: {  	[sflag:s14] =	ssyncset.done $0x0  }
0x62: {  	s24 =	sadd.s32 s24, s22;
	[sflag:s14] =	ssyncadd.s32 $0xFFFFFF80  }
0x63: {  	[tilespmem:s15], [sflag:$0x2] =	stream.linear.gather [hbm4b:s24+s3], $0x80, $0x38;
	[tilespmem:$0x1F300] =	vst v63  }
0x64: {  	_ =	swait.ge [sflag:s14], $0x80  }
0x65: {  	[sflag:s14] =	ssyncset.done $0x0  }
0x66: {  	[sflag:s14] =	ssyncadd.s32 $0xFFFFFF80  }
0x67: {  	v3 =	vld [tilespmem:$0x70]  }
0x68: {  	v4 =	vld [tilespmem:$0x30]  }
0x69: {  	v5 =	vld [tilespmem:$0x50]  }
0x6a: {  	v6 =	vld [tilespmem:$0x60]  }
0x6b: {  	v7 =	vld [tilespmem:$0x20]  }
0x6c: {  	v8 =	vld [tilespmem:$0x10];
	v3 =	vadd.s32 v0, v3  }
0x6d: {  	v4 =	vadd.s32 v0, v4;
	v9 =	vld [tilespmem:$0x40];
	[tilespmem:$0x70] =	vst v3  }
0x6e: {  	v3 =	vld [tilespmem:$0x0];
	[tilespmem:$0x30] =	vst v4;
	v4 =	vadd.s32 v0, v5  }
0x6f: {  	[tilespmem:$0x50] =	vst v4;
	v4 =	vadd.s32 v0, v6  }
.Ltmp1:
0x70: {  	v5 =	vadd.s32 v0, v7;
	[tilespmem:$0x60] =	vst v4;
	(pc) =	sbr.rel @p0 .LBB2_4-.Ltmp1, $4  }
0x71: {  	v4 =	vadd.s32 v0, v8;
	[tilespmem:$0x20] =	vst v5  }
0x72: {  	[tilespmem:$0x10] =	vst v4;
	v4 =	vadd.s32 v0, v9  }
0x73: {  	v3 =	vadd.s32 v0, v3;
	[tilespmem:$0x40] =	vst v4  }
0x74: {  	[tilespmem:$0x0] =	vst v3  }
0x75: {  	[tilespmem:s16], [sflag:$0x1] =	stream.indirect.gather [hbm4b:s4+s15], $0x10, s3, s15, $0xb8;
	[tilespmem:$0x1F300] =	vst v63  }
0x76: {  	_ =	swait.ge [sflag:s17], $0x800  }
0x77: {  	[sflag:s17] =	ssyncset.done $0x0  }
0x78: {  	[sflag:s17] =	ssyncadd.s32 $0xFFFFF800  }
0x79: {  	[spmem:s2] =	stream.indirect.scatter.add.f32 [tilespmem:s16], [sflag:$0x2], $0x10, s15, s15, $0xb8;
	[tilespmem:$0x1F300] =	vst v63  }
0x7a: {  	_ =	swait.ge [sflag:s14], $0x800  }
0x7b: {  	[sflag:s14] =	ssyncset.done $0x0  }
0x7c: {  	[sflag:s14] =	ssyncadd.s32 $0xFFFFF800  }
0x7d: {  	[bflag:$0x0] =	sbarrier.arrive $0xFFFF  }
0x7e: {  	[tilespmem:s18], [sflag:$0x2] =	stream.linear.gather [spmem:s5], $0x3100, $0x38;
	[tilespmem:$0x1F300] =	vst v63  }
0x7f: {  	_ =	swait.ge [sflag:s14], $0x3100  }
0x80: {  	[sflag:s14] =	ssyncset.done $0x0  }
0x81: {  	s21 =	simm.s32 $0x0;
	[sflag:s14] =	ssyncadd.s32 $0xFFFFCF00  }
0x82: {  	[hbm4b:s13+s21] =	stream.linear.scatter [tilespmem:s18], [sflag:$0x2], $0x3100, $0x38;
	[tilespmem:$0x1F300] =	vst v63  }
0x83: {  	_ =	swait.ge [sflag:s14], $0x3100  }
0x84: {  	[sflag:s14] =	ssyncset.done $0x0  }
0x85: {  	[sflag:s14] =	ssyncadd.s32 $0xFFFFCF00  }
0x86: {  	[tilespmem:s18], [sflag:$0x2] =	stream.linear.gather [spmem:s6], $0x3100, $0x38;
	[tilespmem:$0x1F300] =	vst v63  }
0x87: {  	_ =	swait.ge [sflag:s14], $0x3100  }
0x88: {  	[sflag:s14] =	ssyncset.done $0x0  }
0x89: {  	s24 =	rddreg [dreg:$0x3];
	[sflag:s14] =	ssyncadd.s32 $0xFFFFCF00  }
0x8a: {  	[hbm4b:s24+s21] =	stream.linear.scatter [tilespmem:s18], [sflag:$0x2], $0x3100, $0x38;
	[tilespmem:$0x1F300] =	vst v63  }
0x8b: {  	_ =	swait.ge [sflag:s14], $0x3100  }
0x8c: {  	[sflag:s14] =	ssyncset.done $0x0  }
0x8d: {  	[sflag:s14] =	ssyncadd.s32 $0xFFFFCF00  }
0x8e: {  	[tilespmem:s18], [sflag:$0x2] =	stream.linear.gather [spmem:s7], $0x3100, $0x38;
	[tilespmem:$0x1F300] =	vst v63  }
0x8f: {  	_ =	swait.ge [sflag:s14], $0x3100  }
0x90: {  	[sflag:s14] =	ssyncset.done $0x0  }
0x91: {  	s25 =	rddreg [dreg:$0x4];
	[sflag:s14] =	ssyncadd.s32 $0xFFFFCF00  }
0x92: {  	[hbm4b:s25+s21] =	stream.linear.scatter [tilespmem:s18], [sflag:$0x2], $0x3100, $0x38;
	[tilespmem:$0x1F300] =	vst v63  }
0x93: {  	_ =	swait.ge [sflag:s14], $0x3100  }
0x94: {  	[sflag:s14] =	ssyncset.done $0x0  }
0x95: {  	[sflag:s14] =	ssyncadd.s32 $0xFFFFCF00  }
0x96: {  	[tilespmem:s18], [sflag:$0x2] =	stream.linear.gather [spmem:s8], $0x3100, $0x38;
	[tilespmem:$0x1F300] =	vst v63  }
0x97: {  	_ =	swait.ge [sflag:s14], $0x3100  }
0x98: {  	[sflag:s14] =	ssyncset.done $0x0  }
0x99: {  	s25 =	rddreg [dreg:$0x5];
	[sflag:s14] =	ssyncadd.s32 $0xFFFFCF00  }
0x9a: {  	[hbm4b:s25+s21] =	stream.linear.scatter [tilespmem:s18], [sflag:$0x2], $0x3100, $0x38;
	[tilespmem:$0x1F300] =	vst v63  }
0x9b: {  	_ =	swait.ge [sflag:s14], $0x3100  }
0x9c: {  	[sflag:s14] =	ssyncset.done $0x0  }
0x9d: {  	[sflag:s14] =	ssyncadd.s32 $0xFFFFCF00  }
0x9e: {  	[tilespmem:s18], [sflag:$0x2] =	stream.linear.gather [spmem:s9], $0x3100, $0x38;
	[tilespmem:$0x1F300] =	vst v63  }
0x9f: {  	_ =	swait.ge [sflag:s14], $0x3100  }
0xa0: {  	[sflag:s14] =	ssyncset.done $0x0  }
0xa1: {  	s25 =	rddreg [dreg:$0x6];
	[sflag:s14] =	ssyncadd.s32 $0xFFFFCF00  }
0xa2: {  	[hbm4b:s25+s21] =	stream.linear.scatter [tilespmem:s18], [sflag:$0x2], $0x3100, $0x38;
	[tilespmem:$0x1F300] =	vst v63  }
0xa3: {  	_ =	swait.ge [sflag:s14], $0x3100  }
0xa4: {  	[sflag:s14] =	ssyncset.done $0x0  }
0xa5: {  	[sflag:s14] =	ssyncadd.s32 $0xFFFFCF00  }
0xa6: {  	[tilespmem:s18], [sflag:$0x2] =	stream.linear.gather [spmem:s10], $0x3100, $0x38;
	[tilespmem:$0x1F300] =	vst v63  }
0xa7: {  	_ =	swait.ge [sflag:s14], $0x3100  }
0xa8: {  	[sflag:s14] =	ssyncset.done $0x0  }
0xa9: {  	s25 =	rddreg [dreg:$0x7];
	[sflag:s14] =	ssyncadd.s32 $0xFFFFCF00  }
0xaa: {  	[hbm4b:s25+s21] =	stream.linear.scatter [tilespmem:s18], [sflag:$0x2], $0x3100, $0x38;
	[tilespmem:$0x1F300] =	vst v63  }
0xab: {  	_ =	swait.ge [sflag:s14], $0x3100  }
0xac: {  	[sflag:s14] =	ssyncset.done $0x0  }
0xad: {  	[sflag:s14] =	ssyncadd.s32 $0xFFFFCF00  }
0xae: {  	[tilespmem:s18], [sflag:$0x2] =	stream.linear.gather [spmem:s11], $0x3100, $0x38;
	[tilespmem:$0x1F300] =	vst v63  }
0xaf: {  	_ =	swait.ge [sflag:s14], $0x3100  }
0xb0: {  	[sflag:s14] =	ssyncset.done $0x0  }
0xb1: {  	s25 =	rddreg [dreg:$0x8];
	[sflag:s14] =	ssyncadd.s32 $0xFFFFCF00  }
0xb2: {  	[hbm4b:s25+s21] =	stream.linear.scatter [tilespmem:s18], [sflag:$0x2], $0x3100, $0x38;
	[tilespmem:$0x1F300] =	vst v63  }
0xb3: {  	_ =	swait.ge [sflag:s14], $0x3100  }
0xb4: {  	[sflag:s14] =	ssyncset.done $0x0  }
0xb5: {  	[sflag:s14] =	ssyncadd.s32 $0xFFFFCF00  }
0xb6: {  	[tilespmem:s18], [sflag:$0x2] =	stream.linear.gather [spmem:s12], $0x3100, $0x38;
	[tilespmem:$0x1F300] =	vst v63  }
0xb7: {  	_ =	swait.ge [sflag:s14], $0x3100  }
0xb8: {  	[sflag:s14] =	ssyncset.done $0x0  }
0xb9: {  	s25 =	rddreg [dreg:$0xa];
	[sflag:s14] =	ssyncadd.s32 $0xFFFFCF00  }
0xba: {  	[hbm4b:s25+s21] =	stream.linear.scatter [tilespmem:s18], [sflag:$0x2], $0x3100, $0x38;
	[tilespmem:$0x1F300] =	vst v63  }
0xbb: {  	_ =	swait.ge [sflag:s14], $0x3100  }
0xbc: {  	[sflag:s14] =	ssyncset.done $0x0  }
0xbd: {  	[sflag:s14] =	ssyncadd.s32 $0xFFFFCF00  }
0xbe: {  	[bflag:$0x0] =	sbarrier.arrive $0xFFFF  }
0xbf: {  	[spmem:s5] =	stream.linear.scatter [tilespmem:s1], [sflag:$0x2], $0x3100, $0x38;
	[tilespmem:$0x1F300] =	vst v63  }
0xc0: {  	_ =	swait.ge [sflag:s14], $0x3100  }
0xc1: {  	[sflag:s14] =	ssyncset.done $0x0  }
0xc2: {  	[sflag:s14] =	ssyncadd.s32 $0xFFFFCF00  }
0xc3: {  	[spmem:s6] =	stream.linear.scatter [tilespmem:s1], [sflag:$0x2], $0x3100, $0x38;
	[tilespmem:$0x1F300] =	vst v63  }
0xc4: {  	_ =	swait.ge [sflag:s14], $0x3100  }
0xc5: {  	[sflag:s14] =	ssyncset.done $0x0  }
0xc6: {  	[sflag:s14] =	ssyncadd.s32 $0xFFFFCF00  }
0xc7: {  	[spmem:s7] =	stream.linear.scatter [tilespmem:s1], [sflag:$0x2], $0x3100, $0x38;
	[tilespmem:$0x1F300] =	vst v63  }
0xc8: {  	_ =	swait.ge [sflag:s14], $0x3100  }
0xc9: {  	[sflag:s14] =	ssyncset.done $0x0  }
0xca: {  	[sflag:s14] =	ssyncadd.s32 $0xFFFFCF00  }
0xcb: {  	[spmem:s8] =	stream.linear.scatter [tilespmem:s1], [sflag:$0x2], $0x3100, $0x38;
	[tilespmem:$0x1F300] =	vst v63  }
0xcc: {  	_ =	swait.ge [sflag:s14], $0x3100  }
0xcd: {  	[sflag:s14] =	ssyncset.done $0x0  }
0xce: {  	[sflag:s14] =	ssyncadd.s32 $0xFFFFCF00  }
0xcf: {  	[spmem:s9] =	stream.linear.scatter [tilespmem:s1], [sflag:$0x2], $0x3100, $0x38;
	[tilespmem:$0x1F300] =	vst v63  }
0xd0: {  	_ =	swait.ge [sflag:s14], $0x3100  }
0xd1: {  	[sflag:s14] =	ssyncset.done $0x0  }
0xd2: {  	[sflag:s14] =	ssyncadd.s32 $0xFFFFCF00  }
0xd3: {  	[spmem:s10] =	stream.linear.scatter [tilespmem:s1], [sflag:$0x2], $0x3100, $0x38;
	[tilespmem:$0x1F300] =	vst v63  }
0xd4: {  	_ =	swait.ge [sflag:s14], $0x3100  }
0xd5: {  	[sflag:s14] =	ssyncset.done $0x0  }
0xd6: {  	[sflag:s14] =	ssyncadd.s32 $0xFFFFCF00  }
0xd7: {  	[spmem:s11] =	stream.linear.scatter [tilespmem:s1], [sflag:$0x2], $0x3100, $0x38;
	[tilespmem:$0x1F300] =	vst v63  }
0xd8: {  	_ =	swait.ge [sflag:s14], $0x3100  }
0xd9: {  	[sflag:s14] =	ssyncset.done $0x0  }
0xda: {  	[sflag:s14] =	ssyncadd.s32 $0xFFFFCF00  }
0xdb: {  	[spmem:s12] =	stream.linear.scatter [tilespmem:s1], [sflag:$0x2], $0x3100, $0x38;
	[tilespmem:$0x1F300] =	vst v63  }
0xdc: {  	_ =	swait.ge [sflag:s14], $0x3100  }
0xdd: {  	[sflag:s14] =	ssyncset.done $0x0  }
0xde: {  	[sflag:s14] =	ssyncadd.s32 $0xFFFFCF00  }
0xdf: {  	s24 =	sadd.s32 $0x0, s23;
	[bflag:$0x0] =	sbarrier.arrive $0xFFFF  }
0xe0: {  	[tilespmem:s3], [sflag:$0x2] =	stream.linear.gather [hbm4b:s24+s3], $0x80, $0x38;
	[tilespmem:$0x1F300] =	vst v63  }
0xe1: {  	_ =	swait.ge [sflag:s14], $0x80  }
0xe2: {  	[sflag:s14] =	ssyncset.done $0x0  }
0xe3: {  	s25 =	sadd.s32 $0x0, s22;
	[sflag:s14] =	ssyncadd.s32 $0xFFFFFF80  }
0xe4: {  	[tilespmem:s15], [sflag:$0x2] =	stream.linear.gather [hbm4b:s25+s3], $0x80, $0x38;
	[tilespmem:$0x1F300] =	vst v63  }
0xe5: {  	_ =	swait.ge [sflag:s14], $0x80  }
0xe6: {  	[sflag:s14] =	ssyncset.done $0x0  }
0xe7: {  	[sflag:s14] =	ssyncadd.s32 $0xFFFFFF80  }
0xe8: {  	v3 =	vld [tilespmem:$0x70]  }
0xe9: {  	v4 =	vld [tilespmem:$0x30]  }
0xea: {  	v5 =	vld [tilespmem:$0x50]  }
0xeb: {  	v6 =	vld [tilespmem:$0x60]  }
0xec: {  	v7 =	vld [tilespmem:$0x20]  }
0xed: {  	v8 =	vld [tilespmem:$0x10];
	v3 =	vadd.s32 v1, v3  }
0xee: {  	v9 =	vld [tilespmem:$0x40];
	v4 =	vadd.s32 v1, v4;
	[tilespmem:$0x70] =	vst v3  }
0xef: {  	v59 =	vadd.s32 v1, v5;
	v3 =	vld [tilespmem:$0x0];
	[tilespmem:$0x30] =	vst v4  }
0xf0: {  	v60 =	vadd.s32 v1, v6;
	[tilespmem:$0x50] =	vst v59  }
0xf1: {  	v61 =	vadd.s32 v1, v7;
	[tilespmem:$0x60] =	vst v60  }
0xf2: {  	v62 =	vadd.s32 v1, v8;
	[tilespmem:$0x20] =	vst v61  }
0xf3: {  	v63 =	vadd.s32 v1, v9;
	[tilespmem:$0x10] =	vst v62  }
0xf4: {  	[tilespmem:$0x40] =	vst v63;
	v3 =	vadd.s32 v1, v3  }
0xf5: {  	s21 =	simm.s32 $0x10;
	[tilespmem:$0x0] =	vst v3  }
.LBB2_6:
0xf6: {  	[tilespmem:s16], [sflag:$0x1] =	stream.indirect.gather [hbm4b:s4+s15], $0x10, s3, s15, $0xb8;
	[tilespmem:$0x1F300] =	vst v63  }
0xf7: {  	s24 =	smov.u32 s21  }
0xf8: {  	p0 =	sne.s32 s21, $0x30D0;
	s21 =	sadd.s32 $0x10, s21;
	_ =	swait.ge [sflag:s17], $0x800  }
0xf9: {  	[sflag:s17] =	ssyncset.done $0x0  }
0xfa: {  	[sflag:s17] =	ssyncadd.s32 $0xFFFFF800  }
0xfb: {  	[spmem:s2] =	stream.indirect.scatter.add.f32 [tilespmem:s16], [sflag:$0x2], $0x10, s15, s15, $0xb8;
	[tilespmem:$0x1F300] =	vst v63  }
0xfc: {  	_ =	swait.ge [sflag:s14], $0x800  }
0xfd: {  	[sflag:s14] =	ssyncset.done $0x0  }
0xfe: {  	s25 =	sadd.s32 s24, s23;
	[sflag:s14] =	ssyncadd.s32 $0xFFFFF800  }
0xff: {  	[tilespmem:s3], [sflag:$0x2] =	stream.linear.gather [hbm4b:s25+s3], $0x80, $0x38;
	[tilespmem:$0x1F300] =	vst v63  }
0x100: {  	_ =	swait.ge [sflag:s14], $0x80  }
0x101: {  	[sflag:s14] =	ssyncset.done $0x0  }
0x102: {  	s24 =	sadd.s32 s24, s22;
	[sflag:s14] =	ssyncadd.s32 $0xFFFFFF80  }
0x103: {  	[tilespmem:s15], [sflag:$0x2] =	stream.linear.gather [hbm4b:s24+s3], $0x80, $0x38;
	[tilespmem:$0x1F300] =	vst v63  }
0x104: {  	_ =	swait.ge [sflag:s14], $0x80  }
0x105: {  	[sflag:s14] =	ssyncset.done $0x0  }
0x106: {  	[sflag:s14] =	ssyncadd.s32 $0xFFFFFF80  }
0x107: {  	v3 =	vld [tilespmem:$0x70]  }
0x108: {  	v4 =	vld [tilespmem:$0x30]  }
0x109: {  	v5 =	vld [tilespmem:$0x50]  }
0x10a: {  	v6 =	vld [tilespmem:$0x60]  }
0x10b: {  	v7 =	vld [tilespmem:$0x20]  }
0x10c: {  	v8 =	vld [tilespmem:$0x10];
	v3 =	vadd.s32 v1, v3  }
0x10d: {  	v4 =	vadd.s32 v1, v4;
	v9 =	vld [tilespmem:$0x40];
	[tilespmem:$0x70] =	vst v3  }
0x10e: {  	v3 =	vld [tilespmem:$0x0];
	[tilespmem:$0x30] =	vst v4;
	v4 =	vadd.s32 v1, v5  }
0x10f: {  	[tilespmem:$0x50] =	vst v4;
	v4 =	vadd.s32 v1, v6  }
.Ltmp2:
0x110: {  	v5 =	vadd.s32 v1, v7;
	[tilespmem:$0x60] =	vst v4;
	(pc) =	sbr.rel @p0 .LBB2_6-.Ltmp2, $4  }
0x111: {  	v4 =	vadd.s32 v1, v8;
	[tilespmem:$0x20] =	vst v5  }
0x112: {  	[tilespmem:$0x10] =	vst v4;
	v4 =	vadd.s32 v1, v9  }
0x113: {  	v3 =	vadd.s32 v1, v3;
	[tilespmem:$0x40] =	vst v4  }
0x114: {  	[tilespmem:$0x0] =	vst v3  }
0x115: {  	[tilespmem:s16], [sflag:$0x1] =	stream.indirect.gather [hbm4b:s4+s15], $0x10, s3, s15, $0xb8;
	[tilespmem:$0x1F300] =	vst v63  }
0x116: {  	_ =	swait.ge [sflag:s17], $0x800  }
0x117: {  	[sflag:s17] =	ssyncset.done $0x0  }
0x118: {  	[sflag:s17] =	ssyncadd.s32 $0xFFFFF800  }
0x119: {  	[spmem:s2] =	stream.indirect.scatter.add.f32 [tilespmem:s16], [sflag:$0x2], $0x10, s15, s15, $0xb8;
	[tilespmem:$0x1F300] =	vst v63  }
0x11a: {  	_ =	swait.ge [sflag:s14], $0x800  }
0x11b: {  	[sflag:s14] =	ssyncset.done $0x0  }
0x11c: {  	[sflag:s14] =	ssyncadd.s32 $0xFFFFF800  }
0x11d: {  	[bflag:$0x0] =	sbarrier.arrive $0xFFFF  }
0x11e: {  	[tilespmem:s18], [sflag:$0x2] =	stream.linear.gather [spmem:s5], $0x3100, $0x38;
	[tilespmem:$0x1F300] =	vst v63  }
0x11f: {  	_ =	swait.ge [sflag:s14], $0x3100  }
0x120: {  	[sflag:s14] =	ssyncset.done $0x0  }
0x121: {  	[sflag:s14] =	ssyncadd.s32 $0xFFFFCF00  }
0x122: {  	[hbm4b:s20+s3] =	stream.linear.scatter [tilespmem:s18], [sflag:$0x2], $0x3100, $0x38;
	[tilespmem:$0x1F300] =	vst v63  }
0x123: {  	_ =	swait.ge [sflag:s14], $0x3100  }
0x124: {  	[sflag:s14] =	ssyncset.done $0x0  }
0x125: {  	[sflag:s14] =	ssyncadd.s32 $0xFFFFCF00  }
0x126: {  	[tilespmem:s18], [sflag:$0x2] =	stream.linear.gather [spmem:s6], $0x3100, $0x38;
	[tilespmem:$0x1F300] =	vst v63  }
0x127: {  	_ =	swait.ge [sflag:s14], $0x3100  }
0x128: {  	[sflag:s14] =	ssyncset.done $0x0  }
0x129: {  	s21 =	rddreg [dreg:$0xb];
	[sflag:s14] =	ssyncadd.s32 $0xFFFFCF00  }
0x12a: {  	[hbm4b:s21+s3] =	stream.linear.scatter [tilespmem:s18], [sflag:$0x2], $0x3100, $0x38;
	[tilespmem:$0x1F300] =	vst v63  }
0x12b: {  	_ =	swait.ge [sflag:s14], $0x3100  }
0x12c: {  	[sflag:s14] =	ssyncset.done $0x0  }
0x12d: {  	[sflag:s14] =	ssyncadd.s32 $0xFFFFCF00  }
0x12e: {  	[tilespmem:s18], [sflag:$0x2] =	stream.linear.gather [spmem:s7], $0x3100, $0x38;
	[tilespmem:$0x1F300] =	vst v63  }
0x12f: {  	_ =	swait.ge [sflag:s14], $0x3100  }
0x130: {  	[sflag:s14] =	ssyncset.done $0x0  }
0x131: {  	[sflag:s14] =	ssyncadd.s32 $0xFFFFCF00  }
0x132: {  	[hbm4b:s26+s3] =	stream.linear.scatter [tilespmem:s18], [sflag:$0x2], $0x3100, $0x38;
	[tilespmem:$0x1F300] =	vst v63  }
0x133: {  	_ =	swait.ge [sflag:s14], $0x3100  }
0x134: {  	[sflag:s14] =	ssyncset.done $0x0  }
0x135: {  	[sflag:s14] =	ssyncadd.s32 $0xFFFFCF00  }
0x136: {  	[tilespmem:s18], [sflag:$0x2] =	stream.linear.gather [spmem:s8], $0x3100, $0x38;
	[tilespmem:$0x1F300] =	vst v63  }
0x137: {  	_ =	swait.ge [sflag:s14], $0x3100  }
0x138: {  	[sflag:s14] =	ssyncset.done $0x0  }
0x139: {  	[sflag:s14] =	ssyncadd.s32 $0xFFFFCF00  }
0x13a: {  	[hbm4b:s28+s3] =	stream.linear.scatter [tilespmem:s18], [sflag:$0x2], $0x3100, $0x38;
	[tilespmem:$0x1F300] =	vst v63  }
0x13b: {  	_ =	swait.ge [sflag:s14], $0x3100  }
0x13c: {  	[sflag:s14] =	ssyncset.done $0x0  }
0x13d: {  	[sflag:s14] =	ssyncadd.s32 $0xFFFFCF00  }
0x13e: {  	[tilespmem:s18], [sflag:$0x2] =	stream.linear.gather [spmem:s9], $0x3100, $0x38;
	[tilespmem:$0x1F300] =	vst v63  }
0x13f: {  	_ =	swait.ge [sflag:s14], $0x3100  }
0x140: {  	[sflag:s14] =	ssyncset.done $0x0  }
0x141: {  	[sflag:s14] =	ssyncadd.s32 $0xFFFFCF00  }
0x142: {  	[hbm4b:s29+s3] =	stream.linear.scatter [tilespmem:s18], [sflag:$0x2], $0x3100, $0x38;
	[tilespmem:$0x1F300] =	vst v63  }
0x143: {  	_ =	swait.ge [sflag:s14], $0x3100  }
0x144: {  	[sflag:s14] =	ssyncset.done $0x0  }
0x145: {  	[sflag:s14] =	ssyncadd.s32 $0xFFFFCF00  }
0x146: {  	[tilespmem:s18], [sflag:$0x2] =	stream.linear.gather [spmem:s10], $0x3100, $0x38;
	[tilespmem:$0x1F300] =	vst v63  }
0x147: {  	_ =	swait.ge [sflag:s14], $0x3100  }
0x148: {  	[sflag:s14] =	ssyncset.done $0x0  }
0x149: {  	[sflag:s14] =	ssyncadd.s32 $0xFFFFCF00  }
0x14a: {  	[hbm4b:s30+s3] =	stream.linear.scatter [tilespmem:s18], [sflag:$0x2], $0x3100, $0x38;
	[tilespmem:$0x1F300] =	vst v63  }
0x14b: {  	_ =	swait.ge [sflag:s14], $0x3100  }
0x14c: {  	[sflag:s14] =	ssyncset.done $0x0  }
0x14d: {  	[sflag:s14] =	ssyncadd.s32 $0xFFFFCF00  }
0x14e: {  	[tilespmem:s18], [sflag:$0x2] =	stream.linear.gather [spmem:s11], $0x3100, $0x38;
	[tilespmem:$0x1F300] =	vst v63  }
0x14f: {  	_ =	swait.ge [sflag:s14], $0x3100  }
0x150: {  	[sflag:s14] =	ssyncset.done $0x0  }
0x151: {  	[sflag:s14] =	ssyncadd.s32 $0xFFFFCF00  }
0x152: {  	[hbm4b:s31+s3] =	stream.linear.scatter [tilespmem:s18], [sflag:$0x2], $0x3100, $0x38;
	[tilespmem:$0x1F300] =	vst v63  }
0x153: {  	_ =	swait.ge [sflag:s14], $0x3100  }
0x154: {  	[sflag:s14] =	ssyncset.done $0x0  }
0x155: {  	[sflag:s14] =	ssyncadd.s32 $0xFFFFCF00  }
0x156: {  	[tilespmem:s18], [sflag:$0x2] =	stream.linear.gather [spmem:s12], $0x3100, $0x38;
	[tilespmem:$0x1F300] =	vst v63  }
0x157: {  	_ =	swait.ge [sflag:s14], $0x3100  }
0x158: {  	[sflag:s14] =	ssyncset.done $0x0  }
0x159: {  	[sflag:s14] =	ssyncadd.s32 $0xFFFFCF00  }
0x15a: {  	[hbm4b:s0+s3] =	stream.linear.scatter [tilespmem:s18], [sflag:$0x2], $0x3100, $0x38;
	[tilespmem:$0x1F300] =	vst v63  }
0x15b: {  	_ =	swait.ge [sflag:s14], $0x3100  }
0x15c: {  	s19 =	sadd.s32 $0x1, s19;
	s25 =	rddreg [dreg:$0x9]  }
0x15d: {  	p0 =	sne.s32 s19, s25  }
.Ltmp3:
0x15e: {  	_ = 	snop;
	(pc) =	sbr.rel @p0 .LBB2_1-.Ltmp3, $3  }
0x15f: {  	_ =	sdelay $0x1  }
0x160: {  	[sflag:s14] =	ssyncset.done $0x0  }
0x161: {  	[sflag:s14] =	ssyncadd.s32 $0xFFFFCF00  }
0x162: {  	_ =	sfence.sel $0x180000  }
0x163: {  	[bflag:$0x0] =	sbarrier.arrive $0xFFFF  }
0x164: {  	_ =	strace $0x9000004D  }
0x165: {  	s0 =	stileid.u32;
	[bflag:$0x2] =	sbarrier.arrive $0xFFFF  }
0x166: {  	p0 =	sne.s32 s0, $0x0;
	s0 =	rddreg [dreg:$0x2]  }
0x167: {  	s0 =	sadd.s32 @!p0 $0x100000, s0  }
0x168: {  	[sflag:s0] =	ssyncadd.tile.s32 @!p0 $0x1;
	_ =	shalt  }
.Lfunc_end2:
_tile_overlayer_lowered:
.L_overlay_start_2:
0x169: {  	(tag) =	ssettag $0x2  }
0x16a: {  	s0 =	rddreg [dreg:$0x0];
	s2 =	stileid.u32  }
0x16b: {  	s1 =	rddreg [dreg:$0x1];
	p0 =	sne.s32 s2, $0x0  }
0x16c: {  	s3 =	rddreg [dreg:$0x2];
	[bflag:$0x3] =	sbarrier.arrive $0xFFFF;
	s2 =	simm.s32 @!p0 $0x1C02  }
0x16d: {  	[timem:s3], [sflag:s2] =	dma.local @!p0 [hbm:s0], s1  }
0x16e: {  	s0 =	simm.s32 @!p0 $0x2  }
0x16f: {  	_ =	swait.ge @!p0 [sflag:s0], s1  }
0x170: {  	s1 =	ssub.s32 @!p0 $0x0, s1;
	[sflag:s0] =	ssyncset.done @!p0 $0x0  }
0x171: {  	[sflag:s0] =	ssyncadd.s32 @!p0 s1  }
0x172: {  	[bflag:$0x3] =	sbarrier.arrive $0xFFFF  }
0x173: {  	_ =	shalt  }

// kernel: kernel.19.cloned.1.call-start
scs
__scs_entry_jumppad:
0x0: {  	(pc) =	sbr.rel $0x88, $3  }
0x1: {  	(tag) =	ssettag $0x0;
	lr =	simm.s32 $0x1  }
0x2: {  	[smem:$0x3F96] =	sst lr;
	_ =	strace $0xD0000000  }
0x3: {  	_ = 	snop  }
0x4: {  	_ = 	snop  }
0x5: {  	_ = 	snop  }
0x6: {  	_ = 	snop  }
0x7: {  	_ = 	snop  }
__scs_overlays_trampoline_lowered:
0x8: {  	[smem:$0x3FA5] =	sst s0  }
0x9: {  	[smem:$0x3FA6] =	sst s1  }
0xa: {  	[smem:$0x3FA7] =	sst s2  }
0xb: {  	[smem:$0x3FA8] =	sst s3  }
0xc: {  	[smem:$0x3FA9] =	sst s4  }
0xd: {  	[smem:$0x3FAA] =	sst s5  }
0xe: {  	[smem:$0x3FAB] =	sst s6  }
0xf: {  	[smem:$0x3FAC] =	sst s7  }
0x10: {  	[smem:$0x3FAD] =	sst s8  }
0x11: {  	[smem:$0x3FAE] =	sst s9;
	s0 =	simm.s32 @!p0 $0x0  }
0x12: {  	s1 =	sld [smem:$0x3F94];
	s0 =	simm.s32 @p0 $0x1  }
0x13: {  	[smem:$0x3FAF] =	sst s0;
	s0 =	simm.s32 @!p1 $0x0  }
0x14: {  	s2 =	sld [smem:$0x3F93];
	s0 =	simm.s32 @p1 $0x1  }
0x15: {  	[smem:$0x3FB0] =	sst s0;
	s0 =	simm.s32 @!p2 $0x0  }
0x16: {  	s3 =	sld [smem:$0x3FDB];
	s0 =	simm.s32 @p2 $0x1  }
0x17: {  	s4 =	simm.s32 $0x1BF5;
	[smem:$0x3FB2] =	sst s0  }
0x18: {  	s0 =	sld [smem:$0x3F95];
	_ =	swait.ge [sflag:s4], $0x0  }
0x19: {  	s7 =	sld [smem:$0x3F96]  }
0x1a: {  	s8 =	sadd.s32 $0xFFFFE003, lr  }
0x1b: {  	s9 =	sadd.s32 $0xFFFFFEF7, lr;
	s5 =	simm.s32 $0xFFFFFFFF;
	p2 =	slt.u32 s8, $0xFFFFF086  }
0x1c: {  	p1 =	slt.u32 s9, $0xF7A;
	s5 =	simm.s32 @!p2 $0x0  }
0x1d: {  	s5 =	simm.s32 @p1 $0x1;
	p0 =	seq.s32 s7, s2  }
0x1e: {  	s7 =	smul.u32 @!p0 $0xF7A, s2;
	p2 =	seq.s32 @!p0 s5, $0x0  }
0x1f: {  	s9 =	smul.u32 $0xF7A, s1;
	s8 =	simm.s32 @!p0 $0x1BF5;
	p2 =	por !p2, p0  }
0x20: {  	[sflag:s8] =	ssyncset.s32 @!p0 $0xFFFFF086;
	s6 =	sadd.s32 @!p0 s3, s7;
	s7 =	simm.s32 @!p0 $0x108  }
0x21: {  	s3 =	sadd.s32 s3, s9;
	s6 =	sadd.s32 @!p0 $0x88, s6;
	s7 =	simm.s32 @p2 $0x1082  }
0x22: {  	[simem:s7], [sflag:s8] =	dma.local @!p0 [hbm:s6], $0xF7A  }
0x23: {  	s9 =	sor.u32 $0xD0000000, s2;
	s6 =	simm.s32 $0x108;
	_ =	swait.ge @!p0 [sflag:s8], $0x0  }
0x24: {  	s3 =	sadd.s32 $0x88, s3;
	s6 =	simm.s32 @!p1 $0x1082;
	[sflag:s4] =	ssyncset.s32 $0xFFFFF086  }
0x25: {  	[simem:s6], [sflag:s4] =	dma.local [hbm:s3], $0xF7A  }
0x26: {  	[smem:$0x3F96] =	sst s1;
	(tag) =	ssettag s2;
	_ =	strace s9  }
0x27: {  	s1 =	sld [smem:$0x3FA6]  }
0x28: {  	s2 =	sld [smem:$0x3FA7]  }
0x29: {  	s4 =	sld [smem:$0x3FA9]  }
0x2a: {  	p0 =	seq.s32 s5, $0x0;
	s5 =	sld [smem:$0x3FAA]  }
0x2b: {  	s6 =	sld [smem:$0x3FAB]  }
0x2c: {  	s7 =	sld [smem:$0x3FAC]  }
0x2d: {  	s3 =	simm.s32 $0x108;
	s8 =	sld [smem:$0x3FAD]  }
0x2e: {  	s3 =	simm.s32 @!p0 $0x1082;
	s9 =	sld [smem:$0x3FAE]  }
0x2f: {  	lr =	sadd.s32 s0, s3;
	s0 =	sld [smem:$0x3FA5]  }
0x30: {  	s3 =	sld [smem:$0x3FA8]  }
0x31: {  	[smem:$0x3FB1] =	sst s10  }
0x32: {  	s10 =	sld [smem:$0x3FAF];
	_ =	sdelay $0x3  }
0x33: {  	p0 =	seq.s32 s10, $0x1;
	s10 =	sld [smem:$0x3FB1];
	_ =	sdelay $0x3  }
0x34: {  	[smem:$0x3FB1] =	sst s10  }
0x35: {  	s10 =	sld [smem:$0x3FB0];
	_ =	sdelay $0x3  }
0x36: {  	p1 =	seq.s32 s10, $0x1;
	s10 =	sld [smem:$0x3FB1];
	_ =	sdelay $0x3  }
0x37: {  	[smem:$0x3FB1] =	sst s10  }
0x38: {  	s10 =	sld [smem:$0x3FB2]  }
0x39: {  	_ = 	snop;
	(pc) =	sbr.ind lr, $3  }
0x3a: {  	_ = 	snop  }
0x3b: {  	_ = 	snop  }
0x3c: {  	p2 =	seq.s32 s10, $0x1;
	s10 =	sld [smem:$0x3FB1]  }
0x3d: {  	_ =	shalt  }
0x3e: {  	_ =	shalt  }
0x3f: {  	_ =	shalt  }
0x40: {  	_ =	shalt  }
0x41: {  	_ =	shalt  }
0x42: {  	_ =	shalt  }
0x43: {  	_ =	shalt  }
0x44: {  	_ =	shalt  }
0x45: {  	_ =	shalt  }
0x46: {  	_ =	shalt  }
0x47: {  	_ =	shalt  }
0x48: {  	_ =	shalt  }
0x49: {  	_ =	shalt  }
0x4a: {  	_ =	shalt  }
0x4b: {  	_ =	shalt  }
0x4c: {  	_ =	shalt  }
0x4d: {  	_ =	shalt  }
0x4e: {  	_ =	shalt  }
0x4f: {  	_ =	shalt  }
0x50: {  	_ =	shalt  }
0x51: {  	_ =	shalt  }
0x52: {  	_ =	shalt  }
0x53: {  	_ =	shalt  }
0x54: {  	_ =	shalt  }
0x55: {  	_ =	shalt  }
0x56: {  	_ =	shalt  }
0x57: {  	_ =	shalt  }
0x58: {  	_ =	shalt  }
0x59: {  	_ =	shalt  }
0x5a: {  	_ =	shalt  }
0x5b: {  	_ =	shalt  }
0x5c: {  	_ =	shalt  }
0x5d: {  	_ =	shalt  }
0x5e: {  	_ =	shalt  }
0x5f: {  	_ =	shalt  }
0x60: {  	_ =	shalt  }
0x61: {  	_ =	shalt  }
0x62: {  	_ =	shalt  }
0x63: {  	_ =	shalt  }
0x64: {  	_ =	shalt  }
0x65: {  	_ =	shalt  }
0x66: {  	_ =	shalt  }
0x67: {  	_ =	shalt  }
0x68: {  	_ =	shalt  }
0x69: {  	_ =	shalt  }
0x6a: {  	_ =	shalt  }
0x6b: {  	_ =	shalt  }
0x6c: {  	_ =	shalt  }
0x6d: {  	_ =	shalt  }
0x6e: {  	_ =	shalt  }
0x6f: {  	_ =	shalt  }
0x70: {  	_ =	shalt  }
0x71: {  	_ =	shalt  }
0x72: {  	_ =	shalt  }
0x73: {  	_ =	shalt  }
0x74: {  	_ =	shalt  }
0x75: {  	_ =	shalt  }
0x76: {  	_ =	shalt  }
0x77: {  	_ =	shalt  }
0x78: {  	_ =	shalt  }
0x79: {  	_ =	shalt  }
0x7a: {  	_ =	shalt  }
0x7b: {  	_ =	shalt  }
0x7c: {  	_ =	shalt  }
0x7d: {  	_ =	shalt  }
0x7e: {  	_ =	shalt  }
0x7f: {  	_ =	shalt  }
0x80: {  	_ =	shalt  }
0x81: {  	_ =	shalt  }
0x82: {  	_ =	shalt  }
0x83: {  	_ =	shalt  }
0x84: {  	_ =	shalt  }
0x85: {  	_ =	shalt  }
0x86: {  	_ =	shalt  }
0x87: {  	_ =	shalt  }
.Lfunc_end0:
.L_simem_size_0:
called_computation.3_lowered:
.L_overlay_start_0:
0x88: {  	s2 =	sld [smem:$0x3FD9]  }
0x89: {  	s3 =	sld [smem:$0x3FFE];
	_ =	sdelay $0x1  }
0x8a: {  	s1 =	srdreg.scid  }
0x8b: {  	s0 =	sand.u32 $0x1, s1  }
0x8c: {  	s16 =	sshll.u32 s0, $0xA;
	s2 =	sadd.s32 s3, s2  }
0x8d: {  	s2 =	sadd.s32 s2, s16  }
0x8e: {  	[smem:$0x3FBD] =	sst s2  }
0x8f: {  	_ = 	snop  }
0x90: {  	(tm) =	ssettm $0x1  }
0x91: {  	s17 =	sld [smem:$0x3FFB];
	_ =	sdelay $0x3  }
0x92: {  	_ =	strace s17  }
0x93: {  	s2 =	sld [smem:$0x3FFC];
	_ =	sdelay $0x3  }
0x94: {  	_ =	strace s2  }
0x95: {  	s2 =	sld [smem:$0x3FFD];
	_ =	sdelay $0x3  }
0x96: {  	_ =	strace s2  }
0x97: {  	_ =	strace $0x8FFFFFFF  }
0x98: {  	s18 =	sld [smem:$0x3FDB];
	_ =	sdelay $0x1  }
0x99: {  	s19 =	simm.s32 $_scs_section_size  }
0x9a: {  	s4 =	simm.s32 $_size__tile_overlayer_lowered;
	s5 =	simm.s32 $_tile_overlayer_lowered  }
0x9b: {  	s22 =	simm.s32 $0x1BFF;
	s21 =	sshll.u32 s5, $0x1;
	s2 =	sadd.s32 s19, s18  }
0x9c: {  	s6 =	simm.s32 $0x0;
	s20 =	sshll.u32 s4, $0x1;
	s4 =	sadd.s32 s21, s2  }
0x9d: {  	[timem:s6], [sflag:s22] =	dma.local [hbm:s4], s20  }
0x9e: {  	_ =	swait.ge [sflag:s22], s20  }
0x9f: {  	s3 =	ssub.s32 $0x0, s20;
	[sflag:s22] =	ssyncset.done $0x0  }
0xa0: {  	[sflag:s22] =	ssyncadd.s32 s3;
	_ =	sdelay $0x1  }
0xa1: {  	s23 =	simm.s32 $0x1B8B  }
0xa2: {  	_ =	swait.ge [sflag:s23], $0x1  }
0xa3: {  	[sflag:s23] =	ssyncset.done $0x0  }
0xa4: {  	s25 =	simm.s32 $0x1B8E;
	s24 =	sld [smem:$0x3FFE];
	[sflag:s23] =	ssyncadd.s32 $0xFFFFFFFF  }
0xa5: {  	s26 =	simm.s32 $execute0_lowered;
	[smem:$0x3FD2] =	sst s25  }
0xa6: {  	s4 =	sshll.u32 s26, $0x1;
	_ =	strace $0x8000004F;
	[dreg:$0x1] =	wrdreg $0xFFFFFFFF  }
0xa7: {  	s28 =	simm.s32 $_size_execute0_lowered;
	s2 =	sadd.s32 s2, s4;
	[dreg:$0x0] =	wrdreg $0x0  }
0xa8: {  	s4 =	sshll.u32 s28, $0x1;
	[dreg:$0x2] =	wrdreg s2  }
0xa9: {  	[dreg:$0x3] =	wrdreg s4  }
0xaa: {  	[dreg:$0x4] =	wrdreg $0xC0  }
0xab: {  	_ =	task [dreg:s6], $0x5FFFF  }
0xac: {  	[dreg:$0x1] =	wrdreg $0xFFFFFFFF  }
0xad: {  	[dreg:$0x0] =	wrdreg $0x60  }
0xae: {  	[dreg:$0x2] =	wrdreg s24  }
0xaf: {  	[dreg:$0x3] =	wrdreg $0x6B000  }
0xb0: {  	[dreg:$0x4] =	wrdreg $0x9  }
0xb1: {  	_ =	task.clear_ibuf [dreg:s6], $0x5FFFF;
	_ =	strace $0x9000004F  }
0xb2: {  	s29 =	simm.s32 $0x9;
	_ =	strace $0x80000051  }
0xb3: {  	_ =	swait.ge [sflag:s29], $0x1  }
0xb4: {  	[sflag:s29] =	ssyncadd.s32 $0xFFFFFFFF  }
0xb5: {  	_ =	strace $0x90000051  }
0xb6: {  	_ =	sfence  }
0xb7: {  	s30 =	sld [smem:$0x0];
	_ =	sdelay $0x2  }
0xb8: {  	s31 =	sshll.u32 s1, $0xD;
	s1 =	sshrl.u32 s1, $0x2  }
0xb9: {  	s3 =	sand.u32 $0x4000, s31;
	s1 =	sadd.s32 s1, s30  }
0xba: {  	s0 =	sor.u32 s3, s0;
	s1 =	sshll.u32 s1, $0x11  }
0xbb: {  	s0 =	sor.u32 s1, s0  }
0xbc: {  	s0 =	sadd.s32 $0x8F2B, s0  }
0xbd: {  	[sflag:s0] =	ssyncadd.remote.s32 $0x1  }
0xbe: {  	_ =	sfence.sel $0xFFFF  }
0xbf: {  	[dreg:$0x0] =	wrdreg $0xFFFFFFFF;
	(pc) =	sbr.abs _section_cstart, $3  }
0xc0: {  	[dreg:$0x1] =	wrdreg $0xFFFFFFFF  }
0xc1: {  	_ =	task.clear_ibuf [dreg:s6], $0x2FFFF;
	_ =	strace $0x9FFFFFFF  }
0xc2: {  	(tm) =	ssettm $0x7FFFFFFF  }
0xc3: {  	_ =	shalt  }
tec
execute0_lowered:
.L_overlay_start_1:
0x0: {  	(tag) =	ssettag $0x1  }
0x1: {  	s0 =	rddreg [dreg:$0x0]  }
0x2: {  	s1 =	srdreg.scid;
	s2 =	rddreg [dreg:$0x1]  }
0x3: {  	s6 =	stileid.u32;
	s3 =	simm.s32 $0x0;
	s24 =	simm.s32 $0x900  }
0x4: {  	s25 =	simm.s32 $0x2;
	s26 =	simm.s32 $0x80;
	s4 =	smul.u32 $0x1880, s6  }
0x5: {  	s28 =	simm.s32 $0x100;
	s30 =	simm.s32 $0x3A00;
	s5 =	smul.u32 $0x62000, s6  }
0x6: {  	s1 =	sand.u32 $0x1, s1;
	[smem:$0x7FF] =	sst s3;
	s6 =	smul.u32 $0x30E0, s6  }
0x7: {  	s31 =	simm.s32 $0x0;
	s29 =	smul.u32 $0x18800, s1;
	_ =	strace $0x80000050  }
0x8: {  	s1 =	ssub.s32 $0x2, s1;
	s5 =	sshrl.u32 s5, $0x2;
	s23 =	sadd.s32 s6, s0  }
0x9: {  	s17 =	sshrl.u32 s1, $0x1;
	s7 =	sadd.s32 s4, s29;
	s4 =	sadd.s32 $0x688A00, s0  }
0xa: {  	s5 =	sadd.s32 s5, s2;
	s22 =	sadd.s32 $0x2200, s23;
	s23 =	sadd.s32 $0x1BFC00, s23  }
0xb: {  	s7 =	sshll.u32 s7, $0x1;
	s6 =	sadd.s32 $0x3100, s5;
	s8 =	sadd.s32 $0x9300, s5  }
0xc: {  	s9 =	sadd.s32 $0xC400, s5;
	s10 =	sadd.s32 $0xF500, s5;
	s11 =	sadd.s32 $0x12600, s5  }
0xd: {  	s12 =	sadd.s32 $0x15700, s5;
	s0 =	sadd.s32 s7, s0;
	s7 =	sadd.s32 $0x6200, s5  }
0xe: {  	s1 =	ssub.s32 s1, s17;
	s13 =	sadd.s32 $0x6EAA00, s0;
	s14 =	sadd.s32 $0x6EB020, s0  }
0xf: {  	v0 =	vmov s29;
	s29 =	simm.s32 $0x1;
	s15 =	sadd.s32 $0x6EB640, s0;
	s16 =	sadd.s32 $0x6EBC60, s0  }
0x10: {  	s21 =	smax.u32 s1, $0x1;
	s17 =	sadd.s32 $0x6EC280, s0;
	s18 =	sadd.s32 $0x6EC8A0, s0  }
0x11: {  	v1 =	vimm.f32 $0.0e+00;
	s19 =	sadd.s32 $0x6ECEC0, s0;
	s20 =	sadd.s32 $0x6ED4E0, s0;
	[dreg:$0x3] =	wrdreg s13  }
.LBB2_1:
0x12: {  	s0 =	simm.s32 $0x40;
	s1 =	simm.s32 $0x0  }
.LBB2_2:
0x13: {  	p0 =	sne.s32 s0, $0xC3C0;
	[tilespmem:s1+$0x900] =	vst v1;
	s1 =	smov.u32 s0;
	s0 =	sadd.s32 $0x40, s0  }
.Ltmp0:
0x14: {  	(pc) =	sbr.rel @p0 .LBB2_2-.Ltmp0, $2  }
0x15: {  	_ =	sdelay $0x2  }
0x16: {  	s1 =	sshra.s32 s1, $0x2  }
0x17: {  	[tilespmem:s1+$0x900] =	vst v1  }
0x18: {  	[spmem:s5] =	stream.linear.scatter [tilespmem:s24], [sflag:$0x2], $0x3100, $0x38;
	[tilespmem:$0x1F300] =	vst v63  }
0x19: {  	_ =	swait.ge [sflag:s25], $0x3100  }
0x1a: {  	[sflag:s25] =	ssyncset.done $0x0  }
0x1b: {  	[sflag:s25] =	ssyncadd.s32 $0xFFFFCF00  }
0x1c: {  	[spmem:s6] =	stream.linear.scatter [tilespmem:s24], [sflag:$0x2], $0x3100, $0x38;
	[tilespmem:$0x1F300] =	vst v63  }
0x1d: {  	_ =	swait.ge [sflag:s25], $0x3100  }
0x1e: {  	[sflag:s25] =	ssyncset.done $0x0  }
0x1f: {  	[sflag:s25] =	ssyncadd.s32 $0xFFFFCF00  }
0x20: {  	[spmem:s7] =	stream.linear.scatter [tilespmem:s24], [sflag:$0x2], $0x3100, $0x38;
	[tilespmem:$0x1F300] =	vst v63  }
0x21: {  	_ =	swait.ge [sflag:s25], $0x3100  }
0x22: {  	[sflag:s25] =	ssyncset.done $0x0  }
0x23: {  	[sflag:s25] =	ssyncadd.s32 $0xFFFFCF00  }
0x24: {  	[spmem:s8] =	stream.linear.scatter [tilespmem:s24], [sflag:$0x2], $0x3100, $0x38;
	[tilespmem:$0x1F300] =	vst v63  }
0x25: {  	_ =	swait.ge [sflag:s25], $0x3100  }
0x26: {  	[sflag:s25] =	ssyncset.done $0x0  }
0x27: {  	[sflag:s25] =	ssyncadd.s32 $0xFFFFCF00  }
0x28: {  	[spmem:s9] =	stream.linear.scatter [tilespmem:s24], [sflag:$0x2], $0x3100, $0x38;
	[tilespmem:$0x1F300] =	vst v63  }
0x29: {  	_ =	swait.ge [sflag:s25], $0x3100  }
0x2a: {  	[sflag:s25] =	ssyncset.done $0x0  }
0x2b: {  	[sflag:s25] =	ssyncadd.s32 $0xFFFFCF00  }
0x2c: {  	[spmem:s10] =	stream.linear.scatter [tilespmem:s24], [sflag:$0x2], $0x3100, $0x38;
	[tilespmem:$0x1F300] =	vst v63  }
0x2d: {  	_ =	swait.ge [sflag:s25], $0x3100  }
0x2e: {  	[sflag:s25] =	ssyncset.done $0x0  }
0x2f: {  	[sflag:s25] =	ssyncadd.s32 $0xFFFFCF00  }
0x30: {  	[spmem:s11] =	stream.linear.scatter [tilespmem:s24], [sflag:$0x2], $0x3100, $0x38;
	[tilespmem:$0x1F300] =	vst v63  }
0x31: {  	_ =	swait.ge [sflag:s25], $0x3100  }
0x32: {  	[sflag:s25] =	ssyncset.done $0x0  }
0x33: {  	[sflag:s25] =	ssyncadd.s32 $0xFFFFCF00  }
0x34: {  	[spmem:s12] =	stream.linear.scatter [tilespmem:s24], [sflag:$0x2], $0x3100, $0x38;
	[tilespmem:$0x1F300] =	vst v63  }
0x35: {  	_ =	swait.ge [sflag:s25], $0x3100  }
0x36: {  	[sflag:s25] =	ssyncset.done $0x0  }
0x37: {  	[sflag:s25] =	ssyncadd.s32 $0xFFFFCF00  }
0x38: {  	s0 =	sadd.s32 $0x0, s23;
	[bflag:$0x0] =	sbarrier.arrive $0xFFFF  }
0x39: {  	[tilespmem:s3], [sflag:$0x2] =	stream.linear.gather [hbm4b:s0+s3], $0x80, $0x38;
	[tilespmem:$0x1F300] =	vst v63  }
0x3a: {  	_ =	swait.ge [sflag:s25], $0x80  }
0x3b: {  	[sflag:s25] =	ssyncset.done $0x0  }
0x3c: {  	s13 =	sadd.s32 $0x0, s22;
	[sflag:s25] =	ssyncadd.s32 $0xFFFFFF80  }
0x3d: {  	[tilespmem:s26], [sflag:$0x2] =	stream.linear.gather [hbm4b:s13+s3], $0x80, $0x38;
	[tilespmem:$0x1F300] =	vst v63  }
0x3e: {  	_ =	swait.ge [sflag:s25], $0x80  }
0x3f: {  	[sflag:s25] =	ssyncset.done $0x0  }
0x40: {  	[sflag:s25] =	ssyncadd.s32 $0xFFFFFF80  }
0x41: {  	v2 =	vld [tilespmem:$0x70]  }
0x42: {  	v3 =	vld [tilespmem:$0x30]  }
0x43: {  	v6 =	vld [tilespmem:$0x20]  }
0x44: {  	v4 =	vld [tilespmem:$0x50]  }
0x45: {  	v5 =	vld [tilespmem:$0x60]  }
0x46: {  	v7 =	vld [tilespmem:$0x10];
	v2 =	vadd.s32 v0, v2  }
0x47: {  	v8 =	vld [tilespmem:$0x40];
	v3 =	vadd.s32 v0, v3;
	[tilespmem:$0x70] =	vst v2  }
0x48: {  	v63 =	vadd.s32 v0, v6;
	v2 =	vld [tilespmem:$0x0];
	[tilespmem:$0x30] =	vst v3  }
0x49: {  	v3 =	vadd.s32 v0, v4;
	[tilespmem:$0x20] =	vst v63  }
0x4a: {  	[tilespmem:$0x50] =	vst v3;
	v3 =	vadd.s32 v0, v5  }
0x4b: {  	[tilespmem:$0x60] =	vst v3;
	v3 =	vadd.s32 v0, v7  }
0x4c: {  	[tilespmem:$0x10] =	vst v3;
	v3 =	vadd.s32 v0, v8  }
0x4d: {  	[tilespmem:$0x40] =	vst v3;
	v2 =	vadd.s32 v0, v2  }
0x4e: {  	s0 =	simm.s32 $0x10;
	[tilespmem:$0x0] =	vst v2  }
.LBB2_4:
0x4f: {  	[tilespmem:s28], [sflag:$0x1] =	stream.indirect.gather [hbm4b:s4+s26], $0x10, s3, s26, $0xb8;
	[tilespmem:$0x1F300] =	vst v63  }
0x50: {  	s1 =	smov.u32 s0  }
0x51: {  	p0 =	sne.s32 s0, $0x30D0;
	s0 =	sadd.s32 $0x10, s0;
	_ =	swait.ge [sflag:s29], $0x800  }
0x52: {  	[sflag:s29] =	ssyncset.done $0x0  }
0x53: {  	[sflag:s29] =	ssyncadd.s32 $0xFFFFF800  }
0x54: {  	[spmem:s2] =	stream.indirect.scatter.add.f32 [tilespmem:s28], [sflag:$0x2], $0x10, s26, s26, $0xb8;
	[tilespmem:$0x1F300] =	vst v63  }
0x55: {  	_ =	swait.ge [sflag:s25], $0x800  }
0x56: {  	[sflag:s25] =	ssyncset.done $0x0  }
0x57: {  	s13 =	sadd.s32 s1, s23;
	[sflag:s25] =	ssyncadd.s32 $0xFFFFF800  }
0x58: {  	[tilespmem:s3], [sflag:$0x2] =	stream.linear.gather [hbm4b:s13+s3], $0x80, $0x38;
	[tilespmem:$0x1F300] =	vst v63  }
0x59: {  	_ =	swait.ge [sflag:s25], $0x80  }
0x5a: {  	[sflag:s25] =	ssyncset.done $0x0  }
0x5b: {  	s1 =	sadd.s32 s1, s22;
	[sflag:s25] =	ssyncadd.s32 $0xFFFFFF80  }
0x5c: {  	[tilespmem:s26], [sflag:$0x2] =	stream.linear.gather [hbm4b:s1+s3], $0x80, $0x38;
	[tilespmem:$0x1F300] =	vst v63  }
0x5d: {  	_ =	swait.ge [sflag:s25], $0x80  }
0x5e: {  	[sflag:s25] =	ssyncset.done $0x0  }
0x5f: {  	[sflag:s25] =	ssyncadd.s32 $0xFFFFFF80  }
0x60: {  	v2 =	vld [tilespmem:$0x70]  }
0x61: {  	v3 =	vld [tilespmem:$0x30]  }
0x62: {  	v4 =	vld [tilespmem:$0x50]  }
0x63: {  	v5 =	vld [tilespmem:$0x60]  }
0x64: {  	v6 =	vld [tilespmem:$0x20]  }
0x65: {  	v7 =	vld [tilespmem:$0x10];
	v2 =	vadd.s32 v0, v2  }
0x66: {  	v3 =	vadd.s32 v0, v3;
	v8 =	vld [tilespmem:$0x40];
	[tilespmem:$0x70] =	vst v2  }
0x67: {  	v2 =	vld [tilespmem:$0x0];
	[tilespmem:$0x30] =	vst v3;
	v3 =	vadd.s32 v0, v4  }
0x68: {  	[tilespmem:$0x50] =	vst v3;
	v3 =	vadd.s32 v0, v5  }
.Ltmp1:
0x69: {  	v4 =	vadd.s32 v0, v6;
	[tilespmem:$0x60] =	vst v3;
	(pc) =	sbr.rel @p0 .LBB2_4-.Ltmp1, $4  }
0x6a: {  	v3 =	vadd.s32 v0, v7;
	[tilespmem:$0x20] =	vst v4  }
0x6b: {  	[tilespmem:$0x10] =	vst v3;
	v3 =	vadd.s32 v0, v8  }
0x6c: {  	v2 =	vadd.s32 v0, v2;
	[tilespmem:$0x40] =	vst v3  }
0x6d: {  	[tilespmem:$0x0] =	vst v2  }
0x6e: {  	[tilespmem:s28], [sflag:$0x1] =	stream.indirect.gather [hbm4b:s4+s26], $0x10, s3, s26, $0xb8;
	[tilespmem:$0x1F300] =	vst v63  }
0x6f: {  	_ =	swait.ge [sflag:s29], $0x800  }
0x70: {  	[sflag:s29] =	ssyncset.done $0x0  }
0x71: {  	[sflag:s29] =	ssyncadd.s32 $0xFFFFF800  }
0x72: {  	[spmem:s2] =	stream.indirect.scatter.add.f32 [tilespmem:s28], [sflag:$0x2], $0x10, s26, s26, $0xb8;
	[tilespmem:$0x1F300] =	vst v63  }
0x73: {  	_ =	swait.ge [sflag:s25], $0x800  }
0x74: {  	[sflag:s25] =	ssyncset.done $0x0  }
0x75: {  	[sflag:s25] =	ssyncadd.s32 $0xFFFFF800  }
0x76: {  	[bflag:$0x0] =	sbarrier.arrive $0xFFFF  }
0x77: {  	[tilespmem:s30], [sflag:$0x2] =	stream.linear.gather [spmem:s5], $0x3100, $0x38;
	[tilespmem:$0x1F300] =	vst v63  }
0x78: {  	_ =	swait.ge [sflag:s25], $0x3100  }
0x79: {  	[sflag:s25] =	ssyncset.done $0x0  }
0x7a: {  	s0 =	rddreg [dreg:$0x3];
	[sflag:s25] =	ssyncadd.s32 $0xFFFFCF00  }
0x7b: {  	[hbm4b:s0+s3] =	stream.linear.scatter [tilespmem:s30], [sflag:$0x2], $0x3100, $0x38;
	[tilespmem:$0x1F300] =	vst v63  }
0x7c: {  	_ =	swait.ge [sflag:s25], $0x3100  }
0x7d: {  	[sflag:s25] =	ssyncset.done $0x0  }
0x7e: {  	[sflag:s25] =	ssyncadd.s32 $0xFFFFCF00  }
0x7f: {  	[tilespmem:s30], [sflag:$0x2] =	stream.linear.gather [spmem:s6], $0x3100, $0x38;
	[tilespmem:$0x1F300] =	vst v63  }
0x80: {  	_ =	swait.ge [sflag:s25], $0x3100  }
0x81: {  	[sflag:s25] =	ssyncset.done $0x0  }
0x82: {  	[sflag:s25] =	ssyncadd.s32 $0xFFFFCF00  }
0x83: {  	[hbm4b:s14+s3] =	stream.linear.scatter [tilespmem:s30], [sflag:$0x2], $0x3100, $0x38;
	[tilespmem:$0x1F300] =	vst v63  }
0x84: {  	_ =	swait.ge [sflag:s25], $0x3100  }
0x85: {  	[sflag:s25] =	ssyncset.done $0x0  }
0x86: {  	[sflag:s25] =	ssyncadd.s32 $0xFFFFCF00  }
0x87: {  	[tilespmem:s30], [sflag:$0x2] =	stream.linear.gather [spmem:s7], $0x3100, $0x38;
	[tilespmem:$0x1F300] =	vst v63  }
0x88: {  	_ =	swait.ge [sflag:s25], $0x3100  }
0x89: {  	[sflag:s25] =	ssyncset.done $0x0  }
0x8a: {  	[sflag:s25] =	ssyncadd.s32 $0xFFFFCF00  }
0x8b: {  	[hbm4b:s15+s3] =	stream.linear.scatter [tilespmem:s30], [sflag:$0x2], $0x3100, $0x38;
	[tilespmem:$0x1F300] =	vst v63  }
0x8c: {  	_ =	swait.ge [sflag:s25], $0x3100  }
0x8d: {  	[sflag:s25] =	ssyncset.done $0x0  }
0x8e: {  	[sflag:s25] =	ssyncadd.s32 $0xFFFFCF00  }
0x8f: {  	[tilespmem:s30], [sflag:$0x2] =	stream.linear.gather [spmem:s8], $0x3100, $0x38;
	[tilespmem:$0x1F300] =	vst v63  }
0x90: {  	_ =	swait.ge [sflag:s25], $0x3100  }
0x91: {  	[sflag:s25] =	ssyncset.done $0x0  }
0x92: {  	[sflag:s25] =	ssyncadd.s32 $0xFFFFCF00  }
0x93: {  	[hbm4b:s16+s3] =	stream.linear.scatter [tilespmem:s30], [sflag:$0x2], $0x3100, $0x38;
	[tilespmem:$0x1F300] =	vst v63  }
0x94: {  	_ =	swait.ge [sflag:s25], $0x3100  }
0x95: {  	[sflag:s25] =	ssyncset.done $0x0  }
0x96: {  	[sflag:s25] =	ssyncadd.s32 $0xFFFFCF00  }
0x97: {  	[tilespmem:s30], [sflag:$0x2] =	stream.linear.gather [spmem:s9], $0x3100, $0x38;
	[tilespmem:$0x1F300] =	vst v63  }
0x98: {  	_ =	swait.ge [sflag:s25], $0x3100  }
0x99: {  	[sflag:s25] =	ssyncset.done $0x0  }
0x9a: {  	[sflag:s25] =	ssyncadd.s32 $0xFFFFCF00  }
0x9b: {  	[hbm4b:s17+s3] =	stream.linear.scatter [tilespmem:s30], [sflag:$0x2], $0x3100, $0x38;
	[tilespmem:$0x1F300] =	vst v63  }
0x9c: {  	_ =	swait.ge [sflag:s25], $0x3100  }
0x9d: {  	[sflag:s25] =	ssyncset.done $0x0  }
0x9e: {  	[sflag:s25] =	ssyncadd.s32 $0xFFFFCF00  }
0x9f: {  	[tilespmem:s30], [sflag:$0x2] =	stream.linear.gather [spmem:s10], $0x3100, $0x38;
	[tilespmem:$0x1F300] =	vst v63  }
0xa0: {  	_ =	swait.ge [sflag:s25], $0x3100  }
0xa1: {  	[sflag:s25] =	ssyncset.done $0x0  }
0xa2: {  	[sflag:s25] =	ssyncadd.s32 $0xFFFFCF00  }
0xa3: {  	[hbm4b:s18+s3] =	stream.linear.scatter [tilespmem:s30], [sflag:$0x2], $0x3100, $0x38;
	[tilespmem:$0x1F300] =	vst v63  }
0xa4: {  	_ =	swait.ge [sflag:s25], $0x3100  }
0xa5: {  	[sflag:s25] =	ssyncset.done $0x0  }
0xa6: {  	[sflag:s25] =	ssyncadd.s32 $0xFFFFCF00  }
0xa7: {  	[tilespmem:s30], [sflag:$0x2] =	stream.linear.gather [spmem:s11], $0x3100, $0x38;
	[tilespmem:$0x1F300] =	vst v63  }
0xa8: {  	_ =	swait.ge [sflag:s25], $0x3100  }
0xa9: {  	[sflag:s25] =	ssyncset.done $0x0  }
0xaa: {  	[sflag:s25] =	ssyncadd.s32 $0xFFFFCF00  }
0xab: {  	[hbm4b:s19+s3] =	stream.linear.scatter [tilespmem:s30], [sflag:$0x2], $0x3100, $0x38;
	[tilespmem:$0x1F300] =	vst v63  }
0xac: {  	_ =	swait.ge [sflag:s25], $0x3100  }
0xad: {  	[sflag:s25] =	ssyncset.done $0x0  }
0xae: {  	[sflag:s25] =	ssyncadd.s32 $0xFFFFCF00  }
0xaf: {  	[tilespmem:s30], [sflag:$0x2] =	stream.linear.gather [spmem:s12], $0x3100, $0x38;
	[tilespmem:$0x1F300] =	vst v63  }
0xb0: {  	s31 =	sadd.s32 $0x1, s31;
	_ =	swait.ge [sflag:s25], $0x3100  }
0xb1: {  	p0 =	sne.s32 s31, s21;
	[sflag:s25] =	ssyncset.done $0x0  }
.Ltmp2:
0xb2: {  	[sflag:s25] =	ssyncadd.s32 $0xFFFFCF00;
	(pc) =	sbr.rel @p0 .LBB2_1-.Ltmp2, $4  }
0xb3: {  	[hbm4b:s20+s3] =	stream.linear.scatter [tilespmem:s30], [sflag:$0x2], $0x3100, $0x38;
	[tilespmem:$0x1F300] =	vst v63  }
0xb4: {  	_ =	swait.ge [sflag:s25], $0x3100  }
0xb5: {  	[sflag:s25] =	ssyncset.done $0x0  }
0xb6: {  	[sflag:s25] =	ssyncadd.s32 $0xFFFFCF00  }
0xb7: {  	_ =	sfence.sel $0x180000  }
0xb8: {  	[bflag:$0x0] =	sbarrier.arrive $0xFFFF  }
0xb9: {  	_ =	strace $0x90000050  }
0xba: {  	s0 =	stileid.u32;
	[bflag:$0x2] =	sbarrier.arrive $0xFFFF  }
0xbb: {  	p0 =	sne.s32 s0, $0x0;
	s0 =	rddreg [dreg:$0x2]  }
0xbc: {  	s0 =	sadd.s32 @!p0 $0x100000, s0  }
0xbd: {  	[sflag:s0] =	ssyncadd.tile.s32 @!p0 $0x1;
	_ =	shalt  }
.Lfunc_end2:
_tile_overlayer_lowered:
.L_overlay_start_2:
0xbe: {  	(tag) =	ssettag $0x2  }
0xbf: {  	s0 =	rddreg [dreg:$0x0];
	s2 =	stileid.u32  }
0xc0: {  	s1 =	rddreg [dreg:$0x1];
	p0 =	sne.s32 s2, $0x0  }
0xc1: {  	s3 =	rddreg [dreg:$0x2];
	[bflag:$0x3] =	sbarrier.arrive $0xFFFF;
	s2 =	simm.s32 @!p0 $0x1C02  }
0xc2: {  	[timem:s3], [sflag:s2] =	dma.local @!p0 [hbm:s0], s1  }
0xc3: {  	s0 =	simm.s32 @!p0 $0x2  }
0xc4: {  	_ =	swait.ge @!p0 [sflag:s0], s1  }
0xc5: {  	s1 =	ssub.s32 @!p0 $0x0, s1;
	[sflag:s0] =	ssyncset.done @!p0 $0x0  }
0xc6: {  	[sflag:s0] =	ssyncadd.s32 @!p0 s1  }
0xc7: {  	[bflag:$0x3] =	sbarrier.arrive $0xFFFF  }
0xc8: {  	_ =	shalt  }

</sc_bundles>
